<compile_context>
chip_gen: v7x
topology: tpu7x:2x2x1
jax: 0.10.2.dev20260603
libtpu: 0.0.44.dev20260713+nightly
codegen_flags: <defaults>
</compile_context>

<pallas_src>
import functools

import jax
import jax.numpy as jnp
from jax import lax
from jax.experimental import pallas as pl
from jax.experimental.pallas import tpu as pltpu
from jax.experimental.pallas import tpu_sc as plsc

NC = 2
NS = 16
L = 16
NP = 3

TC_ROWS = 24576
TC_BLK = 4096


def _sc_body(flat_hbm, bounds_hbm, starts_hbm, psum_hbm, cls_hbm,
             bounds_v, sidx_v, buf0, buf1, acc_v, cu_s,
             sem0, sem1, semc, *, base0, T, D, S, R):
    cid = lax.axis_index("c")
    sid = lax.axis_index("s")
    wid = cid * NS + sid
    wch = (T - base0) // (NC * NS)
    nchunk = wch // R
    fpp = D // NP
    npj = fpp // L
    base = base0 + wid * wch

    pltpu.sync_copy(bounds_hbm, bounds_v)
    bvals = bounds_v[...]
    lane = lax.broadcasted_iota(jnp.int32, (L,), 0)
    cu_s[0] = jnp.int32(0)
    for s in range(S):
        cu_s[s + 1] = jnp.sum(jnp.where(lane == s, bvals, 0))

    for r in range(S):
        def zb(j, carry):
            acc_v[r, pl.ds(j * L, L)] = jnp.zeros((L,), jnp.float32)
            return carry
        lax.fori_loop(0, D // L, zb, 0)

    def process(buf, clo):
        def seg_body(si, carry):
            glo = cu_s[si]
            ghi = cu_s[si + 1]
            lo = jnp.minimum(jnp.maximum(glo, clo), clo + R) - clo
            hi = jnp.minimum(jnp.maximum(ghi, clo), clo + R) - clo

            @pl.when(hi > lo)
            def _():
                for p in range(NP):
                    zeros = tuple(
                        jnp.zeros((L,), jnp.float32) for _ in range(npj))

                    def rbody(r, carr):
                        return tuple(
                            carr[j] + buf[r, pl.ds(p * fpp + j * L, L)]
                            for j in range(npj))
                    carr = plsc.parallel_loop(
                        lo, hi, unroll=4, carry=zeros)(rbody)
                    for j in range(npj):
                        off = p * fpp + j * L
                        acc_v[si, pl.ds(off, L)] = (
                            acc_v[si, pl.ds(off, L)] + carr[j])
            return carry
        lax.fori_loop(0, S, seg_body, 0)

    pltpu.async_copy(flat_hbm.at[pl.ds(base, R)], buf0, sem0)
    pltpu.async_copy(flat_hbm.at[pl.ds(base + R, R)], buf1, sem1)

    def pair_body(k, carry):
        c0 = 2 * k
        clo0 = base + c0 * R
        pltpu.make_async_copy(flat_hbm.at[pl.ds(0, R)], buf0, sem0).wait()
        process(buf0, clo0)

        @pl.when(c0 + 2 < nchunk)
        def _():
            pltpu.async_copy(
                flat_hbm.at[pl.ds(clo0 + 2 * R, R)], buf0, sem0)

        clo1 = clo0 + R
        pltpu.make_async_copy(flat_hbm.at[pl.ds(0, R)], buf1, sem1).wait()
        process(buf1, clo1)

        @pl.when(c0 + 3 < nchunk)
        def _():
            pltpu.async_copy(
                flat_hbm.at[pl.ds(clo1 + 2 * R, R)], buf1, sem1)
        return carry

    lax.fori_loop(0, nchunk // 2, pair_body, 0)

    pltpu.sync_copy(acc_v, psum_hbm.at[wid])

    @pl.when((cid == 0) & (sid == 0))
    def _():
        pltpu.sync_copy(starts_hbm, sidx_v)
        pltpu.async_copy(flat_hbm.at[sidx_v], buf0.at[pl.ds(0, S)], semc).wait()
        pltpu.sync_copy(buf0.at[pl.ds(0, S)], cls_hbm)


def _tc_body(starts_ref, ends_ref, x_ref, out_ref, *, blk, nblk):
    i = pl.program_id(0)
    S = out_ref.shape[0]
    pos = jax.lax.broadcasted_iota(jnp.int32, (blk, S), 0) + i * blk
    st = starts_ref[...]
    en = ends_ref[...]
    on_mean = ((pos >= st) & (pos < en)).astype(jnp.float32)
    x = x_ref[...]
    dn = (((0,), (0,)), ((), ()))
    pm = jax.lax.dot_general(on_mean, x, dn, preferred_element_type=jnp.float32)

    @pl.when(i == 0)
    def _():
        out_ref[...] = pm

    @pl.when(i > 0)
    def _():
        out_ref[...] = out_ref[...] + pm


def _head_body(psum_ref, stc_ref, cls_ref, invc_ref, W_ref, b_ref, out_ref):
    sums = jnp.sum(psum_ref[...], axis=0) + stc_ref[...]
    mean = sums * invc_ref[...]
    pooled = jnp.concatenate([cls_ref[...], mean], axis=-1)
    out_ref[...] = (
        jnp.dot(pooled, W_ref[...], preferred_element_type=jnp.float32)
        + b_ref[...]
    )


def kernel(flat, cu_seqlens, W, b):
    T, D = flat.shape
    S = cu_seqlens.shape[0] - 1
    NL = W.shape[1]
    R = 64
    NW = NC * NS

    bounds = cu_seqlens[1:]
    starts = cu_seqlens[:-1]
    counts = (cu_seqlens[1:] - cu_seqlens[:-1]).astype(jnp.float32)
    invc = (1.0 / jnp.maximum(counts, 1.0)).reshape(S, 1)
    b2 = b.reshape(1, NL)
    starts2d = starts.reshape(1, S)
    ends2d = bounds.reshape(1, S)

    mesh = plsc.VectorSubcoreMesh(
        core_axis_name="c", subcore_axis_name="s",
        num_cores=NC, num_subcores=NS)
    sc = functools.partial(
        pl.kernel,
        out_type=[
            jax.ShapeDtypeStruct((NW, S, D), jnp.float32),
            jax.ShapeDtypeStruct((S, D), jnp.float32),
        ],
        mesh=mesh,
        compiler_params=pltpu.CompilerParams(needs_layout_passes=False),
        scratch_types=[
            pltpu.VMEM((S,), jnp.int32),
            pltpu.VMEM((S,), jnp.int32),
            pltpu.VMEM((R, D), jnp.float32),
            pltpu.VMEM((R, D), jnp.float32),
            pltpu.VMEM((S, D), jnp.float32),
            pltpu.SMEM((S + 1,), jnp.int32),
            pltpu.SemaphoreType.DMA,
            pltpu.SemaphoreType.DMA,
            pltpu.SemaphoreType.DMA,
        ],
    )(functools.partial(_sc_body, base0=TC_ROWS, T=T, D=D, S=S, R=R))
    psum, cls = sc(flat, bounds, starts)

    nblk = TC_ROWS // TC_BLK
    stc = pl.pallas_call(
        functools.partial(_tc_body, blk=TC_BLK, nblk=nblk),
        grid=(nblk,),
        in_specs=[
            pl.BlockSpec((1, S), lambda i: (0, 0)),
            pl.BlockSpec((1, S), lambda i: (0, 0)),
            pl.BlockSpec((TC_BLK, D), lambda i: (i, 0)),
        ],
        out_specs=pl.BlockSpec((S, D), lambda i: (0, 0)),
        out_shape=jax.ShapeDtypeStruct((S, D), jnp.float32),
        compiler_params=pltpu.CompilerParams(
            dimension_semantics=("arbitrary",),
        ),
    )(starts2d, ends2d, flat)

    out = pl.pallas_call(
        _head_body,
        in_specs=[
            pl.BlockSpec((NW, S, D), lambda: (0, 0, 0)),
            pl.BlockSpec((S, D), lambda: (0, 0)),
            pl.BlockSpec((S, D), lambda: (0, 0)),
            pl.BlockSpec((S, 1), lambda: (0, 0)),
            pl.BlockSpec((2 * D, NL), lambda: (0, 0)),
            pl.BlockSpec((1, NL), lambda: (0, 0)),
        ],
        out_specs=pl.BlockSpec((S, NL), lambda: (0, 0)),
        out_shape=jax.ShapeDtypeStruct((S, NL), jnp.float32),
    )(psum, stc, cls, invc, W, b2)
    return out

# --- scband reference (transcript-rebuilt; emitter-appended) ---
"""Pipeline reference for scband-gli-bert-classifier-cls-66133906424037 (READ-ONLY COPY).

The authoritative reference and input builder live on the scoring server;
editing this copy changes nothing except your own understanding.
"""

import jax, jax.numpy as jnp
import numpy as np

B = 16
TOTAL = 32768
D = 768
NUM_LABELS = 3

def setup_inputs(seed: int = 0) -> dict:
    key = jax.random.key(seed)
    k1, k2, k3, k4 = jax.random.split(key, 4)
    flat = jax.random.normal(k1, (TOTAL, D), dtype=jnp.float32)
    inner = jnp.sort(jax.random.randint(k2, (B - 1,), 0, TOTAL)).astype(jnp.int32)
    cu_seqlens = jnp.concatenate([
        jnp.zeros((1,), jnp.int32),
        inner,
        jnp.full((1,), TOTAL, jnp.int32),
    ])
    W = jax.random.normal(k3, (2 * D, NUM_LABELS), dtype=jnp.float32) * 0.02
    b = jnp.zeros((NUM_LABELS,), jnp.float32)
    return {"flat": flat, "cu_seqlens": cu_seqlens, "W": W, "b": b}

def reference(flat, cu_seqlens, W, b):
    # gliBertClassifierCLS-style head on ragged token stream:
    #  - gather CLS embedding (first token of each sequence)
    #  - reconstruct_word_level analogue: segment-mean over each sequence's tokens
    #  - concatenate [CLS, mean] and apply linear classifier
    starts = cu_seqlens[:-1]
    counts = (cu_seqlens[1:] - cu_seqlens[:-1]).astype(jnp.float32)
    token_pos = jnp.arange(flat.shape[0])
    seg_ids = jnp.searchsorted(cu_seqlens, token_pos, side='right') - 1
    seg_ids = jnp.clip(seg_ids, 0, starts.shape[0] - 1)
    sums = jax.ops.segment_sum(flat, seg_ids, num_segments=starts.shape[0])
    mean = sums / jnp.maximum(counts, 1.0)[:, None]
    cls = jnp.take(flat, starts, axis=0)
    pooled = jnp.concatenate([cls, mean], axis=-1)
    logits = pooled @ W + b
    return logits

if __name__ == "__main__":
    import jax
    _d = setup_inputs()
    print(jax.jit(kernel)(*tuple(_d.values())))

</pallas_src>

<mosaic_0001>
#map = affine_map<(d0, d1) -> (0, 0)>
#map1 = affine_map<(d0, d1) -> (0)>
#map2 = affine_map<(d0, d1) -> (0, 0, 0)>
module attributes {stable_mosaic.version = 14 : i64} {
  func.func @_sc_body(%arg0: i32, %arg1: i32, %arg2: memref<32768x768xf32, #tpu.memory_space<hbm>>, %arg3: memref<16xi32, #tpu.memory_space<hbm>>, %arg4: memref<16xi32, #tpu.memory_space<hbm>>, %arg5: memref<32x16x768xf32, #tpu.memory_space<hbm>>, %arg6: memref<16x768xf32, #tpu.memory_space<hbm>>, %arg7: memref<16xi32, #tpu.memory_space<vmem>>, %arg8: memref<16xi32, #tpu.memory_space<vmem>>, %arg9: memref<64x768xf32, #tpu.memory_space<vmem>>, %arg10: memref<64x768xf32, #tpu.memory_space<vmem>>, %arg11: memref<16x768xf32, #tpu.memory_space<vmem>>, %arg12: memref<17xi32, #tpu.memory_space<smem>>, %arg13: memref<!tpu.dma_semaphore, #tpu.memory_space<semaphore_mem>>, %arg14: memref<!tpu.dma_semaphore, #tpu.memory_space<semaphore_mem>>, %arg15: memref<!tpu.dma_semaphore, #tpu.memory_space<semaphore_mem>>) attributes {dimension_semantics = [#tpu.dimension_semantics<core_parallel>, #tpu.dimension_semantics<subcore_parallel>], iteration_bounds = array<i64: 2, 16>, scalar_prefetch = 0 : i64, scratch_operands = 9 : i64, tpu.core_type = #tpu.core_type<sc_vector_subcore>, window_params = [{transform_indices = #map}, {transform_indices = #map1}, {transform_indices = #map1}, {transform_indices = #map2}, {transform_indices = #map}]} {
    %mul3A = arith.constant 16 : i32
    %mul3A_0 = arith.muli %arg0, %mul3A : i32
    %add3A = arith.addi %mul3A_0, %arg1 : i32
    %mul3A_1 = arith.constant 256 : i32
    %mul3A_2 = arith.muli %add3A, %mul3A_1 : i32
    %add3A_3 = arith.constant 24576 : i32
    %add3A_4 = arith.addi %add3A_3, %mul3A_2 : i32
    "tpu.region"() ({
      %run_scoped3A = tpu.sem_alloc : memref<!tpu.dma_semaphore, #tpu.memory_space<semaphore_mem>>
      tpu.enqueue_dma source(%arg3 : memref<16xi32, #tpu.memory_space<hbm>>) target(%arg7 : memref<16xi32, #tpu.memory_space<vmem>>) target_semaphore(%run_scoped3A : memref<!tpu.dma_semaphore, #tpu.memory_space<semaphore_mem>>)
      tpu.wait_dma2 semaphore(%run_scoped3A : memref<!tpu.dma_semaphore, #tpu.memory_space<semaphore_mem>>) src(%arg3 : memref<16xi32, #tpu.memory_space<hbm>>) dst(%arg7 : memref<16xi32, #tpu.memory_space<vmem>>)
      tpu.yield
    }) : () -> ()
    %get3A = arith.constant 0 : index
    %get3A_5 = tpu.vector_load %arg7[%get3A] {strides = array<i32>} : memref<16xi32, #tpu.memory_space<vmem>>, vector<16xi32>,
    %iota3A = tpu.iota {dimensions = array<i32: 0>} : vector<16xi32>
    %swap3A = arith.constant 0 : i32
    %swap3A_6 = arith.constant 0 : i32
    %swap3A_7 = arith.index_cast %swap3A_6 : i32 to index
    %swap3A_8 = memref.load %arg12[%swap3A_7] : memref<17xi32, #tpu.memory_space<smem>>
    memref.store %swap3A, %arg12[%swap3A_7] : memref<17xi32, #tpu.memory_space<smem>>
    %eq3A = arith.constant 0 : i32
    %eq3A_9 = vector.broadcast %eq3A : i32 to vector<16xi32>
    %eq3A_10 = arith.cmpi eq, %iota3A, %eq3A_9 : vector<16xi32>
    %jit3A = arith.constant 0 : i32
    %broadcast_in_dim3A = vector.broadcast %jit3A : i32 to vector<16xi32>
    %select_n3A = arith.select %eq3A_10, %get3A_5, %broadcast_in_dim3A : vector<16xi1>, vector<16xi32>
    %reduce_sum3A = arith.constant true
    %reduce_sum3A_11 = vector.broadcast %reduce_sum3A : i1 to vector<16xi1>
    %reduce_sum3A_12 = tpu.scan <sum>, %select_n3A masked %reduce_sum3A_11 : vector<16xi32>, vector<16xi1> -> vector<16xi32>
    %reduce_sum3A_13 = vector.extract %reduce_sum3A_12[15] : i32 from vector<16xi32>
    %swap3A_14 = arith.constant 1 : i32
    %swap3A_15 = arith.index_cast %swap3A_14 : i32 to index
    %swap3A_16 = memref.load %arg12[%swap3A_15] : memref<17xi32, #tpu.memory_space<smem>>
    memref.store %reduce_sum3A_13, %arg12[%swap3A_15] : memref<17xi32, #tpu.memory_space<smem>>
    %eq3A_17 = arith.constant 1 : i32
    %eq3A_18 = vector.broadcast %eq3A_17 : i32 to vector<16xi32>
    %eq3A_19 = arith.cmpi eq, %iota3A, %eq3A_18 : vector<16xi32>
    %jit3A_20 = arith.constant 0 : i32
    %broadcast_in_dim3A_21 = vector.broadcast %jit3A_20 : i32 to vector<16xi32>
    %select_n3A_22 = arith.select %eq3A_19, %get3A_5, %broadcast_in_dim3A_21 : vector<16xi1>, vector<16xi32>
    %reduce_sum3A_23 = arith.constant true
    %reduce_sum3A_24 = vector.broadcast %reduce_sum3A_23 : i1 to vector<16xi1>
    %reduce_sum3A_25 = tpu.scan <sum>, %select_n3A_22 masked %reduce_sum3A_24 : vector<16xi32>, vector<16xi1> -> vector<16xi32>
    %reduce_sum3A_26 = vector.extract %reduce_sum3A_25[15] : i32 from vector<16xi32>
    %swap3A_27 = arith.constant 2 : i32
    %swap3A_28 = arith.index_cast %swap3A_27 : i32 to index
    %swap3A_29 = memref.load %arg12[%swap3A_28] : memref<17xi32, #tpu.memory_space<smem>>
    memref.store %reduce_sum3A_26, %arg12[%swap3A_28] : memref<17xi32, #tpu.memory_space<smem>>
    %eq3A_30 = arith.constant 2 : i32
    %eq3A_31 = vector.broadcast %eq3A_30 : i32 to vector<16xi32>
    %eq3A_32 = arith.cmpi eq, %iota3A, %eq3A_31 : vector<16xi32>
    %jit3A_33 = arith.constant 0 : i32
    %broadcast_in_dim3A_34 = vector.broadcast %jit3A_33 : i32 to vector<16xi32>
    %select_n3A_35 = arith.select %eq3A_32, %get3A_5, %broadcast_in_dim3A_34 : vector<16xi1>, vector<16xi32>
    %reduce_sum3A_36 = arith.constant true
    %reduce_sum3A_37 = vector.broadcast %reduce_sum3A_36 : i1 to vector<16xi1>
    %reduce_sum3A_38 = tpu.scan <sum>, %select_n3A_35 masked %reduce_sum3A_37 : vector<16xi32>, vector<16xi1> -> vector<16xi32>
    %reduce_sum3A_39 = vector.extract %reduce_sum3A_38[15] : i32 from vector<16xi32>
    %swap3A_40 = arith.constant 3 : i32
    %swap3A_41 = arith.index_cast %swap3A_40 : i32 to index
    %swap3A_42 = memref.load %arg12[%swap3A_41] : memref<17xi32, #tpu.memory_space<smem>>
    memref.store %reduce_sum3A_39, %arg12[%swap3A_41] : memref<17xi32, #tpu.memory_space<smem>>
    %eq3A_43 = arith.constant 3 : i32
    %eq3A_44 = vector.broadcast %eq3A_43 : i32 to vector<16xi32>
    %eq3A_45 = arith.cmpi eq, %iota3A, %eq3A_44 : vector<16xi32>
    %jit3A_46 = arith.constant 0 : i32
    %broadcast_in_dim3A_47 = vector.broadcast %jit3A_46 : i32 to vector<16xi32>
    %select_n3A_48 = arith.select %eq3A_45, %get3A_5, %broadcast_in_dim3A_47 : vector<16xi1>, vector<16xi32>
    %reduce_sum3A_49 = arith.constant true
    %reduce_sum3A_50 = vector.broadcast %reduce_sum3A_49 : i1 to vector<16xi1>
    %reduce_sum3A_51 = tpu.scan <sum>, %select_n3A_48 masked %reduce_sum3A_50 : vector<16xi32>, vector<16xi1> -> vector<16xi32>
    %reduce_sum3A_52 = vector.extract %reduce_sum3A_51[15] : i32 from vector<16xi32>
    %swap3A_53 = arith.constant 4 : i32
    %swap3A_54 = arith.index_cast %swap3A_53 : i32 to index
    %swap3A_55 = memref.load %arg12[%swap3A_54] : memref<17xi32, #tpu.memory_space<smem>>
    memref.store %reduce_sum3A_52, %arg12[%swap3A_54] : memref<17xi32, #tpu.memory_space<smem>>
    %eq3A_56 = arith.constant 4 : i32
    %eq3A_57 = vector.broadcast %eq3A_56 : i32 to vector<16xi32>
    %eq3A_58 = arith.cmpi eq, %iota3A, %eq3A_57 : vector<16xi32>
    %jit3A_59 = arith.constant 0 : i32
    %broadcast_in_dim3A_60 = vector.broadcast %jit3A_59 : i32 to vector<16xi32>
    %select_n3A_61 = arith.select %eq3A_58, %get3A_5, %broadcast_in_dim3A_60 : vector<16xi1>, vector<16xi32>
    %reduce_sum3A_62 = arith.constant true
    %reduce_sum3A_63 = vector.broadcast %reduce_sum3A_62 : i1 to vector<16xi1>
    %reduce_sum3A_64 = tpu.scan <sum>, %select_n3A_61 masked %reduce_sum3A_63 : vector<16xi32>, vector<16xi1> -> vector<16xi32>
    %reduce_sum3A_65 = vector.extract %reduce_sum3A_64[15] : i32 from vector<16xi32>
    %swap3A_66 = arith.constant 5 : i32
    %swap3A_67 = arith.index_cast %swap3A_66 : i32 to index
    %swap3A_68 = memref.load %arg12[%swap3A_67] : memref<17xi32, #tpu.memory_space<smem>>
    memref.store %reduce_sum3A_65, %arg12[%swap3A_67] : memref<17xi32, #tpu.memory_space<smem>>
    %eq3A_69 = arith.constant 5 : i32
    %eq3A_70 = vector.broadcast %eq3A_69 : i32 to vector<16xi32>
    %eq3A_71 = arith.cmpi eq, %iota3A, %eq3A_70 : vector<16xi32>
    %jit3A_72 = arith.constant 0 : i32
    %broadcast_in_dim3A_73 = vector.broadcast %jit3A_72 : i32 to vector<16xi32>
    %select_n3A_74 = arith.select %eq3A_71, %get3A_5, %broadcast_in_dim3A_73 : vector<16xi1>, vector<16xi32>
    %reduce_sum3A_75 = arith.constant true
    %reduce_sum3A_76 = vector.broadcast %reduce_sum3A_75 : i1 to vector<16xi1>
    %reduce_sum3A_77 = tpu.scan <sum>, %select_n3A_74 masked %reduce_sum3A_76 : vector<16xi32>, vector<16xi1> -> vector<16xi32>
    %reduce_sum3A_78 = vector.extract %reduce_sum3A_77[15] : i32 from vector<16xi32>
    %swap3A_79 = arith.constant 6 : i32
    %swap3A_80 = arith.index_cast %swap3A_79 : i32 to index
    %swap3A_81 = memref.load %arg12[%swap3A_80] : memref<17xi32, #tpu.memory_space<smem>>
    memref.store %reduce_sum3A_78, %arg12[%swap3A_80] : memref<17xi32, #tpu.memory_space<smem>>
    %eq3A_82 = arith.constant 6 : i32
    %eq3A_83 = vector.broadcast %eq3A_82 : i32 to vector<16xi32>
    %eq3A_84 = arith.cmpi eq, %iota3A, %eq3A_83 : vector<16xi32>
    %jit3A_85 = arith.constant 0 : i32
    %broadcast_in_dim3A_86 = vector.broadcast %jit3A_85 : i32 to vector<16xi32>
    %select_n3A_87 = arith.select %eq3A_84, %get3A_5, %broadcast_in_dim3A_86 : vector<16xi1>, vector<16xi32>
    %reduce_sum3A_88 = arith.constant true
    %reduce_sum3A_89 = vector.broadcast %reduce_sum3A_88 : i1 to vector<16xi1>
    %reduce_sum3A_90 = tpu.scan <sum>, %select_n3A_87 masked %reduce_sum3A_89 : vector<16xi32>, vector<16xi1> -> vector<16xi32>
    %reduce_sum3A_91 = vector.extract %reduce_sum3A_90[15] : i32 from vector<16xi32>
    %swap3A_92 = arith.constant 7 : i32
    %swap3A_93 = arith.index_cast %swap3A_92 : i32 to index
    %swap3A_94 = memref.load %arg12[%swap3A_93] : memref<17xi32, #tpu.memory_space<smem>>
    memref.store %reduce_sum3A_91, %arg12[%swap3A_93] : memref<17xi32, #tpu.memory_space<smem>>
    %eq3A_95 = arith.constant 7 : i32
    %eq3A_96 = vector.broadcast %eq3A_95 : i32 to vector<16xi32>
    %eq3A_97 = arith.cmpi eq, %iota3A, %eq3A_96 : vector<16xi32>
    %jit3A_98 = arith.constant 0 : i32
    %broadcast_in_dim3A_99 = vector.broadcast %jit3A_98 : i32 to vector<16xi32>
    %select_n3A_100 = arith.select %eq3A_97, %get3A_5, %broadcast_in_dim3A_99 : vector<16xi1>, vector<16xi32>
    %reduce_sum3A_101 = arith.constant true
    %reduce_sum3A_102 = vector.broadcast %reduce_sum3A_101 : i1 to vector<16xi1>
    %reduce_sum3A_103 = tpu.scan <sum>, %select_n3A_100 masked %reduce_sum3A_102 : vector<16xi32>, vector<16xi1> -> vector<16xi32>
    %reduce_sum3A_104 = vector.extract %reduce_sum3A_103[15] : i32 from vector<16xi32>
    %swap3A_105 = arith.constant 8 : i32
    %swap3A_106 = arith.index_cast %swap3A_105 : i32 to index
    %swap3A_107 = memref.load %arg12[%swap3A_106] : memref<17xi32, #tpu.memory_space<smem>>
    memref.store %reduce_sum3A_104, %arg12[%swap3A_106] : memref<17xi32, #tpu.memory_space<smem>>
    %eq3A_108 = arith.constant 8 : i32
    %eq3A_109 = vector.broadcast %eq3A_108 : i32 to vector<16xi32>
    %eq3A_110 = arith.cmpi eq, %iota3A, %eq3A_109 : vector<16xi32>
    %jit3A_111 = arith.constant 0 : i32
    %broadcast_in_dim3A_112 = vector.broadcast %jit3A_111 : i32 to vector<16xi32>
    %select_n3A_113 = arith.select %eq3A_110, %get3A_5, %broadcast_in_dim3A_112 : vector<16xi1>, vector<16xi32>
    %reduce_sum3A_114 = arith.constant true
    %reduce_sum3A_115 = vector.broadcast %reduce_sum3A_114 : i1 to vector<16xi1>
    %reduce_sum3A_116 = tpu.scan <sum>, %select_n3A_113 masked %reduce_sum3A_115 : vector<16xi32>, vector<16xi1> -> vector<16xi32>
    %reduce_sum3A_117 = vector.extract %reduce_sum3A_116[15] : i32 from vector<16xi32>
    %swap3A_118 = arith.constant 9 : i32
    %swap3A_119 = arith.index_cast %swap3A_118 : i32 to index
    %swap3A_120 = memref.load %arg12[%swap3A_119] : memref<17xi32, #tpu.memory_space<smem>>
    memref.store %reduce_sum3A_117, %arg12[%swap3A_119] : memref<17xi32, #tpu.memory_space<smem>>
    %eq3A_121 = arith.constant 9 : i32
    %eq3A_122 = vector.broadcast %eq3A_121 : i32 to vector<16xi32>
    %eq3A_123 = arith.cmpi eq, %iota3A, %eq3A_122 : vector<16xi32>
    %jit3A_124 = arith.constant 0 : i32
    %broadcast_in_dim3A_125 = vector.broadcast %jit3A_124 : i32 to vector<16xi32>
    %select_n3A_126 = arith.select %eq3A_123, %get3A_5, %broadcast_in_dim3A_125 : vector<16xi1>, vector<16xi32>
    %reduce_sum3A_127 = arith.constant true
    %reduce_sum3A_128 = vector.broadcast %reduce_sum3A_127 : i1 to vector<16xi1>
    %reduce_sum3A_129 = tpu.scan <sum>, %select_n3A_126 masked %reduce_sum3A_128 : vector<16xi32>, vector<16xi1> -> vector<16xi32>
    %reduce_sum3A_130 = vector.extract %reduce_sum3A_129[15] : i32 from vector<16xi32>
    %swap3A_131 = arith.constant 10 : i32
    %swap3A_132 = arith.index_cast %swap3A_131 : i32 to index
    %swap3A_133 = memref.load %arg12[%swap3A_132] : memref<17xi32, #tpu.memory_space<smem>>
    memref.store %reduce_sum3A_130, %arg12[%swap3A_132] : memref<17xi32, #tpu.memory_space<smem>>
    %eq3A_134 = arith.constant 10 : i32
    %eq3A_135 = vector.broadcast %eq3A_134 : i32 to vector<16xi32>
    %eq3A_136 = arith.cmpi eq, %iota3A, %eq3A_135 : vector<16xi32>
    %jit3A_137 = arith.constant 0 : i32
    %broadcast_in_dim3A_138 = vector.broadcast %jit3A_137 : i32 to vector<16xi32>
    %select_n3A_139 = arith.select %eq3A_136, %get3A_5, %broadcast_in_dim3A_138 : vector<16xi1>, vector<16xi32>
    %reduce_sum3A_140 = arith.constant true
    %reduce_sum3A_141 = vector.broadcast %reduce_sum3A_140 : i1 to vector<16xi1>
    %reduce_sum3A_142 = tpu.scan <sum>, %select_n3A_139 masked %reduce_sum3A_141 : vector<16xi32>, vector<16xi1> -> vector<16xi32>
    %reduce_sum3A_143 = vector.extract %reduce_sum3A_142[15] : i32 from vector<16xi32>
    %swap3A_144 = arith.constant 11 : i32
    %swap3A_145 = arith.index_cast %swap3A_144 : i32 to index
    %swap3A_146 = memref.load %arg12[%swap3A_145] : memref<17xi32, #tpu.memory_space<smem>>
    memref.store %reduce_sum3A_143, %arg12[%swap3A_145] : memref<17xi32, #tpu.memory_space<smem>>
    %eq3A_147 = arith.constant 11 : i32
    %eq3A_148 = vector.broadcast %eq3A_147 : i32 to vector<16xi32>
    %eq3A_149 = arith.cmpi eq, %iota3A, %eq3A_148 : vector<16xi32>
    %jit3A_150 = arith.constant 0 : i32
    %broadcast_in_dim3A_151 = vector.broadcast %jit3A_150 : i32 to vector<16xi32>
    %select_n3A_152 = arith.select %eq3A_149, %get3A_5, %broadcast_in_dim3A_151 : vector<16xi1>, vector<16xi32>
    %reduce_sum3A_153 = arith.constant true
    %reduce_sum3A_154 = vector.broadcast %reduce_sum3A_153 : i1 to vector<16xi1>
    %reduce_sum3A_155 = tpu.scan <sum>, %select_n3A_152 masked %reduce_sum3A_154 : vector<16xi32>, vector<16xi1> -> vector<16xi32>
    %reduce_sum3A_156 = vector.extract %reduce_sum3A_155[15] : i32 from vector<16xi32>
    %swap3A_157 = arith.constant 12 : i32
    %swap3A_158 = arith.index_cast %swap3A_157 : i32 to index
    %swap3A_159 = memref.load %arg12[%swap3A_158] : memref<17xi32, #tpu.memory_space<smem>>
    memref.store %reduce_sum3A_156, %arg12[%swap3A_158] : memref<17xi32, #tpu.memory_space<smem>>
    %eq3A_160 = arith.constant 12 : i32
    %eq3A_161 = vector.broadcast %eq3A_160 : i32 to vector<16xi32>
    %eq3A_162 = arith.cmpi eq, %iota3A, %eq3A_161 : vector<16xi32>
    %jit3A_163 = arith.constant 0 : i32
    %broadcast_in_dim3A_164 = vector.broadcast %jit3A_163 : i32 to vector<16xi32>
    %select_n3A_165 = arith.select %eq3A_162, %get3A_5, %broadcast_in_dim3A_164 : vector<16xi1>, vector<16xi32>
    %reduce_sum3A_166 = arith.constant true
    %reduce_sum3A_167 = vector.broadcast %reduce_sum3A_166 : i1 to vector<16xi1>
    %reduce_sum3A_168 = tpu.scan <sum>, %select_n3A_165 masked %reduce_sum3A_167 : vector<16xi32>, vector<16xi1> -> vector<16xi32>
    %reduce_sum3A_169 = vector.extract %reduce_sum3A_168[15] : i32 from vector<16xi32>
    %swap3A_170 = arith.constant 13 : i32
    %swap3A_171 = arith.index_cast %swap3A_170 : i32 to index
    %swap3A_172 = memref.load %arg12[%swap3A_171] : memref<17xi32, #tpu.memory_space<smem>>
    memref.store %reduce_sum3A_169, %arg12[%swap3A_171] : memref<17xi32, #tpu.memory_space<smem>>
    %eq3A_173 = arith.constant 13 : i32
    %eq3A_174 = vector.broadcast %eq3A_173 : i32 to vector<16xi32>
    %eq3A_175 = arith.cmpi eq, %iota3A, %eq3A_174 : vector<16xi32>
    %jit3A_176 = arith.constant 0 : i32
    %broadcast_in_dim3A_177 = vector.broadcast %jit3A_176 : i32 to vector<16xi32>
    %select_n3A_178 = arith.select %eq3A_175, %get3A_5, %broadcast_in_dim3A_177 : vector<16xi1>, vector<16xi32>
    %reduce_sum3A_179 = arith.constant true
    %reduce_sum3A_180 = vector.broadcast %reduce_sum3A_179 : i1 to vector<16xi1>
    %reduce_sum3A_181 = tpu.scan <sum>, %select_n3A_178 masked %reduce_sum3A_180 : vector<16xi32>, vector<16xi1> -> vector<16xi32>
    %reduce_sum3A_182 = vector.extract %reduce_sum3A_181[15] : i32 from vector<16xi32>
    %swap3A_183 = arith.constant 14 : i32
    %swap3A_184 = arith.index_cast %swap3A_183 : i32 to index
    %swap3A_185 = memref.load %arg12[%swap3A_184] : memref<17xi32, #tpu.memory_space<smem>>
    memref.store %reduce_sum3A_182, %arg12[%swap3A_184] : memref<17xi32, #tpu.memory_space<smem>>
    %eq3A_186 = arith.constant 14 : i32
    %eq3A_187 = vector.broadcast %eq3A_186 : i32 to vector<16xi32>
    %eq3A_188 = arith.cmpi eq, %iota3A, %eq3A_187 : vector<16xi32>
    %jit3A_189 = arith.constant 0 : i32
    %broadcast_in_dim3A_190 = vector.broadcast %jit3A_189 : i32 to vector<16xi32>
    %select_n3A_191 = arith.select %eq3A_188, %get3A_5, %broadcast_in_dim3A_190 : vector<16xi1>, vector<16xi32>
    %reduce_sum3A_192 = arith.constant true
    %reduce_sum3A_193 = vector.broadcast %reduce_sum3A_192 : i1 to vector<16xi1>
    %reduce_sum3A_194 = tpu.scan <sum>, %select_n3A_191 masked %reduce_sum3A_193 : vector<16xi32>, vector<16xi1> -> vector<16xi32>
    %reduce_sum3A_195 = vector.extract %reduce_sum3A_194[15] : i32 from vector<16xi32>
    %swap3A_196 = arith.constant 15 : i32
    %swap3A_197 = arith.index_cast %swap3A_196 : i32 to index
    %swap3A_198 = memref.load %arg12[%swap3A_197] : memref<17xi32, #tpu.memory_space<smem>>
    memref.store %reduce_sum3A_195, %arg12[%swap3A_197] : memref<17xi32, #tpu.memory_space<smem>>
    %eq3A_199 = arith.constant 15 : i32
    %eq3A_200 = vector.broadcast %eq3A_199 : i32 to vector<16xi32>
    %eq3A_201 = arith.cmpi eq, %iota3A, %eq3A_200 : vector<16xi32>
    %jit3A_202 = arith.constant 0 : i32
    %broadcast_in_dim3A_203 = vector.broadcast %jit3A_202 : i32 to vector<16xi32>
    %select_n3A_204 = arith.select %eq3A_201, %get3A_5, %broadcast_in_dim3A_203 : vector<16xi1>, vector<16xi32>
    %reduce_sum3A_205 = arith.constant true
    %reduce_sum3A_206 = vector.broadcast %reduce_sum3A_205 : i1 to vector<16xi1>
    %reduce_sum3A_207 = tpu.scan <sum>, %select_n3A_204 masked %reduce_sum3A_206 : vector<16xi32>, vector<16xi1> -> vector<16xi32>
    %reduce_sum3A_208 = vector.extract %reduce_sum3A_207[15] : i32 from vector<16xi32>
    %swap3A_209 = arith.constant 16 : i32
    %swap3A_210 = arith.index_cast %swap3A_209 : i32 to index
    %swap3A_211 = memref.load %arg12[%swap3A_210] : memref<17xi32, #tpu.memory_space<smem>>
    memref.store %reduce_sum3A_208, %arg12[%swap3A_210] : memref<17xi32, #tpu.memory_space<smem>>
    %scan3A = arith.constant 0 : i32
    %scan3A_212 = arith.constant 0 : i32
    %scan3A_213 = arith.constant 48 : i32
    %scan3A_214 = arith.addi %scan3A_212, %scan3A_213 : i32
    %scan3A_215 = arith.constant 1 : i32
    scf.for %scan3A_327 = %scan3A_212 to %scan3A_214 step %scan3A_215  : i32 {
      %broadcast_in_dim3A_328 = arith.constant 0.000000e+00 : f32
      %broadcast_in_dim3A_329 = vector.broadcast %broadcast_in_dim3A_328 : f32 to vector<16xf32>
      %mul3A_330 = arith.constant 16 : i32
      %mul3A_331 = arith.muli %scan3A_327, %mul3A_330 : i32
      %swap3A_332 = arith.constant 0 : i32
      %swap3A_333 = arith.index_cast %swap3A_332 : i32 to index
      %swap3A_334 = arith.index_cast %mul3A_331 : i32 to index
      %swap3A_335 = tpu.vector_load %arg11[%swap3A_333, %swap3A_334] {strides = array<i32>} : memref<16x768xf32, #tpu.memory_space<vmem>>, vector<16xf32>,
      tpu.vector_store %arg11[%swap3A_333, %swap3A_334], %broadcast_in_dim3A_329 {strides = array<i32>} : memref<16x768xf32, #tpu.memory_space<vmem>>, vector<16xf32>,
    }
    %scan3A_216 = arith.constant 48 : i32
    %scan3A_217 = arith.constant 0 : i32
    %scan3A_218 = arith.constant 0 : i32
    %scan3A_219 = arith.constant 48 : i32
    %scan3A_220 = arith.addi %scan3A_218, %scan3A_219 : i32
    %scan3A_221 = arith.constant 1 : i32
    scf.for %scan3A_327 = %scan3A_218 to %scan3A_220 step %scan3A_221  : i32 {
      %broadcast_in_dim3A_328 = arith.constant 0.000000e+00 : f32
      %broadcast_in_dim3A_329 = vector.broadcast %broadcast_in_dim3A_328 : f32 to vector<16xf32>
      %mul3A_330 = arith.constant 16 : i32
      %mul3A_331 = arith.muli %scan3A_327, %mul3A_330 : i32
      %swap3A_332 = arith.constant 1 : i32
      %swap3A_333 = arith.index_cast %swap3A_332 : i32 to index
      %swap3A_334 = arith.index_cast %mul3A_331 : i32 to index
      %swap3A_335 = tpu.vector_load %arg11[%swap3A_333, %swap3A_334] {strides = array<i32>} : memref<16x768xf32, #tpu.memory_space<vmem>>, vector<16xf32>,
      tpu.vector_store %arg11[%swap3A_333, %swap3A_334], %broadcast_in_dim3A_329 {strides = array<i32>} : memref<16x768xf32, #tpu.memory_space<vmem>>, vector<16xf32>,
    }
    %scan3A_222 = arith.constant 48 : i32
    %scan3A_223 = arith.constant 0 : i32
    %scan3A_224 = arith.constant 0 : i32
    %scan3A_225 = arith.constant 48 : i32
    %scan3A_226 = arith.addi %scan3A_224, %scan3A_225 : i32
    %scan3A_227 = arith.constant 1 : i32
    scf.for %scan3A_327 = %scan3A_224 to %scan3A_226 step %scan3A_227  : i32 {
      %broadcast_in_dim3A_328 = arith.constant 0.000000e+00 : f32
      %broadcast_in_dim3A_329 = vector.broadcast %broadcast_in_dim3A_328 : f32 to vector<16xf32>
      %mul3A_330 = arith.constant 16 : i32
      %mul3A_331 = arith.muli %scan3A_327, %mul3A_330 : i32
      %swap3A_332 = arith.constant 2 : i32
      %swap3A_333 = arith.index_cast %swap3A_332 : i32 to index
      %swap3A_334 = arith.index_cast %mul3A_331 : i32 to index
      %swap3A_335 = tpu.vector_load %arg11[%swap3A_333, %swap3A_334] {strides = array<i32>} : memref<16x768xf32, #tpu.memory_space<vmem>>, vector<16xf32>,
      tpu.vector_store %arg11[%swap3A_333, %swap3A_334], %broadcast_in_dim3A_329 {strides = array<i32>} : memref<16x768xf32, #tpu.memory_space<vmem>>, vector<16xf32>,
    }
    %scan3A_228 = arith.constant 48 : i32
    %scan3A_229 = arith.constant 0 : i32
    %scan3A_230 = arith.constant 0 : i32
    %scan3A_231 = arith.constant 48 : i32
    %scan3A_232 = arith.addi %scan3A_230, %scan3A_231 : i32
    %scan3A_233 = arith.constant 1 : i32
    scf.for %scan3A_327 = %scan3A_230 to %scan3A_232 step %scan3A_233  : i32 {
      %broadcast_in_dim3A_328 = arith.constant 0.000000e+00 : f32
      %broadcast_in_dim3A_329 = vector.broadcast %broadcast_in_dim3A_328 : f32 to vector<16xf32>
      %mul3A_330 = arith.constant 16 : i32
      %mul3A_331 = arith.muli %scan3A_327, %mul3A_330 : i32
      %swap3A_332 = arith.constant 3 : i32
      %swap3A_333 = arith.index_cast %swap3A_332 : i32 to index
      %swap3A_334 = arith.index_cast %mul3A_331 : i32 to index
      %swap3A_335 = tpu.vector_load %arg11[%swap3A_333, %swap3A_334] {strides = array<i32>} : memref<16x768xf32, #tpu.memory_space<vmem>>, vector<16xf32>,
      tpu.vector_store %arg11[%swap3A_333, %swap3A_334], %broadcast_in_dim3A_329 {strides = array<i32>} : memref<16x768xf32, #tpu.memory_space<vmem>>, vector<16xf32>,
    }
    %scan3A_234 = arith.constant 48 : i32
    %scan3A_235 = arith.constant 0 : i32
    %scan3A_236 = arith.constant 0 : i32
    %scan3A_237 = arith.constant 48 : i32
    %scan3A_238 = arith.addi %scan3A_236, %scan3A_237 : i32
    %scan3A_239 = arith.constant 1 : i32
    scf.for %scan3A_327 = %scan3A_236 to %scan3A_238 step %scan3A_239  : i32 {
      %broadcast_in_dim3A_328 = arith.constant 0.000000e+00 : f32
      %broadcast_in_dim3A_329 = vector.broadcast %broadcast_in_dim3A_328 : f32 to vector<16xf32>
      %mul3A_330 = arith.constant 16 : i32
      %mul3A_331 = arith.muli %scan3A_327, %mul3A_330 : i32
      %swap3A_332 = arith.constant 4 : i32
      %swap3A_333 = arith.index_cast %swap3A_332 : i32 to index
      %swap3A_334 = arith.index_cast %mul3A_331 : i32 to index
      %swap3A_335 = tpu.vector_load %arg11[%swap3A_333, %swap3A_334] {strides = array<i32>} : memref<16x768xf32, #tpu.memory_space<vmem>>, vector<16xf32>,
      tpu.vector_store %arg11[%swap3A_333, %swap3A_334], %broadcast_in_dim3A_329 {strides = array<i32>} : memref<16x768xf32, #tpu.memory_space<vmem>>, vector<16xf32>,
    }
    %scan3A_240 = arith.constant 48 : i32
    %scan3A_241 = arith.constant 0 : i32
    %scan3A_242 = arith.constant 0 : i32
    %scan3A_243 = arith.constant 48 : i32
    %scan3A_244 = arith.addi %scan3A_242, %scan3A_243 : i32
    %scan3A_245 = arith.constant 1 : i32
    scf.for %scan3A_327 = %scan3A_242 to %scan3A_244 step %scan3A_245  : i32 {
      %broadcast_in_dim3A_328 = arith.constant 0.000000e+00 : f32
      %broadcast_in_dim3A_329 = vector.broadcast %broadcast_in_dim3A_328 : f32 to vector<16xf32>
      %mul3A_330 = arith.constant 16 : i32
      %mul3A_331 = arith.muli %scan3A_327, %mul3A_330 : i32
      %swap3A_332 = arith.constant 5 : i32
      %swap3A_333 = arith.index_cast %swap3A_332 : i32 to index
      %swap3A_334 = arith.index_cast %mul3A_331 : i32 to index
      %swap3A_335 = tpu.vector_load %arg11[%swap3A_333, %swap3A_334] {strides = array<i32>} : memref<16x768xf32, #tpu.memory_space<vmem>>, vector<16xf32>,
      tpu.vector_store %arg11[%swap3A_333, %swap3A_334], %broadcast_in_dim3A_329 {strides = array<i32>} : memref<16x768xf32, #tpu.memory_space<vmem>>, vector<16xf32>,
    }
    %scan3A_246 = arith.constant 48 : i32
    %scan3A_247 = arith.constant 0 : i32
    %scan3A_248 = arith.constant 0 : i32
    %scan3A_249 = arith.constant 48 : i32
    %scan3A_250 = arith.addi %scan3A_248, %scan3A_249 : i32
    %scan3A_251 = arith.constant 1 : i32
    scf.for %scan3A_327 = %scan3A_248 to %scan3A_250 step %scan3A_251  : i32 {
      %broadcast_in_dim3A_328 = arith.constant 0.000000e+00 : f32
      %broadcast_in_dim3A_329 = vector.broadcast %broadcast_in_dim3A_328 : f32 to vector<16xf32>
      %mul3A_330 = arith.constant 16 : i32
      %mul3A_331 = arith.muli %scan3A_327, %mul3A_330 : i32
      %swap3A_332 = arith.constant 6 : i32
      %swap3A_333 = arith.index_cast %swap3A_332 : i32 to index
      %swap3A_334 = arith.index_cast %mul3A_331 : i32 to index
      %swap3A_335 = tpu.vector_load %arg11[%swap3A_333, %swap3A_334] {strides = array<i32>} : memref<16x768xf32, #tpu.memory_space<vmem>>, vector<16xf32>,
      tpu.vector_store %arg11[%swap3A_333, %swap3A_334], %broadcast_in_dim3A_329 {strides = array<i32>} : memref<16x768xf32, #tpu.memory_space<vmem>>, vector<16xf32>,
    }
    %scan3A_252 = arith.constant 48 : i32
    %scan3A_253 = arith.constant 0 : i32
    %scan3A_254 = arith.constant 0 : i32
    %scan3A_255 = arith.constant 48 : i32
    %scan3A_256 = arith.addi %scan3A_254, %scan3A_255 : i32
    %scan3A_257 = arith.constant 1 : i32
    scf.for %scan3A_327 = %scan3A_254 to %scan3A_256 step %scan3A_257  : i32 {
      %broadcast_in_dim3A_328 = arith.constant 0.000000e+00 : f32
      %broadcast_in_dim3A_329 = vector.broadcast %broadcast_in_dim3A_328 : f32 to vector<16xf32>
      %mul3A_330 = arith.constant 16 : i32
      %mul3A_331 = arith.muli %scan3A_327, %mul3A_330 : i32
      %swap3A_332 = arith.constant 7 : i32
      %swap3A_333 = arith.index_cast %swap3A_332 : i32 to index
      %swap3A_334 = arith.index_cast %mul3A_331 : i32 to index
      %swap3A_335 = tpu.vector_load %arg11[%swap3A_333, %swap3A_334] {strides = array<i32>} : memref<16x768xf32, #tpu.memory_space<vmem>>, vector<16xf32>,
      tpu.vector_store %arg11[%swap3A_333, %swap3A_334], %broadcast_in_dim3A_329 {strides = array<i32>} : memref<16x768xf32, #tpu.memory_space<vmem>>, vector<16xf32>,
    }
    %scan3A_258 = arith.constant 48 : i32
    %scan3A_259 = arith.constant 0 : i32
    %scan3A_260 = arith.constant 0 : i32
    %scan3A_261 = arith.constant 48 : i32
    %scan3A_262 = arith.addi %scan3A_260, %scan3A_261 : i32
    %scan3A_263 = arith.constant 1 : i32
    scf.for %scan3A_327 = %scan3A_260 to %scan3A_262 step %scan3A_263  : i32 {
      %broadcast_in_dim3A_328 = arith.constant 0.000000e+00 : f32
      %broadcast_in_dim3A_329 = vector.broadcast %broadcast_in_dim3A_328 : f32 to vector<16xf32>
      %mul3A_330 = arith.constant 16 : i32
      %mul3A_331 = arith.muli %scan3A_327, %mul3A_330 : i32
      %swap3A_332 = arith.constant 8 : i32
      %swap3A_333 = arith.index_cast %swap3A_332 : i32 to index
      %swap3A_334 = arith.index_cast %mul3A_331 : i32 to index
      %swap3A_335 = tpu.vector_load %arg11[%swap3A_333, %swap3A_334] {strides = array<i32>} : memref<16x768xf32, #tpu.memory_space<vmem>>, vector<16xf32>,
      tpu.vector_store %arg11[%swap3A_333, %swap3A_334], %broadcast_in_dim3A_329 {strides = array<i32>} : memref<16x768xf32, #tpu.memory_space<vmem>>, vector<16xf32>,
    }
    %scan3A_264 = arith.constant 48 : i32
    %scan3A_265 = arith.constant 0 : i32
    %scan3A_266 = arith.constant 0 : i32
    %scan3A_267 = arith.constant 48 : i32
    %scan3A_268 = arith.addi %scan3A_266, %scan3A_267 : i32
    %scan3A_269 = arith.constant 1 : i32
    scf.for %scan3A_327 = %scan3A_266 to %scan3A_268 step %scan3A_269  : i32 {
      %broadcast_in_dim3A_328 = arith.constant 0.000000e+00 : f32
      %broadcast_in_dim3A_329 = vector.broadcast %broadcast_in_dim3A_328 : f32 to vector<16xf32>
      %mul3A_330 = arith.constant 16 : i32
      %mul3A_331 = arith.muli %scan3A_327, %mul3A_330 : i32
      %swap3A_332 = arith.constant 9 : i32
      %swap3A_333 = arith.index_cast %swap3A_332 : i32 to index
      %swap3A_334 = arith.index_cast %mul3A_331 : i32 to index
      %swap3A_335 = tpu.vector_load %arg11[%swap3A_333, %swap3A_334] {strides = array<i32>} : memref<16x768xf32, #tpu.memory_space<vmem>>, vector<16xf32>,
      tpu.vector_store %arg11[%swap3A_333, %swap3A_334], %broadcast_in_dim3A_329 {strides = array<i32>} : memref<16x768xf32, #tpu.memory_space<vmem>>, vector<16xf32>,
    }
    %scan3A_270 = arith.constant 48 : i32
    %scan3A_271 = arith.constant 0 : i32
    %scan3A_272 = arith.constant 0 : i32
    %scan3A_273 = arith.constant 48 : i32
    %scan3A_274 = arith.addi %scan3A_272, %scan3A_273 : i32
    %scan3A_275 = arith.constant 1 : i32
    scf.for %scan3A_327 = %scan3A_272 to %scan3A_274 step %scan3A_275  : i32 {
      %broadcast_in_dim3A_328 = arith.constant 0.000000e+00 : f32
      %broadcast_in_dim3A_329 = vector.broadcast %broadcast_in_dim3A_328 : f32 to vector<16xf32>
      %mul3A_330 = arith.constant 16 : i32
      %mul3A_331 = arith.muli %scan3A_327, %mul3A_330 : i32
      %swap3A_332 = arith.constant 10 : i32
      %swap3A_333 = arith.index_cast %swap3A_332 : i32 to index
      %swap3A_334 = arith.index_cast %mul3A_331 : i32 to index
      %swap3A_335 = tpu.vector_load %arg11[%swap3A_333, %swap3A_334] {strides = array<i32>} : memref<16x768xf32, #tpu.memory_space<vmem>>, vector<16xf32>,
      tpu.vector_store %arg11[%swap3A_333, %swap3A_334], %broadcast_in_dim3A_329 {strides = array<i32>} : memref<16x768xf32, #tpu.memory_space<vmem>>, vector<16xf32>,
    }
    %scan3A_276 = arith.constant 48 : i32
    %scan3A_277 = arith.constant 0 : i32
    %scan3A_278 = arith.constant 0 : i32
    %scan3A_279 = arith.constant 48 : i32
    %scan3A_280 = arith.addi %scan3A_278, %scan3A_279 : i32
    %scan3A_281 = arith.constant 1 : i32
    scf.for %scan3A_327 = %scan3A_278 to %scan3A_280 step %scan3A_281  : i32 {
      %broadcast_in_dim3A_328 = arith.constant 0.000000e+00 : f32
      %broadcast_in_dim3A_329 = vector.broadcast %broadcast_in_dim3A_328 : f32 to vector<16xf32>
      %mul3A_330 = arith.constant 16 : i32
      %mul3A_331 = arith.muli %scan3A_327, %mul3A_330 : i32
      %swap3A_332 = arith.constant 11 : i32
      %swap3A_333 = arith.index_cast %swap3A_332 : i32 to index
      %swap3A_334 = arith.index_cast %mul3A_331 : i32 to index
      %swap3A_335 = tpu.vector_load %arg11[%swap3A_333, %swap3A_334] {strides = array<i32>} : memref<16x768xf32, #tpu.memory_space<vmem>>, vector<16xf32>,
      tpu.vector_store %arg11[%swap3A_333, %swap3A_334], %broadcast_in_dim3A_329 {strides = array<i32>} : memref<16x768xf32, #tpu.memory_space<vmem>>, vector<16xf32>,
    }
    %scan3A_282 = arith.constant 48 : i32
    %scan3A_283 = arith.constant 0 : i32
    %scan3A_284 = arith.constant 0 : i32
    %scan3A_285 = arith.constant 48 : i32
    %scan3A_286 = arith.addi %scan3A_284, %scan3A_285 : i32
    %scan3A_287 = arith.constant 1 : i32
    scf.for %scan3A_327 = %scan3A_284 to %scan3A_286 step %scan3A_287  : i32 {
      %broadcast_in_dim3A_328 = arith.constant 0.000000e+00 : f32
      %broadcast_in_dim3A_329 = vector.broadcast %broadcast_in_dim3A_328 : f32 to vector<16xf32>
      %mul3A_330 = arith.constant 16 : i32
      %mul3A_331 = arith.muli %scan3A_327, %mul3A_330 : i32
      %swap3A_332 = arith.constant 12 : i32
      %swap3A_333 = arith.index_cast %swap3A_332 : i32 to index
      %swap3A_334 = arith.index_cast %mul3A_331 : i32 to index
      %swap3A_335 = tpu.vector_load %arg11[%swap3A_333, %swap3A_334] {strides = array<i32>} : memref<16x768xf32, #tpu.memory_space<vmem>>, vector<16xf32>,
      tpu.vector_store %arg11[%swap3A_333, %swap3A_334], %broadcast_in_dim3A_329 {strides = array<i32>} : memref<16x768xf32, #tpu.memory_space<vmem>>, vector<16xf32>,
    }
    %scan3A_288 = arith.constant 48 : i32
    %scan3A_289 = arith.constant 0 : i32
    %scan3A_290 = arith.constant 0 : i32
    %scan3A_291 = arith.constant 48 : i32
    %scan3A_292 = arith.addi %scan3A_290, %scan3A_291 : i32
    %scan3A_293 = arith.constant 1 : i32
    scf.for %scan3A_327 = %scan3A_290 to %scan3A_292 step %scan3A_293  : i32 {
      %broadcast_in_dim3A_328 = arith.constant 0.000000e+00 : f32
      %broadcast_in_dim3A_329 = vector.broadcast %broadcast_in_dim3A_328 : f32 to vector<16xf32>
      %mul3A_330 = arith.constant 16 : i32
      %mul3A_331 = arith.muli %scan3A_327, %mul3A_330 : i32
      %swap3A_332 = arith.constant 13 : i32
      %swap3A_333 = arith.index_cast %swap3A_332 : i32 to index
      %swap3A_334 = arith.index_cast %mul3A_331 : i32 to index
      %swap3A_335 = tpu.vector_load %arg11[%swap3A_333, %swap3A_334] {strides = array<i32>} : memref<16x768xf32, #tpu.memory_space<vmem>>, vector<16xf32>,
      tpu.vector_store %arg11[%swap3A_333, %swap3A_334], %broadcast_in_dim3A_329 {strides = array<i32>} : memref<16x768xf32, #tpu.memory_space<vmem>>, vector<16xf32>,
    }
    %scan3A_294 = arith.constant 48 : i32
    %scan3A_295 = arith.constant 0 : i32
    %scan3A_296 = arith.constant 0 : i32
    %scan3A_297 = arith.constant 48 : i32
    %scan3A_298 = arith.addi %scan3A_296, %scan3A_297 : i32
    %scan3A_299 = arith.constant 1 : i32
    scf.for %scan3A_327 = %scan3A_296 to %scan3A_298 step %scan3A_299  : i32 {
      %broadcast_in_dim3A_328 = arith.constant 0.000000e+00 : f32
      %broadcast_in_dim3A_329 = vector.broadcast %broadcast_in_dim3A_328 : f32 to vector<16xf32>
      %mul3A_330 = arith.constant 16 : i32
      %mul3A_331 = arith.muli %scan3A_327, %mul3A_330 : i32
      %swap3A_332 = arith.constant 14 : i32
      %swap3A_333 = arith.index_cast %swap3A_332 : i32 to index
      %swap3A_334 = arith.index_cast %mul3A_331 : i32 to index
      %swap3A_335 = tpu.vector_load %arg11[%swap3A_333, %swap3A_334] {strides = array<i32>} : memref<16x768xf32, #tpu.memory_space<vmem>>, vector<16xf32>,
      tpu.vector_store %arg11[%swap3A_333, %swap3A_334], %broadcast_in_dim3A_329 {strides = array<i32>} : memref<16x768xf32, #tpu.memory_space<vmem>>, vector<16xf32>,
    }
    %scan3A_300 = arith.constant 48 : i32
    %scan3A_301 = arith.constant 0 : i32
    %scan3A_302 = arith.constant 0 : i32
    %scan3A_303 = arith.constant 48 : i32
    %scan3A_304 = arith.addi %scan3A_302, %scan3A_303 : i32
    %scan3A_305 = arith.constant 1 : i32
    scf.for %scan3A_327 = %scan3A_302 to %scan3A_304 step %scan3A_305  : i32 {
      %broadcast_in_dim3A_328 = arith.constant 0.000000e+00 : f32
      %broadcast_in_dim3A_329 = vector.broadcast %broadcast_in_dim3A_328 : f32 to vector<16xf32>
      %mul3A_330 = arith.constant 16 : i32
      %mul3A_331 = arith.muli %scan3A_327, %mul3A_330 : i32
      %swap3A_332 = arith.constant 15 : i32
      %swap3A_333 = arith.index_cast %swap3A_332 : i32 to index
      %swap3A_334 = arith.index_cast %mul3A_331 : i32 to index
      %swap3A_335 = tpu.vector_load %arg11[%swap3A_333, %swap3A_334] {strides = array<i32>} : memref<16x768xf32, #tpu.memory_space<vmem>>, vector<16xf32>,
      tpu.vector_store %arg11[%swap3A_333, %swap3A_334], %broadcast_in_dim3A_329 {strides = array<i32>} : memref<16x768xf32, #tpu.memory_space<vmem>>, vector<16xf32>,
    }
    %scan3A_306 = arith.constant 48 : i32
    %dma_start3A = arith.constant 0 : i32
    %dma_start3A_307 = tpu.memref_slice %arg2[%add3A_4, %dma_start3A] : memref<32768x768xf32, #tpu.memory_space<hbm>> -> memref<64x768xf32, #tpu.memory_space<hbm>>
    %dma_start3A_308 = arith.constant 0 : i32
    %dma_start3A_309 = tpu.memref_slice %arg2[%add3A_4, %dma_start3A_308] : memref<32768x768xf32, #tpu.memory_space<hbm>> -> memref<64x768xf32, #tpu.memory_space<hbm>>
    tpu.enqueue_dma source(%dma_start3A_309 : memref<64x768xf32, #tpu.memory_space<hbm>>) target(%arg9 : memref<64x768xf32, #tpu.memory_space<vmem>>) target_semaphore(%arg13 : memref<!tpu.dma_semaphore, #tpu.memory_space<semaphore_mem>>)
    %add3A_310 = arith.constant 64 : i32
    %add3A_311 = arith.addi %add3A_4, %add3A_310 : i32
    %dma_start3A_312 = arith.constant 0 : i32
    %dma_start3A_313 = tpu.memref_slice %arg2[%add3A_311, %dma_start3A_312] : memref<32768x768xf32, #tpu.memory_space<hbm>> -> memref<64x768xf32, #tpu.memory_space<hbm>>
    %dma_start3A_314 = arith.constant 0 : i32
    %dma_start3A_315 = tpu.memref_slice %arg2[%add3A_311, %dma_start3A_314] : memref<32768x768xf32, #tpu.memory_space<hbm>> -> memref<64x768xf32, #tpu.memory_space<hbm>>
    tpu.enqueue_dma source(%dma_start3A_315 : memref<64x768xf32, #tpu.memory_space<hbm>>) target(%arg10 : memref<64x768xf32, #tpu.memory_space<vmem>>) target_semaphore(%arg14 : memref<!tpu.dma_semaphore, #tpu.memory_space<semaphore_mem>>)
    %scan3A_316 = arith.constant 0 : i32
    %scan3A_317 = arith.constant 0 : i32
    %scan3A_318 = arith.constant 2 : i32
    %scan3A_319 = arith.addi %scan3A_317, %scan3A_318 : i32
    %scan3A_320 = arith.constant 1 : i32
    scf.for %scan3A_327 = %scan3A_317 to %scan3A_319 step %scan3A_320  : i32 {
      %mul3A_328 = arith.constant 2 : i32
      %mul3A_329 = arith.muli %mul3A_328, %scan3A_327 : i32
      %mul3A_330 = arith.constant 64 : i32
      %mul3A_331 = arith.muli %mul3A_329, %mul3A_330 : i32
      %add3A_332 = arith.addi %add3A_4, %mul3A_331 : i32
      %dma_wait3A = arith.constant 0 : i32
      %dma_wait3A_333 = arith.constant 0 : i32
      %dma_wait3A_334 = tpu.memref_slice %arg2[%dma_wait3A, %dma_wait3A_333] : memref<32768x768xf32, #tpu.memory_space<hbm>> -> memref<64x768xf32, #tpu.memory_space<hbm>>
      %dma_wait3A_335 = arith.constant 0 : i32
      %dma_wait3A_336 = arith.constant 0 : i32
      %dma_wait3A_337 = tpu.memref_slice %arg2[%dma_wait3A_335, %dma_wait3A_336] : memref<32768x768xf32, #tpu.memory_space<hbm>> -> memref<64x768xf32, #tpu.memory_space<hbm>>
      tpu.wait_dma2 semaphore(%arg13 : memref<!tpu.dma_semaphore, #tpu.memory_space<semaphore_mem>>) src(%dma_wait3A_337 : memref<64x768xf32, #tpu.memory_space<hbm>>) dst(%arg9 : memref<64x768xf32, #tpu.memory_space<vmem>>)
      %scan3A_338 = arith.constant 0 : i32
      %scan3A_339 = arith.constant 0 : i32
      %scan3A_340 = arith.constant 16 : i32
      %scan3A_341 = arith.addi %scan3A_339, %scan3A_340 : i32
      %scan3A_342 = arith.constant 1 : i32
      scf.for %scan3A_371 = %scan3A_339 to %scan3A_341 step %scan3A_342  : i32 {
        %get3A_372 = arith.index_cast %scan3A_371 : i32 to index
        %get3A_373 = memref.load %arg12[%get3A_372] : memref<17xi32, #tpu.memory_space<smem>>
        %add3A_374 = arith.constant 1 : i32
        %add3A_375 = arith.addi %scan3A_371, %add3A_374 : i32
        %get3A_376 = arith.index_cast %add3A_375 : i32 to index
        %get3A_377 = memref.load %arg12[%get3A_376] : memref<17xi32, #tpu.memory_space<smem>>
        %max3A = arith.maxsi %get3A_373, %add3A_332 : i32
        %add3A_378 = arith.constant 64 : i32
        %add3A_379 = arith.addi %add3A_332, %add3A_378 : i32
        %min3A = arith.minsi %max3A, %add3A_379 : i32
        %sub3A = arith.subi %min3A, %add3A_332 : i32
        %max3A_380 = arith.maxsi %get3A_377, %add3A_332 : i32
        %add3A_381 = arith.constant 64 : i32
        %add3A_382 = arith.addi %add3A_332, %add3A_381 : i32
        %min3A_383 = arith.minsi %max3A_380, %add3A_382 : i32
        %sub3A_384 = arith.subi %min3A_383, %add3A_332 : i32
        %gt3A = arith.cmpi sgt, %sub3A_384, %sub3A : i32
        %convert_element_type3A_385 = arith.extui %gt3A : i1 to i32
        %cond3A_386 = arith.constant 0 : i32
        %cond3A_387 = arith.cmpi ne, %convert_element_type3A_385, %cond3A_386 : i32
        scf.if %cond3A_387 {
          %broadcast_in_dim3A_388 = arith.constant 0.000000e+00 : f32
          %broadcast_in_dim3A_389 = vector.broadcast %broadcast_in_dim3A_388 : f32 to vector<16xf32>
          %broadcast_in_dim3A_390 = arith.constant 0.000000e+00 : f32
          %broadcast_in_dim3A_391 = vector.broadcast %broadcast_in_dim3A_390 : f32 to vector<16xf32>
          %broadcast_in_dim3A_392 = arith.constant 0.000000e+00 : f32
          %broadcast_in_dim3A_393 = vector.broadcast %broadcast_in_dim3A_392 : f32 to vector<16xf32>
          %broadcast_in_dim3A_394 = arith.constant 0.000000e+00 : f32
          %broadcast_in_dim3A_395 = vector.broadcast %broadcast_in_dim3A_394 : f32 to vector<16xf32>
          %broadcast_in_dim3A_396 = arith.constant 0.000000e+00 : f32
          %broadcast_in_dim3A_397 = vector.broadcast %broadcast_in_dim3A_396 : f32 to vector<16xf32>
          %broadcast_in_dim3A_398 = arith.constant 0.000000e+00 : f32
          %broadcast_in_dim3A_399 = vector.broadcast %broadcast_in_dim3A_398 : f32 to vector<16xf32>
          %broadcast_in_dim3A_400 = arith.constant 0.000000e+00 : f32
          %broadcast_in_dim3A_401 = vector.broadcast %broadcast_in_dim3A_400 : f32 to vector<16xf32>
          %broadcast_in_dim3A_402 = arith.constant 0.000000e+00 : f32
          %broadcast_in_dim3A_403 = vector.broadcast %broadcast_in_dim3A_402 : f32 to vector<16xf32>
          %broadcast_in_dim3A_404 = arith.constant 0.000000e+00 : f32
          %broadcast_in_dim3A_405 = vector.broadcast %broadcast_in_dim3A_404 : f32 to vector<16xf32>
          %broadcast_in_dim3A_406 = arith.constant 0.000000e+00 : f32
          %broadcast_in_dim3A_407 = vector.broadcast %broadcast_in_dim3A_406 : f32 to vector<16xf32>
          %broadcast_in_dim3A_408 = arith.constant 0.000000e+00 : f32
          %broadcast_in_dim3A_409 = vector.broadcast %broadcast_in_dim3A_408 : f32 to vector<16xf32>
          %broadcast_in_dim3A_410 = arith.constant 0.000000e+00 : f32
          %broadcast_in_dim3A_411 = vector.broadcast %broadcast_in_dim3A_410 : f32 to vector<16xf32>
          %broadcast_in_dim3A_412 = arith.constant 0.000000e+00 : f32
          %broadcast_in_dim3A_413 = vector.broadcast %broadcast_in_dim3A_412 : f32 to vector<16xf32>
          %broadcast_in_dim3A_414 = arith.constant 0.000000e+00 : f32
          %broadcast_in_dim3A_415 = vector.broadcast %broadcast_in_dim3A_414 : f32 to vector<16xf32>
          %broadcast_in_dim3A_416 = arith.constant 0.000000e+00 : f32
          %broadcast_in_dim3A_417 = vector.broadcast %broadcast_in_dim3A_416 : f32 to vector<16xf32>
          %broadcast_in_dim3A_418 = arith.constant 0.000000e+00 : f32
          %broadcast_in_dim3A_419 = vector.broadcast %broadcast_in_dim3A_418 : f32 to vector<16xf32>
          %parallel_loop3A = arith.constant 1 : i32
          %parallel_loop3A_420:16 = scf.for %parallel_loop3A_825 = %sub3A to %sub3A_384 step %parallel_loop3A iter_args(%parallel_loop3A_826 = %broadcast_in_dim3A_389, %parallel_loop3A_827 = %broadcast_in_dim3A_391, %parallel_loop3A_828 = %broadcast_in_dim3A_393, %parallel_loop3A_829 = %broadcast_in_dim3A_395, %parallel_loop3A_830 = %broadcast_in_dim3A_397, %parallel_loop3A_831 = %broadcast_in_dim3A_399, %parallel_loop3A_832 = %broadcast_in_dim3A_401, %parallel_loop3A_833 = %broadcast_in_dim3A_403, %parallel_loop3A_834 = %broadcast_in_dim3A_405, %parallel_loop3A_835 = %broadcast_in_dim3A_407, %parallel_loop3A_836 = %broadcast_in_dim3A_409, %parallel_loop3A_837 = %broadcast_in_dim3A_411, %parallel_loop3A_838 = %broadcast_in_dim3A_413, %parallel_loop3A_839 = %broadcast_in_dim3A_415, %parallel_loop3A_840 = %broadcast_in_dim3A_417, %parallel_loop3A_841 = %broadcast_in_dim3A_419) -> (vector<16xf32>, vector<16xf32>, vector<16xf32>, vector<16xf32>, vector<16xf32>, vector<16xf32>, vector<16xf32>, vector<16xf32>, vector<16xf32>, vector<16xf32>, vector<16xf32>, vector<16xf32>, vector<16xf32>, vector<16xf32>, vector<16xf32>, vector<16xf32>)  : i32 {
            %parallel_loop3A_842 = arith.index_cast %parallel_loop3A_825 : i32 to index
            %parallel_loop3A_843 = arith.constant 0 : index
            %parallel_loop3A_844 = tpu.vector_load %arg9[%parallel_loop3A_842, %parallel_loop3A_843] {strides = array<i32>} : memref<64x768xf32, #tpu.memory_space<vmem>>, vector<16xf32>,
            %parallel_loop3A_845 = arith.addf %parallel_loop3A_826, %parallel_loop3A_844 : vector<16xf32>
            %parallel_loop3A_846 = arith.index_cast %parallel_loop3A_825 : i32 to index
            %parallel_loop3A_847 = arith.constant 16 : index
            %parallel_loop3A_848 = tpu.vector_load %arg9[%parallel_loop3A_846, %parallel_loop3A_847] {strides = array<i32>} : memref<64x768xf32, #tpu.memory_space<vmem>>, vector<16xf32>,
            %parallel_loop3A_849 = arith.addf %parallel_loop3A_827, %parallel_loop3A_848 : vector<16xf32>
            %parallel_loop3A_850 = arith.index_cast %parallel_loop3A_825 : i32 to index
            %parallel_loop3A_851 = arith.constant 32 : index
            %parallel_loop3A_852 = tpu.vector_load %arg9[%parallel_loop3A_850, %parallel_loop3A_851] {strides = array<i32>} : memref<64x768xf32, #tpu.memory_space<vmem>>, vector<16xf32>,
            %parallel_loop3A_853 = arith.addf %parallel_loop3A_828, %parallel_loop3A_852 : vector<16xf32>
            %parallel_loop3A_854 = arith.index_cast %parallel_loop3A_825 : i32 to index
            %parallel_loop3A_855 = arith.constant 48 : index
            %parallel_loop3A_856 = tpu.vector_load %arg9[%parallel_loop3A_854, %parallel_loop3A_855] {strides = array<i32>} : memref<64x768xf32, #tpu.memory_space<vmem>>, vector<16xf32>,
            %parallel_loop3A_857 = arith.addf %parallel_loop3A_829, %parallel_loop3A_856 : vector<16xf32>
            %parallel_loop3A_858 = arith.index_cast %parallel_loop3A_825 : i32 to index
            %parallel_loop3A_859 = arith.constant 64 : index
            %parallel_loop3A_860 = tpu.vector_load %arg9[%parallel_loop3A_858, %parallel_loop3A_859] {strides = array<i32>} : memref<64x768xf32, #tpu.memory_space<vmem>>, vector<16xf32>,
            %parallel_loop3A_861 = arith.addf %parallel_loop3A_830, %parallel_loop3A_860 : vector<16xf32>
            %parallel_loop3A_862 = arith.index_cast %parallel_loop3A_825 : i32 to index
            %parallel_loop3A_863 = arith.constant 80 : index
            %parallel_loop3A_864 = tpu.vector_load %arg9[%parallel_loop3A_862, %parallel_loop3A_863] {strides = array<i32>} : memref<64x768xf32, #tpu.memory_space<vmem>>, vector<16xf32>,
            %parallel_loop3A_865 = arith.addf %parallel_loop3A_831, %parallel_loop3A_864 : vector<16xf32>
            %parallel_loop3A_866 = arith.index_cast %parallel_loop3A_825 : i32 to index
            %parallel_loop3A_867 = arith.constant 96 : index
            %parallel_loop3A_868 = tpu.vector_load %arg9[%parallel_loop3A_866, %parallel_loop3A_867] {strides = array<i32>} : memref<64x768xf32, #tpu.memory_space<vmem>>, vector<16xf32>,
            %parallel_loop3A_869 = arith.addf %parallel_loop3A_832, %parallel_loop3A_868 : vector<16xf32>
            %parallel_loop3A_870 = arith.index_cast %parallel_loop3A_825 : i32 to index
            %parallel_loop3A_871 = arith.constant 112 : index
            %parallel_loop3A_872 = tpu.vector_load %arg9[%parallel_loop3A_870, %parallel_loop3A_871] {strides = array<i32>} : memref<64x768xf32, #tpu.memory_space<vmem>>, vector<16xf32>,
            %parallel_loop3A_873 = arith.addf %parallel_loop3A_833, %parallel_loop3A_872 : vector<16xf32>
            %parallel_loop3A_874 = arith.index_cast %parallel_loop3A_825 : i32 to index
            %parallel_loop3A_875 = arith.constant 128 : index
            %parallel_loop3A_876 = tpu.vector_load %arg9[%parallel_loop3A_874, %parallel_loop3A_875] {strides = array<i32>} : memref<64x768xf32, #tpu.memory_space<vmem>>, vector<16xf32>,
            %parallel_loop3A_877 = arith.addf %parallel_loop3A_834, %parallel_loop3A_876 : vector<16xf32>
            %parallel_loop3A_878 = arith.index_cast %parallel_loop3A_825 : i32 to index
            %parallel_loop3A_879 = arith.constant 144 : index
            %parallel_loop3A_880 = tpu.vector_load %arg9[%parallel_loop3A_878, %parallel_loop3A_879] {strides = array<i32>} : memref<64x768xf32, #tpu.memory_space<vmem>>, vector<16xf32>,
            %parallel_loop3A_881 = arith.addf %parallel_loop3A_835, %parallel_loop3A_880 : vector<16xf32>
            %parallel_loop3A_882 = arith.index_cast %parallel_loop3A_825 : i32 to index
            %parallel_loop3A_883 = arith.constant 160 : index
            %parallel_loop3A_884 = tpu.vector_load %arg9[%parallel_loop3A_882, %parallel_loop3A_883] {strides = array<i32>} : memref<64x768xf32, #tpu.memory_space<vmem>>, vector<16xf32>,
            %parallel_loop3A_885 = arith.addf %parallel_loop3A_836, %parallel_loop3A_884 : vector<16xf32>
            %parallel_loop3A_886 = arith.index_cast %parallel_loop3A_825 : i32 to index
            %parallel_loop3A_887 = arith.constant 176 : index
            %parallel_loop3A_888 = tpu.vector_load %arg9[%parallel_loop3A_886, %parallel_loop3A_887] {strides = array<i32>} : memref<64x768xf32, #tpu.memory_space<vmem>>, vector<16xf32>,
            %parallel_loop3A_889 = arith.addf %parallel_loop3A_837, %parallel_loop3A_888 : vector<16xf32>
            %parallel_loop3A_890 = arith.index_cast %parallel_loop3A_825 : i32 to index
            %parallel_loop3A_891 = arith.constant 192 : index
            %parallel_loop3A_892 = tpu.vector_load %arg9[%parallel_loop3A_890, %parallel_loop3A_891] {strides = array<i32>} : memref<64x768xf32, #tpu.memory_space<vmem>>, vector<16xf32>,
            %parallel_loop3A_893 = arith.addf %parallel_loop3A_838, %parallel_loop3A_892 : vector<16xf32>
            %parallel_loop3A_894 = arith.index_cast %parallel_loop3A_825 : i32 to index
            %parallel_loop3A_895 = arith.constant 208 : index
            %parallel_loop3A_896 = tpu.vector_load %arg9[%parallel_loop3A_894, %parallel_loop3A_895] {strides = array<i32>} : memref<64x768xf32, #tpu.memory_space<vmem>>, vector<16xf32>,
            %parallel_loop3A_897 = arith.addf %parallel_loop3A_839, %parallel_loop3A_896 : vector<16xf32>
            %parallel_loop3A_898 = arith.index_cast %parallel_loop3A_825 : i32 to index
            %parallel_loop3A_899 = arith.constant 224 : index
            %parallel_loop3A_900 = tpu.vector_load %arg9[%parallel_loop3A_898, %parallel_loop3A_899] {strides = array<i32>} : memref<64x768xf32, #tpu.memory_space<vmem>>, vector<16xf32>,
            %parallel_loop3A_901 = arith.addf %parallel_loop3A_840, %parallel_loop3A_900 : vector<16xf32>
            %parallel_loop3A_902 = arith.index_cast %parallel_loop3A_825 : i32 to index
            %parallel_loop3A_903 = arith.constant 240 : index
            %parallel_loop3A_904 = tpu.vector_load %arg9[%parallel_loop3A_902, %parallel_loop3A_903] {strides = array<i32>} : memref<64x768xf32, #tpu.memory_space<vmem>>, vector<16xf32>,
            %parallel_loop3A_905 = arith.addf %parallel_loop3A_841, %parallel_loop3A_904 : vector<16xf32>
            scf.yield %parallel_loop3A_845, %parallel_loop3A_849, %parallel_loop3A_853, %parallel_loop3A_857, %parallel_loop3A_861, %parallel_loop3A_865, %parallel_loop3A_869, %parallel_loop3A_873, %parallel_loop3A_877, %parallel_loop3A_881, %parallel_loop3A_885, %parallel_loop3A_889, %parallel_loop3A_893, %parallel_loop3A_897, %parallel_loop3A_901, %parallel_loop3A_905 : vector<16xf32>, vector<16xf32>, vector<16xf32>, vector<16xf32>, vector<16xf32>, vector<16xf32>, vector<16xf32>, vector<16xf32>, vector<16xf32>, vector<16xf32>, vector<16xf32>, vector<16xf32>, vector<16xf32>, vector<16xf32>, vector<16xf32>, vector<16xf32>
          } {sc.loop_unroll_factor = 4 : i64, sc.parallel_access}
          %get3A_421 = arith.index_cast %scan3A_371 : i32 to index
          %get3A_422 = arith.constant 0 : index
          %get3A_423 = tpu.vector_load %arg11[%get3A_421, %get3A_422] {strides = array<i32>} : memref<16x768xf32, #tpu.memory_space<vmem>>, vector<16xf32>,
          %add3A_424 = arith.addf %get3A_423, %parallel_loop3A_420#0 : vector<16xf32>
          %swap3A_425 = arith.index_cast %scan3A_371 : i32 to index
          %swap3A_426 = arith.constant 0 : index
          %swap3A_427 = tpu.vector_load %arg11[%swap3A_425, %swap3A_426] {strides = array<i32>} : memref<16x768xf32, #tpu.memory_space<vmem>>, vector<16xf32>,
          tpu.vector_store %arg11[%swap3A_425, %swap3A_426], %add3A_424 {strides = array<i32>} : memref<16x768xf32, #tpu.memory_space<vmem>>, vector<16xf32>,
          %get3A_428 = arith.index_cast %scan3A_371 : i32 to index
          %get3A_429 = arith.constant 16 : index
          %get3A_430 = tpu.vector_load %arg11[%get3A_428, %get3A_429] {strides = array<i32>} : memref<16x768xf32, #tpu.memory_space<vmem>>, vector<16xf32>,
          %add3A_431 = arith.addf %get3A_430, %parallel_loop3A_420#1 : vector<16xf32>
          %swap3A_432 = arith.index_cast %scan3A_371 : i32 to index
          %swap3A_433 = arith.constant 16 : index
          %swap3A_434 = tpu.vector_load %arg11[%swap3A_432, %swap3A_433] {strides = array<i32>} : memref<16x768xf32, #tpu.memory_space<vmem>>, vector<16xf32>,
          tpu.vector_store %arg11[%swap3A_432, %swap3A_433], %add3A_431 {strides = array<i32>} : memref<16x768xf32, #tpu.memory_space<vmem>>, vector<16xf32>,
          %get3A_435 = arith.index_cast %scan3A_371 : i32 to index
          %get3A_436 = arith.constant 32 : index
          %get3A_437 = tpu.vector_load %arg11[%get3A_435, %get3A_436] {strides = array<i32>} : memref<16x768xf32, #tpu.memory_space<vmem>>, vector<16xf32>,
          %add3A_438 = arith.addf %get3A_437, %parallel_loop3A_420#2 : vector<16xf32>
          %swap3A_439 = arith.index_cast %scan3A_371 : i32 to index
          %swap3A_440 = arith.constant 32 : index
          %swap3A_441 = tpu.vector_load %arg11[%swap3A_439, %swap3A_440] {strides = array<i32>} : memref<16x768xf32, #tpu.memory_space<vmem>>, vector<16xf32>,
          tpu.vector_store %arg11[%swap3A_439, %swap3A_440], %add3A_438 {strides = array<i32>} : memref<16x768xf32, #tpu.memory_space<vmem>>, vector<16xf32>,
          %get3A_442 = arith.index_cast %scan3A_371 : i32 to index
          %get3A_443 = arith.constant 48 : index
          %get3A_444 = tpu.vector_load %arg11[%get3A_442, %get3A_443] {strides = array<i32>} : memref<16x768xf32, #tpu.memory_space<vmem>>, vector<16xf32>,
          %add3A_445 = arith.addf %get3A_444, %parallel_loop3A_420#3 : vector<16xf32>
          %swap3A_446 = arith.index_cast %scan3A_371 : i32 to index
          %swap3A_447 = arith.constant 48 : index
          %swap3A_448 = tpu.vector_load %arg11[%swap3A_446, %swap3A_447] {strides = array<i32>} : memref<16x768xf32, #tpu.memory_space<vmem>>, vector<16xf32>,
          tpu.vector_store %arg11[%swap3A_446, %swap3A_447], %add3A_445 {strides = array<i32>} : memref<16x768xf32, #tpu.memory_space<vmem>>, vector<16xf32>,
          %get3A_449 = arith.index_cast %scan3A_371 : i32 to index
          %get3A_450 = arith.constant 64 : index
          %get3A_451 = tpu.vector_load %arg11[%get3A_449, %get3A_450] {strides = array<i32>} : memref<16x768xf32, #tpu.memory_space<vmem>>, vector<16xf32>,
          %add3A_452 = arith.addf %get3A_451, %parallel_loop3A_420#4 : vector<16xf32>
          %swap3A_453 = arith.index_cast %scan3A_371 : i32 to index
          %swap3A_454 = arith.constant 64 : index
          %swap3A_455 = tpu.vector_load %arg11[%swap3A_453, %swap3A_454] {strides = array<i32>} : memref<16x768xf32, #tpu.memory_space<vmem>>, vector<16xf32>,
          tpu.vector_store %arg11[%swap3A_453, %swap3A_454], %add3A_452 {strides = array<i32>} : memref<16x768xf32, #tpu.memory_space<vmem>>, vector<16xf32>,
          %get3A_456 = arith.index_cast %scan3A_371 : i32 to index
          %get3A_457 = arith.constant 80 : index
          %get3A_458 = tpu.vector_load %arg11[%get3A_456, %get3A_457] {strides = array<i32>} : memref<16x768xf32, #tpu.memory_space<vmem>>, vector<16xf32>,
          %add3A_459 = arith.addf %get3A_458, %parallel_loop3A_420#5 : vector<16xf32>
          %swap3A_460 = arith.index_cast %scan3A_371 : i32 to index
          %swap3A_461 = arith.constant 80 : index
          %swap3A_462 = tpu.vector_load %arg11[%swap3A_460, %swap3A_461] {strides = array<i32>} : memref<16x768xf32, #tpu.memory_space<vmem>>, vector<16xf32>,
          tpu.vector_store %arg11[%swap3A_460, %swap3A_461], %add3A_459 {strides = array<i32>} : memref<16x768xf32, #tpu.memory_space<vmem>>, vector<16xf32>,
          %get3A_463 = arith.index_cast %scan3A_371 : i32 to index
          %get3A_464 = arith.constant 96 : index
          %get3A_465 = tpu.vector_load %arg11[%get3A_463, %get3A_464] {strides = array<i32>} : memref<16x768xf32, #tpu.memory_space<vmem>>, vector<16xf32>,
          %add3A_466 = arith.addf %get3A_465, %parallel_loop3A_420#6 : vector<16xf32>
          %swap3A_467 = arith.index_cast %scan3A_371 : i32 to index
          %swap3A_468 = arith.constant 96 : index
          %swap3A_469 = tpu.vector_load %arg11[%swap3A_467, %swap3A_468] {strides = array<i32>} : memref<16x768xf32, #tpu.memory_space<vmem>>, vector<16xf32>,
          tpu.vector_store %arg11[%swap3A_467, %swap3A_468], %add3A_466 {strides = array<i32>} : memref<16x768xf32, #tpu.memory_space<vmem>>, vector<16xf32>,
          %get3A_470 = arith.index_cast %scan3A_371 : i32 to index
          %get3A_471 = arith.constant 112 : index
          %get3A_472 = tpu.vector_load %arg11[%get3A_470, %get3A_471] {strides = array<i32>} : memref<16x768xf32, #tpu.memory_space<vmem>>, vector<16xf32>,
          %add3A_473 = arith.addf %get3A_472, %parallel_loop3A_420#7 : vector<16xf32>
          %swap3A_474 = arith.index_cast %scan3A_371 : i32 to index
          %swap3A_475 = arith.constant 112 : index
          %swap3A_476 = tpu.vector_load %arg11[%swap3A_474, %swap3A_475] {strides = array<i32>} : memref<16x768xf32, #tpu.memory_space<vmem>>, vector<16xf32>,
          tpu.vector_store %arg11[%swap3A_474, %swap3A_475], %add3A_473 {strides = array<i32>} : memref<16x768xf32, #tpu.memory_space<vmem>>, vector<16xf32>,
          %get3A_477 = arith.index_cast %scan3A_371 : i32 to index
          %get3A_478 = arith.constant 128 : index
          %get3A_479 = tpu.vector_load %arg11[%get3A_477, %get3A_478] {strides = array<i32>} : memref<16x768xf32, #tpu.memory_space<vmem>>, vector<16xf32>,
          %add3A_480 = arith.addf %get3A_479, %parallel_loop3A_420#8 : vector<16xf32>
          %swap3A_481 = arith.index_cast %scan3A_371 : i32 to index
          %swap3A_482 = arith.constant 128 : index
          %swap3A_483 = tpu.vector_load %arg11[%swap3A_481, %swap3A_482] {strides = array<i32>} : memref<16x768xf32, #tpu.memory_space<vmem>>, vector<16xf32>,
          tpu.vector_store %arg11[%swap3A_481, %swap3A_482], %add3A_480 {strides = array<i32>} : memref<16x768xf32, #tpu.memory_space<vmem>>, vector<16xf32>,
          %get3A_484 = arith.index_cast %scan3A_371 : i32 to index
          %get3A_485 = arith.constant 144 : index
          %get3A_486 = tpu.vector_load %arg11[%get3A_484, %get3A_485] {strides = array<i32>} : memref<16x768xf32, #tpu.memory_space<vmem>>, vector<16xf32>,
          %add3A_487 = arith.addf %get3A_486, %parallel_loop3A_420#9 : vector<16xf32>
          %swap3A_488 = arith.index_cast %scan3A_371 : i32 to index
          %swap3A_489 = arith.constant 144 : index
          %swap3A_490 = tpu.vector_load %arg11[%swap3A_488, %swap3A_489] {strides = array<i32>} : memref<16x768xf32, #tpu.memory_space<vmem>>, vector<16xf32>,
          tpu.vector_store %arg11[%swap3A_488, %swap3A_489], %add3A_487 {strides = array<i32>} : memref<16x768xf32, #tpu.memory_space<vmem>>, vector<16xf32>,
          %get3A_491 = arith.index_cast %scan3A_371 : i32 to index
          %get3A_492 = arith.constant 160 : index
          %get3A_493 = tpu.vector_load %arg11[%get3A_491, %get3A_492] {strides = array<i32>} : memref<16x768xf32, #tpu.memory_space<vmem>>, vector<16xf32>,
          %add3A_494 = arith.addf %get3A_493, %parallel_loop3A_420#10 : vector<16xf32>
          %swap3A_495 = arith.index_cast %scan3A_371 : i32 to index
          %swap3A_496 = arith.constant 160 : index
          %swap3A_497 = tpu.vector_load %arg11[%swap3A_495, %swap3A_496] {strides = array<i32>} : memref<16x768xf32, #tpu.memory_space<vmem>>, vector<16xf32>,
          tpu.vector_store %arg11[%swap3A_495, %swap3A_496], %add3A_494 {strides = array<i32>} : memref<16x768xf32, #tpu.memory_space<vmem>>, vector<16xf32>,
          %get3A_498 = arith.index_cast %scan3A_371 : i32 to index
          %get3A_499 = arith.constant 176 : index
          %get3A_500 = tpu.vector_load %arg11[%get3A_498, %get3A_499] {strides = array<i32>} : memref<16x768xf32, #tpu.memory_space<vmem>>, vector<16xf32>,
          %add3A_501 = arith.addf %get3A_500, %parallel_loop3A_420#11 : vector<16xf32>
          %swap3A_502 = arith.index_cast %scan3A_371 : i32 to index
          %swap3A_503 = arith.constant 176 : index
          %swap3A_504 = tpu.vector_load %arg11[%swap3A_502, %swap3A_503] {strides = array<i32>} : memref<16x768xf32, #tpu.memory_space<vmem>>, vector<16xf32>,
          tpu.vector_store %arg11[%swap3A_502, %swap3A_503], %add3A_501 {strides = array<i32>} : memref<16x768xf32, #tpu.memory_space<vmem>>, vector<16xf32>,
          %get3A_505 = arith.index_cast %scan3A_371 : i32 to index
          %get3A_506 = arith.constant 192 : index
          %get3A_507 = tpu.vector_load %arg11[%get3A_505, %get3A_506] {strides = array<i32>} : memref<16x768xf32, #tpu.memory_space<vmem>>, vector<16xf32>,
          %add3A_508 = arith.addf %get3A_507, %parallel_loop3A_420#12 : vector<16xf32>
          %swap3A_509 = arith.index_cast %scan3A_371 : i32 to index
          %swap3A_510 = arith.constant 192 : index
          %swap3A_511 = tpu.vector_load %arg11[%swap3A_509, %swap3A_510] {strides = array<i32>} : memref<16x768xf32, #tpu.memory_space<vmem>>, vector<16xf32>,
          tpu.vector_store %arg11[%swap3A_509, %swap3A_510], %add3A_508 {strides = array<i32>} : memref<16x768xf32, #tpu.memory_space<vmem>>, vector<16xf32>,
          %get3A_512 = arith.index_cast %scan3A_371 : i32 to index
          %get3A_513 = arith.constant 208 : index
          %get3A_514 = tpu.vector_load %arg11[%get3A_512, %get3A_513] {strides = array<i32>} : memref<16x768xf32, #tpu.memory_space<vmem>>, vector<16xf32>,
          %add3A_515 = arith.addf %get3A_514, %parallel_loop3A_420#13 : vector<16xf32>
          %swap3A_516 = arith.index_cast %scan3A_371 : i32 to index
          %swap3A_517 = arith.constant 208 : index
          %swap3A_518 = tpu.vector_load %arg11[%swap3A_516, %swap3A_517] {strides = array<i32>} : memref<16x768xf32, #tpu.memory_space<vmem>>, vector<16xf32>,
          tpu.vector_store %arg11[%swap3A_516, %swap3A_517], %add3A_515 {strides = array<i32>} : memref<16x768xf32, #tpu.memory_space<vmem>>, vector<16xf32>,
          %get3A_519 = arith.index_cast %scan3A_371 : i32 to index
          %get3A_520 = arith.constant 224 : index
          %get3A_521 = tpu.vector_load %arg11[%get3A_519, %get3A_520] {strides = array<i32>} : memref<16x768xf32, #tpu.memory_space<vmem>>, vector<16xf32>,
          %add3A_522 = arith.addf %get3A_521, %parallel_loop3A_420#14 : vector<16xf32>
          %swap3A_523 = arith.index_cast %scan3A_371 : i32 to index
          %swap3A_524 = arith.constant 224 : index
          %swap3A_525 = tpu.vector_load %arg11[%swap3A_523, %swap3A_524] {strides = array<i32>} : memref<16x768xf32, #tpu.memory_space<vmem>>, vector<16xf32>,
          tpu.vector_store %arg11[%swap3A_523, %swap3A_524], %add3A_522 {strides = array<i32>} : memref<16x768xf32, #tpu.memory_space<vmem>>, vector<16xf32>,
          %get3A_526 = arith.index_cast %scan3A_371 : i32 to index
          %get3A_527 = arith.constant 240 : index
          %get3A_528 = tpu.vector_load %arg11[%get3A_526, %get3A_527] {strides = array<i32>} : memref<16x768xf32, #tpu.memory_space<vmem>>, vector<16xf32>,
          %add3A_529 = arith.addf %get3A_528, %parallel_loop3A_420#15 : vector<16xf32>
          %swap3A_530 = arith.index_cast %scan3A_371 : i32 to index
          %swap3A_531 = arith.constant 240 : index
          %swap3A_532 = tpu.vector_load %arg11[%swap3A_530, %swap3A_531] {strides = array<i32>} : memref<16x768xf32, #tpu.memory_space<vmem>>, vector<16xf32>,
          tpu.vector_store %arg11[%swap3A_530, %swap3A_531], %add3A_529 {strides = array<i32>} : memref<16x768xf32, #tpu.memory_space<vmem>>, vector<16xf32>,
          %broadcast_in_dim3A_533 = arith.constant 0.000000e+00 : f32
          %broadcast_in_dim3A_534 = vector.broadcast %broadcast_in_dim3A_533 : f32 to vector<16xf32>
          %broadcast_in_dim3A_535 = arith.constant 0.000000e+00 : f32
          %broadcast_in_dim3A_536 = vector.broadcast %broadcast_in_dim3A_535 : f32 to vector<16xf32>
          %broadcast_in_dim3A_537 = arith.constant 0.000000e+00 : f32
          %broadcast_in_dim3A_538 = vector.broadcast %broadcast_in_dim3A_537 : f32 to vector<16xf32>
          %broadcast_in_dim3A_539 = arith.constant 0.000000e+00 : f32
          %broadcast_in_dim3A_540 = vector.broadcast %broadcast_in_dim3A_539 : f32 to vector<16xf32>
          %broadcast_in_dim3A_541 = arith.constant 0.000000e+00 : f32
          %broadcast_in_dim3A_542 = vector.broadcast %broadcast_in_dim3A_541 : f32 to vector<16xf32>
          %broadcast_in_dim3A_543 = arith.constant 0.000000e+00 : f32
          %broadcast_in_dim3A_544 = vector.broadcast %broadcast_in_dim3A_543 : f32 to vector<16xf32>
          %broadcast_in_dim3A_545 = arith.constant 0.000000e+00 : f32
          %broadcast_in_dim3A_546 = vector.broadcast %broadcast_in_dim3A_545 : f32 to vector<16xf32>
          %broadcast_in_dim3A_547 = arith.constant 0.000000e+00 : f32
          %broadcast_in_dim3A_548 = vector.broadcast %broadcast_in_dim3A_547 : f32 to vector<16xf32>
          %broadcast_in_dim3A_549 = arith.constant 0.000000e+00 : f32
          %broadcast_in_dim3A_550 = vector.broadcast %broadcast_in_dim3A_549 : f32 to vector<16xf32>
          %broadcast_in_dim3A_551 = arith.constant 0.000000e+00 : f32
          %broadcast_in_dim3A_552 = vector.broadcast %broadcast_in_dim3A_551 : f32 to vector<16xf32>
          %broadcast_in_dim3A_553 = arith.constant 0.000000e+00 : f32
          %broadcast_in_dim3A_554 = vector.broadcast %broadcast_in_dim3A_553 : f32 to vector<16xf32>
          %broadcast_in_dim3A_555 = arith.constant 0.000000e+00 : f32
          %broadcast_in_dim3A_556 = vector.broadcast %broadcast_in_dim3A_555 : f32 to vector<16xf32>
          %broadcast_in_dim3A_557 = arith.constant 0.000000e+00 : f32
          %broadcast_in_dim3A_558 = vector.broadcast %broadcast_in_dim3A_557 : f32 to vector<16xf32>
          %broadcast_in_dim3A_559 = arith.constant 0.000000e+00 : f32
          %broadcast_in_dim3A_560 = vector.broadcast %broadcast_in_dim3A_559 : f32 to vector<16xf32>
          %broadcast_in_dim3A_561 = arith.constant 0.000000e+00 : f32
          %broadcast_in_dim3A_562 = vector.broadcast %broadcast_in_dim3A_561 : f32 to vector<16xf32>
          %broadcast_in_dim3A_563 = arith.constant 0.000000e+00 : f32
          %broadcast_in_dim3A_564 = vector.broadcast %broadcast_in_dim3A_563 : f32 to vector<16xf32>
          %parallel_loop3A_565 = arith.constant 1 : i32
          %parallel_loop3A_566:16 = scf.for %parallel_loop3A_825 = %sub3A to %sub3A_384 step %parallel_loop3A_565 iter_args(%parallel_loop3A_826 = %broadcast_in_dim3A_534, %parallel_loop3A_827 = %broadcast_in_dim3A_536, %parallel_loop3A_828 = %broadcast_in_dim3A_538, %parallel_loop3A_829 = %broadcast_in_dim3A_540, %parallel_loop3A_830 = %broadcast_in_dim3A_542, %parallel_loop3A_831 = %broadcast_in_dim3A_544, %parallel_loop3A_832 = %broadcast_in_dim3A_546, %parallel_loop3A_833 = %broadcast_in_dim3A_548, %parallel_loop3A_834 = %broadcast_in_dim3A_550, %parallel_loop3A_835 = %broadcast_in_dim3A_552, %parallel_loop3A_836 = %broadcast_in_dim3A_554, %parallel_loop3A_837 = %broadcast_in_dim3A_556, %parallel_loop3A_838 = %broadcast_in_dim3A_558, %parallel_loop3A_839 = %broadcast_in_dim3A_560, %parallel_loop3A_840 = %broadcast_in_dim3A_562, %parallel_loop3A_841 = %broadcast_in_dim3A_564) -> (vector<16xf32>, vector<16xf32>, vector<16xf32>, vector<16xf32>, vector<16xf32>, vector<16xf32>, vector<16xf32>, vector<16xf32>, vector<16xf32>, vector<16xf32>, vector<16xf32>, vector<16xf32>, vector<16xf32>, vector<16xf32>, vector<16xf32>, vector<16xf32>)  : i32 {
            %parallel_loop3A_842 = arith.index_cast %parallel_loop3A_825 : i32 to index
            %parallel_loop3A_843 = arith.constant 256 : index
            %parallel_loop3A_844 = tpu.vector_load %arg9[%parallel_loop3A_842, %parallel_loop3A_843] {strides = array<i32>} : memref<64x768xf32, #tpu.memory_space<vmem>>, vector<16xf32>,
            %parallel_loop3A_845 = arith.addf %parallel_loop3A_826, %parallel_loop3A_844 : vector<16xf32>
            %parallel_loop3A_846 = arith.index_cast %parallel_loop3A_825 : i32 to index
            %parallel_loop3A_847 = arith.constant 272 : index
            %parallel_loop3A_848 = tpu.vector_load %arg9[%parallel_loop3A_846, %parallel_loop3A_847] {strides = array<i32>} : memref<64x768xf32, #tpu.memory_space<vmem>>, vector<16xf32>,
            %parallel_loop3A_849 = arith.addf %parallel_loop3A_827, %parallel_loop3A_848 : vector<16xf32>
            %parallel_loop3A_850 = arith.index_cast %parallel_loop3A_825 : i32 to index
            %parallel_loop3A_851 = arith.constant 288 : index
            %parallel_loop3A_852 = tpu.vector_load %arg9[%parallel_loop3A_850, %parallel_loop3A_851] {strides = array<i32>} : memref<64x768xf32, #tpu.memory_space<vmem>>, vector<16xf32>,
            %parallel_loop3A_853 = arith.addf %parallel_loop3A_828, %parallel_loop3A_852 : vector<16xf32>
            %parallel_loop3A_854 = arith.index_cast %parallel_loop3A_825 : i32 to index
            %parallel_loop3A_855 = arith.constant 304 : index
            %parallel_loop3A_856 = tpu.vector_load %arg9[%parallel_loop3A_854, %parallel_loop3A_855] {strides = array<i32>} : memref<64x768xf32, #tpu.memory_space<vmem>>, vector<16xf32>,
            %parallel_loop3A_857 = arith.addf %parallel_loop3A_829, %parallel_loop3A_856 : vector<16xf32>
            %parallel_loop3A_858 = arith.index_cast %parallel_loop3A_825 : i32 to index
            %parallel_loop3A_859 = arith.constant 320 : index
            %parallel_loop3A_860 = tpu.vector_load %arg9[%parallel_loop3A_858, %parallel_loop3A_859] {strides = array<i32>} : memref<64x768xf32, #tpu.memory_space<vmem>>, vector<16xf32>,
            %parallel_loop3A_861 = arith.addf %parallel_loop3A_830, %parallel_loop3A_860 : vector<16xf32>
            %parallel_loop3A_862 = arith.index_cast %parallel_loop3A_825 : i32 to index
            %parallel_loop3A_863 = arith.constant 336 : index
            %parallel_loop3A_864 = tpu.vector_load %arg9[%parallel_loop3A_862, %parallel_loop3A_863] {strides = array<i32>} : memref<64x768xf32, #tpu.memory_space<vmem>>, vector<16xf32>,
            %parallel_loop3A_865 = arith.addf %parallel_loop3A_831, %parallel_loop3A_864 : vector<16xf32>
            %parallel_loop3A_866 = arith.index_cast %parallel_loop3A_825 : i32 to index
            %parallel_loop3A_867 = arith.constant 352 : index
            %parallel_loop3A_868 = tpu.vector_load %arg9[%parallel_loop3A_866, %parallel_loop3A_867] {strides = array<i32>} : memref<64x768xf32, #tpu.memory_space<vmem>>, vector<16xf32>,
            %parallel_loop3A_869 = arith.addf %parallel_loop3A_832, %parallel_loop3A_868 : vector<16xf32>
            %parallel_loop3A_870 = arith.index_cast %parallel_loop3A_825 : i32 to index
            %parallel_loop3A_871 = arith.constant 368 : index
            %parallel_loop3A_872 = tpu.vector_load %arg9[%parallel_loop3A_870, %parallel_loop3A_871] {strides = array<i32>} : memref<64x768xf32, #tpu.memory_space<vmem>>, vector<16xf32>,
            %parallel_loop3A_873 = arith.addf %parallel_loop3A_833, %parallel_loop3A_872 : vector<16xf32>
            %parallel_loop3A_874 = arith.index_cast %parallel_loop3A_825 : i32 to index
            %parallel_loop3A_875 = arith.constant 384 : index
            %parallel_loop3A_876 = tpu.vector_load %arg9[%parallel_loop3A_874, %parallel_loop3A_875] {strides = array<i32>} : memref<64x768xf32, #tpu.memory_space<vmem>>, vector<16xf32>,
            %parallel_loop3A_877 = arith.addf %parallel_loop3A_834, %parallel_loop3A_876 : vector<16xf32>
            %parallel_loop3A_878 = arith.index_cast %parallel_loop3A_825 : i32 to index
            %parallel_loop3A_879 = arith.constant 400 : index
            %parallel_loop3A_880 = tpu.vector_load %arg9[%parallel_loop3A_878, %parallel_loop3A_879] {strides = array<i32>} : memref<64x768xf32, #tpu.memory_space<vmem>>, vector<16xf32>,
            %parallel_loop3A_881 = arith.addf %parallel_loop3A_835, %parallel_loop3A_880 : vector<16xf32>
            %parallel_loop3A_882 = arith.index_cast %parallel_loop3A_825 : i32 to index
            %parallel_loop3A_883 = arith.constant 416 : index
            %parallel_loop3A_884 = tpu.vector_load %arg9[%parallel_loop3A_882, %parallel_loop3A_883] {strides = array<i32>} : memref<64x768xf32, #tpu.memory_space<vmem>>, vector<16xf32>,
            %parallel_loop3A_885 = arith.addf %parallel_loop3A_836, %parallel_loop3A_884 : vector<16xf32>
            %parallel_loop3A_886 = arith.index_cast %parallel_loop3A_825 : i32 to index
            %parallel_loop3A_887 = arith.constant 432 : index
            %parallel_loop3A_888 = tpu.vector_load %arg9[%parallel_loop3A_886, %parallel_loop3A_887] {strides = array<i32>} : memref<64x768xf32, #tpu.memory_space<vmem>>, vector<16xf32>,
            %parallel_loop3A_889 = arith.addf %parallel_loop3A_837, %parallel_loop3A_888 : vector<16xf32>
            %parallel_loop3A_890 = arith.index_cast %parallel_loop3A_825 : i32 to index
            %parallel_loop3A_891 = arith.constant 448 : index
            %parallel_loop3A_892 = tpu.vector_load %arg9[%parallel_loop3A_890, %parallel_loop3A_891] {strides = array<i32>} : memref<64x768xf32, #tpu.memory_space<vmem>>, vector<16xf32>,
            %parallel_loop3A_893 = arith.addf %parallel_loop3A_838, %parallel_loop3A_892 : vector<16xf32>
            %parallel_loop3A_894 = arith.index_cast %parallel_loop3A_825 : i32 to index
            %parallel_loop3A_895 = arith.constant 464 : index
            %parallel_loop3A_896 = tpu.vector_load %arg9[%parallel_loop3A_894, %parallel_loop3A_895] {strides = array<i32>} : memref<64x768xf32, #tpu.memory_space<vmem>>, vector<16xf32>,
            %parallel_loop3A_897 = arith.addf %parallel_loop3A_839, %parallel_loop3A_896 : vector<16xf32>
            %parallel_loop3A_898 = arith.index_cast %parallel_loop3A_825 : i32 to index
            %parallel_loop3A_899 = arith.constant 480 : index
            %parallel_loop3A_900 = tpu.vector_load %arg9[%parallel_loop3A_898, %parallel_loop3A_899] {strides = array<i32>} : memref<64x768xf32, #tpu.memory_space<vmem>>, vector<16xf32>,
            %parallel_loop3A_901 = arith.addf %parallel_loop3A_840, %parallel_loop3A_900 : vector<16xf32>
            %parallel_loop3A_902 = arith.index_cast %parallel_loop3A_825 : i32 to index
            %parallel_loop3A_903 = arith.constant 496 : index
            %parallel_loop3A_904 = tpu.vector_load %arg9[%parallel_loop3A_902, %parallel_loop3A_903] {strides = array<i32>} : memref<64x768xf32, #tpu.memory_space<vmem>>, vector<16xf32>,
            %parallel_loop3A_905 = arith.addf %parallel_loop3A_841, %parallel_loop3A_904 : vector<16xf32>
            scf.yield %parallel_loop3A_845, %parallel_loop3A_849, %parallel_loop3A_853, %parallel_loop3A_857, %parallel_loop3A_861, %parallel_loop3A_865, %parallel_loop3A_869, %parallel_loop3A_873, %parallel_loop3A_877, %parallel_loop3A_881, %parallel_loop3A_885, %parallel_loop3A_889, %parallel_loop3A_893, %parallel_loop3A_897, %parallel_loop3A_901, %parallel_loop3A_905 : vector<16xf32>, vector<16xf32>, vector<16xf32>, vector<16xf32>, vector<16xf32>, vector<16xf32>, vector<16xf32>, vector<16xf32>, vector<16xf32>, vector<16xf32>, vector<16xf32>, vector<16xf32>, vector<16xf32>, vector<16xf32>, vector<16xf32>, vector<16xf32>
          } {sc.loop_unroll_factor = 4 : i64, sc.parallel_access}
          %get3A_567 = arith.index_cast %scan3A_371 : i32 to index
          %get3A_568 = arith.constant 256 : index
          %get3A_569 = tpu.vector_load %arg11[%get3A_567, %get3A_568] {strides = array<i32>} : memref<16x768xf32, #tpu.memory_space<vmem>>, vector<16xf32>,
          %add3A_570 = arith.addf %get3A_569, %parallel_loop3A_566#0 : vector<16xf32>
          %swap3A_571 = arith.index_cast %scan3A_371 : i32 to index
          %swap3A_572 = arith.constant 256 : index
          %swap3A_573 = tpu.vector_load %arg11[%swap3A_571, %swap3A_572] {strides = array<i32>} : memref<16x768xf32, #tpu.memory_space<vmem>>, vector<16xf32>,
          tpu.vector_store %arg11[%swap3A_571, %swap3A_572], %add3A_570 {strides = array<i32>} : memref<16x768xf32, #tpu.memory_space<vmem>>, vector<16xf32>,
          %get3A_574 = arith.index_cast %scan3A_371 : i32 to index
          %get3A_575 = arith.constant 272 : index
          %get3A_576 = tpu.vector_load %arg11[%get3A_574, %get3A_575] {strides = array<i32>} : memref<16x768xf32, #tpu.memory_space<vmem>>, vector<16xf32>,
          %add3A_577 = arith.addf %get3A_576, %parallel_loop3A_566#1 : vector<16xf32>
          %swap3A_578 = arith.index_cast %scan3A_371 : i32 to index
          %swap3A_579 = arith.constant 272 : index
          %swap3A_580 = tpu.vector_load %arg11[%swap3A_578, %swap3A_579] {strides = array<i32>} : memref<16x768xf32, #tpu.memory_space<vmem>>, vector<16xf32>,
          tpu.vector_store %arg11[%swap3A_578, %swap3A_579], %add3A_577 {strides = array<i32>} : memref<16x768xf32, #tpu.memory_space<vmem>>, vector<16xf32>,
          %get3A_581 = arith.index_cast %scan3A_371 : i32 to index
          %get3A_582 = arith.constant 288 : index
          %get3A_583 = tpu.vector_load %arg11[%get3A_581, %get3A_582] {strides = array<i32>} : memref<16x768xf32, #tpu.memory_space<vmem>>, vector<16xf32>,
          %add3A_584 = arith.addf %get3A_583, %parallel_loop3A_566#2 : vector<16xf32>
          %swap3A_585 = arith.index_cast %scan3A_371 : i32 to index
          %swap3A_586 = arith.constant 288 : index
          %swap3A_587 = tpu.vector_load %arg11[%swap3A_585, %swap3A_586] {strides = array<i32>} : memref<16x768xf32, #tpu.memory_space<vmem>>, vector<16xf32>,
          tpu.vector_store %arg11[%swap3A_585, %swap3A_586], %add3A_584 {strides = array<i32>} : memref<16x768xf32, #tpu.memory_space<vmem>>, vector<16xf32>,
          %get3A_588 = arith.index_cast %scan3A_371 : i32 to index
          %get3A_589 = arith.constant 304 : index
          %get3A_590 = tpu.vector_load %arg11[%get3A_588, %get3A_589] {strides = array<i32>} : memref<16x768xf32, #tpu.memory_space<vmem>>, vector<16xf32>,
          %add3A_591 = arith.addf %get3A_590, %parallel_loop3A_566#3 : vector<16xf32>
          %swap3A_592 = arith.index_cast %scan3A_371 : i32 to index
          %swap3A_593 = arith.constant 304 : index
          %swap3A_594 = tpu.vector_load %arg11[%swap3A_592, %swap3A_593] {strides = array<i32>} : memref<16x768xf32, #tpu.memory_space<vmem>>, vector<16xf32>,
          tpu.vector_store %arg11[%swap3A_592, %swap3A_593], %add3A_591 {strides = array<i32>} : memref<16x768xf32, #tpu.memory_space<vmem>>, vector<16xf32>,
          %get3A_595 = arith.index_cast %scan3A_371 : i32 to index
          %get3A_596 = arith.constant 320 : index
          %get3A_597 = tpu.vector_load %arg11[%get3A_595, %get3A_596] {strides = array<i32>} : memref<16x768xf32, #tpu.memory_space<vmem>>, vector<16xf32>,
          %add3A_598 = arith.addf %get3A_597, %parallel_loop3A_566#4 : vector<16xf32>
          %swap3A_599 = arith.index_cast %scan3A_371 : i32 to index
          %swap3A_600 = arith.constant 320 : index
          %swap3A_601 = tpu.vector_load %arg11[%swap3A_599, %swap3A_600] {strides = array<i32>} : memref<16x768xf32, #tpu.memory_space<vmem>>, vector<16xf32>,
          tpu.vector_store %arg11[%swap3A_599, %swap3A_600], %add3A_598 {strides = array<i32>} : memref<16x768xf32, #tpu.memory_space<vmem>>, vector<16xf32>,
          %get3A_602 = arith.index_cast %scan3A_371 : i32 to index
          %get3A_603 = arith.constant 336 : index
          %get3A_604 = tpu.vector_load %arg11[%get3A_602, %get3A_603] {strides = array<i32>} : memref<16x768xf32, #tpu.memory_space<vmem>>, vector<16xf32>,
          %add3A_605 = arith.addf %get3A_604, %parallel_loop3A_566#5 : vector<16xf32>
          %swap3A_606 = arith.index_cast %scan3A_371 : i32 to index
          %swap3A_607 = arith.constant 336 : index
          %swap3A_608 = tpu.vector_load %arg11[%swap3A_606, %swap3A_607] {strides = array<i32>} : memref<16x768xf32, #tpu.memory_space<vmem>>, vector<16xf32>,
          tpu.vector_store %arg11[%swap3A_606, %swap3A_607], %add3A_605 {strides = array<i32>} : memref<16x768xf32, #tpu.memory_space<vmem>>, vector<16xf32>,
          %get3A_609 = arith.index_cast %scan3A_371 : i32 to index
          %get3A_610 = arith.constant 352 : index
          %get3A_611 = tpu.vector_load %arg11[%get3A_609, %get3A_610] {strides = array<i32>} : memref<16x768xf32, #tpu.memory_space<vmem>>, vector<16xf32>,
          %add3A_612 = arith.addf %get3A_611, %parallel_loop3A_566#6 : vector<16xf32>
          %swap3A_613 = arith.index_cast %scan3A_371 : i32 to index
          %swap3A_614 = arith.constant 352 : index
          %swap3A_615 = tpu.vector_load %arg11[%swap3A_613, %swap3A_614] {strides = array<i32>} : memref<16x768xf32, #tpu.memory_space<vmem>>, vector<16xf32>,
          tpu.vector_store %arg11[%swap3A_613, %swap3A_614], %add3A_612 {strides = array<i32>} : memref<16x768xf32, #tpu.memory_space<vmem>>, vector<16xf32>,
          %get3A_616 = arith.index_cast %scan3A_371 : i32 to index
          %get3A_617 = arith.constant 368 : index
          %get3A_618 = tpu.vector_load %arg11[%get3A_616, %get3A_617] {strides = array<i32>} : memref<16x768xf32, #tpu.memory_space<vmem>>, vector<16xf32>,
          %add3A_619 = arith.addf %get3A_618, %parallel_loop3A_566#7 : vector<16xf32>
          %swap3A_620 = arith.index_cast %scan3A_371 : i32 to index
          %swap3A_621 = arith.constant 368 : index
          %swap3A_622 = tpu.vector_load %arg11[%swap3A_620, %swap3A_621] {strides = array<i32>} : memref<16x768xf32, #tpu.memory_space<vmem>>, vector<16xf32>,
          tpu.vector_store %arg11[%swap3A_620, %swap3A_621], %add3A_619 {strides = array<i32>} : memref<16x768xf32, #tpu.memory_space<vmem>>, vector<16xf32>,
          %get3A_623 = arith.index_cast %scan3A_371 : i32 to index
          %get3A_624 = arith.constant 384 : index
          %get3A_625 = tpu.vector_load %arg11[%get3A_623, %get3A_624] {strides = array<i32>} : memref<16x768xf32, #tpu.memory_space<vmem>>, vector<16xf32>,
          %add3A_626 = arith.addf %get3A_625, %parallel_loop3A_566#8 : vector<16xf32>
          %swap3A_627 = arith.index_cast %scan3A_371 : i32 to index
          %swap3A_628 = arith.constant 384 : index
          %swap3A_629 = tpu.vector_load %arg11[%swap3A_627, %swap3A_628] {strides = array<i32>} : memref<16x768xf32, #tpu.memory_space<vmem>>, vector<16xf32>,
          tpu.vector_store %arg11[%swap3A_627, %swap3A_628], %add3A_626 {strides = array<i32>} : memref<16x768xf32, #tpu.memory_space<vmem>>, vector<16xf32>,
          %get3A_630 = arith.index_cast %scan3A_371 : i32 to index
          %get3A_631 = arith.constant 400 : index
          %get3A_632 = tpu.vector_load %arg11[%get3A_630, %get3A_631] {strides = array<i32>} : memref<16x768xf32, #tpu.memory_space<vmem>>, vector<16xf32>,
          %add3A_633 = arith.addf %get3A_632, %parallel_loop3A_566#9 : vector<16xf32>
          %swap3A_634 = arith.index_cast %scan3A_371 : i32 to index
          %swap3A_635 = arith.constant 400 : index
          %swap3A_636 = tpu.vector_load %arg11[%swap3A_634, %swap3A_635] {strides = array<i32>} : memref<16x768xf32, #tpu.memory_space<vmem>>, vector<16xf32>,
          tpu.vector_store %arg11[%swap3A_634, %swap3A_635], %add3A_633 {strides = array<i32>} : memref<16x768xf32, #tpu.memory_space<vmem>>, vector<16xf32>,
          %get3A_637 = arith.index_cast %scan3A_371 : i32 to index
          %get3A_638 = arith.constant 416 : index
          %get3A_639 = tpu.vector_load %arg11[%get3A_637, %get3A_638] {strides = array<i32>} : memref<16x768xf32, #tpu.memory_space<vmem>>, vector<16xf32>,
          %add3A_640 = arith.addf %get3A_639, %parallel_loop3A_566#10 : vector<16xf32>
          %swap3A_641 = arith.index_cast %scan3A_371 : i32 to index
          %swap3A_642 = arith.constant 416 : index
          %swap3A_643 = tpu.vector_load %arg11[%swap3A_641, %swap3A_642] {strides = array<i32>} : memref<16x768xf32, #tpu.memory_space<vmem>>, vector<16xf32>,
          tpu.vector_store %arg11[%swap3A_641, %swap3A_642], %add3A_640 {strides = array<i32>} : memref<16x768xf32, #tpu.memory_space<vmem>>, vector<16xf32>,
          %get3A_644 = arith.index_cast %scan3A_371 : i32 to index
          %get3A_645 = arith.constant 432 : index
          %get3A_646 = tpu.vector_load %arg11[%get3A_644, %get3A_645] {strides = array<i32>} : memref<16x768xf32, #tpu.memory_space<vmem>>, vector<16xf32>,
          %add3A_647 = arith.addf %get3A_646, %parallel_loop3A_566#11 : vector<16xf32>
          %swap3A_648 = arith.index_cast %scan3A_371 : i32 to index
          %swap3A_649 = arith.constant 432 : index
          %swap3A_650 = tpu.vector_load %arg11[%swap3A_648, %swap3A_649] {strides = array<i32>} : memref<16x768xf32, #tpu.memory_space<vmem>>, vector<16xf32>,
          tpu.vector_store %arg11[%swap3A_648, %swap3A_649], %add3A_647 {strides = array<i32>} : memref<16x768xf32, #tpu.memory_space<vmem>>, vector<16xf32>,
          %get3A_651 = arith.index_cast %scan3A_371 : i32 to index
          %get3A_652 = arith.constant 448 : index
          %get3A_653 = tpu.vector_load %arg11[%get3A_651, %get3A_652] {strides = array<i32>} : memref<16x768xf32, #tpu.memory_space<vmem>>, vector<16xf32>,
          %add3A_654 = arith.addf %get3A_653, %parallel_loop3A_566#12 : vector<16xf32>
          %swap3A_655 = arith.index_cast %scan3A_371 : i32 to index
          %swap3A_656 = arith.constant 448 : index
          %swap3A_657 = tpu.vector_load %arg11[%swap3A_655, %swap3A_656] {strides = array<i32>} : memref<16x768xf32, #tpu.memory_space<vmem>>, vector<16xf32>,
          tpu.vector_store %arg11[%swap3A_655, %swap3A_656], %add3A_654 {strides = array<i32>} : memref<16x768xf32, #tpu.memory_space<vmem>>, vector<16xf32>,
          %get3A_658 = arith.index_cast %scan3A_371 : i32 to index
          %get3A_659 = arith.constant 464 : index
          %get3A_660 = tpu.vector_load %arg11[%get3A_658, %get3A_659] {strides = array<i32>} : memref<16x768xf32, #tpu.memory_space<vmem>>, vector<16xf32>,
          %add3A_661 = arith.addf %get3A_660, %parallel_loop3A_566#13 : vector<16xf32>
          %swap3A_662 = arith.index_cast %scan3A_371 : i32 to index
          %swap3A_663 = arith.constant 464 : index
          %swap3A_664 = tpu.vector_load %arg11[%swap3A_662, %swap3A_663] {strides = array<i32>} : memref<16x768xf32, #tpu.memory_space<vmem>>, vector<16xf32>,
          tpu.vector_store %arg11[%swap3A_662, %swap3A_663], %add3A_661 {strides = array<i32>} : memref<16x768xf32, #tpu.memory_space<vmem>>, vector<16xf32>,
          %get3A_665 = arith.index_cast %scan3A_371 : i32 to index
          %get3A_666 = arith.constant 480 : index
          %get3A_667 = tpu.vector_load %arg11[%get3A_665, %get3A_666] {strides = array<i32>} : memref<16x768xf32, #tpu.memory_space<vmem>>, vector<16xf32>,
          %add3A_668 = arith.addf %get3A_667, %parallel_loop3A_566#14 : vector<16xf32>
          %swap3A_669 = arith.index_cast %scan3A_371 : i32 to index
          %swap3A_670 = arith.constant 480 : index
          %swap3A_671 = tpu.vector_load %arg11[%swap3A_669, %swap3A_670] {strides = array<i32>} : memref<16x768xf32, #tpu.memory_space<vmem>>, vector<16xf32>,
          tpu.vector_store %arg11[%swap3A_669, %swap3A_670], %add3A_668 {strides = array<i32>} : memref<16x768xf32, #tpu.memory_space<vmem>>, vector<16xf32>,
          %get3A_672 = arith.index_cast %scan3A_371 : i32 to index
          %get3A_673 = arith.constant 496 : index
          %get3A_674 = tpu.vector_load %arg11[%get3A_672, %get3A_673] {strides = array<i32>} : memref<16x768xf32, #tpu.memory_space<vmem>>, vector<16xf32>,
          %add3A_675 = arith.addf %get3A_674, %parallel_loop3A_566#15 : vector<16xf32>
          %swap3A_676 = arith.index_cast %scan3A_371 : i32 to index
          %swap3A_677 = arith.constant 496 : index
          %swap3A_678 = tpu.vector_load %arg11[%swap3A_676, %swap3A_677] {strides = array<i32>} : memref<16x768xf32, #tpu.memory_space<vmem>>, vector<16xf32>,
          tpu.vector_store %arg11[%swap3A_676, %swap3A_677], %add3A_675 {strides = array<i32>} : memref<16x768xf32, #tpu.memory_space<vmem>>, vector<16xf32>,
          %broadcast_in_dim3A_679 = arith.constant 0.000000e+00 : f32
          %broadcast_in_dim3A_680 = vector.broadcast %broadcast_in_dim3A_679 : f32 to vector<16xf32>
          %broadcast_in_dim3A_681 = arith.constant 0.000000e+00 : f32
          %broadcast_in_dim3A_682 = vector.broadcast %broadcast_in_dim3A_681 : f32 to vector<16xf32>
          %broadcast_in_dim3A_683 = arith.constant 0.000000e+00 : f32
          %broadcast_in_dim3A_684 = vector.broadcast %broadcast_in_dim3A_683 : f32 to vector<16xf32>
          %broadcast_in_dim3A_685 = arith.constant 0.000000e+00 : f32
          %broadcast_in_dim3A_686 = vector.broadcast %broadcast_in_dim3A_685 : f32 to vector<16xf32>
          %broadcast_in_dim3A_687 = arith.constant 0.000000e+00 : f32
          %broadcast_in_dim3A_688 = vector.broadcast %broadcast_in_dim3A_687 : f32 to vector<16xf32>
          %broadcast_in_dim3A_689 = arith.constant 0.000000e+00 : f32
          %broadcast_in_dim3A_690 = vector.broadcast %broadcast_in_dim3A_689 : f32 to vector<16xf32>
          %broadcast_in_dim3A_691 = arith.constant 0.000000e+00 : f32
          %broadcast_in_dim3A_692 = vector.broadcast %broadcast_in_dim3A_691 : f32 to vector<16xf32>
          %broadcast_in_dim3A_693 = arith.constant 0.000000e+00 : f32
          %broadcast_in_dim3A_694 = vector.broadcast %broadcast_in_dim3A_693 : f32 to vector<16xf32>
          %broadcast_in_dim3A_695 = arith.constant 0.000000e+00 : f32
          %broadcast_in_dim3A_696 = vector.broadcast %broadcast_in_dim3A_695 : f32 to vector<16xf32>
          %broadcast_in_dim3A_697 = arith.constant 0.000000e+00 : f32
          %broadcast_in_dim3A_698 = vector.broadcast %broadcast_in_dim3A_697 : f32 to vector<16xf32>
          %broadcast_in_dim3A_699 = arith.constant 0.000000e+00 : f32
          %broadcast_in_dim3A_700 = vector.broadcast %broadcast_in_dim3A_699 : f32 to vector<16xf32>
          %broadcast_in_dim3A_701 = arith.constant 0.000000e+00 : f32
          %broadcast_in_dim3A_702 = vector.broadcast %broadcast_in_dim3A_701 : f32 to vector<16xf32>
          %broadcast_in_dim3A_703 = arith.constant 0.000000e+00 : f32
          %broadcast_in_dim3A_704 = vector.broadcast %broadcast_in_dim3A_703 : f32 to vector<16xf32>
          %broadcast_in_dim3A_705 = arith.constant 0.000000e+00 : f32
          %broadcast_in_dim3A_706 = vector.broadcast %broadcast_in_dim3A_705 : f32 to vector<16xf32>
          %broadcast_in_dim3A_707 = arith.constant 0.000000e+00 : f32
          %broadcast_in_dim3A_708 = vector.broadcast %broadcast_in_dim3A_707 : f32 to vector<16xf32>
          %broadcast_in_dim3A_709 = arith.constant 0.000000e+00 : f32
          %broadcast_in_dim3A_710 = vector.broadcast %broadcast_in_dim3A_709 : f32 to vector<16xf32>
          %parallel_loop3A_711 = arith.constant 1 : i32
          %parallel_loop3A_712:16 = scf.for %parallel_loop3A_825 = %sub3A to %sub3A_384 step %parallel_loop3A_711 iter_args(%parallel_loop3A_826 = %broadcast_in_dim3A_680, %parallel_loop3A_827 = %broadcast_in_dim3A_682, %parallel_loop3A_828 = %broadcast_in_dim3A_684, %parallel_loop3A_829 = %broadcast_in_dim3A_686, %parallel_loop3A_830 = %broadcast_in_dim3A_688, %parallel_loop3A_831 = %broadcast_in_dim3A_690, %parallel_loop3A_832 = %broadcast_in_dim3A_692, %parallel_loop3A_833 = %broadcast_in_dim3A_694, %parallel_loop3A_834 = %broadcast_in_dim3A_696, %parallel_loop3A_835 = %broadcast_in_dim3A_698, %parallel_loop3A_836 = %broadcast_in_dim3A_700, %parallel_loop3A_837 = %broadcast_in_dim3A_702, %parallel_loop3A_838 = %broadcast_in_dim3A_704, %parallel_loop3A_839 = %broadcast_in_dim3A_706, %parallel_loop3A_840 = %broadcast_in_dim3A_708, %parallel_loop3A_841 = %broadcast_in_dim3A_710) -> (vector<16xf32>, vector<16xf32>, vector<16xf32>, vector<16xf32>, vector<16xf32>, vector<16xf32>, vector<16xf32>, vector<16xf32>, vector<16xf32>, vector<16xf32>, vector<16xf32>, vector<16xf32>, vector<16xf32>, vector<16xf32>, vector<16xf32>, vector<16xf32>)  : i32 {
            %parallel_loop3A_842 = arith.index_cast %parallel_loop3A_825 : i32 to index
            %parallel_loop3A_843 = arith.constant 512 : index
            %parallel_loop3A_844 = tpu.vector_load %arg9[%parallel_loop3A_842, %parallel_loop3A_843] {strides = array<i32>} : memref<64x768xf32, #tpu.memory_space<vmem>>, vector<16xf32>,
            %parallel_loop3A_845 = arith.addf %parallel_loop3A_826, %parallel_loop3A_844 : vector<16xf32>
            %parallel_loop3A_846 = arith.index_cast %parallel_loop3A_825 : i32 to index
            %parallel_loop3A_847 = arith.constant 528 : index
            %parallel_loop3A_848 = tpu.vector_load %arg9[%parallel_loop3A_846, %parallel_loop3A_847] {strides = array<i32>} : memref<64x768xf32, #tpu.memory_space<vmem>>, vector<16xf32>,
            %parallel_loop3A_849 = arith.addf %parallel_loop3A_827, %parallel_loop3A_848 : vector<16xf32>
            %parallel_loop3A_850 = arith.index_cast %parallel_loop3A_825 : i32 to index
            %parallel_loop3A_851 = arith.constant 544 : index
            %parallel_loop3A_852 = tpu.vector_load %arg9[%parallel_loop3A_850, %parallel_loop3A_851] {strides = array<i32>} : memref<64x768xf32, #tpu.memory_space<vmem>>, vector<16xf32>,
            %parallel_loop3A_853 = arith.addf %parallel_loop3A_828, %parallel_loop3A_852 : vector<16xf32>
            %parallel_loop3A_854 = arith.index_cast %parallel_loop3A_825 : i32 to index
            %parallel_loop3A_855 = arith.constant 560 : index
            %parallel_loop3A_856 = tpu.vector_load %arg9[%parallel_loop3A_854, %parallel_loop3A_855] {strides = array<i32>} : memref<64x768xf32, #tpu.memory_space<vmem>>, vector<16xf32>,
            %parallel_loop3A_857 = arith.addf %parallel_loop3A_829, %parallel_loop3A_856 : vector<16xf32>
            %parallel_loop3A_858 = arith.index_cast %parallel_loop3A_825 : i32 to index
            %parallel_loop3A_859 = arith.constant 576 : index
            %parallel_loop3A_860 = tpu.vector_load %arg9[%parallel_loop3A_858, %parallel_loop3A_859] {strides = array<i32>} : memref<64x768xf32, #tpu.memory_space<vmem>>, vector<16xf32>,
            %parallel_loop3A_861 = arith.addf %parallel_loop3A_830, %parallel_loop3A_860 : vector<16xf32>
            %parallel_loop3A_862 = arith.index_cast %parallel_loop3A_825 : i32 to index
            %parallel_loop3A_863 = arith.constant 592 : index
            %parallel_loop3A_864 = tpu.vector_load %arg9[%parallel_loop3A_862, %parallel_loop3A_863] {strides = array<i32>} : memref<64x768xf32, #tpu.memory_space<vmem>>, vector<16xf32>,
            %parallel_loop3A_865 = arith.addf %parallel_loop3A_831, %parallel_loop3A_864 : vector<16xf32>
            %parallel_loop3A_866 = arith.index_cast %parallel_loop3A_825 : i32 to index
            %parallel_loop3A_867 = arith.constant 608 : index
            %parallel_loop3A_868 = tpu.vector_load %arg9[%parallel_loop3A_866, %parallel_loop3A_867] {strides = array<i32>} : memref<64x768xf32, #tpu.memory_space<vmem>>, vector<16xf32>,
            %parallel_loop3A_869 = arith.addf %parallel_loop3A_832, %parallel_loop3A_868 : vector<16xf32>
            %parallel_loop3A_870 = arith.index_cast %parallel_loop3A_825 : i32 to index
            %parallel_loop3A_871 = arith.constant 624 : index
            %parallel_loop3A_872 = tpu.vector_load %arg9[%parallel_loop3A_870, %parallel_loop3A_871] {strides = array<i32>} : memref<64x768xf32, #tpu.memory_space<vmem>>, vector<16xf32>,
            %parallel_loop3A_873 = arith.addf %parallel_loop3A_833, %parallel_loop3A_872 : vector<16xf32>
            %parallel_loop3A_874 = arith.index_cast %parallel_loop3A_825 : i32 to index
            %parallel_loop3A_875 = arith.constant 640 : index
            %parallel_loop3A_876 = tpu.vector_load %arg9[%parallel_loop3A_874, %parallel_loop3A_875] {strides = array<i32>} : memref<64x768xf32, #tpu.memory_space<vmem>>, vector<16xf32>,
            %parallel_loop3A_877 = arith.addf %parallel_loop3A_834, %parallel_loop3A_876 : vector<16xf32>
            %parallel_loop3A_878 = arith.index_cast %parallel_loop3A_825 : i32 to index
            %parallel_loop3A_879 = arith.constant 656 : index
            %parallel_loop3A_880 = tpu.vector_load %arg9[%parallel_loop3A_878, %parallel_loop3A_879] {strides = array<i32>} : memref<64x768xf32, #tpu.memory_space<vmem>>, vector<16xf32>,
            %parallel_loop3A_881 = arith.addf %parallel_loop3A_835, %parallel_loop3A_880 : vector<16xf32>
            %parallel_loop3A_882 = arith.index_cast %parallel_loop3A_825 : i32 to index
            %parallel_loop3A_883 = arith.constant 672 : index
            %parallel_loop3A_884 = tpu.vector_load %arg9[%parallel_loop3A_882, %parallel_loop3A_883] {strides = array<i32>} : memref<64x768xf32, #tpu.memory_space<vmem>>, vector<16xf32>,
            %parallel_loop3A_885 = arith.addf %parallel_loop3A_836, %parallel_loop3A_884 : vector<16xf32>
            %parallel_loop3A_886 = arith.index_cast %parallel_loop3A_825 : i32 to index
            %parallel_loop3A_887 = arith.constant 688 : index
            %parallel_loop3A_888 = tpu.vector_load %arg9[%parallel_loop3A_886, %parallel_loop3A_887] {strides = array<i32>} : memref<64x768xf32, #tpu.memory_space<vmem>>, vector<16xf32>,
            %parallel_loop3A_889 = arith.addf %parallel_loop3A_837, %parallel_loop3A_888 : vector<16xf32>
            %parallel_loop3A_890 = arith.index_cast %parallel_loop3A_825 : i32 to index
            %parallel_loop3A_891 = arith.constant 704 : index
            %parallel_loop3A_892 = tpu.vector_load %arg9[%parallel_loop3A_890, %parallel_loop3A_891] {strides = array<i32>} : memref<64x768xf32, #tpu.memory_space<vmem>>, vector<16xf32>,
            %parallel_loop3A_893 = arith.addf %parallel_loop3A_838, %parallel_loop3A_892 : vector<16xf32>
            %parallel_loop3A_894 = arith.index_cast %parallel_loop3A_825 : i32 to index
            %parallel_loop3A_895 = arith.constant 720 : index
            %parallel_loop3A_896 = tpu.vector_load %arg9[%parallel_loop3A_894, %parallel_loop3A_895] {strides = array<i32>} : memref<64x768xf32, #tpu.memory_space<vmem>>, vector<16xf32>,
            %parallel_loop3A_897 = arith.addf %parallel_loop3A_839, %parallel_loop3A_896 : vector<16xf32>
            %parallel_loop3A_898 = arith.index_cast %parallel_loop3A_825 : i32 to index
            %parallel_loop3A_899 = arith.constant 736 : index
            %parallel_loop3A_900 = tpu.vector_load %arg9[%parallel_loop3A_898, %parallel_loop3A_899] {strides = array<i32>} : memref<64x768xf32, #tpu.memory_space<vmem>>, vector<16xf32>,
            %parallel_loop3A_901 = arith.addf %parallel_loop3A_840, %parallel_loop3A_900 : vector<16xf32>
            %parallel_loop3A_902 = arith.index_cast %parallel_loop3A_825 : i32 to index
            %parallel_loop3A_903 = arith.constant 752 : index
            %parallel_loop3A_904 = tpu.vector_load %arg9[%parallel_loop3A_902, %parallel_loop3A_903] {strides = array<i32>} : memref<64x768xf32, #tpu.memory_space<vmem>>, vector<16xf32>,
            %parallel_loop3A_905 = arith.addf %parallel_loop3A_841, %parallel_loop3A_904 : vector<16xf32>
            scf.yield %parallel_loop3A_845, %parallel_loop3A_849, %parallel_loop3A_853, %parallel_loop3A_857, %parallel_loop3A_861, %parallel_loop3A_865, %parallel_loop3A_869, %parallel_loop3A_873, %parallel_loop3A_877, %parallel_loop3A_881, %parallel_loop3A_885, %parallel_loop3A_889, %parallel_loop3A_893, %parallel_loop3A_897, %parallel_loop3A_901, %parallel_loop3A_905 : vector<16xf32>, vector<16xf32>, vector<16xf32>, vector<16xf32>, vector<16xf32>, vector<16xf32>, vector<16xf32>, vector<16xf32>, vector<16xf32>, vector<16xf32>, vector<16xf32>, vector<16xf32>, vector<16xf32>, vector<16xf32>, vector<16xf32>, vector<16xf32>
          } {sc.loop_unroll_factor = 4 : i64, sc.parallel_access}
          %get3A_713 = arith.index_cast %scan3A_371 : i32 to index
          %get3A_714 = arith.constant 512 : index
          %get3A_715 = tpu.vector_load %arg11[%get3A_713, %get3A_714] {strides = array<i32>} : memref<16x768xf32, #tpu.memory_space<vmem>>, vector<16xf32>,
          %add3A_716 = arith.addf %get3A_715, %parallel_loop3A_712#0 : vector<16xf32>
          %swap3A_717 = arith.index_cast %scan3A_371 : i32 to index
          %swap3A_718 = arith.constant 512 : index
          %swap3A_719 = tpu.vector_load %arg11[%swap3A_717, %swap3A_718] {strides = array<i32>} : memref<16x768xf32, #tpu.memory_space<vmem>>, vector<16xf32>,
          tpu.vector_store %arg11[%swap3A_717, %swap3A_718], %add3A_716 {strides = array<i32>} : memref<16x768xf32, #tpu.memory_space<vmem>>, vector<16xf32>,
          %get3A_720 = arith.index_cast %scan3A_371 : i32 to index
          %get3A_721 = arith.constant 528 : index
          %get3A_722 = tpu.vector_load %arg11[%get3A_720, %get3A_721] {strides = array<i32>} : memref<16x768xf32, #tpu.memory_space<vmem>>, vector<16xf32>,
          %add3A_723 = arith.addf %get3A_722, %parallel_loop3A_712#1 : vector<16xf32>
          %swap3A_724 = arith.index_cast %scan3A_371 : i32 to index
          %swap3A_725 = arith.constant 528 : index
          %swap3A_726 = tpu.vector_load %arg11[%swap3A_724, %swap3A_725] {strides = array<i32>} : memref<16x768xf32, #tpu.memory_space<vmem>>, vector<16xf32>,
          tpu.vector_store %arg11[%swap3A_724, %swap3A_725], %add3A_723 {strides = array<i32>} : memref<16x768xf32, #tpu.memory_space<vmem>>, vector<16xf32>,
          %get3A_727 = arith.index_cast %scan3A_371 : i32 to index
          %get3A_728 = arith.constant 544 : index
          %get3A_729 = tpu.vector_load %arg11[%get3A_727, %get3A_728] {strides = array<i32>} : memref<16x768xf32, #tpu.memory_space<vmem>>, vector<16xf32>,
          %add3A_730 = arith.addf %get3A_729, %parallel_loop3A_712#2 : vector<16xf32>
          %swap3A_731 = arith.index_cast %scan3A_371 : i32 to index
          %swap3A_732 = arith.constant 544 : index
          %swap3A_733 = tpu.vector_load %arg11[%swap3A_731, %swap3A_732] {strides = array<i32>} : memref<16x768xf32, #tpu.memory_space<vmem>>, vector<16xf32>,
          tpu.vector_store %arg11[%swap3A_731, %swap3A_732], %add3A_730 {strides = array<i32>} : memref<16x768xf32, #tpu.memory_space<vmem>>, vector<16xf32>,
          %get3A_734 = arith.index_cast %scan3A_371 : i32 to index
          %get3A_735 = arith.constant 560 : index
          %get3A_736 = tpu.vector_load %arg11[%get3A_734, %get3A_735] {strides = array<i32>} : memref<16x768xf32, #tpu.memory_space<vmem>>, vector<16xf32>,
          %add3A_737 = arith.addf %get3A_736, %parallel_loop3A_712#3 : vector<16xf32>
          %swap3A_738 = arith.index_cast %scan3A_371 : i32 to index
          %swap3A_739 = arith.constant 560 : index
          %swap3A_740 = tpu.vector_load %arg11[%swap3A_738, %swap3A_739] {strides = array<i32>} : memref<16x768xf32, #tpu.memory_space<vmem>>, vector<16xf32>,
          tpu.vector_store %arg11[%swap3A_738, %swap3A_739], %add3A_737 {strides = array<i32>} : memref<16x768xf32, #tpu.memory_space<vmem>>, vector<16xf32>,
          %get3A_741 = arith.index_cast %scan3A_371 : i32 to index
          %get3A_742 = arith.constant 576 : index
          %get3A_743 = tpu.vector_load %arg11[%get3A_741, %get3A_742] {strides = array<i32>} : memref<16x768xf32, #tpu.memory_space<vmem>>, vector<16xf32>,
          %add3A_744 = arith.addf %get3A_743, %parallel_loop3A_712#4 : vector<16xf32>
          %swap3A_745 = arith.index_cast %scan3A_371 : i32 to index
          %swap3A_746 = arith.constant 576 : index
          %swap3A_747 = tpu.vector_load %arg11[%swap3A_745, %swap3A_746] {strides = array<i32>} : memref<16x768xf32, #tpu.memory_space<vmem>>, vector<16xf32>,
          tpu.vector_store %arg11[%swap3A_745, %swap3A_746], %add3A_744 {strides = array<i32>} : memref<16x768xf32, #tpu.memory_space<vmem>>, vector<16xf32>,
          %get3A_748 = arith.index_cast %scan3A_371 : i32 to index
          %get3A_749 = arith.constant 592 : index
          %get3A_750 = tpu.vector_load %arg11[%get3A_748, %get3A_749] {strides = array<i32>} : memref<16x768xf32, #tpu.memory_space<vmem>>, vector<16xf32>,
          %add3A_751 = arith.addf %get3A_750, %parallel_loop3A_712#5 : vector<16xf32>
          %swap3A_752 = arith.index_cast %scan3A_371 : i32 to index
          %swap3A_753 = arith.constant 592 : index
          %swap3A_754 = tpu.vector_load %arg11[%swap3A_752, %swap3A_753] {strides = array<i32>} : memref<16x768xf32, #tpu.memory_space<vmem>>, vector<16xf32>,
          tpu.vector_store %arg11[%swap3A_752, %swap3A_753], %add3A_751 {strides = array<i32>} : memref<16x768xf32, #tpu.memory_space<vmem>>, vector<16xf32>,
          %get3A_755 = arith.index_cast %scan3A_371 : i32 to index
          %get3A_756 = arith.constant 608 : index
          %get3A_757 = tpu.vector_load %arg11[%get3A_755, %get3A_756] {strides = array<i32>} : memref<16x768xf32, #tpu.memory_space<vmem>>, vector<16xf32>,
          %add3A_758 = arith.addf %get3A_757, %parallel_loop3A_712#6 : vector<16xf32>
          %swap3A_759 = arith.index_cast %scan3A_371 : i32 to index
          %swap3A_760 = arith.constant 608 : index
          %swap3A_761 = tpu.vector_load %arg11[%swap3A_759, %swap3A_760] {strides = array<i32>} : memref<16x768xf32, #tpu.memory_space<vmem>>, vector<16xf32>,
          tpu.vector_store %arg11[%swap3A_759, %swap3A_760], %add3A_758 {strides = array<i32>} : memref<16x768xf32, #tpu.memory_space<vmem>>, vector<16xf32>,
          %get3A_762 = arith.index_cast %scan3A_371 : i32 to index
          %get3A_763 = arith.constant 624 : index
          %get3A_764 = tpu.vector_load %arg11[%get3A_762, %get3A_763] {strides = array<i32>} : memref<16x768xf32, #tpu.memory_space<vmem>>, vector<16xf32>,
          %add3A_765 = arith.addf %get3A_764, %parallel_loop3A_712#7 : vector<16xf32>
          %swap3A_766 = arith.index_cast %scan3A_371 : i32 to index
          %swap3A_767 = arith.constant 624 : index
          %swap3A_768 = tpu.vector_load %arg11[%swap3A_766, %swap3A_767] {strides = array<i32>} : memref<16x768xf32, #tpu.memory_space<vmem>>, vector<16xf32>,
          tpu.vector_store %arg11[%swap3A_766, %swap3A_767], %add3A_765 {strides = array<i32>} : memref<16x768xf32, #tpu.memory_space<vmem>>, vector<16xf32>,
          %get3A_769 = arith.index_cast %scan3A_371 : i32 to index
          %get3A_770 = arith.constant 640 : index
          %get3A_771 = tpu.vector_load %arg11[%get3A_769, %get3A_770] {strides = array<i32>} : memref<16x768xf32, #tpu.memory_space<vmem>>, vector<16xf32>,
          %add3A_772 = arith.addf %get3A_771, %parallel_loop3A_712#8 : vector<16xf32>
          %swap3A_773 = arith.index_cast %scan3A_371 : i32 to index
          %swap3A_774 = arith.constant 640 : index
          %swap3A_775 = tpu.vector_load %arg11[%swap3A_773, %swap3A_774] {strides = array<i32>} : memref<16x768xf32, #tpu.memory_space<vmem>>, vector<16xf32>,
          tpu.vector_store %arg11[%swap3A_773, %swap3A_774], %add3A_772 {strides = array<i32>} : memref<16x768xf32, #tpu.memory_space<vmem>>, vector<16xf32>,
          %get3A_776 = arith.index_cast %scan3A_371 : i32 to index
          %get3A_777 = arith.constant 656 : index
          %get3A_778 = tpu.vector_load %arg11[%get3A_776, %get3A_777] {strides = array<i32>} : memref<16x768xf32, #tpu.memory_space<vmem>>, vector<16xf32>,
          %add3A_779 = arith.addf %get3A_778, %parallel_loop3A_712#9 : vector<16xf32>
          %swap3A_780 = arith.index_cast %scan3A_371 : i32 to index
          %swap3A_781 = arith.constant 656 : index
          %swap3A_782 = tpu.vector_load %arg11[%swap3A_780, %swap3A_781] {strides = array<i32>} : memref<16x768xf32, #tpu.memory_space<vmem>>, vector<16xf32>,
          tpu.vector_store %arg11[%swap3A_780, %swap3A_781], %add3A_779 {strides = array<i32>} : memref<16x768xf32, #tpu.memory_space<vmem>>, vector<16xf32>,
          %get3A_783 = arith.index_cast %scan3A_371 : i32 to index
          %get3A_784 = arith.constant 672 : index
          %get3A_785 = tpu.vector_load %arg11[%get3A_783, %get3A_784] {strides = array<i32>} : memref<16x768xf32, #tpu.memory_space<vmem>>, vector<16xf32>,
          %add3A_786 = arith.addf %get3A_785, %parallel_loop3A_712#10 : vector<16xf32>
          %swap3A_787 = arith.index_cast %scan3A_371 : i32 to index
          %swap3A_788 = arith.constant 672 : index
          %swap3A_789 = tpu.vector_load %arg11[%swap3A_787, %swap3A_788] {strides = array<i32>} : memref<16x768xf32, #tpu.memory_space<vmem>>, vector<16xf32>,
          tpu.vector_store %arg11[%swap3A_787, %swap3A_788], %add3A_786 {strides = array<i32>} : memref<16x768xf32, #tpu.memory_space<vmem>>, vector<16xf32>,
          %get3A_790 = arith.index_cast %scan3A_371 : i32 to index
          %get3A_791 = arith.constant 688 : index
          %get3A_792 = tpu.vector_load %arg11[%get3A_790, %get3A_791] {strides = array<i32>} : memref<16x768xf32, #tpu.memory_space<vmem>>, vector<16xf32>,
          %add3A_793 = arith.addf %get3A_792, %parallel_loop3A_712#11 : vector<16xf32>
          %swap3A_794 = arith.index_cast %scan3A_371 : i32 to index
          %swap3A_795 = arith.constant 688 : index
          %swap3A_796 = tpu.vector_load %arg11[%swap3A_794, %swap3A_795] {strides = array<i32>} : memref<16x768xf32, #tpu.memory_space<vmem>>, vector<16xf32>,
          tpu.vector_store %arg11[%swap3A_794, %swap3A_795], %add3A_793 {strides = array<i32>} : memref<16x768xf32, #tpu.memory_space<vmem>>, vector<16xf32>,
          %get3A_797 = arith.index_cast %scan3A_371 : i32 to index
          %get3A_798 = arith.constant 704 : index
          %get3A_799 = tpu.vector_load %arg11[%get3A_797, %get3A_798] {strides = array<i32>} : memref<16x768xf32, #tpu.memory_space<vmem>>, vector<16xf32>,
          %add3A_800 = arith.addf %get3A_799, %parallel_loop3A_712#12 : vector<16xf32>
          %swap3A_801 = arith.index_cast %scan3A_371 : i32 to index
          %swap3A_802 = arith.constant 704 : index
          %swap3A_803 = tpu.vector_load %arg11[%swap3A_801, %swap3A_802] {strides = array<i32>} : memref<16x768xf32, #tpu.memory_space<vmem>>, vector<16xf32>,
          tpu.vector_store %arg11[%swap3A_801, %swap3A_802], %add3A_800 {strides = array<i32>} : memref<16x768xf32, #tpu.memory_space<vmem>>, vector<16xf32>,
          %get3A_804 = arith.index_cast %scan3A_371 : i32 to index
          %get3A_805 = arith.constant 720 : index
          %get3A_806 = tpu.vector_load %arg11[%get3A_804, %get3A_805] {strides = array<i32>} : memref<16x768xf32, #tpu.memory_space<vmem>>, vector<16xf32>,
          %add3A_807 = arith.addf %get3A_806, %parallel_loop3A_712#13 : vector<16xf32>
          %swap3A_808 = arith.index_cast %scan3A_371 : i32 to index
          %swap3A_809 = arith.constant 720 : index
          %swap3A_810 = tpu.vector_load %arg11[%swap3A_808, %swap3A_809] {strides = array<i32>} : memref<16x768xf32, #tpu.memory_space<vmem>>, vector<16xf32>,
          tpu.vector_store %arg11[%swap3A_808, %swap3A_809], %add3A_807 {strides = array<i32>} : memref<16x768xf32, #tpu.memory_space<vmem>>, vector<16xf32>,
          %get3A_811 = arith.index_cast %scan3A_371 : i32 to index
          %get3A_812 = arith.constant 736 : index
          %get3A_813 = tpu.vector_load %arg11[%get3A_811, %get3A_812] {strides = array<i32>} : memref<16x768xf32, #tpu.memory_space<vmem>>, vector<16xf32>,
          %add3A_814 = arith.addf %get3A_813, %parallel_loop3A_712#14 : vector<16xf32>
          %swap3A_815 = arith.index_cast %scan3A_371 : i32 to index
          %swap3A_816 = arith.constant 736 : index
          %swap3A_817 = tpu.vector_load %arg11[%swap3A_815, %swap3A_816] {strides = array<i32>} : memref<16x768xf32, #tpu.memory_space<vmem>>, vector<16xf32>,
          tpu.vector_store %arg11[%swap3A_815, %swap3A_816], %add3A_814 {strides = array<i32>} : memref<16x768xf32, #tpu.memory_space<vmem>>, vector<16xf32>,
          %get3A_818 = arith.index_cast %scan3A_371 : i32 to index
          %get3A_819 = arith.constant 752 : index
          %get3A_820 = tpu.vector_load %arg11[%get3A_818, %get3A_819] {strides = array<i32>} : memref<16x768xf32, #tpu.memory_space<vmem>>, vector<16xf32>,
          %add3A_821 = arith.addf %get3A_820, %parallel_loop3A_712#15 : vector<16xf32>
          %swap3A_822 = arith.index_cast %scan3A_371 : i32 to index
          %swap3A_823 = arith.constant 752 : index
          %swap3A_824 = tpu.vector_load %arg11[%swap3A_822, %swap3A_823] {strides = array<i32>} : memref<16x768xf32, #tpu.memory_space<vmem>>, vector<16xf32>,
          tpu.vector_store %arg11[%swap3A_822, %swap3A_823], %add3A_821 {strides = array<i32>} : memref<16x768xf32, #tpu.memory_space<vmem>>, vector<16xf32>,
        } else {
        }
      }
      %scan3A_343 = arith.constant 16 : i32
      %add3A_344 = arith.constant 2 : i32
      %add3A_345 = arith.addi %mul3A_329, %add3A_344 : i32
      %lt3A = arith.constant 4 : i32
      %lt3A_346 = arith.cmpi slt, %add3A_345, %lt3A : i32
      %convert_element_type3A_347 = arith.extui %lt3A_346 : i1 to i32
      %cond3A_348 = arith.constant 0 : i32
      %cond3A_349 = arith.cmpi ne, %convert_element_type3A_347, %cond3A_348 : i32
      scf.if %cond3A_349 {
        %add3A_371 = arith.constant 128 : i32
        %add3A_372 = arith.addi %add3A_332, %add3A_371 : i32
        %dma_start3A_373 = arith.constant 0 : i32
        %dma_start3A_374 = tpu.memref_slice %arg2[%add3A_372, %dma_start3A_373] : memref<32768x768xf32, #tpu.memory_space<hbm>> -> memref<64x768xf32, #tpu.memory_space<hbm>>
        %dma_start3A_375 = arith.constant 0 : i32
        %dma_start3A_376 = tpu.memref_slice %arg2[%add3A_372, %dma_start3A_375] : memref<32768x768xf32, #tpu.memory_space<hbm>> -> memref<64x768xf32, #tpu.memory_space<hbm>>
        tpu.enqueue_dma source(%dma_start3A_376 : memref<64x768xf32, #tpu.memory_space<hbm>>) target(%arg9 : memref<64x768xf32, #tpu.memory_space<vmem>>) target_semaphore(%arg13 : memref<!tpu.dma_semaphore, #tpu.memory_space<semaphore_mem>>)
      } else {
      }
      %add3A_350 = arith.constant 64 : i32
      %add3A_351 = arith.addi %add3A_332, %add3A_350 : i32
      %dma_wait3A_352 = arith.constant 0 : i32
      %dma_wait3A_353 = arith.constant 0 : i32
      %dma_wait3A_354 = tpu.memref_slice %arg2[%dma_wait3A_352, %dma_wait3A_353] : memref<32768x768xf32, #tpu.memory_space<hbm>> -> memref<64x768xf32, #tpu.memory_space<hbm>>
      %dma_wait3A_355 = arith.constant 0 : i32
      %dma_wait3A_356 = arith.constant 0 : i32
      %dma_wait3A_357 = tpu.memref_slice %arg2[%dma_wait3A_355, %dma_wait3A_356] : memref<32768x768xf32, #tpu.memory_space<hbm>> -> memref<64x768xf32, #tpu.memory_space<hbm>>
      tpu.wait_dma2 semaphore(%arg14 : memref<!tpu.dma_semaphore, #tpu.memory_space<semaphore_mem>>) src(%dma_wait3A_357 : memref<64x768xf32, #tpu.memory_space<hbm>>) dst(%arg10 : memref<64x768xf32, #tpu.memory_space<vmem>>)
      %scan3A_358 = arith.constant 0 : i32
      %scan3A_359 = arith.constant 0 : i32
      %scan3A_360 = arith.constant 16 : i32
      %scan3A_361 = arith.addi %scan3A_359, %scan3A_360 : i32
      %scan3A_362 = arith.constant 1 : i32
      scf.for %scan3A_371 = %scan3A_359 to %scan3A_361 step %scan3A_362  : i32 {
        %get3A_372 = arith.index_cast %scan3A_371 : i32 to index
        %get3A_373 = memref.load %arg12[%get3A_372] : memref<17xi32, #tpu.memory_space<smem>>
        %add3A_374 = arith.constant 1 : i32
        %add3A_375 = arith.addi %scan3A_371, %add3A_374 : i32
        %get3A_376 = arith.index_cast %add3A_375 : i32 to index
        %get3A_377 = memref.load %arg12[%get3A_376] : memref<17xi32, #tpu.memory_space<smem>>
        %max3A = arith.maxsi %get3A_373, %add3A_351 : i32
        %add3A_378 = arith.constant 64 : i32
        %add3A_379 = arith.addi %add3A_351, %add3A_378 : i32
        %min3A = arith.minsi %max3A, %add3A_379 : i32
        %sub3A = arith.subi %min3A, %add3A_351 : i32
        %max3A_380 = arith.maxsi %get3A_377, %add3A_351 : i32
        %add3A_381 = arith.constant 64 : i32
        %add3A_382 = arith.addi %add3A_351, %add3A_381 : i32
        %min3A_383 = arith.minsi %max3A_380, %add3A_382 : i32
        %sub3A_384 = arith.subi %min3A_383, %add3A_351 : i32
        %gt3A = arith.cmpi sgt, %sub3A_384, %sub3A : i32
        %convert_element_type3A_385 = arith.extui %gt3A : i1 to i32
        %cond3A_386 = arith.constant 0 : i32
        %cond3A_387 = arith.cmpi ne, %convert_element_type3A_385, %cond3A_386 : i32
        scf.if %cond3A_387 {
          %broadcast_in_dim3A_388 = arith.constant 0.000000e+00 : f32
          %broadcast_in_dim3A_389 = vector.broadcast %broadcast_in_dim3A_388 : f32 to vector<16xf32>
          %broadcast_in_dim3A_390 = arith.constant 0.000000e+00 : f32
          %broadcast_in_dim3A_391 = vector.broadcast %broadcast_in_dim3A_390 : f32 to vector<16xf32>
          %broadcast_in_dim3A_392 = arith.constant 0.000000e+00 : f32
          %broadcast_in_dim3A_393 = vector.broadcast %broadcast_in_dim3A_392 : f32 to vector<16xf32>
          %broadcast_in_dim3A_394 = arith.constant 0.000000e+00 : f32
          %broadcast_in_dim3A_395 = vector.broadcast %broadcast_in_dim3A_394 : f32 to vector<16xf32>
          %broadcast_in_dim3A_396 = arith.constant 0.000000e+00 : f32
          %broadcast_in_dim3A_397 = vector.broadcast %broadcast_in_dim3A_396 : f32 to vector<16xf32>
          %broadcast_in_dim3A_398 = arith.constant 0.000000e+00 : f32
          %broadcast_in_dim3A_399 = vector.broadcast %broadcast_in_dim3A_398 : f32 to vector<16xf32>
          %broadcast_in_dim3A_400 = arith.constant 0.000000e+00 : f32
          %broadcast_in_dim3A_401 = vector.broadcast %broadcast_in_dim3A_400 : f32 to vector<16xf32>
          %broadcast_in_dim3A_402 = arith.constant 0.000000e+00 : f32
          %broadcast_in_dim3A_403 = vector.broadcast %broadcast_in_dim3A_402 : f32 to vector<16xf32>
          %broadcast_in_dim3A_404 = arith.constant 0.000000e+00 : f32
          %broadcast_in_dim3A_405 = vector.broadcast %broadcast_in_dim3A_404 : f32 to vector<16xf32>
          %broadcast_in_dim3A_406 = arith.constant 0.000000e+00 : f32
          %broadcast_in_dim3A_407 = vector.broadcast %broadcast_in_dim3A_406 : f32 to vector<16xf32>
          %broadcast_in_dim3A_408 = arith.constant 0.000000e+00 : f32
          %broadcast_in_dim3A_409 = vector.broadcast %broadcast_in_dim3A_408 : f32 to vector<16xf32>
          %broadcast_in_dim3A_410 = arith.constant 0.000000e+00 : f32
          %broadcast_in_dim3A_411 = vector.broadcast %broadcast_in_dim3A_410 : f32 to vector<16xf32>
          %broadcast_in_dim3A_412 = arith.constant 0.000000e+00 : f32
          %broadcast_in_dim3A_413 = vector.broadcast %broadcast_in_dim3A_412 : f32 to vector<16xf32>
          %broadcast_in_dim3A_414 = arith.constant 0.000000e+00 : f32
          %broadcast_in_dim3A_415 = vector.broadcast %broadcast_in_dim3A_414 : f32 to vector<16xf32>
          %broadcast_in_dim3A_416 = arith.constant 0.000000e+00 : f32
          %broadcast_in_dim3A_417 = vector.broadcast %broadcast_in_dim3A_416 : f32 to vector<16xf32>
          %broadcast_in_dim3A_418 = arith.constant 0.000000e+00 : f32
          %broadcast_in_dim3A_419 = vector.broadcast %broadcast_in_dim3A_418 : f32 to vector<16xf32>
          %parallel_loop3A = arith.constant 1 : i32
          %parallel_loop3A_420:16 = scf.for %parallel_loop3A_825 = %sub3A to %sub3A_384 step %parallel_loop3A iter_args(%parallel_loop3A_826 = %broadcast_in_dim3A_389, %parallel_loop3A_827 = %broadcast_in_dim3A_391, %parallel_loop3A_828 = %broadcast_in_dim3A_393, %parallel_loop3A_829 = %broadcast_in_dim3A_395, %parallel_loop3A_830 = %broadcast_in_dim3A_397, %parallel_loop3A_831 = %broadcast_in_dim3A_399, %parallel_loop3A_832 = %broadcast_in_dim3A_401, %parallel_loop3A_833 = %broadcast_in_dim3A_403, %parallel_loop3A_834 = %broadcast_in_dim3A_405, %parallel_loop3A_835 = %broadcast_in_dim3A_407, %parallel_loop3A_836 = %broadcast_in_dim3A_409, %parallel_loop3A_837 = %broadcast_in_dim3A_411, %parallel_loop3A_838 = %broadcast_in_dim3A_413, %parallel_loop3A_839 = %broadcast_in_dim3A_415, %parallel_loop3A_840 = %broadcast_in_dim3A_417, %parallel_loop3A_841 = %broadcast_in_dim3A_419) -> (vector<16xf32>, vector<16xf32>, vector<16xf32>, vector<16xf32>, vector<16xf32>, vector<16xf32>, vector<16xf32>, vector<16xf32>, vector<16xf32>, vector<16xf32>, vector<16xf32>, vector<16xf32>, vector<16xf32>, vector<16xf32>, vector<16xf32>, vector<16xf32>)  : i32 {
            %parallel_loop3A_842 = arith.index_cast %parallel_loop3A_825 : i32 to index
            %parallel_loop3A_843 = arith.constant 0 : index
            %parallel_loop3A_844 = tpu.vector_load %arg10[%parallel_loop3A_842, %parallel_loop3A_843] {strides = array<i32>} : memref<64x768xf32, #tpu.memory_space<vmem>>, vector<16xf32>,
            %parallel_loop3A_845 = arith.addf %parallel_loop3A_826, %parallel_loop3A_844 : vector<16xf32>
            %parallel_loop3A_846 = arith.index_cast %parallel_loop3A_825 : i32 to index
            %parallel_loop3A_847 = arith.constant 16 : index
            %parallel_loop3A_848 = tpu.vector_load %arg10[%parallel_loop3A_846, %parallel_loop3A_847] {strides = array<i32>} : memref<64x768xf32, #tpu.memory_space<vmem>>, vector<16xf32>,
            %parallel_loop3A_849 = arith.addf %parallel_loop3A_827, %parallel_loop3A_848 : vector<16xf32>
            %parallel_loop3A_850 = arith.index_cast %parallel_loop3A_825 : i32 to index
            %parallel_loop3A_851 = arith.constant 32 : index
            %parallel_loop3A_852 = tpu.vector_load %arg10[%parallel_loop3A_850, %parallel_loop3A_851] {strides = array<i32>} : memref<64x768xf32, #tpu.memory_space<vmem>>, vector<16xf32>,
            %parallel_loop3A_853 = arith.addf %parallel_loop3A_828, %parallel_loop3A_852 : vector<16xf32>
            %parallel_loop3A_854 = arith.index_cast %parallel_loop3A_825 : i32 to index
            %parallel_loop3A_855 = arith.constant 48 : index
            %parallel_loop3A_856 = tpu.vector_load %arg10[%parallel_loop3A_854, %parallel_loop3A_855] {strides = array<i32>} : memref<64x768xf32, #tpu.memory_space<vmem>>, vector<16xf32>,
            %parallel_loop3A_857 = arith.addf %parallel_loop3A_829, %parallel_loop3A_856 : vector<16xf32>
            %parallel_loop3A_858 = arith.index_cast %parallel_loop3A_825 : i32 to index
            %parallel_loop3A_859 = arith.constant 64 : index
            %parallel_loop3A_860 = tpu.vector_load %arg10[%parallel_loop3A_858, %parallel_loop3A_859] {strides = array<i32>} : memref<64x768xf32, #tpu.memory_space<vmem>>, vector<16xf32>,
            %parallel_loop3A_861 = arith.addf %parallel_loop3A_830, %parallel_loop3A_860 : vector<16xf32>
            %parallel_loop3A_862 = arith.index_cast %parallel_loop3A_825 : i32 to index
            %parallel_loop3A_863 = arith.constant 80 : index
            %parallel_loop3A_864 = tpu.vector_load %arg10[%parallel_loop3A_862, %parallel_loop3A_863] {strides = array<i32>} : memref<64x768xf32, #tpu.memory_space<vmem>>, vector<16xf32>,
            %parallel_loop3A_865 = arith.addf %parallel_loop3A_831, %parallel_loop3A_864 : vector<16xf32>
            %parallel_loop3A_866 = arith.index_cast %parallel_loop3A_825 : i32 to index
            %parallel_loop3A_867 = arith.constant 96 : index
            %parallel_loop3A_868 = tpu.vector_load %arg10[%parallel_loop3A_866, %parallel_loop3A_867] {strides = array<i32>} : memref<64x768xf32, #tpu.memory_space<vmem>>, vector<16xf32>,
            %parallel_loop3A_869 = arith.addf %parallel_loop3A_832, %parallel_loop3A_868 : vector<16xf32>
            %parallel_loop3A_870 = arith.index_cast %parallel_loop3A_825 : i32 to index
            %parallel_loop3A_871 = arith.constant 112 : index
            %parallel_loop3A_872 = tpu.vector_load %arg10[%parallel_loop3A_870, %parallel_loop3A_871] {strides = array<i32>} : memref<64x768xf32, #tpu.memory_space<vmem>>, vector<16xf32>,
            %parallel_loop3A_873 = arith.addf %parallel_loop3A_833, %parallel_loop3A_872 : vector<16xf32>
            %parallel_loop3A_874 = arith.index_cast %parallel_loop3A_825 : i32 to index
            %parallel_loop3A_875 = arith.constant 128 : index
            %parallel_loop3A_876 = tpu.vector_load %arg10[%parallel_loop3A_874, %parallel_loop3A_875] {strides = array<i32>} : memref<64x768xf32, #tpu.memory_space<vmem>>, vector<16xf32>,
            %parallel_loop3A_877 = arith.addf %parallel_loop3A_834, %parallel_loop3A_876 : vector<16xf32>
            %parallel_loop3A_878 = arith.index_cast %parallel_loop3A_825 : i32 to index
            %parallel_loop3A_879 = arith.constant 144 : index
            %parallel_loop3A_880 = tpu.vector_load %arg10[%parallel_loop3A_878, %parallel_loop3A_879] {strides = array<i32>} : memref<64x768xf32, #tpu.memory_space<vmem>>, vector<16xf32>,
            %parallel_loop3A_881 = arith.addf %parallel_loop3A_835, %parallel_loop3A_880 : vector<16xf32>
            %parallel_loop3A_882 = arith.index_cast %parallel_loop3A_825 : i32 to index
            %parallel_loop3A_883 = arith.constant 160 : index
            %parallel_loop3A_884 = tpu.vector_load %arg10[%parallel_loop3A_882, %parallel_loop3A_883] {strides = array<i32>} : memref<64x768xf32, #tpu.memory_space<vmem>>, vector<16xf32>,
            %parallel_loop3A_885 = arith.addf %parallel_loop3A_836, %parallel_loop3A_884 : vector<16xf32>
            %parallel_loop3A_886 = arith.index_cast %parallel_loop3A_825 : i32 to index
            %parallel_loop3A_887 = arith.constant 176 : index
            %parallel_loop3A_888 = tpu.vector_load %arg10[%parallel_loop3A_886, %parallel_loop3A_887] {strides = array<i32>} : memref<64x768xf32, #tpu.memory_space<vmem>>, vector<16xf32>,
            %parallel_loop3A_889 = arith.addf %parallel_loop3A_837, %parallel_loop3A_888 : vector<16xf32>
            %parallel_loop3A_890 = arith.index_cast %parallel_loop3A_825 : i32 to index
            %parallel_loop3A_891 = arith.constant 192 : index
            %parallel_loop3A_892 = tpu.vector_load %arg10[%parallel_loop3A_890, %parallel_loop3A_891] {strides = array<i32>} : memref<64x768xf32, #tpu.memory_space<vmem>>, vector<16xf32>,
            %parallel_loop3A_893 = arith.addf %parallel_loop3A_838, %parallel_loop3A_892 : vector<16xf32>
            %parallel_loop3A_894 = arith.index_cast %parallel_loop3A_825 : i32 to index
            %parallel_loop3A_895 = arith.constant 208 : index
            %parallel_loop3A_896 = tpu.vector_load %arg10[%parallel_loop3A_894, %parallel_loop3A_895] {strides = array<i32>} : memref<64x768xf32, #tpu.memory_space<vmem>>, vector<16xf32>,
            %parallel_loop3A_897 = arith.addf %parallel_loop3A_839, %parallel_loop3A_896 : vector<16xf32>
            %parallel_loop3A_898 = arith.index_cast %parallel_loop3A_825 : i32 to index
            %parallel_loop3A_899 = arith.constant 224 : index
            %parallel_loop3A_900 = tpu.vector_load %arg10[%parallel_loop3A_898, %parallel_loop3A_899] {strides = array<i32>} : memref<64x768xf32, #tpu.memory_space<vmem>>, vector<16xf32>,
            %parallel_loop3A_901 = arith.addf %parallel_loop3A_840, %parallel_loop3A_900 : vector<16xf32>
            %parallel_loop3A_902 = arith.index_cast %parallel_loop3A_825 : i32 to index
            %parallel_loop3A_903 = arith.constant 240 : index
            %parallel_loop3A_904 = tpu.vector_load %arg10[%parallel_loop3A_902, %parallel_loop3A_903] {strides = array<i32>} : memref<64x768xf32, #tpu.memory_space<vmem>>, vector<16xf32>,
            %parallel_loop3A_905 = arith.addf %parallel_loop3A_841, %parallel_loop3A_904 : vector<16xf32>
            scf.yield %parallel_loop3A_845, %parallel_loop3A_849, %parallel_loop3A_853, %parallel_loop3A_857, %parallel_loop3A_861, %parallel_loop3A_865, %parallel_loop3A_869, %parallel_loop3A_873, %parallel_loop3A_877, %parallel_loop3A_881, %parallel_loop3A_885, %parallel_loop3A_889, %parallel_loop3A_893, %parallel_loop3A_897, %parallel_loop3A_901, %parallel_loop3A_905 : vector<16xf32>, vector<16xf32>, vector<16xf32>, vector<16xf32>, vector<16xf32>, vector<16xf32>, vector<16xf32>, vector<16xf32>, vector<16xf32>, vector<16xf32>, vector<16xf32>, vector<16xf32>, vector<16xf32>, vector<16xf32>, vector<16xf32>, vector<16xf32>
          } {sc.loop_unroll_factor = 4 : i64, sc.parallel_access}
          %get3A_421 = arith.index_cast %scan3A_371 : i32 to index
          %get3A_422 = arith.constant 0 : index
          %get3A_423 = tpu.vector_load %arg11[%get3A_421, %get3A_422] {strides = array<i32>} : memref<16x768xf32, #tpu.memory_space<vmem>>, vector<16xf32>,
          %add3A_424 = arith.addf %get3A_423, %parallel_loop3A_420#0 : vector<16xf32>
          %swap3A_425 = arith.index_cast %scan3A_371 : i32 to index
          %swap3A_426 = arith.constant 0 : index
          %swap3A_427 = tpu.vector_load %arg11[%swap3A_425, %swap3A_426] {strides = array<i32>} : memref<16x768xf32, #tpu.memory_space<vmem>>, vector<16xf32>,
          tpu.vector_store %arg11[%swap3A_425, %swap3A_426], %add3A_424 {strides = array<i32>} : memref<16x768xf32, #tpu.memory_space<vmem>>, vector<16xf32>,
          %get3A_428 = arith.index_cast %scan3A_371 : i32 to index
          %get3A_429 = arith.constant 16 : index
          %get3A_430 = tpu.vector_load %arg11[%get3A_428, %get3A_429] {strides = array<i32>} : memref<16x768xf32, #tpu.memory_space<vmem>>, vector<16xf32>,
          %add3A_431 = arith.addf %get3A_430, %parallel_loop3A_420#1 : vector<16xf32>
          %swap3A_432 = arith.index_cast %scan3A_371 : i32 to index
          %swap3A_433 = arith.constant 16 : index
          %swap3A_434 = tpu.vector_load %arg11[%swap3A_432, %swap3A_433] {strides = array<i32>} : memref<16x768xf32, #tpu.memory_space<vmem>>, vector<16xf32>,
          tpu.vector_store %arg11[%swap3A_432, %swap3A_433], %add3A_431 {strides = array<i32>} : memref<16x768xf32, #tpu.memory_space<vmem>>, vector<16xf32>,
          %get3A_435 = arith.index_cast %scan3A_371 : i32 to index
          %get3A_436 = arith.constant 32 : index
          %get3A_437 = tpu.vector_load %arg11[%get3A_435, %get3A_436] {strides = array<i32>} : memref<16x768xf32, #tpu.memory_space<vmem>>, vector<16xf32>,
          %add3A_438 = arith.addf %get3A_437, %parallel_loop3A_420#2 : vector<16xf32>
          %swap3A_439 = arith.index_cast %scan3A_371 : i32 to index
          %swap3A_440 = arith.constant 32 : index
          %swap3A_441 = tpu.vector_load %arg11[%swap3A_439, %swap3A_440] {strides = array<i32>} : memref<16x768xf32, #tpu.memory_space<vmem>>, vector<16xf32>,
          tpu.vector_store %arg11[%swap3A_439, %swap3A_440], %add3A_438 {strides = array<i32>} : memref<16x768xf32, #tpu.memory_space<vmem>>, vector<16xf32>,
          %get3A_442 = arith.index_cast %scan3A_371 : i32 to index
          %get3A_443 = arith.constant 48 : index
          %get3A_444 = tpu.vector_load %arg11[%get3A_442, %get3A_443] {strides = array<i32>} : memref<16x768xf32, #tpu.memory_space<vmem>>, vector<16xf32>,
          %add3A_445 = arith.addf %get3A_444, %parallel_loop3A_420#3 : vector<16xf32>
          %swap3A_446 = arith.index_cast %scan3A_371 : i32 to index
          %swap3A_447 = arith.constant 48 : index
          %swap3A_448 = tpu.vector_load %arg11[%swap3A_446, %swap3A_447] {strides = array<i32>} : memref<16x768xf32, #tpu.memory_space<vmem>>, vector<16xf32>,
          tpu.vector_store %arg11[%swap3A_446, %swap3A_447], %add3A_445 {strides = array<i32>} : memref<16x768xf32, #tpu.memory_space<vmem>>, vector<16xf32>,
          %get3A_449 = arith.index_cast %scan3A_371 : i32 to index
          %get3A_450 = arith.constant 64 : index
          %get3A_451 = tpu.vector_load %arg11[%get3A_449, %get3A_450] {strides = array<i32>} : memref<16x768xf32, #tpu.memory_space<vmem>>, vector<16xf32>,
          %add3A_452 = arith.addf %get3A_451, %parallel_loop3A_420#4 : vector<16xf32>
          %swap3A_453 = arith.index_cast %scan3A_371 : i32 to index
          %swap3A_454 = arith.constant 64 : index
          %swap3A_455 = tpu.vector_load %arg11[%swap3A_453, %swap3A_454] {strides = array<i32>} : memref<16x768xf32, #tpu.memory_space<vmem>>, vector<16xf32>,
          tpu.vector_store %arg11[%swap3A_453, %swap3A_454], %add3A_452 {strides = array<i32>} : memref<16x768xf32, #tpu.memory_space<vmem>>, vector<16xf32>,
          %get3A_456 = arith.index_cast %scan3A_371 : i32 to index
          %get3A_457 = arith.constant 80 : index
          %get3A_458 = tpu.vector_load %arg11[%get3A_456, %get3A_457] {strides = array<i32>} : memref<16x768xf32, #tpu.memory_space<vmem>>, vector<16xf32>,
          %add3A_459 = arith.addf %get3A_458, %parallel_loop3A_420#5 : vector<16xf32>
          %swap3A_460 = arith.index_cast %scan3A_371 : i32 to index
          %swap3A_461 = arith.constant 80 : index
          %swap3A_462 = tpu.vector_load %arg11[%swap3A_460, %swap3A_461] {strides = array<i32>} : memref<16x768xf32, #tpu.memory_space<vmem>>, vector<16xf32>,
          tpu.vector_store %arg11[%swap3A_460, %swap3A_461], %add3A_459 {strides = array<i32>} : memref<16x768xf32, #tpu.memory_space<vmem>>, vector<16xf32>,
          %get3A_463 = arith.index_cast %scan3A_371 : i32 to index
          %get3A_464 = arith.constant 96 : index
          %get3A_465 = tpu.vector_load %arg11[%get3A_463, %get3A_464] {strides = array<i32>} : memref<16x768xf32, #tpu.memory_space<vmem>>, vector<16xf32>,
          %add3A_466 = arith.addf %get3A_465, %parallel_loop3A_420#6 : vector<16xf32>
          %swap3A_467 = arith.index_cast %scan3A_371 : i32 to index
          %swap3A_468 = arith.constant 96 : index
          %swap3A_469 = tpu.vector_load %arg11[%swap3A_467, %swap3A_468] {strides = array<i32>} : memref<16x768xf32, #tpu.memory_space<vmem>>, vector<16xf32>,
          tpu.vector_store %arg11[%swap3A_467, %swap3A_468], %add3A_466 {strides = array<i32>} : memref<16x768xf32, #tpu.memory_space<vmem>>, vector<16xf32>,
          %get3A_470 = arith.index_cast %scan3A_371 : i32 to index
          %get3A_471 = arith.constant 112 : index
          %get3A_472 = tpu.vector_load %arg11[%get3A_470, %get3A_471] {strides = array<i32>} : memref<16x768xf32, #tpu.memory_space<vmem>>, vector<16xf32>,
          %add3A_473 = arith.addf %get3A_472, %parallel_loop3A_420#7 : vector<16xf32>
          %swap3A_474 = arith.index_cast %scan3A_371 : i32 to index
          %swap3A_475 = arith.constant 112 : index
          %swap3A_476 = tpu.vector_load %arg11[%swap3A_474, %swap3A_475] {strides = array<i32>} : memref<16x768xf32, #tpu.memory_space<vmem>>, vector<16xf32>,
          tpu.vector_store %arg11[%swap3A_474, %swap3A_475], %add3A_473 {strides = array<i32>} : memref<16x768xf32, #tpu.memory_space<vmem>>, vector<16xf32>,
          %get3A_477 = arith.index_cast %scan3A_371 : i32 to index
          %get3A_478 = arith.constant 128 : index
          %get3A_479 = tpu.vector_load %arg11[%get3A_477, %get3A_478] {strides = array<i32>} : memref<16x768xf32, #tpu.memory_space<vmem>>, vector<16xf32>,
          %add3A_480 = arith.addf %get3A_479, %parallel_loop3A_420#8 : vector<16xf32>
          %swap3A_481 = arith.index_cast %scan3A_371 : i32 to index
          %swap3A_482 = arith.constant 128 : index
          %swap3A_483 = tpu.vector_load %arg11[%swap3A_481, %swap3A_482] {strides = array<i32>} : memref<16x768xf32, #tpu.memory_space<vmem>>, vector<16xf32>,
          tpu.vector_store %arg11[%swap3A_481, %swap3A_482], %add3A_480 {strides = array<i32>} : memref<16x768xf32, #tpu.memory_space<vmem>>, vector<16xf32>,
          %get3A_484 = arith.index_cast %scan3A_371 : i32 to index
          %get3A_485 = arith.constant 144 : index
          %get3A_486 = tpu.vector_load %arg11[%get3A_484, %get3A_485] {strides = array<i32>} : memref<16x768xf32, #tpu.memory_space<vmem>>, vector<16xf32>,
          %add3A_487 = arith.addf %get3A_486, %parallel_loop3A_420#9 : vector<16xf32>
          %swap3A_488 = arith.index_cast %scan3A_371 : i32 to index
          %swap3A_489 = arith.constant 144 : index
          %swap3A_490 = tpu.vector_load %arg11[%swap3A_488, %swap3A_489] {strides = array<i32>} : memref<16x768xf32, #tpu.memory_space<vmem>>, vector<16xf32>,
          tpu.vector_store %arg11[%swap3A_488, %swap3A_489], %add3A_487 {strides = array<i32>} : memref<16x768xf32, #tpu.memory_space<vmem>>, vector<16xf32>,
          %get3A_491 = arith.index_cast %scan3A_371 : i32 to index
          %get3A_492 = arith.constant 160 : index
          %get3A_493 = tpu.vector_load %arg11[%get3A_491, %get3A_492] {strides = array<i32>} : memref<16x768xf32, #tpu.memory_space<vmem>>, vector<16xf32>,
          %add3A_494 = arith.addf %get3A_493, %parallel_loop3A_420#10 : vector<16xf32>
          %swap3A_495 = arith.index_cast %scan3A_371 : i32 to index
          %swap3A_496 = arith.constant 160 : index
          %swap3A_497 = tpu.vector_load %arg11[%swap3A_495, %swap3A_496] {strides = array<i32>} : memref<16x768xf32, #tpu.memory_space<vmem>>, vector<16xf32>,
          tpu.vector_store %arg11[%swap3A_495, %swap3A_496], %add3A_494 {strides = array<i32>} : memref<16x768xf32, #tpu.memory_space<vmem>>, vector<16xf32>,
          %get3A_498 = arith.index_cast %scan3A_371 : i32 to index
          %get3A_499 = arith.constant 176 : index
          %get3A_500 = tpu.vector_load %arg11[%get3A_498, %get3A_499] {strides = array<i32>} : memref<16x768xf32, #tpu.memory_space<vmem>>, vector<16xf32>,
          %add3A_501 = arith.addf %get3A_500, %parallel_loop3A_420#11 : vector<16xf32>
          %swap3A_502 = arith.index_cast %scan3A_371 : i32 to index
          %swap3A_503 = arith.constant 176 : index
          %swap3A_504 = tpu.vector_load %arg11[%swap3A_502, %swap3A_503] {strides = array<i32>} : memref<16x768xf32, #tpu.memory_space<vmem>>, vector<16xf32>,
          tpu.vector_store %arg11[%swap3A_502, %swap3A_503], %add3A_501 {strides = array<i32>} : memref<16x768xf32, #tpu.memory_space<vmem>>, vector<16xf32>,
          %get3A_505 = arith.index_cast %scan3A_371 : i32 to index
          %get3A_506 = arith.constant 192 : index
          %get3A_507 = tpu.vector_load %arg11[%get3A_505, %get3A_506] {strides = array<i32>} : memref<16x768xf32, #tpu.memory_space<vmem>>, vector<16xf32>,
          %add3A_508 = arith.addf %get3A_507, %parallel_loop3A_420#12 : vector<16xf32>
          %swap3A_509 = arith.index_cast %scan3A_371 : i32 to index
          %swap3A_510 = arith.constant 192 : index
          %swap3A_511 = tpu.vector_load %arg11[%swap3A_509, %swap3A_510] {strides = array<i32>} : memref<16x768xf32, #tpu.memory_space<vmem>>, vector<16xf32>,
          tpu.vector_store %arg11[%swap3A_509, %swap3A_510], %add3A_508 {strides = array<i32>} : memref<16x768xf32, #tpu.memory_space<vmem>>, vector<16xf32>,
          %get3A_512 = arith.index_cast %scan3A_371 : i32 to index
          %get3A_513 = arith.constant 208 : index
          %get3A_514 = tpu.vector_load %arg11[%get3A_512, %get3A_513] {strides = array<i32>} : memref<16x768xf32, #tpu.memory_space<vmem>>, vector<16xf32>,
          %add3A_515 = arith.addf %get3A_514, %parallel_loop3A_420#13 : vector<16xf32>
          %swap3A_516 = arith.index_cast %scan3A_371 : i32 to index
          %swap3A_517 = arith.constant 208 : index
          %swap3A_518 = tpu.vector_load %arg11[%swap3A_516, %swap3A_517] {strides = array<i32>} : memref<16x768xf32, #tpu.memory_space<vmem>>, vector<16xf32>,
          tpu.vector_store %arg11[%swap3A_516, %swap3A_517], %add3A_515 {strides = array<i32>} : memref<16x768xf32, #tpu.memory_space<vmem>>, vector<16xf32>,
          %get3A_519 = arith.index_cast %scan3A_371 : i32 to index
          %get3A_520 = arith.constant 224 : index
          %get3A_521 = tpu.vector_load %arg11[%get3A_519, %get3A_520] {strides = array<i32>} : memref<16x768xf32, #tpu.memory_space<vmem>>, vector<16xf32>,
          %add3A_522 = arith.addf %get3A_521, %parallel_loop3A_420#14 : vector<16xf32>
          %swap3A_523 = arith.index_cast %scan3A_371 : i32 to index
          %swap3A_524 = arith.constant 224 : index
          %swap3A_525 = tpu.vector_load %arg11[%swap3A_523, %swap3A_524] {strides = array<i32>} : memref<16x768xf32, #tpu.memory_space<vmem>>, vector<16xf32>,
          tpu.vector_store %arg11[%swap3A_523, %swap3A_524], %add3A_522 {strides = array<i32>} : memref<16x768xf32, #tpu.memory_space<vmem>>, vector<16xf32>,
          %get3A_526 = arith.index_cast %scan3A_371 : i32 to index
          %get3A_527 = arith.constant 240 : index
          %get3A_528 = tpu.vector_load %arg11[%get3A_526, %get3A_527] {strides = array<i32>} : memref<16x768xf32, #tpu.memory_space<vmem>>, vector<16xf32>,
          %add3A_529 = arith.addf %get3A_528, %parallel_loop3A_420#15 : vector<16xf32>
          %swap3A_530 = arith.index_cast %scan3A_371 : i32 to index
          %swap3A_531 = arith.constant 240 : index
          %swap3A_532 = tpu.vector_load %arg11[%swap3A_530, %swap3A_531] {strides = array<i32>} : memref<16x768xf32, #tpu.memory_space<vmem>>, vector<16xf32>,
          tpu.vector_store %arg11[%swap3A_530, %swap3A_531], %add3A_529 {strides = array<i32>} : memref<16x768xf32, #tpu.memory_space<vmem>>, vector<16xf32>,
          %broadcast_in_dim3A_533 = arith.constant 0.000000e+00 : f32
          %broadcast_in_dim3A_534 = vector.broadcast %broadcast_in_dim3A_533 : f32 to vector<16xf32>
          %broadcast_in_dim3A_535 = arith.constant 0.000000e+00 : f32
          %broadcast_in_dim3A_536 = vector.broadcast %broadcast_in_dim3A_535 : f32 to vector<16xf32>
          %broadcast_in_dim3A_537 = arith.constant 0.000000e+00 : f32
          %broadcast_in_dim3A_538 = vector.broadcast %broadcast_in_dim3A_537 : f32 to vector<16xf32>
          %broadcast_in_dim3A_539 = arith.constant 0.000000e+00 : f32
          %broadcast_in_dim3A_540 = vector.broadcast %broadcast_in_dim3A_539 : f32 to vector<16xf32>
          %broadcast_in_dim3A_541 = arith.constant 0.000000e+00 : f32
          %broadcast_in_dim3A_542 = vector.broadcast %broadcast_in_dim3A_541 : f32 to vector<16xf32>
          %broadcast_in_dim3A_543 = arith.constant 0.000000e+00 : f32
          %broadcast_in_dim3A_544 = vector.broadcast %broadcast_in_dim3A_543 : f32 to vector<16xf32>
          %broadcast_in_dim3A_545 = arith.constant 0.000000e+00 : f32
          %broadcast_in_dim3A_546 = vector.broadcast %broadcast_in_dim3A_545 : f32 to vector<16xf32>
          %broadcast_in_dim3A_547 = arith.constant 0.000000e+00 : f32
          %broadcast_in_dim3A_548 = vector.broadcast %broadcast_in_dim3A_547 : f32 to vector<16xf32>
          %broadcast_in_dim3A_549 = arith.constant 0.000000e+00 : f32
          %broadcast_in_dim3A_550 = vector.broadcast %broadcast_in_dim3A_549 : f32 to vector<16xf32>
          %broadcast_in_dim3A_551 = arith.constant 0.000000e+00 : f32
          %broadcast_in_dim3A_552 = vector.broadcast %broadcast_in_dim3A_551 : f32 to vector<16xf32>
          %broadcast_in_dim3A_553 = arith.constant 0.000000e+00 : f32
          %broadcast_in_dim3A_554 = vector.broadcast %broadcast_in_dim3A_553 : f32 to vector<16xf32>
          %broadcast_in_dim3A_555 = arith.constant 0.000000e+00 : f32
          %broadcast_in_dim3A_556 = vector.broadcast %broadcast_in_dim3A_555 : f32 to vector<16xf32>
          %broadcast_in_dim3A_557 = arith.constant 0.000000e+00 : f32
          %broadcast_in_dim3A_558 = vector.broadcast %broadcast_in_dim3A_557 : f32 to vector<16xf32>
          %broadcast_in_dim3A_559 = arith.constant 0.000000e+00 : f32
          %broadcast_in_dim3A_560 = vector.broadcast %broadcast_in_dim3A_559 : f32 to vector<16xf32>
          %broadcast_in_dim3A_561 = arith.constant 0.000000e+00 : f32
          %broadcast_in_dim3A_562 = vector.broadcast %broadcast_in_dim3A_561 : f32 to vector<16xf32>
          %broadcast_in_dim3A_563 = arith.constant 0.000000e+00 : f32
          %broadcast_in_dim3A_564 = vector.broadcast %broadcast_in_dim3A_563 : f32 to vector<16xf32>
          %parallel_loop3A_565 = arith.constant 1 : i32
          %parallel_loop3A_566:16 = scf.for %parallel_loop3A_825 = %sub3A to %sub3A_384 step %parallel_loop3A_565 iter_args(%parallel_loop3A_826 = %broadcast_in_dim3A_534, %parallel_loop3A_827 = %broadcast_in_dim3A_536, %parallel_loop3A_828 = %broadcast_in_dim3A_538, %parallel_loop3A_829 = %broadcast_in_dim3A_540, %parallel_loop3A_830 = %broadcast_in_dim3A_542, %parallel_loop3A_831 = %broadcast_in_dim3A_544, %parallel_loop3A_832 = %broadcast_in_dim3A_546, %parallel_loop3A_833 = %broadcast_in_dim3A_548, %parallel_loop3A_834 = %broadcast_in_dim3A_550, %parallel_loop3A_835 = %broadcast_in_dim3A_552, %parallel_loop3A_836 = %broadcast_in_dim3A_554, %parallel_loop3A_837 = %broadcast_in_dim3A_556, %parallel_loop3A_838 = %broadcast_in_dim3A_558, %parallel_loop3A_839 = %broadcast_in_dim3A_560, %parallel_loop3A_840 = %broadcast_in_dim3A_562, %parallel_loop3A_841 = %broadcast_in_dim3A_564) -> (vector<16xf32>, vector<16xf32>, vector<16xf32>, vector<16xf32>, vector<16xf32>, vector<16xf32>, vector<16xf32>, vector<16xf32>, vector<16xf32>, vector<16xf32>, vector<16xf32>, vector<16xf32>, vector<16xf32>, vector<16xf32>, vector<16xf32>, vector<16xf32>)  : i32 {
            %parallel_loop3A_842 = arith.index_cast %parallel_loop3A_825 : i32 to index
            %parallel_loop3A_843 = arith.constant 256 : index
            %parallel_loop3A_844 = tpu.vector_load %arg10[%parallel_loop3A_842, %parallel_loop3A_843] {strides = array<i32>} : memref<64x768xf32, #tpu.memory_space<vmem>>, vector<16xf32>,
            %parallel_loop3A_845 = arith.addf %parallel_loop3A_826, %parallel_loop3A_844 : vector<16xf32>
            %parallel_loop3A_846 = arith.index_cast %parallel_loop3A_825 : i32 to index
            %parallel_loop3A_847 = arith.constant 272 : index
            %parallel_loop3A_848 = tpu.vector_load %arg10[%parallel_loop3A_846, %parallel_loop3A_847] {strides = array<i32>} : memref<64x768xf32, #tpu.memory_space<vmem>>, vector<16xf32>,
            %parallel_loop3A_849 = arith.addf %parallel_loop3A_827, %parallel_loop3A_848 : vector<16xf32>
            %parallel_loop3A_850 = arith.index_cast %parallel_loop3A_825 : i32 to index
            %parallel_loop3A_851 = arith.constant 288 : index
            %parallel_loop3A_852 = tpu.vector_load %arg10[%parallel_loop3A_850, %parallel_loop3A_851] {strides = array<i32>} : memref<64x768xf32, #tpu.memory_space<vmem>>, vector<16xf32>,
            %parallel_loop3A_853 = arith.addf %parallel_loop3A_828, %parallel_loop3A_852 : vector<16xf32>
            %parallel_loop3A_854 = arith.index_cast %parallel_loop3A_825 : i32 to index
            %parallel_loop3A_855 = arith.constant 304 : index
            %parallel_loop3A_856 = tpu.vector_load %arg10[%parallel_loop3A_854, %parallel_loop3A_855] {strides = array<i32>} : memref<64x768xf32, #tpu.memory_space<vmem>>, vector<16xf32>,
            %parallel_loop3A_857 = arith.addf %parallel_loop3A_829, %parallel_loop3A_856 : vector<16xf32>
            %parallel_loop3A_858 = arith.index_cast %parallel_loop3A_825 : i32 to index
            %parallel_loop3A_859 = arith.constant 320 : index
            %parallel_loop3A_860 = tpu.vector_load %arg10[%parallel_loop3A_858, %parallel_loop3A_859] {strides = array<i32>} : memref<64x768xf32, #tpu.memory_space<vmem>>, vector<16xf32>,
            %parallel_loop3A_861 = arith.addf %parallel_loop3A_830, %parallel_loop3A_860 : vector<16xf32>
            %parallel_loop3A_862 = arith.index_cast %parallel_loop3A_825 : i32 to index
            %parallel_loop3A_863 = arith.constant 336 : index
            %parallel_loop3A_864 = tpu.vector_load %arg10[%parallel_loop3A_862, %parallel_loop3A_863] {strides = array<i32>} : memref<64x768xf32, #tpu.memory_space<vmem>>, vector<16xf32>,
            %parallel_loop3A_865 = arith.addf %parallel_loop3A_831, %parallel_loop3A_864 : vector<16xf32>
            %parallel_loop3A_866 = arith.index_cast %parallel_loop3A_825 : i32 to index
            %parallel_loop3A_867 = arith.constant 352 : index
            %parallel_loop3A_868 = tpu.vector_load %arg10[%parallel_loop3A_866, %parallel_loop3A_867] {strides = array<i32>} : memref<64x768xf32, #tpu.memory_space<vmem>>, vector<16xf32>,
            %parallel_loop3A_869 = arith.addf %parallel_loop3A_832, %parallel_loop3A_868 : vector<16xf32>
            %parallel_loop3A_870 = arith.index_cast %parallel_loop3A_825 : i32 to index
            %parallel_loop3A_871 = arith.constant 368 : index
            %parallel_loop3A_872 = tpu.vector_load %arg10[%parallel_loop3A_870, %parallel_loop3A_871] {strides = array<i32>} : memref<64x768xf32, #tpu.memory_space<vmem>>, vector<16xf32>,
            %parallel_loop3A_873 = arith.addf %parallel_loop3A_833, %parallel_loop3A_872 : vector<16xf32>
            %parallel_loop3A_874 = arith.index_cast %parallel_loop3A_825 : i32 to index
            %parallel_loop3A_875 = arith.constant 384 : index
            %parallel_loop3A_876 = tpu.vector_load %arg10[%parallel_loop3A_874, %parallel_loop3A_875] {strides = array<i32>} : memref<64x768xf32, #tpu.memory_space<vmem>>, vector<16xf32>,
            %parallel_loop3A_877 = arith.addf %parallel_loop3A_834, %parallel_loop3A_876 : vector<16xf32>
            %parallel_loop3A_878 = arith.index_cast %parallel_loop3A_825 : i32 to index
            %parallel_loop3A_879 = arith.constant 400 : index
            %parallel_loop3A_880 = tpu.vector_load %arg10[%parallel_loop3A_878, %parallel_loop3A_879] {strides = array<i32>} : memref<64x768xf32, #tpu.memory_space<vmem>>, vector<16xf32>,
            %parallel_loop3A_881 = arith.addf %parallel_loop3A_835, %parallel_loop3A_880 : vector<16xf32>
            %parallel_loop3A_882 = arith.index_cast %parallel_loop3A_825 : i32 to index
            %parallel_loop3A_883 = arith.constant 416 : index
            %parallel_loop3A_884 = tpu.vector_load %arg10[%parallel_loop3A_882, %parallel_loop3A_883] {strides = array<i32>} : memref<64x768xf32, #tpu.memory_space<vmem>>, vector<16xf32>,
            %parallel_loop3A_885 = arith.addf %parallel_loop3A_836, %parallel_loop3A_884 : vector<16xf32>
            %parallel_loop3A_886 = arith.index_cast %parallel_loop3A_825 : i32 to index
            %parallel_loop3A_887 = arith.constant 432 : index
            %parallel_loop3A_888 = tpu.vector_load %arg10[%parallel_loop3A_886, %parallel_loop3A_887] {strides = array<i32>} : memref<64x768xf32, #tpu.memory_space<vmem>>, vector<16xf32>,
            %parallel_loop3A_889 = arith.addf %parallel_loop3A_837, %parallel_loop3A_888 : vector<16xf32>
            %parallel_loop3A_890 = arith.index_cast %parallel_loop3A_825 : i32 to index
            %parallel_loop3A_891 = arith.constant 448 : index
            %parallel_loop3A_892 = tpu.vector_load %arg10[%parallel_loop3A_890, %parallel_loop3A_891] {strides = array<i32>} : memref<64x768xf32, #tpu.memory_space<vmem>>, vector<16xf32>,
            %parallel_loop3A_893 = arith.addf %parallel_loop3A_838, %parallel_loop3A_892 : vector<16xf32>
            %parallel_loop3A_894 = arith.index_cast %parallel_loop3A_825 : i32 to index
            %parallel_loop3A_895 = arith.constant 464 : index
            %parallel_loop3A_896 = tpu.vector_load %arg10[%parallel_loop3A_894, %parallel_loop3A_895] {strides = array<i32>} : memref<64x768xf32, #tpu.memory_space<vmem>>, vector<16xf32>,
            %parallel_loop3A_897 = arith.addf %parallel_loop3A_839, %parallel_loop3A_896 : vector<16xf32>
            %parallel_loop3A_898 = arith.index_cast %parallel_loop3A_825 : i32 to index
            %parallel_loop3A_899 = arith.constant 480 : index
            %parallel_loop3A_900 = tpu.vector_load %arg10[%parallel_loop3A_898, %parallel_loop3A_899] {strides = array<i32>} : memref<64x768xf32, #tpu.memory_space<vmem>>, vector<16xf32>,
            %parallel_loop3A_901 = arith.addf %parallel_loop3A_840, %parallel_loop3A_900 : vector<16xf32>
            %parallel_loop3A_902 = arith.index_cast %parallel_loop3A_825 : i32 to index
            %parallel_loop3A_903 = arith.constant 496 : index
            %parallel_loop3A_904 = tpu.vector_load %arg10[%parallel_loop3A_902, %parallel_loop3A_903] {strides = array<i32>} : memref<64x768xf32, #tpu.memory_space<vmem>>, vector<16xf32>,
            %parallel_loop3A_905 = arith.addf %parallel_loop3A_841, %parallel_loop3A_904 : vector<16xf32>
            scf.yield %parallel_loop3A_845, %parallel_loop3A_849, %parallel_loop3A_853, %parallel_loop3A_857, %parallel_loop3A_861, %parallel_loop3A_865, %parallel_loop3A_869, %parallel_loop3A_873, %parallel_loop3A_877, %parallel_loop3A_881, %parallel_loop3A_885, %parallel_loop3A_889, %parallel_loop3A_893, %parallel_loop3A_897, %parallel_loop3A_901, %parallel_loop3A_905 : vector<16xf32>, vector<16xf32>, vector<16xf32>, vector<16xf32>, vector<16xf32>, vector<16xf32>, vector<16xf32>, vector<16xf32>, vector<16xf32>, vector<16xf32>, vector<16xf32>, vector<16xf32>, vector<16xf32>, vector<16xf32>, vector<16xf32>, vector<16xf32>
          } {sc.loop_unroll_factor = 4 : i64, sc.parallel_access}
          %get3A_567 = arith.index_cast %scan3A_371 : i32 to index
          %get3A_568 = arith.constant 256 : index
          %get3A_569 = tpu.vector_load %arg11[%get3A_567, %get3A_568] {strides = array<i32>} : memref<16x768xf32, #tpu.memory_space<vmem>>, vector<16xf32>,
          %add3A_570 = arith.addf %get3A_569, %parallel_loop3A_566#0 : vector<16xf32>
          %swap3A_571 = arith.index_cast %scan3A_371 : i32 to index
          %swap3A_572 = arith.constant 256 : index
          %swap3A_573 = tpu.vector_load %arg11[%swap3A_571, %swap3A_572] {strides = array<i32>} : memref<16x768xf32, #tpu.memory_space<vmem>>, vector<16xf32>,
          tpu.vector_store %arg11[%swap3A_571, %swap3A_572], %add3A_570 {strides = array<i32>} : memref<16x768xf32, #tpu.memory_space<vmem>>, vector<16xf32>,
          %get3A_574 = arith.index_cast %scan3A_371 : i32 to index
          %get3A_575 = arith.constant 272 : index
          %get3A_576 = tpu.vector_load %arg11[%get3A_574, %get3A_575] {strides = array<i32>} : memref<16x768xf32, #tpu.memory_space<vmem>>, vector<16xf32>,
          %add3A_577 = arith.addf %get3A_576, %parallel_loop3A_566#1 : vector<16xf32>
          %swap3A_578 = arith.index_cast %scan3A_371 : i32 to index
          %swap3A_579 = arith.constant 272 : index
          %swap3A_580 = tpu.vector_load %arg11[%swap3A_578, %swap3A_579] {strides = array<i32>} : memref<16x768xf32, #tpu.memory_space<vmem>>, vector<16xf32>,
          tpu.vector_store %arg11[%swap3A_578, %swap3A_579], %add3A_577 {strides = array<i32>} : memref<16x768xf32, #tpu.memory_space<vmem>>, vector<16xf32>,
          %get3A_581 = arith.index_cast %scan3A_371 : i32 to index
          %get3A_582 = arith.constant 288 : index
          %get3A_583 = tpu.vector_load %arg11[%get3A_581, %get3A_582] {strides = array<i32>} : memref<16x768xf32, #tpu.memory_space<vmem>>, vector<16xf32>,
          %add3A_584 = arith.addf %get3A_583, %parallel_loop3A_566#2 : vector<16xf32>
          %swap3A_585 = arith.index_cast %scan3A_371 : i32 to index
          %swap3A_586 = arith.constant 288 : index
          %swap3A_587 = tpu.vector_load %arg11[%swap3A_585, %swap3A_586] {strides = array<i32>} : memref<16x768xf32, #tpu.memory_space<vmem>>, vector<16xf32>,
          tpu.vector_store %arg11[%swap3A_585, %swap3A_586], %add3A_584 {strides = array<i32>} : memref<16x768xf32, #tpu.memory_space<vmem>>, vector<16xf32>,
          %get3A_588 = arith.index_cast %scan3A_371 : i32 to index
          %get3A_589 = arith.constant 304 : index
          %get3A_590 = tpu.vector_load %arg11[%get3A_588, %get3A_589] {strides = array<i32>} : memref<16x768xf32, #tpu.memory_space<vmem>>, vector<16xf32>,
          %add3A_591 = arith.addf %get3A_590, %parallel_loop3A_566#3 : vector<16xf32>
          %swap3A_592 = arith.index_cast %scan3A_371 : i32 to index
          %swap3A_593 = arith.constant 304 : index
          %swap3A_594 = tpu.vector_load %arg11[%swap3A_592, %swap3A_593] {strides = array<i32>} : memref<16x768xf32, #tpu.memory_space<vmem>>, vector<16xf32>,
          tpu.vector_store %arg11[%swap3A_592, %swap3A_593], %add3A_591 {strides = array<i32>} : memref<16x768xf32, #tpu.memory_space<vmem>>, vector<16xf32>,
          %get3A_595 = arith.index_cast %scan3A_371 : i32 to index
          %get3A_596 = arith.constant 320 : index
          %get3A_597 = tpu.vector_load %arg11[%get3A_595, %get3A_596] {strides = array<i32>} : memref<16x768xf32, #tpu.memory_space<vmem>>, vector<16xf32>,
          %add3A_598 = arith.addf %get3A_597, %parallel_loop3A_566#4 : vector<16xf32>
          %swap3A_599 = arith.index_cast %scan3A_371 : i32 to index
          %swap3A_600 = arith.constant 320 : index
          %swap3A_601 = tpu.vector_load %arg11[%swap3A_599, %swap3A_600] {strides = array<i32>} : memref<16x768xf32, #tpu.memory_space<vmem>>, vector<16xf32>,
          tpu.vector_store %arg11[%swap3A_599, %swap3A_600], %add3A_598 {strides = array<i32>} : memref<16x768xf32, #tpu.memory_space<vmem>>, vector<16xf32>,
          %get3A_602 = arith.index_cast %scan3A_371 : i32 to index
          %get3A_603 = arith.constant 336 : index
          %get3A_604 = tpu.vector_load %arg11[%get3A_602, %get3A_603] {strides = array<i32>} : memref<16x768xf32, #tpu.memory_space<vmem>>, vector<16xf32>,
          %add3A_605 = arith.addf %get3A_604, %parallel_loop3A_566#5 : vector<16xf32>
          %swap3A_606 = arith.index_cast %scan3A_371 : i32 to index
          %swap3A_607 = arith.constant 336 : index
          %swap3A_608 = tpu.vector_load %arg11[%swap3A_606, %swap3A_607] {strides = array<i32>} : memref<16x768xf32, #tpu.memory_space<vmem>>, vector<16xf32>,
          tpu.vector_store %arg11[%swap3A_606, %swap3A_607], %add3A_605 {strides = array<i32>} : memref<16x768xf32, #tpu.memory_space<vmem>>, vector<16xf32>,
          %get3A_609 = arith.index_cast %scan3A_371 : i32 to index
          %get3A_610 = arith.constant 352 : index
          %get3A_611 = tpu.vector_load %arg11[%get3A_609, %get3A_610] {strides = array<i32>} : memref<16x768xf32, #tpu.memory_space<vmem>>, vector<16xf32>,
          %add3A_612 = arith.addf %get3A_611, %parallel_loop3A_566#6 : vector<16xf32>
          %swap3A_613 = arith.index_cast %scan3A_371 : i32 to index
          %swap3A_614 = arith.constant 352 : index
          %swap3A_615 = tpu.vector_load %arg11[%swap3A_613, %swap3A_614] {strides = array<i32>} : memref<16x768xf32, #tpu.memory_space<vmem>>, vector<16xf32>,
          tpu.vector_store %arg11[%swap3A_613, %swap3A_614], %add3A_612 {strides = array<i32>} : memref<16x768xf32, #tpu.memory_space<vmem>>, vector<16xf32>,
          %get3A_616 = arith.index_cast %scan3A_371 : i32 to index
          %get3A_617 = arith.constant 368 : index
          %get3A_618 = tpu.vector_load %arg11[%get3A_616, %get3A_617] {strides = array<i32>} : memref<16x768xf32, #tpu.memory_space<vmem>>, vector<16xf32>,
          %add3A_619 = arith.addf %get3A_618, %parallel_loop3A_566#7 : vector<16xf32>
          %swap3A_620 = arith.index_cast %scan3A_371 : i32 to index
          %swap3A_621 = arith.constant 368 : index
          %swap3A_622 = tpu.vector_load %arg11[%swap3A_620, %swap3A_621] {strides = array<i32>} : memref<16x768xf32, #tpu.memory_space<vmem>>, vector<16xf32>,
          tpu.vector_store %arg11[%swap3A_620, %swap3A_621], %add3A_619 {strides = array<i32>} : memref<16x768xf32, #tpu.memory_space<vmem>>, vector<16xf32>,
          %get3A_623 = arith.index_cast %scan3A_371 : i32 to index
          %get3A_624 = arith.constant 384 : index
          %get3A_625 = tpu.vector_load %arg11[%get3A_623, %get3A_624] {strides = array<i32>} : memref<16x768xf32, #tpu.memory_space<vmem>>, vector<16xf32>,
          %add3A_626 = arith.addf %get3A_625, %parallel_loop3A_566#8 : vector<16xf32>
          %swap3A_627 = arith.index_cast %scan3A_371 : i32 to index
          %swap3A_628 = arith.constant 384 : index
          %swap3A_629 = tpu.vector_load %arg11[%swap3A_627, %swap3A_628] {strides = array<i32>} : memref<16x768xf32, #tpu.memory_space<vmem>>, vector<16xf32>,
          tpu.vector_store %arg11[%swap3A_627, %swap3A_628], %add3A_626 {strides = array<i32>} : memref<16x768xf32, #tpu.memory_space<vmem>>, vector<16xf32>,
          %get3A_630 = arith.index_cast %scan3A_371 : i32 to index
          %get3A_631 = arith.constant 400 : index
          %get3A_632 = tpu.vector_load %arg11[%get3A_630, %get3A_631] {strides = array<i32>} : memref<16x768xf32, #tpu.memory_space<vmem>>, vector<16xf32>,
          %add3A_633 = arith.addf %get3A_632, %parallel_loop3A_566#9 : vector<16xf32>
          %swap3A_634 = arith.index_cast %scan3A_371 : i32 to index
          %swap3A_635 = arith.constant 400 : index
          %swap3A_636 = tpu.vector_load %arg11[%swap3A_634, %swap3A_635] {strides = array<i32>} : memref<16x768xf32, #tpu.memory_space<vmem>>, vector<16xf32>,
          tpu.vector_store %arg11[%swap3A_634, %swap3A_635], %add3A_633 {strides = array<i32>} : memref<16x768xf32, #tpu.memory_space<vmem>>, vector<16xf32>,
          %get3A_637 = arith.index_cast %scan3A_371 : i32 to index
          %get3A_638 = arith.constant 416 : index
          %get3A_639 = tpu.vector_load %arg11[%get3A_637, %get3A_638] {strides = array<i32>} : memref<16x768xf32, #tpu.memory_space<vmem>>, vector<16xf32>,
          %add3A_640 = arith.addf %get3A_639, %parallel_loop3A_566#10 : vector<16xf32>
          %swap3A_641 = arith.index_cast %scan3A_371 : i32 to index
          %swap3A_642 = arith.constant 416 : index
          %swap3A_643 = tpu.vector_load %arg11[%swap3A_641, %swap3A_642] {strides = array<i32>} : memref<16x768xf32, #tpu.memory_space<vmem>>, vector<16xf32>,
          tpu.vector_store %arg11[%swap3A_641, %swap3A_642], %add3A_640 {strides = array<i32>} : memref<16x768xf32, #tpu.memory_space<vmem>>, vector<16xf32>,
          %get3A_644 = arith.index_cast %scan3A_371 : i32 to index
          %get3A_645 = arith.constant 432 : index
          %get3A_646 = tpu.vector_load %arg11[%get3A_644, %get3A_645] {strides = array<i32>} : memref<16x768xf32, #tpu.memory_space<vmem>>, vector<16xf32>,
          %add3A_647 = arith.addf %get3A_646, %parallel_loop3A_566#11 : vector<16xf32>
          %swap3A_648 = arith.index_cast %scan3A_371 : i32 to index
          %swap3A_649 = arith.constant 432 : index
          %swap3A_650 = tpu.vector_load %arg11[%swap3A_648, %swap3A_649] {strides = array<i32>} : memref<16x768xf32, #tpu.memory_space<vmem>>, vector<16xf32>,
          tpu.vector_store %arg11[%swap3A_648, %swap3A_649], %add3A_647 {strides = array<i32>} : memref<16x768xf32, #tpu.memory_space<vmem>>, vector<16xf32>,
          %get3A_651 = arith.index_cast %scan3A_371 : i32 to index
          %get3A_652 = arith.constant 448 : index
          %get3A_653 = tpu.vector_load %arg11[%get3A_651, %get3A_652] {strides = array<i32>} : memref<16x768xf32, #tpu.memory_space<vmem>>, vector<16xf32>,
          %add3A_654 = arith.addf %get3A_653, %parallel_loop3A_566#12 : vector<16xf32>
          %swap3A_655 = arith.index_cast %scan3A_371 : i32 to index
          %swap3A_656 = arith.constant 448 : index
          %swap3A_657 = tpu.vector_load %arg11[%swap3A_655, %swap3A_656] {strides = array<i32>} : memref<16x768xf32, #tpu.memory_space<vmem>>, vector<16xf32>,
          tpu.vector_store %arg11[%swap3A_655, %swap3A_656], %add3A_654 {strides = array<i32>} : memref<16x768xf32, #tpu.memory_space<vmem>>, vector<16xf32>,
          %get3A_658 = arith.index_cast %scan3A_371 : i32 to index
          %get3A_659 = arith.constant 464 : index
          %get3A_660 = tpu.vector_load %arg11[%get3A_658, %get3A_659] {strides = array<i32>} : memref<16x768xf32, #tpu.memory_space<vmem>>, vector<16xf32>,
          %add3A_661 = arith.addf %get3A_660, %parallel_loop3A_566#13 : vector<16xf32>
          %swap3A_662 = arith.index_cast %scan3A_371 : i32 to index
          %swap3A_663 = arith.constant 464 : index
          %swap3A_664 = tpu.vector_load %arg11[%swap3A_662, %swap3A_663] {strides = array<i32>} : memref<16x768xf32, #tpu.memory_space<vmem>>, vector<16xf32>,
          tpu.vector_store %arg11[%swap3A_662, %swap3A_663], %add3A_661 {strides = array<i32>} : memref<16x768xf32, #tpu.memory_space<vmem>>, vector<16xf32>,
          %get3A_665 = arith.index_cast %scan3A_371 : i32 to index
          %get3A_666 = arith.constant 480 : index
          %get3A_667 = tpu.vector_load %arg11[%get3A_665, %get3A_666] {strides = array<i32>} : memref<16x768xf32, #tpu.memory_space<vmem>>, vector<16xf32>,
          %add3A_668 = arith.addf %get3A_667, %parallel_loop3A_566#14 : vector<16xf32>
          %swap3A_669 = arith.index_cast %scan3A_371 : i32 to index
          %swap3A_670 = arith.constant 480 : index
          %swap3A_671 = tpu.vector_load %arg11[%swap3A_669, %swap3A_670] {strides = array<i32>} : memref<16x768xf32, #tpu.memory_space<vmem>>, vector<16xf32>,
          tpu.vector_store %arg11[%swap3A_669, %swap3A_670], %add3A_668 {strides = array<i32>} : memref<16x768xf32, #tpu.memory_space<vmem>>, vector<16xf32>,
          %get3A_672 = arith.index_cast %scan3A_371 : i32 to index
          %get3A_673 = arith.constant 496 : index
          %get3A_674 = tpu.vector_load %arg11[%get3A_672, %get3A_673] {strides = array<i32>} : memref<16x768xf32, #tpu.memory_space<vmem>>, vector<16xf32>,
          %add3A_675 = arith.addf %get3A_674, %parallel_loop3A_566#15 : vector<16xf32>
          %swap3A_676 = arith.index_cast %scan3A_371 : i32 to index
          %swap3A_677 = arith.constant 496 : index
          %swap3A_678 = tpu.vector_load %arg11[%swap3A_676, %swap3A_677] {strides = array<i32>} : memref<16x768xf32, #tpu.memory_space<vmem>>, vector<16xf32>,
          tpu.vector_store %arg11[%swap3A_676, %swap3A_677], %add3A_675 {strides = array<i32>} : memref<16x768xf32, #tpu.memory_space<vmem>>, vector<16xf32>,
          %broadcast_in_dim3A_679 = arith.constant 0.000000e+00 : f32
          %broadcast_in_dim3A_680 = vector.broadcast %broadcast_in_dim3A_679 : f32 to vector<16xf32>
          %broadcast_in_dim3A_681 = arith.constant 0.000000e+00 : f32
          %broadcast_in_dim3A_682 = vector.broadcast %broadcast_in_dim3A_681 : f32 to vector<16xf32>
          %broadcast_in_dim3A_683 = arith.constant 0.000000e+00 : f32
          %broadcast_in_dim3A_684 = vector.broadcast %broadcast_in_dim3A_683 : f32 to vector<16xf32>
          %broadcast_in_dim3A_685 = arith.constant 0.000000e+00 : f32
          %broadcast_in_dim3A_686 = vector.broadcast %broadcast_in_dim3A_685 : f32 to vector<16xf32>
          %broadcast_in_dim3A_687 = arith.constant 0.000000e+00 : f32
          %broadcast_in_dim3A_688 = vector.broadcast %broadcast_in_dim3A_687 : f32 to vector<16xf32>
          %broadcast_in_dim3A_689 = arith.constant 0.000000e+00 : f32
          %broadcast_in_dim3A_690 = vector.broadcast %broadcast_in_dim3A_689 : f32 to vector<16xf32>
          %broadcast_in_dim3A_691 = arith.constant 0.000000e+00 : f32
          %broadcast_in_dim3A_692 = vector.broadcast %broadcast_in_dim3A_691 : f32 to vector<16xf32>
          %broadcast_in_dim3A_693 = arith.constant 0.000000e+00 : f32
          %broadcast_in_dim3A_694 = vector.broadcast %broadcast_in_dim3A_693 : f32 to vector<16xf32>
          %broadcast_in_dim3A_695 = arith.constant 0.000000e+00 : f32
          %broadcast_in_dim3A_696 = vector.broadcast %broadcast_in_dim3A_695 : f32 to vector<16xf32>
          %broadcast_in_dim3A_697 = arith.constant 0.000000e+00 : f32
          %broadcast_in_dim3A_698 = vector.broadcast %broadcast_in_dim3A_697 : f32 to vector<16xf32>
          %broadcast_in_dim3A_699 = arith.constant 0.000000e+00 : f32
          %broadcast_in_dim3A_700 = vector.broadcast %broadcast_in_dim3A_699 : f32 to vector<16xf32>
          %broadcast_in_dim3A_701 = arith.constant 0.000000e+00 : f32
          %broadcast_in_dim3A_702 = vector.broadcast %broadcast_in_dim3A_701 : f32 to vector<16xf32>
          %broadcast_in_dim3A_703 = arith.constant 0.000000e+00 : f32
          %broadcast_in_dim3A_704 = vector.broadcast %broadcast_in_dim3A_703 : f32 to vector<16xf32>
          %broadcast_in_dim3A_705 = arith.constant 0.000000e+00 : f32
          %broadcast_in_dim3A_706 = vector.broadcast %broadcast_in_dim3A_705 : f32 to vector<16xf32>
          %broadcast_in_dim3A_707 = arith.constant 0.000000e+00 : f32
          %broadcast_in_dim3A_708 = vector.broadcast %broadcast_in_dim3A_707 : f32 to vector<16xf32>
          %broadcast_in_dim3A_709 = arith.constant 0.000000e+00 : f32
          %broadcast_in_dim3A_710 = vector.broadcast %broadcast_in_dim3A_709 : f32 to vector<16xf32>
          %parallel_loop3A_711 = arith.constant 1 : i32
          %parallel_loop3A_712:16 = scf.for %parallel_loop3A_825 = %sub3A to %sub3A_384 step %parallel_loop3A_711 iter_args(%parallel_loop3A_826 = %broadcast_in_dim3A_680, %parallel_loop3A_827 = %broadcast_in_dim3A_682, %parallel_loop3A_828 = %broadcast_in_dim3A_684, %parallel_loop3A_829 = %broadcast_in_dim3A_686, %parallel_loop3A_830 = %broadcast_in_dim3A_688, %parallel_loop3A_831 = %broadcast_in_dim3A_690, %parallel_loop3A_832 = %broadcast_in_dim3A_692, %parallel_loop3A_833 = %broadcast_in_dim3A_694, %parallel_loop3A_834 = %broadcast_in_dim3A_696, %parallel_loop3A_835 = %broadcast_in_dim3A_698, %parallel_loop3A_836 = %broadcast_in_dim3A_700, %parallel_loop3A_837 = %broadcast_in_dim3A_702, %parallel_loop3A_838 = %broadcast_in_dim3A_704, %parallel_loop3A_839 = %broadcast_in_dim3A_706, %parallel_loop3A_840 = %broadcast_in_dim3A_708, %parallel_loop3A_841 = %broadcast_in_dim3A_710) -> (vector<16xf32>, vector<16xf32>, vector<16xf32>, vector<16xf32>, vector<16xf32>, vector<16xf32>, vector<16xf32>, vector<16xf32>, vector<16xf32>, vector<16xf32>, vector<16xf32>, vector<16xf32>, vector<16xf32>, vector<16xf32>, vector<16xf32>, vector<16xf32>)  : i32 {
            %parallel_loop3A_842 = arith.index_cast %parallel_loop3A_825 : i32 to index
            %parallel_loop3A_843 = arith.constant 512 : index
            %parallel_loop3A_844 = tpu.vector_load %arg10[%parallel_loop3A_842, %parallel_loop3A_843] {strides = array<i32>} : memref<64x768xf32, #tpu.memory_space<vmem>>, vector<16xf32>,
            %parallel_loop3A_845 = arith.addf %parallel_loop3A_826, %parallel_loop3A_844 : vector<16xf32>
            %parallel_loop3A_846 = arith.index_cast %parallel_loop3A_825 : i32 to index
            %parallel_loop3A_847 = arith.constant 528 : index
            %parallel_loop3A_848 = tpu.vector_load %arg10[%parallel_loop3A_846, %parallel_loop3A_847] {strides = array<i32>} : memref<64x768xf32, #tpu.memory_space<vmem>>, vector<16xf32>,
            %parallel_loop3A_849 = arith.addf %parallel_loop3A_827, %parallel_loop3A_848 : vector<16xf32>
            %parallel_loop3A_850 = arith.index_cast %parallel_loop3A_825 : i32 to index
            %parallel_loop3A_851 = arith.constant 544 : index
            %parallel_loop3A_852 = tpu.vector_load %arg10[%parallel_loop3A_850, %parallel_loop3A_851] {strides = array<i32>} : memref<64x768xf32, #tpu.memory_space<vmem>>, vector<16xf32>,
            %parallel_loop3A_853 = arith.addf %parallel_loop3A_828, %parallel_loop3A_852 : vector<16xf32>
            %parallel_loop3A_854 = arith.index_cast %parallel_loop3A_825 : i32 to index
            %parallel_loop3A_855 = arith.constant 560 : index
            %parallel_loop3A_856 = tpu.vector_load %arg10[%parallel_loop3A_854, %parallel_loop3A_855] {strides = array<i32>} : memref<64x768xf32, #tpu.memory_space<vmem>>, vector<16xf32>,
            %parallel_loop3A_857 = arith.addf %parallel_loop3A_829, %parallel_loop3A_856 : vector<16xf32>
            %parallel_loop3A_858 = arith.index_cast %parallel_loop3A_825 : i32 to index
            %parallel_loop3A_859 = arith.constant 576 : index
            %parallel_loop3A_860 = tpu.vector_load %arg10[%parallel_loop3A_858, %parallel_loop3A_859] {strides = array<i32>} : memref<64x768xf32, #tpu.memory_space<vmem>>, vector<16xf32>,
            %parallel_loop3A_861 = arith.addf %parallel_loop3A_830, %parallel_loop3A_860 : vector<16xf32>
            %parallel_loop3A_862 = arith.index_cast %parallel_loop3A_825 : i32 to index
            %parallel_loop3A_863 = arith.constant 592 : index
            %parallel_loop3A_864 = tpu.vector_load %arg10[%parallel_loop3A_862, %parallel_loop3A_863] {strides = array<i32>} : memref<64x768xf32, #tpu.memory_space<vmem>>, vector<16xf32>,
            %parallel_loop3A_865 = arith.addf %parallel_loop3A_831, %parallel_loop3A_864 : vector<16xf32>
            %parallel_loop3A_866 = arith.index_cast %parallel_loop3A_825 : i32 to index
            %parallel_loop3A_867 = arith.constant 608 : index
            %parallel_loop3A_868 = tpu.vector_load %arg10[%parallel_loop3A_866, %parallel_loop3A_867] {strides = array<i32>} : memref<64x768xf32, #tpu.memory_space<vmem>>, vector<16xf32>,
            %parallel_loop3A_869 = arith.addf %parallel_loop3A_832, %parallel_loop3A_868 : vector<16xf32>
            %parallel_loop3A_870 = arith.index_cast %parallel_loop3A_825 : i32 to index
            %parallel_loop3A_871 = arith.constant 624 : index
            %parallel_loop3A_872 = tpu.vector_load %arg10[%parallel_loop3A_870, %parallel_loop3A_871] {strides = array<i32>} : memref<64x768xf32, #tpu.memory_space<vmem>>, vector<16xf32>,
            %parallel_loop3A_873 = arith.addf %parallel_loop3A_833, %parallel_loop3A_872 : vector<16xf32>
            %parallel_loop3A_874 = arith.index_cast %parallel_loop3A_825 : i32 to index
            %parallel_loop3A_875 = arith.constant 640 : index
            %parallel_loop3A_876 = tpu.vector_load %arg10[%parallel_loop3A_874, %parallel_loop3A_875] {strides = array<i32>} : memref<64x768xf32, #tpu.memory_space<vmem>>, vector<16xf32>,
            %parallel_loop3A_877 = arith.addf %parallel_loop3A_834, %parallel_loop3A_876 : vector<16xf32>
            %parallel_loop3A_878 = arith.index_cast %parallel_loop3A_825 : i32 to index
            %parallel_loop3A_879 = arith.constant 656 : index
            %parallel_loop3A_880 = tpu.vector_load %arg10[%parallel_loop3A_878, %parallel_loop3A_879] {strides = array<i32>} : memref<64x768xf32, #tpu.memory_space<vmem>>, vector<16xf32>,
            %parallel_loop3A_881 = arith.addf %parallel_loop3A_835, %parallel_loop3A_880 : vector<16xf32>
            %parallel_loop3A_882 = arith.index_cast %parallel_loop3A_825 : i32 to index
            %parallel_loop3A_883 = arith.constant 672 : index
            %parallel_loop3A_884 = tpu.vector_load %arg10[%parallel_loop3A_882, %parallel_loop3A_883] {strides = array<i32>} : memref<64x768xf32, #tpu.memory_space<vmem>>, vector<16xf32>,
            %parallel_loop3A_885 = arith.addf %parallel_loop3A_836, %parallel_loop3A_884 : vector<16xf32>
            %parallel_loop3A_886 = arith.index_cast %parallel_loop3A_825 : i32 to index
            %parallel_loop3A_887 = arith.constant 688 : index
            %parallel_loop3A_888 = tpu.vector_load %arg10[%parallel_loop3A_886, %parallel_loop3A_887] {strides = array<i32>} : memref<64x768xf32, #tpu.memory_space<vmem>>, vector<16xf32>,
            %parallel_loop3A_889 = arith.addf %parallel_loop3A_837, %parallel_loop3A_888 : vector<16xf32>
            %parallel_loop3A_890 = arith.index_cast %parallel_loop3A_825 : i32 to index
            %parallel_loop3A_891 = arith.constant 704 : index
            %parallel_loop3A_892 = tpu.vector_load %arg10[%parallel_loop3A_890, %parallel_loop3A_891] {strides = array<i32>} : memref<64x768xf32, #tpu.memory_space<vmem>>, vector<16xf32>,
            %parallel_loop3A_893 = arith.addf %parallel_loop3A_838, %parallel_loop3A_892 : vector<16xf32>
            %parallel_loop3A_894 = arith.index_cast %parallel_loop3A_825 : i32 to index
            %parallel_loop3A_895 = arith.constant 720 : index
            %parallel_loop3A_896 = tpu.vector_load %arg10[%parallel_loop3A_894, %parallel_loop3A_895] {strides = array<i32>} : memref<64x768xf32, #tpu.memory_space<vmem>>, vector<16xf32>,
            %parallel_loop3A_897 = arith.addf %parallel_loop3A_839, %parallel_loop3A_896 : vector<16xf32>
            %parallel_loop3A_898 = arith.index_cast %parallel_loop3A_825 : i32 to index
            %parallel_loop3A_899 = arith.constant 736 : index
            %parallel_loop3A_900 = tpu.vector_load %arg10[%parallel_loop3A_898, %parallel_loop3A_899] {strides = array<i32>} : memref<64x768xf32, #tpu.memory_space<vmem>>, vector<16xf32>,
            %parallel_loop3A_901 = arith.addf %parallel_loop3A_840, %parallel_loop3A_900 : vector<16xf32>
            %parallel_loop3A_902 = arith.index_cast %parallel_loop3A_825 : i32 to index
            %parallel_loop3A_903 = arith.constant 752 : index
            %parallel_loop3A_904 = tpu.vector_load %arg10[%parallel_loop3A_902, %parallel_loop3A_903] {strides = array<i32>} : memref<64x768xf32, #tpu.memory_space<vmem>>, vector<16xf32>,
            %parallel_loop3A_905 = arith.addf %parallel_loop3A_841, %parallel_loop3A_904 : vector<16xf32>
            scf.yield %parallel_loop3A_845, %parallel_loop3A_849, %parallel_loop3A_853, %parallel_loop3A_857, %parallel_loop3A_861, %parallel_loop3A_865, %parallel_loop3A_869, %parallel_loop3A_873, %parallel_loop3A_877, %parallel_loop3A_881, %parallel_loop3A_885, %parallel_loop3A_889, %parallel_loop3A_893, %parallel_loop3A_897, %parallel_loop3A_901, %parallel_loop3A_905 : vector<16xf32>, vector<16xf32>, vector<16xf32>, vector<16xf32>, vector<16xf32>, vector<16xf32>, vector<16xf32>, vector<16xf32>, vector<16xf32>, vector<16xf32>, vector<16xf32>, vector<16xf32>, vector<16xf32>, vector<16xf32>, vector<16xf32>, vector<16xf32>
          } {sc.loop_unroll_factor = 4 : i64, sc.parallel_access}
          %get3A_713 = arith.index_cast %scan3A_371 : i32 to index
          %get3A_714 = arith.constant 512 : index
          %get3A_715 = tpu.vector_load %arg11[%get3A_713, %get3A_714] {strides = array<i32>} : memref<16x768xf32, #tpu.memory_space<vmem>>, vector<16xf32>,
          %add3A_716 = arith.addf %get3A_715, %parallel_loop3A_712#0 : vector<16xf32>
          %swap3A_717 = arith.index_cast %scan3A_371 : i32 to index
          %swap3A_718 = arith.constant 512 : index
          %swap3A_719 = tpu.vector_load %arg11[%swap3A_717, %swap3A_718] {strides = array<i32>} : memref<16x768xf32, #tpu.memory_space<vmem>>, vector<16xf32>,
          tpu.vector_store %arg11[%swap3A_717, %swap3A_718], %add3A_716 {strides = array<i32>} : memref<16x768xf32, #tpu.memory_space<vmem>>, vector<16xf32>,
          %get3A_720 = arith.index_cast %scan3A_371 : i32 to index
          %get3A_721 = arith.constant 528 : index
          %get3A_722 = tpu.vector_load %arg11[%get3A_720, %get3A_721] {strides = array<i32>} : memref<16x768xf32, #tpu.memory_space<vmem>>, vector<16xf32>,
          %add3A_723 = arith.addf %get3A_722, %parallel_loop3A_712#1 : vector<16xf32>
          %swap3A_724 = arith.index_cast %scan3A_371 : i32 to index
          %swap3A_725 = arith.constant 528 : index
          %swap3A_726 = tpu.vector_load %arg11[%swap3A_724, %swap3A_725] {strides = array<i32>} : memref<16x768xf32, #tpu.memory_space<vmem>>, vector<16xf32>,
          tpu.vector_store %arg11[%swap3A_724, %swap3A_725], %add3A_723 {strides = array<i32>} : memref<16x768xf32, #tpu.memory_space<vmem>>, vector<16xf32>,
          %get3A_727 = arith.index_cast %scan3A_371 : i32 to index
          %get3A_728 = arith.constant 544 : index
          %get3A_729 = tpu.vector_load %arg11[%get3A_727, %get3A_728] {strides = array<i32>} : memref<16x768xf32, #tpu.memory_space<vmem>>, vector<16xf32>,
          %add3A_730 = arith.addf %get3A_729, %parallel_loop3A_712#2 : vector<16xf32>
          %swap3A_731 = arith.index_cast %scan3A_371 : i32 to index
          %swap3A_732 = arith.constant 544 : index
          %swap3A_733 = tpu.vector_load %arg11[%swap3A_731, %swap3A_732] {strides = array<i32>} : memref<16x768xf32, #tpu.memory_space<vmem>>, vector<16xf32>,
          tpu.vector_store %arg11[%swap3A_731, %swap3A_732], %add3A_730 {strides = array<i32>} : memref<16x768xf32, #tpu.memory_space<vmem>>, vector<16xf32>,
          %get3A_734 = arith.index_cast %scan3A_371 : i32 to index
          %get3A_735 = arith.constant 560 : index
          %get3A_736 = tpu.vector_load %arg11[%get3A_734, %get3A_735] {strides = array<i32>} : memref<16x768xf32, #tpu.memory_space<vmem>>, vector<16xf32>,
          %add3A_737 = arith.addf %get3A_736, %parallel_loop3A_712#3 : vector<16xf32>
          %swap3A_738 = arith.index_cast %scan3A_371 : i32 to index
          %swap3A_739 = arith.constant 560 : index
          %swap3A_740 = tpu.vector_load %arg11[%swap3A_738, %swap3A_739] {strides = array<i32>} : memref<16x768xf32, #tpu.memory_space<vmem>>, vector<16xf32>,
          tpu.vector_store %arg11[%swap3A_738, %swap3A_739], %add3A_737 {strides = array<i32>} : memref<16x768xf32, #tpu.memory_space<vmem>>, vector<16xf32>,
          %get3A_741 = arith.index_cast %scan3A_371 : i32 to index
          %get3A_742 = arith.constant 576 : index
          %get3A_743 = tpu.vector_load %arg11[%get3A_741, %get3A_742] {strides = array<i32>} : memref<16x768xf32, #tpu.memory_space<vmem>>, vector<16xf32>,
          %add3A_744 = arith.addf %get3A_743, %parallel_loop3A_712#4 : vector<16xf32>
          %swap3A_745 = arith.index_cast %scan3A_371 : i32 to index
          %swap3A_746 = arith.constant 576 : index
          %swap3A_747 = tpu.vector_load %arg11[%swap3A_745, %swap3A_746] {strides = array<i32>} : memref<16x768xf32, #tpu.memory_space<vmem>>, vector<16xf32>,
          tpu.vector_store %arg11[%swap3A_745, %swap3A_746], %add3A_744 {strides = array<i32>} : memref<16x768xf32, #tpu.memory_space<vmem>>, vector<16xf32>,
          %get3A_748 = arith.index_cast %scan3A_371 : i32 to index
          %get3A_749 = arith.constant 592 : index
          %get3A_750 = tpu.vector_load %arg11[%get3A_748, %get3A_749] {strides = array<i32>} : memref<16x768xf32, #tpu.memory_space<vmem>>, vector<16xf32>,
          %add3A_751 = arith.addf %get3A_750, %parallel_loop3A_712#5 : vector<16xf32>
          %swap3A_752 = arith.index_cast %scan3A_371 : i32 to index
          %swap3A_753 = arith.constant 592 : index
          %swap3A_754 = tpu.vector_load %arg11[%swap3A_752, %swap3A_753] {strides = array<i32>} : memref<16x768xf32, #tpu.memory_space<vmem>>, vector<16xf32>,
          tpu.vector_store %arg11[%swap3A_752, %swap3A_753], %add3A_751 {strides = array<i32>} : memref<16x768xf32, #tpu.memory_space<vmem>>, vector<16xf32>,
          %get3A_755 = arith.index_cast %scan3A_371 : i32 to index
          %get3A_756 = arith.constant 608 : index
          %get3A_757 = tpu.vector_load %arg11[%get3A_755, %get3A_756] {strides = array<i32>} : memref<16x768xf32, #tpu.memory_space<vmem>>, vector<16xf32>,
          %add3A_758 = arith.addf %get3A_757, %parallel_loop3A_712#6 : vector<16xf32>
          %swap3A_759 = arith.index_cast %scan3A_371 : i32 to index
          %swap3A_760 = arith.constant 608 : index
          %swap3A_761 = tpu.vector_load %arg11[%swap3A_759, %swap3A_760] {strides = array<i32>} : memref<16x768xf32, #tpu.memory_space<vmem>>, vector<16xf32>,
          tpu.vector_store %arg11[%swap3A_759, %swap3A_760], %add3A_758 {strides = array<i32>} : memref<16x768xf32, #tpu.memory_space<vmem>>, vector<16xf32>,
          %get3A_762 = arith.index_cast %scan3A_371 : i32 to index
          %get3A_763 = arith.constant 624 : index
          %get3A_764 = tpu.vector_load %arg11[%get3A_762, %get3A_763] {strides = array<i32>} : memref<16x768xf32, #tpu.memory_space<vmem>>, vector<16xf32>,
          %add3A_765 = arith.addf %get3A_764, %parallel_loop3A_712#7 : vector<16xf32>
          %swap3A_766 = arith.index_cast %scan3A_371 : i32 to index
          %swap3A_767 = arith.constant 624 : index
          %swap3A_768 = tpu.vector_load %arg11[%swap3A_766, %swap3A_767] {strides = array<i32>} : memref<16x768xf32, #tpu.memory_space<vmem>>, vector<16xf32>,
          tpu.vector_store %arg11[%swap3A_766, %swap3A_767], %add3A_765 {strides = array<i32>} : memref<16x768xf32, #tpu.memory_space<vmem>>, vector<16xf32>,
          %get3A_769 = arith.index_cast %scan3A_371 : i32 to index
          %get3A_770 = arith.constant 640 : index
          %get3A_771 = tpu.vector_load %arg11[%get3A_769, %get3A_770] {strides = array<i32>} : memref<16x768xf32, #tpu.memory_space<vmem>>, vector<16xf32>,
          %add3A_772 = arith.addf %get3A_771, %parallel_loop3A_712#8 : vector<16xf32>
          %swap3A_773 = arith.index_cast %scan3A_371 : i32 to index
          %swap3A_774 = arith.constant 640 : index
          %swap3A_775 = tpu.vector_load %arg11[%swap3A_773, %swap3A_774] {strides = array<i32>} : memref<16x768xf32, #tpu.memory_space<vmem>>, vector<16xf32>,
          tpu.vector_store %arg11[%swap3A_773, %swap3A_774], %add3A_772 {strides = array<i32>} : memref<16x768xf32, #tpu.memory_space<vmem>>, vector<16xf32>,
          %get3A_776 = arith.index_cast %scan3A_371 : i32 to index
          %get3A_777 = arith.constant 656 : index
          %get3A_778 = tpu.vector_load %arg11[%get3A_776, %get3A_777] {strides = array<i32>} : memref<16x768xf32, #tpu.memory_space<vmem>>, vector<16xf32>,
          %add3A_779 = arith.addf %get3A_778, %parallel_loop3A_712#9 : vector<16xf32>
          %swap3A_780 = arith.index_cast %scan3A_371 : i32 to index
          %swap3A_781 = arith.constant 656 : index
          %swap3A_782 = tpu.vector_load %arg11[%swap3A_780, %swap3A_781] {strides = array<i32>} : memref<16x768xf32, #tpu.memory_space<vmem>>, vector<16xf32>,
          tpu.vector_store %arg11[%swap3A_780, %swap3A_781], %add3A_779 {strides = array<i32>} : memref<16x768xf32, #tpu.memory_space<vmem>>, vector<16xf32>,
          %get3A_783 = arith.index_cast %scan3A_371 : i32 to index
          %get3A_784 = arith.constant 672 : index
          %get3A_785 = tpu.vector_load %arg11[%get3A_783, %get3A_784] {strides = array<i32>} : memref<16x768xf32, #tpu.memory_space<vmem>>, vector<16xf32>,
          %add3A_786 = arith.addf %get3A_785, %parallel_loop3A_712#10 : vector<16xf32>
          %swap3A_787 = arith.index_cast %scan3A_371 : i32 to index
          %swap3A_788 = arith.constant 672 : index
          %swap3A_789 = tpu.vector_load %arg11[%swap3A_787, %swap3A_788] {strides = array<i32>} : memref<16x768xf32, #tpu.memory_space<vmem>>, vector<16xf32>,
          tpu.vector_store %arg11[%swap3A_787, %swap3A_788], %add3A_786 {strides = array<i32>} : memref<16x768xf32, #tpu.memory_space<vmem>>, vector<16xf32>,
          %get3A_790 = arith.index_cast %scan3A_371 : i32 to index
          %get3A_791 = arith.constant 688 : index
          %get3A_792 = tpu.vector_load %arg11[%get3A_790, %get3A_791] {strides = array<i32>} : memref<16x768xf32, #tpu.memory_space<vmem>>, vector<16xf32>,
          %add3A_793 = arith.addf %get3A_792, %parallel_loop3A_712#11 : vector<16xf32>
          %swap3A_794 = arith.index_cast %scan3A_371 : i32 to index
          %swap3A_795 = arith.constant 688 : index
          %swap3A_796 = tpu.vector_load %arg11[%swap3A_794, %swap3A_795] {strides = array<i32>} : memref<16x768xf32, #tpu.memory_space<vmem>>, vector<16xf32>,
          tpu.vector_store %arg11[%swap3A_794, %swap3A_795], %add3A_793 {strides = array<i32>} : memref<16x768xf32, #tpu.memory_space<vmem>>, vector<16xf32>,
          %get3A_797 = arith.index_cast %scan3A_371 : i32 to index
          %get3A_798 = arith.constant 704 : index
          %get3A_799 = tpu.vector_load %arg11[%get3A_797, %get3A_798] {strides = array<i32>} : memref<16x768xf32, #tpu.memory_space<vmem>>, vector<16xf32>,
          %add3A_800 = arith.addf %get3A_799, %parallel_loop3A_712#12 : vector<16xf32>
          %swap3A_801 = arith.index_cast %scan3A_371 : i32 to index
          %swap3A_802 = arith.constant 704 : index
          %swap3A_803 = tpu.vector_load %arg11[%swap3A_801, %swap3A_802] {strides = array<i32>} : memref<16x768xf32, #tpu.memory_space<vmem>>, vector<16xf32>,
          tpu.vector_store %arg11[%swap3A_801, %swap3A_802], %add3A_800 {strides = array<i32>} : memref<16x768xf32, #tpu.memory_space<vmem>>, vector<16xf32>,
          %get3A_804 = arith.index_cast %scan3A_371 : i32 to index
          %get3A_805 = arith.constant 720 : index
          %get3A_806 = tpu.vector_load %arg11[%get3A_804, %get3A_805] {strides = array<i32>} : memref<16x768xf32, #tpu.memory_space<vmem>>, vector<16xf32>,
          %add3A_807 = arith.addf %get3A_806, %parallel_loop3A_712#13 : vector<16xf32>
          %swap3A_808 = arith.index_cast %scan3A_371 : i32 to index
          %swap3A_809 = arith.constant 720 : index
          %swap3A_810 = tpu.vector_load %arg11[%swap3A_808, %swap3A_809] {strides = array<i32>} : memref<16x768xf32, #tpu.memory_space<vmem>>, vector<16xf32>,
          tpu.vector_store %arg11[%swap3A_808, %swap3A_809], %add3A_807 {strides = array<i32>} : memref<16x768xf32, #tpu.memory_space<vmem>>, vector<16xf32>,
          %get3A_811 = arith.index_cast %scan3A_371 : i32 to index
          %get3A_812 = arith.constant 736 : index
          %get3A_813 = tpu.vector_load %arg11[%get3A_811, %get3A_812] {strides = array<i32>} : memref<16x768xf32, #tpu.memory_space<vmem>>, vector<16xf32>,
          %add3A_814 = arith.addf %get3A_813, %parallel_loop3A_712#14 : vector<16xf32>
          %swap3A_815 = arith.index_cast %scan3A_371 : i32 to index
          %swap3A_816 = arith.constant 736 : index
          %swap3A_817 = tpu.vector_load %arg11[%swap3A_815, %swap3A_816] {strides = array<i32>} : memref<16x768xf32, #tpu.memory_space<vmem>>, vector<16xf32>,
          tpu.vector_store %arg11[%swap3A_815, %swap3A_816], %add3A_814 {strides = array<i32>} : memref<16x768xf32, #tpu.memory_space<vmem>>, vector<16xf32>,
          %get3A_818 = arith.index_cast %scan3A_371 : i32 to index
          %get3A_819 = arith.constant 752 : index
          %get3A_820 = tpu.vector_load %arg11[%get3A_818, %get3A_819] {strides = array<i32>} : memref<16x768xf32, #tpu.memory_space<vmem>>, vector<16xf32>,
          %add3A_821 = arith.addf %get3A_820, %parallel_loop3A_712#15 : vector<16xf32>
          %swap3A_822 = arith.index_cast %scan3A_371 : i32 to index
          %swap3A_823 = arith.constant 752 : index
          %swap3A_824 = tpu.vector_load %arg11[%swap3A_822, %swap3A_823] {strides = array<i32>} : memref<16x768xf32, #tpu.memory_space<vmem>>, vector<16xf32>,
          tpu.vector_store %arg11[%swap3A_822, %swap3A_823], %add3A_821 {strides = array<i32>} : memref<16x768xf32, #tpu.memory_space<vmem>>, vector<16xf32>,
        } else {
        }
      }
      %scan3A_363 = arith.constant 16 : i32
      %add3A_364 = arith.constant 3 : i32
      %add3A_365 = arith.addi %mul3A_329, %add3A_364 : i32
      %lt3A_366 = arith.constant 4 : i32
      %lt3A_367 = arith.cmpi slt, %add3A_365, %lt3A_366 : i32
      %convert_element_type3A_368 = arith.extui %lt3A_367 : i1 to i32
      %cond3A_369 = arith.constant 0 : i32
      %cond3A_370 = arith.cmpi ne, %convert_element_type3A_368, %cond3A_369 : i32
      scf.if %cond3A_370 {
        %add3A_371 = arith.constant 128 : i32
        %add3A_372 = arith.addi %add3A_351, %add3A_371 : i32
        %dma_start3A_373 = arith.constant 0 : i32
        %dma_start3A_374 = tpu.memref_slice %arg2[%add3A_372, %dma_start3A_373] : memref<32768x768xf32, #tpu.memory_space<hbm>> -> memref<64x768xf32, #tpu.memory_space<hbm>>
        %dma_start3A_375 = arith.constant 0 : i32
        %dma_start3A_376 = tpu.memref_slice %arg2[%add3A_372, %dma_start3A_375] : memref<32768x768xf32, #tpu.memory_space<hbm>> -> memref<64x768xf32, #tpu.memory_space<hbm>>
        tpu.enqueue_dma source(%dma_start3A_376 : memref<64x768xf32, #tpu.memory_space<hbm>>) target(%arg10 : memref<64x768xf32, #tpu.memory_space<vmem>>) target_semaphore(%arg14 : memref<!tpu.dma_semaphore, #tpu.memory_space<semaphore_mem>>)
      } else {
      }
    }
    %scan3A_321 = arith.constant 2 : i32
    "tpu.region"() ({
      %run_scoped3A = tpu.sem_alloc : memref<!tpu.dma_semaphore, #tpu.memory_space<semaphore_mem>>
      %dma_start3A_327 = arith.constant 0 : i32
      %dma_start3A_328 = arith.constant 0 : i32
      %dma_start3A_329 = tpu.memref_slice %arg5[%add3A, %dma_start3A_327, %dma_start3A_328] : memref<32x16x768xf32, #tpu.memory_space<hbm>> -> memref<1x16x768xf32, #tpu.memory_space<hbm>>
      %dma_start3A_330 = tpu.memref_squeeze %dma_start3A_329 : memref<1x16x768xf32, #tpu.memory_space<hbm>> -> memref<16x768xf32, #tpu.memory_space<hbm>>
      %dma_start3A_331 = arith.constant 0 : i32
      %dma_start3A_332 = arith.constant 0 : i32
      %dma_start3A_333 = tpu.memref_slice %arg5[%add3A, %dma_start3A_331, %dma_start3A_332] : memref<32x16x768xf32, #tpu.memory_space<hbm>> -> memref<1x16x768xf32, #tpu.memory_space<hbm>>
      %dma_start3A_334 = tpu.memref_squeeze %dma_start3A_333 : memref<1x16x768xf32, #tpu.memory_space<hbm>> -> memref<16x768xf32, #tpu.memory_space<hbm>>
      tpu.enqueue_dma source(%arg11 : memref<16x768xf32, #tpu.memory_space<vmem>>) target(%dma_start3A_334 : memref<16x768xf32, #tpu.memory_space<hbm>>) target_semaphore(%run_scoped3A : memref<!tpu.dma_semaphore, #tpu.memory_space<semaphore_mem>>)
      %dma_wait3A = arith.constant 0 : i32
      %dma_wait3A_335 = arith.constant 0 : i32
      %dma_wait3A_336 = tpu.memref_slice %arg5[%add3A, %dma_wait3A, %dma_wait3A_335] : memref<32x16x768xf32, #tpu.memory_space<hbm>> -> memref<1x16x768xf32, #tpu.memory_space<hbm>>
      %dma_wait3A_337 = tpu.memref_squeeze %dma_wait3A_336 : memref<1x16x768xf32, #tpu.memory_space<hbm>> -> memref<16x768xf32, #tpu.memory_space<hbm>>
      %dma_wait3A_338 = arith.constant 0 : i32
      %dma_wait3A_339 = arith.constant 0 : i32
      %dma_wait3A_340 = tpu.memref_slice %arg5[%add3A, %dma_wait3A_338, %dma_wait3A_339] : memref<32x16x768xf32, #tpu.memory_space<hbm>> -> memref<1x16x768xf32, #tpu.memory_space<hbm>>
      %dma_wait3A_341 = tpu.memref_squeeze %dma_wait3A_340 : memref<1x16x768xf32, #tpu.memory_space<hbm>> -> memref<16x768xf32, #tpu.memory_space<hbm>>
      tpu.wait_dma2 semaphore(%run_scoped3A : memref<!tpu.dma_semaphore, #tpu.memory_space<semaphore_mem>>) src(%arg11 : memref<16x768xf32, #tpu.memory_space<vmem>>) dst(%dma_wait3A_341 : memref<16x768xf32, #tpu.memory_space<hbm>>)
      tpu.yield
    }) : () -> ()
    %eq3A_322 = arith.constant 0 : i32
    %eq3A_323 = arith.cmpi eq, %arg0, %eq3A_322 : i32
    %eq3A_324 = arith.constant 0 : i32
    %eq3A_325 = arith.cmpi eq, %arg1, %eq3A_324 : i32
    %and3A = arith.andi %eq3A_323, %eq3A_325 : i1
    %convert_element_type3A = arith.extui %and3A : i1 to i32
    %cond3A = arith.constant 0 : i32
    %cond3A_326 = arith.cmpi ne, %convert_element_type3A, %cond3A : i32
    scf.if %cond3A_326 {
      "tpu.region"() ({
        %run_scoped3A = tpu.sem_alloc : memref<!tpu.dma_semaphore, #tpu.memory_space<semaphore_mem>>
        tpu.enqueue_dma source(%arg4 : memref<16xi32, #tpu.memory_space<hbm>>) target(%arg8 : memref<16xi32, #tpu.memory_space<vmem>>) target_semaphore(%run_scoped3A : memref<!tpu.dma_semaphore, #tpu.memory_space<semaphore_mem>>)
        tpu.wait_dma2 semaphore(%run_scoped3A : memref<!tpu.dma_semaphore, #tpu.memory_space<semaphore_mem>>) src(%arg4 : memref<16xi32, #tpu.memory_space<hbm>>) dst(%arg8 : memref<16xi32, #tpu.memory_space<vmem>>)
        tpu.yield
      }) : () -> ()
      %dma_start3A_327 = arith.constant 0 : i32
      %dma_start3A_328 = arith.constant 0 : i32
      %dma_start3A_329 = tpu.memref_slice %arg9[%dma_start3A_327, %dma_start3A_328] : memref<64x768xf32, #tpu.memory_space<vmem>> -> memref<16x768xf32, #tpu.memory_space<vmem>>
      %dma_start3A_330 = arith.constant 0 : i32
      %dma_start3A_331 = arith.constant 0 : i32
      %dma_start3A_332 = tpu.memref_slice %arg2[%dma_start3A_330, %dma_start3A_331] : memref<32768x768xf32, #tpu.memory_space<hbm>> -> memref<32768x768xf32, #tpu.memory_space<hbm>>
      tpu.enqueue_indirect_dma source(%dma_start3A_332 : memref<32768x768xf32, #tpu.memory_space<hbm>>) target(%dma_start3A_329 : memref<16x768xf32, #tpu.memory_space<vmem>>) offsets(%arg8 : memref<16xi32, #tpu.memory_space<vmem>>) semaphore(%arg15 : memref<!tpu.dma_semaphore, #tpu.memory_space<semaphore_mem>>)
      %dma_wait3A = arith.constant 0 : i32
      %dma_wait3A_333 = arith.constant 0 : i32
      %dma_wait3A_334 = tpu.memref_slice %arg9[%dma_wait3A, %dma_wait3A_333] : memref<64x768xf32, #tpu.memory_space<vmem>> -> memref<16x768xf32, #tpu.memory_space<vmem>>
      %dma_wait3A_335 = arith.constant 0 : i32
      %dma_wait3A_336 = arith.constant 0 : i32
      %dma_wait3A_337 = tpu.memref_slice %arg2[%dma_wait3A_335, %dma_wait3A_336] : memref<32768x768xf32, #tpu.memory_space<hbm>> -> memref<32768x768xf32, #tpu.memory_space<hbm>>
      tpu.wait_indirect_dma semaphore(%arg15 : memref<!tpu.dma_semaphore, #tpu.memory_space<semaphore_mem>>) src(%dma_wait3A_337 : memref<32768x768xf32, #tpu.memory_space<hbm>>) dst(%dma_wait3A_334 : memref<16x768xf32, #tpu.memory_space<vmem>>)
      "tpu.region"() ({
        %run_scoped3A = tpu.sem_alloc : memref<!tpu.dma_semaphore, #tpu.memory_space<semaphore_mem>>
        %dma_start3A_338 = arith.constant 0 : i32
        %dma_start3A_339 = arith.constant 0 : i32
        %dma_start3A_340 = tpu.memref_slice %arg9[%dma_start3A_338, %dma_start3A_339] : memref<64x768xf32, #tpu.memory_space<vmem>> -> memref<16x768xf32, #tpu.memory_space<vmem>>
        %dma_start3A_341 = arith.constant 0 : i32
        %dma_start3A_342 = arith.constant 0 : i32
        %dma_start3A_343 = tpu.memref_slice %arg9[%dma_start3A_341, %dma_start3A_342] : memref<64x768xf32, #tpu.memory_space<vmem>> -> memref<16x768xf32, #tpu.memory_space<vmem>>
        tpu.enqueue_dma source(%dma_start3A_343 : memref<16x768xf32, #tpu.memory_space<vmem>>) target(%arg6 : memref<16x768xf32, #tpu.memory_space<hbm>>) target_semaphore(%run_scoped3A : memref<!tpu.dma_semaphore, #tpu.memory_space<semaphore_mem>>)
        %dma_wait3A_344 = arith.constant 0 : i32
        %dma_wait3A_345 = arith.constant 0 : i32
        %dma_wait3A_346 = tpu.memref_slice %arg9[%dma_wait3A_344, %dma_wait3A_345] : memref<64x768xf32, #tpu.memory_space<vmem>> -> memref<16x768xf32, #tpu.memory_space<vmem>>
        %dma_wait3A_347 = arith.constant 0 : i32
        %dma_wait3A_348 = arith.constant 0 : i32
        %dma_wait3A_349 = tpu.memref_slice %arg9[%dma_wait3A_347, %dma_wait3A_348] : memref<64x768xf32, #tpu.memory_space<vmem>> -> memref<16x768xf32, #tpu.memory_space<vmem>>
        tpu.wait_dma2 semaphore(%run_scoped3A : memref<!tpu.dma_semaphore, #tpu.memory_space<semaphore_mem>>) src(%dma_wait3A_349 : memref<16x768xf32, #tpu.memory_space<vmem>>) dst(%arg6 : memref<16x768xf32, #tpu.memory_space<hbm>>)
        tpu.yield
      }) : () -> ()
    } else {
    }
    return
  }
}

module attributes {stable_mosaic.version = 14 : i64} {
  func.func @_tc_body(%arg0: i32, %arg1: memref<1x16xi32, #tpu.memory_space<vmem>>, %arg2: memref<1x16xi32, #tpu.memory_space<vmem>>, %arg3: memref<4096x768xf32, #tpu.memory_space<vmem>>, %arg4: memref<16x768xf32, #tpu.memory_space<vmem>>) attributes {dimension_semantics = [#tpu.dimension_semantics<arbitrary>], iteration_bounds = array<i64: 6>, scalar_prefetch = 0 : i64, scratch_operands = 0 : i64, tpu.core_type = #tpu.core_type<tc>, window_params = [{pipeline_mode = #tpu.pipeline_mode<synchronous>, transform_indices = @transform_0, window_bounds = array<i64: 1, 16>}, {pipeline_mode = #tpu.pipeline_mode<synchronous>, transform_indices = @transform_1, window_bounds = array<i64: 1, 16>}, {transform_indices = @transform_2, window_bounds = array<i64: 4096, 768>}, {pipeline_mode = #tpu.pipeline_mode<synchronous>, transform_indices = @transform_3, window_bounds = array<i64: 16, 768>}]} {
    %iota3A = tpu.iota {dimensions = array<i32: 0>} : vector<4096x16xi32>
    %mul3A = arith.constant 4096 : i32
    %mul3A_0 = arith.muli %arg0, %mul3A : i32
    %add3A = vector.broadcast %mul3A_0 : i32 to vector<4096x16xi32>
    %add3A_1 = arith.addi %iota3A, %add3A : vector<4096x16xi32>
    %get3A = arith.constant 0 : index
    %get3A_2 = arith.constant 0 : index
    %get3A_3 = vector.load %arg1[%get3A, %get3A_2] : memref<1x16xi32, #tpu.memory_space<vmem>>, vector<1x16xi32>
    %get3A_4 = arith.constant 0 : index
    %get3A_5 = arith.constant 0 : index
    %get3A_6 = vector.load %arg2[%get3A_4, %get3A_5] : memref<1x16xi32, #tpu.memory_space<vmem>>, vector<1x16xi32>
    %ge3A = vector.broadcast %get3A_3 : vector<1x16xi32> to vector<4096x16xi32>
    %ge3A_7 = arith.cmpi sge, %add3A_1, %ge3A : vector<4096x16xi32>
    %lt3A = vector.broadcast %get3A_6 : vector<1x16xi32> to vector<4096x16xi32>
    %lt3A_8 = arith.cmpi slt, %add3A_1, %lt3A : vector<4096x16xi32>
    %and3A = arith.andi %ge3A_7, %lt3A_8 : vector<4096x16xi1>
    %convert_element_type3A = arith.extui %and3A : vector<4096x16xi1> to vector<4096x16xi32>
    %convert_element_type3A_9 = arith.sitofp %convert_element_type3A : vector<4096x16xi32> to vector<4096x16xf32>
    %get3A_10 = arith.constant 0 : index
    %get3A_11 = arith.constant 0 : index
    %get3A_12 = vector.load %arg3[%get3A_10, %get3A_11] : memref<4096x768xf32, #tpu.memory_space<vmem>>, vector<4096x768xf32>
    %dot_general3A = arith.constant dense<0.000000e+00> : vector<16x768xf32>
    %dot_general3A_13 = tpu.matmul %convert_element_type3A_9, %get3A_12, %dot_general3A {dimension_numbers = #tpu.dot_dimension_numbers<[0], [0], [1], [1], [0, 1, 1, 1], [], []>, transpose_lhs_hint = false} : vector<4096x16xf32>, vector<4096x768xf32>, vector<16x768xf32> -> vector<16x768xf32>
    %eq3A = arith.constant 0 : i32
    %eq3A_14 = arith.cmpi eq, %arg0, %eq3A : i32
    %convert_element_type3A_15 = arith.extui %eq3A_14 : i1 to i32
    %cond3A = arith.constant 0 : i32
    %cond3A_16 = arith.cmpi ne, %convert_element_type3A_15, %cond3A : i32
    scf.if %cond3A_16 {
      %swap3A = arith.constant 0 : index
      %swap3A_21 = arith.constant 0 : index
      %swap3A_22 = vector.load %arg4[%swap3A, %swap3A_21] : memref<16x768xf32, #tpu.memory_space<vmem>>, vector<16x768xf32>
      tpu.vector_store %arg4[%swap3A, %swap3A_21], %dot_general3A_13 {strides = array<i32>} : memref<16x768xf32, #tpu.memory_space<vmem>>, vector<16x768xf32>,
    } else {
    }
    %gt3A = arith.constant 0 : i32
    %gt3A_17 = arith.cmpi sgt, %arg0, %gt3A : i32
    %convert_element_type3A_18 = arith.extui %gt3A_17 : i1 to i32
    %cond3A_19 = arith.constant 0 : i32
    %cond3A_20 = arith.cmpi ne, %convert_element_type3A_18, %cond3A_19 : i32
    scf.if %cond3A_20 {
      %get3A_21 = arith.constant 0 : index
      %get3A_22 = arith.constant 0 : index
      %get3A_23 = vector.load %arg4[%get3A_21, %get3A_22] : memref<16x768xf32, #tpu.memory_space<vmem>>, vector<16x768xf32>
      %add3A_24 = arith.addf %get3A_23, %dot_general3A_13 : vector<16x768xf32>
      %swap3A = arith.constant 0 : index
      %swap3A_25 = arith.constant 0 : index
      %swap3A_26 = vector.load %arg4[%swap3A, %swap3A_25] : memref<16x768xf32, #tpu.memory_space<vmem>>, vector<16x768xf32>
      tpu.vector_store %arg4[%swap3A, %swap3A_25], %add3A_24 {strides = array<i32>} : memref<16x768xf32, #tpu.memory_space<vmem>>, vector<16x768xf32>,
    } else {
    }
    return
  }
  func.func @transform_0(%arg0: i32) -> (i32, i32) {
    %c0_i32 = arith.constant 0 : i32
    %c0_i32_0 = arith.constant 0 : i32
    %c0_i32_1 = arith.constant 0 : i32
    return %c0_i32, %c0_i32_0 : i32, i32
  }
  func.func @transform_1(%arg0: i32) -> (i32, i32) {
    %c0_i32 = arith.constant 0 : i32
    %c0_i32_0 = arith.constant 0 : i32
    %c0_i32_1 = arith.constant 0 : i32
    return %c0_i32, %c0_i32_0 : i32, i32
  }
  func.func @transform_2(%arg0: i32) -> (i32, i32) {
    %c0_i32 = arith.constant 0 : i32
    %c0_i32_0 = arith.constant 0 : i32
    return %arg0, %c0_i32 : i32, i32
  }
  func.func @transform_3(%arg0: i32) -> (i32, i32) {
    %c0_i32 = arith.constant 0 : i32
    %c0_i32_0 = arith.constant 0 : i32
    %c0_i32_1 = arith.constant 0 : i32
    return %c0_i32, %c0_i32_0 : i32, i32
  }
}

module attributes {stable_mosaic.version = 14 : i64} {
  func.func @_head_body(%arg0: memref<32x16x768xf32, #tpu.memory_space<vmem>>, %arg1: memref<16x768xf32, #tpu.memory_space<vmem>>, %arg2: memref<16x768xf32, #tpu.memory_space<vmem>>, %arg3: memref<16x1xf32, #tpu.memory_space<vmem>>, %arg4: memref<1536x3xf32, #tpu.memory_space<vmem>>, %arg5: memref<1x3xf32, #tpu.memory_space<vmem>>, %arg6: memref<16x3xf32, #tpu.memory_space<vmem>>) attributes {dimension_semantics = [], scalar_prefetch = 0 : i64, scratch_operands = 0 : i64, tpu.core_type = #tpu.core_type<tc>} {
    %get3A = arith.constant 0 : index
    %get3A_0 = arith.constant 0 : index
    %get3A_1 = arith.constant 0 : index
    %get3A_2 = vector.load %arg0[%get3A, %get3A_0, %get3A_1] : memref<32x16x768xf32, #tpu.memory_space<vmem>>, vector<32x16x768xf32>
    %reduce_sum3A = arith.constant dense<0.000000e+00> : vector<16x768xf32>
    %reduce_sum3A_3 = vector.multi_reduction <add>, %get3A_2, %reduce_sum3A [0] : vector<32x16x768xf32> to vector<16x768xf32>
    %get3A_4 = arith.constant 0 : index
    %get3A_5 = arith.constant 0 : index
    %get3A_6 = vector.load %arg1[%get3A_4, %get3A_5] : memref<16x768xf32, #tpu.memory_space<vmem>>, vector<16x768xf32>
    %add3A = arith.addf %reduce_sum3A_3, %get3A_6 : vector<16x768xf32>
    %get3A_7 = arith.constant 0 : index
    %get3A_8 = arith.constant 0 : index
    %get3A_9 = vector.load %arg3[%get3A_7, %get3A_8] : memref<16x1xf32, #tpu.memory_space<vmem>>, vector<16x1xf32>
    %mul3A = vector.broadcast %get3A_9 : vector<16x1xf32> to vector<16x768xf32>
    %mul3A_10 = arith.mulf %add3A, %mul3A : vector<16x768xf32>
    %get3A_11 = arith.constant 0 : index
    %get3A_12 = arith.constant 0 : index
    %get3A_13 = vector.load %arg2[%get3A_11, %get3A_12] : memref<16x768xf32, #tpu.memory_space<vmem>>, vector<16x768xf32>
    %concatenate3A = tpu.concatenate %get3A_13, %mul3A_10 in 1 : vector<16x768xf32>, vector<16x768xf32> -> vector<16x1536xf32>
    %get3A_14 = arith.constant 0 : index
    %get3A_15 = arith.constant 0 : index
    %get3A_16 = vector.load %arg4[%get3A_14, %get3A_15] : memref<1536x3xf32, #tpu.memory_space<vmem>>, vector<1536x3xf32>
    %dot_general3A = arith.constant dense<0.000000e+00> : vector<16x3xf32>
    %dot_general3A_17 = tpu.matmul %concatenate3A, %get3A_16, %dot_general3A {dimension_numbers = #tpu.dot_dimension_numbers<[1], [0], [0], [1], [0, 0, 1, 1], [], []>, transpose_lhs_hint = false} : vector<16x1536xf32>, vector<1536x3xf32>, vector<16x3xf32> -> vector<16x3xf32>
    %get3A_18 = arith.constant 0 : index
    %get3A_19 = arith.constant 0 : index
    %get3A_20 = vector.load %arg5[%get3A_18, %get3A_19] : memref<1x3xf32, #tpu.memory_space<vmem>>, vector<1x3xf32>
    %add3A_21 = vector.broadcast %get3A_20 : vector<1x3xf32> to vector<16x3xf32>
    %add3A_22 = arith.addf %dot_general3A_17, %add3A_21 : vector<16x3xf32>
    %swap3A = arith.constant 0 : index
    %swap3A_23 = arith.constant 0 : index
    %swap3A_24 = vector.load %arg6[%swap3A, %swap3A_23] : memref<16x3xf32, #tpu.memory_space<vmem>>, vector<16x3xf32>
    tpu.vector_store %arg6[%swap3A, %swap3A_23], %add3A_22 {strides = array<i32>} : memref<16x3xf32, #tpu.memory_space<vmem>>, vector<16x3xf32>,
    return
  }
}

</mosaic_0001>

<sc_bundles>
// kernel: kernel.5.cloned.1.call-start
scs
__scs_entry_jumppad:
0x0: {  	(pc) =	sbr.rel $0x88, $3  }
0x1: {  	(tag) =	ssettag $0x0;
	lr =	simm.s32 $0x1  }
0x2: {  	[smem:$0x3F9D] =	sst lr;
	_ =	strace $0xD0000000  }
0x3: {  	_ = 	snop  }
0x4: {  	_ = 	snop  }
0x5: {  	_ = 	snop  }
0x6: {  	_ = 	snop  }
0x7: {  	_ = 	snop  }
__scs_overlays_trampoline_lowered:
0x8: {  	[smem:$0x3FAC] =	sst s0  }
0x9: {  	[smem:$0x3FAD] =	sst s1  }
0xa: {  	[smem:$0x3FAE] =	sst s2  }
0xb: {  	[smem:$0x3FAF] =	sst s3  }
0xc: {  	[smem:$0x3FB0] =	sst s4  }
0xd: {  	[smem:$0x3FB1] =	sst s5  }
0xe: {  	[smem:$0x3FB2] =	sst s6  }
0xf: {  	[smem:$0x3FB3] =	sst s7  }
0x10: {  	[smem:$0x3FB4] =	sst s8  }
0x11: {  	[smem:$0x3FB5] =	sst s9;
	s0 =	simm.s32 @!p0 $0x0  }
0x12: {  	s1 =	sld [smem:$0x3F9B];
	s0 =	simm.s32 @p0 $0x1  }
0x13: {  	[smem:$0x3FB6] =	sst s0;
	s0 =	simm.s32 @!p1 $0x0  }
0x14: {  	s2 =	sld [smem:$0x3F9A];
	s0 =	simm.s32 @p1 $0x1  }
0x15: {  	[smem:$0x3FB7] =	sst s0;
	s0 =	simm.s32 @!p2 $0x0  }
0x16: {  	s3 =	sld [smem:$0x3FDB];
	s0 =	simm.s32 @p2 $0x1  }
0x17: {  	s4 =	simm.s32 $0x1BF5;
	[smem:$0x3FB9] =	sst s0  }
0x18: {  	s0 =	sld [smem:$0x3F9C];
	_ =	swait.ge [sflag:s4], $0x0  }
0x19: {  	s7 =	sld [smem:$0x3F9D]  }
0x1a: {  	s8 =	sadd.s32 $0xFFFFE003, lr  }
0x1b: {  	s9 =	sadd.s32 $0xFFFFFEF7, lr;
	s5 =	simm.s32 $0xFFFFFFFF;
	p2 =	slt.u32 s8, $0xFFFFF086  }
0x1c: {  	p1 =	slt.u32 s9, $0xF7A;
	s5 =	simm.s32 @!p2 $0x0  }
0x1d: {  	s5 =	simm.s32 @p1 $0x1;
	p0 =	seq.s32 s7, s2  }
0x1e: {  	s7 =	smul.u32 @!p0 $0xF7A, s2;
	p2 =	seq.s32 @!p0 s5, $0x0  }
0x1f: {  	s9 =	smul.u32 $0xF7A, s1;
	s8 =	simm.s32 @!p0 $0x1BF5;
	p2 =	por !p2, p0  }
0x20: {  	[sflag:s8] =	ssyncset.s32 @!p0 $0xFFFFF086;
	s6 =	sadd.s32 @!p0 s3, s7;
	s7 =	simm.s32 @!p0 $0x108  }
0x21: {  	s3 =	sadd.s32 s3, s9;
	s6 =	sadd.s32 @!p0 $0x88, s6;
	s7 =	simm.s32 @p2 $0x1082  }
0x22: {  	[simem:s7], [sflag:s8] =	dma.local @!p0 [hbm:s6], $0xF7A  }
0x23: {  	s9 =	sor.u32 $0xD0000000, s2;
	s6 =	simm.s32 $0x108;
	_ =	swait.ge @!p0 [sflag:s8], $0x0  }
0x24: {  	s3 =	sadd.s32 $0x88, s3;
	s6 =	simm.s32 @!p1 $0x1082;
	[sflag:s4] =	ssyncset.s32 $0xFFFFF086  }
0x25: {  	[simem:s6], [sflag:s4] =	dma.local [hbm:s3], $0xF7A  }
0x26: {  	[smem:$0x3F9D] =	sst s1;
	(tag) =	ssettag s2;
	_ =	strace s9  }
0x27: {  	s1 =	sld [smem:$0x3FAD]  }
0x28: {  	s2 =	sld [smem:$0x3FAE]  }
0x29: {  	s4 =	sld [smem:$0x3FB0]  }
0x2a: {  	p0 =	seq.s32 s5, $0x0;
	s5 =	sld [smem:$0x3FB1]  }
0x2b: {  	s6 =	sld [smem:$0x3FB2]  }
0x2c: {  	s7 =	sld [smem:$0x3FB3]  }
0x2d: {  	s3 =	simm.s32 $0x108;
	s8 =	sld [smem:$0x3FB4]  }
0x2e: {  	s3 =	simm.s32 @!p0 $0x1082;
	s9 =	sld [smem:$0x3FB5]  }
0x2f: {  	lr =	sadd.s32 s0, s3;
	s0 =	sld [smem:$0x3FAC]  }
0x30: {  	s3 =	sld [smem:$0x3FAF]  }
0x31: {  	[smem:$0x3FB8] =	sst s10  }
0x32: {  	s10 =	sld [smem:$0x3FB6];
	_ =	sdelay $0x3  }
0x33: {  	p0 =	seq.s32 s10, $0x1;
	s10 =	sld [smem:$0x3FB8];
	_ =	sdelay $0x3  }
0x34: {  	[smem:$0x3FB8] =	sst s10  }
0x35: {  	s10 =	sld [smem:$0x3FB7];
	_ =	sdelay $0x3  }
0x36: {  	p1 =	seq.s32 s10, $0x1;
	s10 =	sld [smem:$0x3FB8];
	_ =	sdelay $0x3  }
0x37: {  	[smem:$0x3FB8] =	sst s10  }
0x38: {  	s10 =	sld [smem:$0x3FB9]  }
0x39: {  	_ = 	snop;
	(pc) =	sbr.ind lr, $3  }
0x3a: {  	_ = 	snop  }
0x3b: {  	_ = 	snop  }
0x3c: {  	p2 =	seq.s32 s10, $0x1;
	s10 =	sld [smem:$0x3FB8]  }
0x3d: {  	_ =	shalt  }
0x3e: {  	_ =	shalt  }
0x3f: {  	_ =	shalt  }
0x40: {  	_ =	shalt  }
0x41: {  	_ =	shalt  }
0x42: {  	_ =	shalt  }
0x43: {  	_ =	shalt  }
0x44: {  	_ =	shalt  }
0x45: {  	_ =	shalt  }
0x46: {  	_ =	shalt  }
0x47: {  	_ =	shalt  }
0x48: {  	_ =	shalt  }
0x49: {  	_ =	shalt  }
0x4a: {  	_ =	shalt  }
0x4b: {  	_ =	shalt  }
0x4c: {  	_ =	shalt  }
0x4d: {  	_ =	shalt  }
0x4e: {  	_ =	shalt  }
0x4f: {  	_ =	shalt  }
0x50: {  	_ =	shalt  }
0x51: {  	_ =	shalt  }
0x52: {  	_ =	shalt  }
0x53: {  	_ =	shalt  }
0x54: {  	_ =	shalt  }
0x55: {  	_ =	shalt  }
0x56: {  	_ =	shalt  }
0x57: {  	_ =	shalt  }
0x58: {  	_ =	shalt  }
0x59: {  	_ =	shalt  }
0x5a: {  	_ =	shalt  }
0x5b: {  	_ =	shalt  }
0x5c: {  	_ =	shalt  }
0x5d: {  	_ =	shalt  }
0x5e: {  	_ =	shalt  }
0x5f: {  	_ =	shalt  }
0x60: {  	_ =	shalt  }
0x61: {  	_ =	shalt  }
0x62: {  	_ =	shalt  }
0x63: {  	_ =	shalt  }
0x64: {  	_ =	shalt  }
0x65: {  	_ =	shalt  }
0x66: {  	_ =	shalt  }
0x67: {  	_ =	shalt  }
0x68: {  	_ =	shalt  }
0x69: {  	_ =	shalt  }
0x6a: {  	_ =	shalt  }
0x6b: {  	_ =	shalt  }
0x6c: {  	_ =	shalt  }
0x6d: {  	_ =	shalt  }
0x6e: {  	_ =	shalt  }
0x6f: {  	_ =	shalt  }
0x70: {  	_ =	shalt  }
0x71: {  	_ =	shalt  }
0x72: {  	_ =	shalt  }
0x73: {  	_ =	shalt  }
0x74: {  	_ =	shalt  }
0x75: {  	_ =	shalt  }
0x76: {  	_ =	shalt  }
0x77: {  	_ =	shalt  }
0x78: {  	_ =	shalt  }
0x79: {  	_ =	shalt  }
0x7a: {  	_ =	shalt  }
0x7b: {  	_ =	shalt  }
0x7c: {  	_ =	shalt  }
0x7d: {  	_ =	shalt  }
0x7e: {  	_ =	shalt  }
0x7f: {  	_ =	shalt  }
0x80: {  	_ =	shalt  }
0x81: {  	_ =	shalt  }
0x82: {  	_ =	shalt  }
0x83: {  	_ =	shalt  }
0x84: {  	_ =	shalt  }
0x85: {  	_ =	shalt  }
0x86: {  	_ =	shalt  }
0x87: {  	_ =	shalt  }
.Lfunc_end0:
.L_simem_size_0:
called_computation_lowered:
.L_overlay_start_0:
0x88: {  	s2 =	sld [smem:$0x3FD9]  }
0x89: {  	s3 =	sld [smem:$0x3FFE];
	_ =	sdelay $0x1  }
0x8a: {  	s1 =	srdreg.scid  }
0x8b: {  	s0 =	sand.u32 $0x1, s1  }
0x8c: {  	s17 =	sshll.u32 s0, $0xA;
	s2 =	sadd.s32 s3, s2  }
0x8d: {  	s2 =	sadd.s32 s2, s17  }
0x8e: {  	[smem:$0x3FC4] =	sst s2  }
0x8f: {  	_ = 	snop  }
0x90: {  	s2 =	sld [smem:$0x3FC9]  }
0x91: {  	s18 =	sld [smem:$0x3FD0];
	(tm) =	ssettm $0x1  }
0x92: {  	s4 =	sld [smem:$0x3FFB];
	_ =	sdelay $0x3  }
0x93: {  	_ =	strace s4  }
0x94: {  	s4 =	sld [smem:$0x3FFC];
	_ =	sdelay $0x3  }
0x95: {  	_ =	strace s4  }
0x96: {  	s4 =	sld [smem:$0x3FFD];
	_ =	sdelay $0x3  }
0x97: {  	_ =	strace s4  }
0x98: {  	_ =	strace $0x8FFFFFFF  }
0x99: {  	s19 =	sld [smem:$0x3FDB];
	_ =	sdelay $0x1  }
0x9a: {  	s5 =	simm.s32 $_scs_section_size  }
0x9b: {  	s6 =	simm.s32 $_size__tile_overlayer_lowered;
	s7 =	simm.s32 $_tile_overlayer_lowered  }
0x9c: {  	s22 =	simm.s32 $0x1BFF;
	s21 =	sshll.u32 s7, $0x1;
	s4 =	sadd.s32 s5, s19  }
0x9d: {  	s8 =	simm.s32 $0x0;
	s20 =	sshll.u32 s6, $0x1;
	s6 =	sadd.s32 s21, s4  }
0x9e: {  	[timem:s8], [sflag:s22] =	dma.local [hbm:s6], s20  }
0x9f: {  	_ =	swait.ge [sflag:s22], s20  }
0xa0: {  	s5 =	ssub.s32 $0x0, s20;
	[sflag:s22] =	ssyncset.done $0x0  }
0xa1: {  	[sflag:s22] =	ssyncadd.s32 s5;
	_ =	sdelay $0x1  }
0xa2: {  	s23 =	simm.s32 $0x1B8B  }
0xa3: {  	_ =	swait.ge [sflag:s23], $0x1  }
0xa4: {  	[sflag:s23] =	ssyncset.done $0x0  }
0xa5: {  	s25 =	simm.s32 $0x1B8E;
	s24 =	sld [smem:$0x3FFE];
	[sflag:s23] =	ssyncadd.s32 $0xFFFFFFFF  }
0xa6: {  	s26 =	simm.s32 $execute0_lowered;
	[smem:$0x3FD2] =	sst s25  }
0xa7: {  	s6 =	sshll.u32 s26, $0x1;
	_ =	strace $0x80000046;
	[dreg:$0x1] =	wrdreg $0xFFFFFFFF  }
0xa8: {  	s28 =	simm.s32 $_size_execute0_lowered;
	s4 =	sadd.s32 s4, s6;
	[dreg:$0x0] =	wrdreg $0x0  }
0xa9: {  	s6 =	sshll.u32 s28, $0x1;
	[dreg:$0x2] =	wrdreg s4  }
0xaa: {  	[dreg:$0x3] =	wrdreg s6  }
0xab: {  	[dreg:$0x4] =	wrdreg $0xC0  }
0xac: {  	_ =	task [dreg:s8], $0x5FFFF  }
0xad: {  	[dreg:$0x1] =	wrdreg $0xFFFFFFFF  }
0xae: {  	[dreg:$0x0] =	wrdreg $0x60  }
0xaf: {  	[dreg:$0x2] =	wrdreg s2  }
0xb0: {  	[dreg:$0x3] =	wrdreg s24  }
0xb1: {  	[dreg:$0x4] =	wrdreg s18  }
0xb2: {  	[dreg:$0x5] =	wrdreg $0x9  }
0xb3: {  	_ =	task.clear_ibuf [dreg:s8], $0x6FFFF;
	_ =	strace $0x90000046  }
0xb4: {  	s29 =	simm.s32 $0x9;
	_ =	strace $0x80000048  }
0xb5: {  	_ =	swait.ge [sflag:s29], $0x1  }
0xb6: {  	[sflag:s29] =	ssyncadd.s32 $0xFFFFFFFF  }
0xb7: {  	_ =	strace $0x90000048  }
0xb8: {  	_ =	sfence  }
0xb9: {  	s30 =	sld [smem:$0x0];
	_ =	sdelay $0x2  }
0xba: {  	s31 =	sshll.u32 s1, $0xD;
	s1 =	sshrl.u32 s1, $0x2  }
0xbb: {  	s3 =	sand.u32 $0x4000, s31;
	s1 =	sadd.s32 s1, s30  }
0xbc: {  	s0 =	sor.u32 s3, s0;
	s1 =	sshll.u32 s1, $0x11  }
0xbd: {  	s0 =	sor.u32 s1, s0  }
0xbe: {  	s0 =	sadd.s32 $0x8F2B, s0  }
0xbf: {  	[sflag:s0] =	ssyncadd.remote.s32 $0x1  }
0xc0: {  	_ =	sfence.sel $0xFFFF  }
0xc1: {  	[dreg:$0x0] =	wrdreg $0xFFFFFFFF;
	(pc) =	sbr.abs _section_cstart, $3  }
0xc2: {  	[dreg:$0x1] =	wrdreg $0xFFFFFFFF  }
0xc3: {  	_ =	task.clear_ibuf [dreg:s8], $0x2FFFF;
	_ =	strace $0x9FFFFFFF  }
0xc4: {  	(tm) =	ssettm $0x7FFFFFFF  }
0xc5: {  	_ =	shalt  }
tec
execute0_lowered:
.L_overlay_start_1:
0x0: {  	(tag) =	ssettag $0x1  }
0x1: {  	s6 =	rddreg [dreg:$0x0]  }
0x2: {  	s0 =	rddreg [dreg:$0x1];
	s1 =	srdreg.scid;
	s9 =	simm.s32 $0x0  }
0x3: {  	s8 =	stileid.u32;
	s1 =	sand.u32 $0x1, s1;
	[smem:$0x7FF] =	sst s9  }
0x4: {  	s5 =	sadd.s32 $0x1400, s0;
	s22 =	sadd.s32 $0x100, s6;
	s23 =	sadd.s32 $0x200, s6  }
0x5: {  	s24 =	sshll.u32 s8, $0x8;
	_ =	strace $0x80000047;
	[dreg:$0x4] =	wrdreg s5  }
0x6: {  	s26 =	sshll.u32 s8, $0xF;
	s2 =	sshll.u32 s1, $0x4;
	[dreg:$0xb] =	wrdreg s22  }
0x7: {  	s14 =	ssub.s32 $0x2, s1;
	s21 =	sor.u32 s8, s1;
	[dreg:$0xc] =	wrdreg s23  }
0x8: {  	s25 =	sshll.u32 s1, $0xC;
	s1 =	sshll.u32 s1, $0x13;
	s2 =	sor.u32 s8, s2  }
0x9: {  	s7 =	sshrl.u32 s14, $0x1;
	s1 =	sor.u32 s1, s26;
	s3 =	smul.u32 $0x600, s2  }
0xa: {  	s4 =	sshll.u32 s2, $0x8;
	s2 =	smul.u32 $0x6000, s2;
	s31 =	ssub.s32 $0x0, s1  }
0xb: {  	p0 =	sne.s32 s21, $0x0;
	s15 =	ssub.s32 s14, s7;
	[dreg:$0x11] =	wrdreg s31  }
0xc: {  	s3 =	sadd.s32 s3, s0;
	s2 =	sadd.s32 s2, s6;
	s0 =	sadd.s32 $0xD600, s0  }
0xd: {  	s7 =	simm.s32 $0x4;
	[dreg:$0x5] =	wrdreg s0;
	s16 =	sadd.s32 $0x241800, s2  }
0xe: {  	s13 =	sor.u32 $0x6000, s4;
	s18 =	sadd.s32 $0x243000, s2;
	[dreg:$0x6] =	wrdreg s16  }
0xf: {  	s19 =	smov.u32 s13;
	s2 =	sadd.s32 $0x244800, s2;
	[dreg:$0x8] =	wrdreg s18  }
0x10: {  	s5 =	sshrl.u32 s13, $0x3;
	s20 =	sadd.s32 $0x1600, s3;
	[dreg:$0x9] =	wrdreg s2  }
0x11: {  	vm0 =	vmmov $0x1;
	s3 =	sor.u32 s25, s24;
	s0 =	smax.u32 s15, $0x1;
	[dreg:$0xa] =	wrdreg s20  }
.Ltmp0:
0x12: {  	vm2 =	vcmask $0x70C;
	vm3 =	vcmask $0xB10;
	vm4 =	vcmask $0xF14;
	s28 =	sor.u32 $0x6000, s3;
	[dreg:$0x10] =	wrdreg s0;
	(pc) =	sbr.rel .LBB2_1-.Ltmp0, $4  }
0x13: {  	vm5 =	vcmask $0x1318;
	vm6 =	vcmask $0x171C;
	vm7 =	vcmask $0x1B20;
	s5 =	smul.u32 $0x300, s5;
	s29 =	sor.u32 $0x6040, s3;
	[dreg:$0xd] =	wrdreg s28  }
0x14: {  	vm8 =	vcmask $0x1F24;
	vm9 =	vcmask $0x2328;
	vm10 =	vcmask $0x272C;
	s24 =	simm.s32 $0x1;
	s30 =	sor.u32 $0x6080, s3;
	[dreg:$0xe] =	wrdreg s29  }
0x15: {  	vm11 =	vcmask $0x2B30;
	vm12 =	vcmask $0x2F34;
	vm13 =	vcmask $0x3338;
	s25 =	simm.s32 $0x2;
	s17 =	sadd.s32 s6, s5;
	[dreg:$0xf] =	wrdreg s30  }
0x16: {  	vm14 =	vcmask $0x373C;
	vm15 =	vmmov $0x7fff;
	v0 =	vimm.f32 $0.0e+00;
	s20 =	ssub.s32 $0xFFFFA000, s3;
	s2 =	simm.s32 $0x0;
	[dreg:$0x7] =	wrdreg s17  }
.LBB2_92:
0x17: {  	s9 =	simm.s32 $0x0  }
0x18: {  	s0 =	rddreg [dreg:$0xa];
	s1 =	simm.s32 $0x18100;
	s7 =	simm.s32 $0x4  }
0x19: {  	[hbm4b:s0+s9] =	stream.linear.scatter [tilespmem:s1], [sflag:$0x4], $0x3000, $0x38;
	[tilespmem:$0x1B100] =	vst v63  }
0x1a: {  	_ =	swait.ge [sflag:s7], $0x3000  }
0x1b: {  	[sflag:s7] =	ssyncset.done $0x0  }
0x1c: {  	[sflag:s7] =	ssyncadd.s32 $0xFFFFD000  }
0x1d: {  	s0 =	simm.s32 @!p0 $0x0;
	s1 =	simm.s32 @!p0 $0x80;
	s2 =	rddreg [dreg:$0x2]  }
0x1e: {  	[tilespmem:s1], [sflag:$0x4] =	stream.linear.gather @!p0 [hbm4b:s2+s0], $0x80, $0x38;
	[tilespmem:$0x1B100] =	vst v63  }
0x1f: {  	s1 =	simm.s32 @!p0 $0x4  }
0x20: {  	_ =	swait.ge @!p0 [sflag:s1], $0x80  }
0x21: {  	[sflag:s1] =	ssyncset.done @!p0 $0x0  }
0x22: {  	[sflag:s1] =	ssyncadd.s32 @!p0 $0xFFFFFF80  }
0x23: {  	v1 =	vld @!p0 [tilespmem:$0x80];
	_ =	sdelay $0x4  }
0x24: {  	v2 =	vshrl.u32 @!p0 v1, $0x3  }
0x25: {  	v2 =	vmul.u32 @!p0 $0x30, v2  }
0x26: {  	v3 =	vlaneseq.u32 @!p0;
	v1 =	vand.u32 @!p0 $0x7, v1  }
0x27: {  	v4 =	vshrl.u32 @!p0 v3, $0x3;
	v1 =	vor.u32 @!p0 v1, v2;
	v2 =	vand.u32 @!p0 $0x7, v3  }
0x28: {  	v4 =	vmul.u32 @!p0 $0x8, v4;
	v2 =	vperm.xlane @!p0 v1, v2;
	_ =	sdelay $0x1  }
0x29: {  	v2 =	vadd.s32 @!p0 v4, v2;
	_ =	sdelay $0x2  }
0x2a: {  	v3 =	vor.u32 @!p0 $0x8, v3  }
0x2b: {  	vm1 =	vmmov @!p0 $0xffff;
	s2 =	simm.s32 @!p0 $0x100;
	s4 =	rddreg [dreg:$0x0];
	v1 =	vperm.xlane @!p0 v1, v3  }
0x2c: {  	[tilespmem:s2], [sflag:$0x3] =	stream.indirect_vreg.gather @!p0 [hbm4b:s4+s0], $0x80, v2, vm1, $0xb8;
	[tilespmem:$0x1B100] =	vst v63  }
0x2d: {  	s3 =	simm.s32 @!p0 $0x900;
	s5 =	rddreg [dreg:$0xb];
	v1 =	vadd.s32 @!p0 v4, v1  }
0x2e: {  	[tilespmem:s3], [sflag:$0x3] =	stream.indirect_vreg.gather @!p0 [hbm4b:s5+s0], $0x80, v2, vm1, $0xb8;
	[tilespmem:$0x1B100] =	vst v63  }
0x2f: {  	s6 =	rddreg [dreg:$0xc];
	s3 =	simm.s32 @!p0 $0x1100  }
0x30: {  	[tilespmem:s3], [sflag:$0x3] =	stream.indirect_vreg.gather @!p0 [hbm4b:s6+s0], $0x80, v2, vm1, $0xb8;
	[tilespmem:$0x1B100] =	vst v63  }
0x31: {  	s3 =	simm.s32 @!p0 $0x1900  }
0x32: {  	[tilespmem:s3], [sflag:$0x3] =	stream.indirect_vreg.gather @!p0 [hbm4b:s4+s0], $0x80, v1, vm1, $0xb8;
	[tilespmem:$0x1B100] =	vst v63  }
0x33: {  	s3 =	simm.s32 @!p0 $0x2100  }
0x34: {  	[tilespmem:s3], [sflag:$0x3] =	stream.indirect_vreg.gather @!p0 [hbm4b:s5+s0], $0x80, v1, vm1, $0xb8;
	[tilespmem:$0x1B100] =	vst v63  }
0x35: {  	s3 =	simm.s32 @!p0 $0x2900  }
0x36: {  	[tilespmem:s3], [sflag:$0x3] =	stream.indirect_vreg.gather @!p0 [hbm4b:s6+s0], $0x80, v1, vm1, $0xb8;
	[tilespmem:$0x1B100] =	vst v63  }
0x37: {  	s3 =	simm.s32 @!p0 $0x3  }
0x38: {  	_ =	swait.ge @!p0 [sflag:s3], $0x3000  }
0x39: {  	[sflag:s3] =	ssyncset.done @!p0 $0x0  }
0x3a: {  	[sflag:s3] =	ssyncadd.s32 @!p0 $0xFFFFD000;
	s3 =	rddreg [dreg:$0x5]  }
0x3b: {  	[hbm4b:s3+s0] =	stream.linear.scatter @!p0 [tilespmem:s2], [sflag:$0x4], $0x3000, $0x38;
	[tilespmem:$0x1B100] =	vst v63  }
0x3c: {  	_ =	swait.ge @!p0 [sflag:s1], $0x3000  }
0x3d: {  	s30 =	rddreg [dreg:$0x12]  }
0x3e: {  	s31 =	rddreg [dreg:$0x10];
	s2 =	sadd.s32 $0x1, s30  }
0x3f: {  	p1 =	sne.s32 s2, s31  }
.Ltmp1:
0x40: {  	_ = 	snop;
	(pc) =	sbr.rel @!p1 .LBB2_93-.Ltmp1, $3  }
0x41: {  	_ =	sdelay $0x1  }
0x42: {  	[sflag:s1] =	ssyncset.done @!p0 $0x0  }
0x43: {  	[sflag:s1] =	ssyncadd.s32 @!p0 $0xFFFFD000  }
.LBB2_1:
0x44: {  	[dreg:$0x12] =	wrdreg s2  }
0x45: {  	s0 =	rddreg [dreg:$0x4]  }
0x46: {  	[tilespmem:s9], [sflag:$0x4] =	stream.linear.gather [hbm4b:s0+s9], $0x80, $0x38;
	[tilespmem:$0x1B100] =	vst v63  }
0x47: {  	_ =	swait.ge [sflag:s7], $0x80  }
0x48: {  	[sflag:s7] =	ssyncset.done $0x0  }
0x49: {  	[sflag:s7] =	ssyncadd.s32 $0xFFFFFF80  }
0x4a: {  	v1 =	vld [tilespmem:$0x0];
	_ =	sdelay $0x4  }
0x4b: {  	vm1 =	vcmask $0x308;
	v2 =	vnsel vm0, $0x0, v1  }
0x4c: {  	(xrf0) =	vadd.scan.msk.s32 $0xffff, v2;
	v2 =	vsel vm1, $0x0, v1  }
0x4d: {  	(xrf0) =	vadd.scan.msk.s32 $0xffff, v2;
	v2 =	vsel vm2, $0x0, v1  }
0x4e: {  	(xrf0) =	vadd.scan.msk.s32 $0xffff, v2;
	v2 =	vsel vm3, $0x0, v1  }
0x4f: {  	(xrf0) =	vadd.scan.msk.s32 $0xffff, v2;
	v2 =	vsel vm4, $0x0, v1  }
0x50: {  	(xrf0) =	vadd.scan.msk.s32 $0xffff, v2;
	v2 =	vsel vm5, $0x0, v1  }
0x51: {  	(xrf0) =	vadd.scan.msk.s32 $0xffff, v2;
	v2 =	vsel vm6, $0x0, v1  }
0x52: {  	v3, _, _ =	vpop (xrf0);
	(xrf0) =	vadd.scan.msk.s32 $0xffff, v2;
	v2 =	vsel vm7, $0x0, v1  }
0x53: {  	(v2sf) =	vpush v3, $0xF;
	v3, _, _ =	vpop (xrf0);
	(xrf0) =	vadd.scan.msk.s32 $0xffff, v2;
	v2 =	vsel vm8, $0x0, v1  }
0x54: {  	(v2sf) =	vpush v3, $0xF;
	v3, _, _ =	vpop (xrf0);
	(xrf0) =	vadd.scan.msk.s32 $0xffff, v2;
	v2 =	vsel vm9, $0x0, v1  }
0x55: {  	(v2sf) =	vpush v3, $0xF;
	v3, _, _ =	vpop (xrf0);
	(xrf0) =	vadd.scan.msk.s32 $0xffff, v2;
	v2 =	vsel vm10, $0x0, v1  }
0x56: {  	(v2sf) =	vpush v3, $0xF;
	v3, _, _ =	vpop (xrf0);
	(xrf0) =	vadd.scan.msk.s32 $0xffff, v2;
	v2 =	vsel vm11, $0x0, v1  }
0x57: {  	(v2sf) =	vpush v3, $0xF;
	v3, _, _ =	vpop (xrf0);
	(xrf0) =	vadd.scan.msk.s32 $0xffff, v2;
	v2 =	vsel vm12, $0x0, v1  }
0x58: {  	(v2sf) =	vpush v3, $0xF;
	v3, _, _ =	vpop (xrf0);
	(xrf0) =	vadd.scan.msk.s32 $0xffff, v2;
	v2 =	vsel vm13, $0x0, v1  }
0x59: {  	(v2sf) =	vpush v3, $0xF;
	v3, _, _ =	vpop (xrf0);
	(xrf0) =	vadd.scan.msk.s32 $0xffff, v2;
	v2 =	vsel vm14, $0x0, v1;
	_ =	sdelay $0x1  }
0x5a: {  	v1 =	vsel vm15, $0x0, v1;
	(v2sf) =	vpush v3, $0xF;
	v3, _, _ =	vpop (xrf0);
	(xrf0) =	vadd.scan.msk.s32 $0xffff, v2  }
0x5b: {  	(v2sf) =	vpush v3, $0xF;
	v2, _, _ =	vpop (xrf0);
	(xrf0) =	vadd.scan.msk.s32 $0xffff, v1  }
0x5c: {  	(v2sf) =	vpush v2, $0xF;
	v2, _, _ =	vpop (xrf0)  }
0x5d: {  	v1, _, _ =	vpop (xrf0);
	(v2sf) =	vpush v2, $0xF  }
0x5e: {  	v2, _, _ =	vpop (xrf0);
	(v2sf) =	vpush v1, $0xF  }
0x5f: {  	v1, _, _ =	vpop (xrf0);
	(v2sf) =	vpush v2, $0xF  }
0x60: {  	v2, _, _ =	vpop (xrf0);
	(v2sf) =	vpush v1, $0xF  }
0x61: {  	(v2sf) =	vpush v2, $0xF;
	v1, _, _ =	vpop (xrf0)  }
0x62: {  	[smem:$0x0] =	sst s9;
	s10 =	spop (v2sf);
	(v2sf) =	vpush v1, $0xF  }
0x63: {  	s1 =	spop (v2sf);
	[smem:$0x1] =	sst s10  }
0x64: {  	s11 =	spop (v2sf);
	[smem:$0x2] =	sst s1  }
0x65: {  	s12 =	spop (v2sf);
	[smem:$0x3] =	sst s11  }
0x66: {  	s13 =	spop (v2sf);
	[smem:$0x4] =	sst s12  }
0x67: {  	s14 =	spop (v2sf);
	[smem:$0x5] =	sst s13  }
0x68: {  	s15 =	spop (v2sf);
	[smem:$0x6] =	sst s14  }
0x69: {  	s16 =	spop (v2sf);
	[smem:$0x7] =	sst s15  }
0x6a: {  	s17 =	spop (v2sf);
	[smem:$0x8] =	sst s16  }
0x6b: {  	[smem:$0x9] =	sst s17;
	s18 =	spop (v2sf)  }
0x6c: {  	s21 =	spop (v2sf);
	[smem:$0xA] =	sst s18  }
0x6d: {  	s22 =	spop (v2sf);
	[smem:$0xB] =	sst s21  }
0x6e: {  	s23 =	spop (v2sf);
	[smem:$0xC] =	sst s22  }
0x6f: {  	s29 =	sand.u32 $0x70, s9;
	s26 =	spop (v2sf);
	[smem:$0xD] =	sst s23  }
0x70: {  	s30 =	sand.u32 $0x1C00, s9;
	s28 =	spop (v2sf);
	[smem:$0xE] =	sst s26  }
0x71: {  	s0 =	sor.u32 s29, s30;
	[smem:$0xF] =	sst s28;
	s31 =	spop (v2sf)  }
0x72: {  	s2 =	simm.s32 $0x0;
	[tilespmem:s0+$0x18100] =	vst v0;
	s1 =	simm.s32 $0x10;
	[smem:$0x10] =	sst s31  }
.LBB2_2:
0x73: {  	p1 =	sne.s32 s1, $0x2F0  }
.Ltmp2:
0x74: {  	_ = 	snop;
	(pc) =	sbr.rel @p1 .LBB2_2-.Ltmp2, $4  }
0x75: {  	s2 =	sadd.s32 $0x80, s2  }
0x76: {  	s0 =	sand.u32 $0x70, s1;
	s3 =	sand.u32 $0x1C00, s2  }
0x77: {  	s0 =	sor.u32 s0, s3  }
0x78: {  	s1 =	sadd.s32 $0x10, s1;
	[tilespmem:s0+$0x18100] =	vst v0;
	s0 =	simm.s32 $0x0  }
0x79: {  	s1 =	sand.u32 $0x70, s0;
	s2 =	sand.u32 $0x1C00, s0  }
0x7a: {  	s1 =	sor.u32 s1, s2  }
0x7b: {  	s3 =	simm.s32 $0x0;
	s2 =	simm.s32 $0x10;
	[tilespmem:s1+$0x18180] =	vst v0  }
.LBB2_4:
0x7c: {  	p1 =	sne.s32 s2, $0x2F0  }
.Ltmp3:
0x7d: {  	_ = 	snop;
	(pc) =	sbr.rel @p1 .LBB2_4-.Ltmp3, $4  }
0x7e: {  	s3 =	sadd.s32 $0x80, s3  }
0x7f: {  	s4 =	sand.u32 $0x70, s2;
	s5 =	sand.u32 $0x1C00, s3  }
0x80: {  	s4 =	sor.u32 s4, s5  }
0x81: {  	s2 =	sadd.s32 $0x10, s2;
	[tilespmem:s4+$0x18180] =	vst v0  }
0x82: {  	s2 =	simm.s32 $0x10;
	[tilespmem:s1+$0x18200] =	vst v0  }
.LBB2_6:
0x83: {  	p1 =	sne.s32 s2, $0x2F0  }
.Ltmp4:
0x84: {  	_ = 	snop;
	(pc) =	sbr.rel @p1 .LBB2_6-.Ltmp4, $4  }
0x85: {  	s0 =	sadd.s32 $0x80, s0  }
0x86: {  	s1 =	sand.u32 $0x70, s2;
	s3 =	sand.u32 $0x1C00, s0  }
0x87: {  	s1 =	sor.u32 s1, s3  }
0x88: {  	s2 =	sadd.s32 $0x10, s2;
	[tilespmem:s1+$0x18200] =	vst v0;
	s1 =	simm.s32 $0x0  }
0x89: {  	s0 =	sand.u32 $0x70, s1;
	s2 =	sand.u32 $0x1C00, s1  }
0x8a: {  	s0 =	sor.u32 s0, s2  }
0x8b: {  	s3 =	simm.s32 $0x0;
	s2 =	simm.s32 $0x10;
	[tilespmem:s0+$0x18280] =	vst v0  }
.LBB2_8:
0x8c: {  	p1 =	sne.s32 s2, $0x2F0  }
.Ltmp5:
0x8d: {  	_ = 	snop;
	(pc) =	sbr.rel @p1 .LBB2_8-.Ltmp5, $4  }
0x8e: {  	s3 =	sadd.s32 $0x80, s3  }
0x8f: {  	s4 =	sand.u32 $0x70, s2;
	s5 =	sand.u32 $0x1C00, s3  }
0x90: {  	s4 =	sor.u32 s4, s5  }
0x91: {  	s2 =	sadd.s32 $0x10, s2;
	[tilespmem:s4+$0x18280] =	vst v0  }
0x92: {  	s3 =	simm.s32 $0x10;
	[tilespmem:s0+$0x18300] =	vst v0  }
.LBB2_10:
0x93: {  	p1 =	sne.s32 s3, $0x2F0  }
.Ltmp6:
0x94: {  	_ = 	snop;
	(pc) =	sbr.rel @p1 .LBB2_10-.Ltmp6, $4  }
0x95: {  	s1 =	sadd.s32 $0x80, s1  }
0x96: {  	s0 =	sand.u32 $0x70, s3;
	s2 =	sand.u32 $0x1C00, s1  }
0x97: {  	s0 =	sor.u32 s0, s2  }
0x98: {  	s3 =	sadd.s32 $0x10, s3;
	s2 =	simm.s32 $0x0;
	[tilespmem:s0+$0x18300] =	vst v0  }
0x99: {  	s0 =	sand.u32 $0x70, s2;
	s1 =	sand.u32 $0x1C00, s2  }
0x9a: {  	s0 =	sor.u32 s0, s1  }
0x9b: {  	s3 =	simm.s32 $0x0;
	s1 =	simm.s32 $0x10;
	[tilespmem:s0+$0x18380] =	vst v0  }
.LBB2_12:
0x9c: {  	p1 =	sne.s32 s1, $0x2F0  }
.Ltmp7:
0x9d: {  	_ = 	snop;
	(pc) =	sbr.rel @p1 .LBB2_12-.Ltmp7, $4  }
0x9e: {  	s3 =	sadd.s32 $0x80, s3  }
0x9f: {  	s4 =	sand.u32 $0x70, s1;
	s5 =	sand.u32 $0x1C00, s3  }
0xa0: {  	s4 =	sor.u32 s4, s5  }
0xa1: {  	s1 =	sadd.s32 $0x10, s1;
	[tilespmem:s4+$0x18380] =	vst v0  }
0xa2: {  	s1 =	simm.s32 $0x10;
	[tilespmem:s0+$0x18400] =	vst v0  }
.LBB2_14:
0xa3: {  	p1 =	sne.s32 s1, $0x2F0  }
.Ltmp8:
0xa4: {  	_ = 	snop;
	(pc) =	sbr.rel @p1 .LBB2_14-.Ltmp8, $4  }
0xa5: {  	s2 =	sadd.s32 $0x80, s2  }
0xa6: {  	s0 =	sand.u32 $0x70, s1;
	s3 =	sand.u32 $0x1C00, s2  }
0xa7: {  	s0 =	sor.u32 s0, s3  }
0xa8: {  	s1 =	sadd.s32 $0x10, s1;
	[tilespmem:s0+$0x18400] =	vst v0;
	s0 =	simm.s32 $0x0  }
0xa9: {  	s2 =	sor.u32 s0, s0  }
0xaa: {  	s1 =	simm.s32 $0x10;
	s3 =	sor.u32 $0x380, s2;
	s2 =	simm.s32 $0x0  }
.LBB2_16:
0xab: {  	p1 =	sne.s32 s1, $0x2F0  }
0xac: {  	[tilespmem:s3+$0x18100] =	vst v0;
	s2 =	sadd.s32 $0x80, s2;
	s3 =	smov.u32 s1;
	s1 =	sadd.s32 $0x10, s1  }
.Ltmp9:
0xad: {  	(pc) =	sbr.rel @p1 .LBB2_16-.Ltmp9, $3  }
0xae: {  	_ =	sdelay $0x1  }
0xaf: {  	s3 =	sor.u32 s2, s3  }
0xb0: {  	s3 =	sor.u32 $0x380, s3  }
0xb1: {  	s1 =	sand.u32 $0x70, s0;
	s2 =	sand.u32 $0x1C00, s0  }
0xb2: {  	[tilespmem:s3+$0x18100] =	vst v0;
	s1 =	sor.u32 s1, s2  }
0xb3: {  	s2 =	simm.s32 $0x10;
	[tilespmem:s1+$0x19900] =	vst v0  }
.LBB2_18:
0xb4: {  	p1 =	sne.s32 s2, $0x2F0  }
.Ltmp10:
0xb5: {  	_ = 	snop;
	(pc) =	sbr.rel @p1 .LBB2_18-.Ltmp10, $4  }
0xb6: {  	s0 =	sadd.s32 $0x80, s0  }
0xb7: {  	s1 =	sand.u32 $0x70, s2;
	s3 =	sand.u32 $0x1C00, s0  }
0xb8: {  	s1 =	sor.u32 s1, s3  }
0xb9: {  	s2 =	sadd.s32 $0x10, s2;
	[tilespmem:s1+$0x19900] =	vst v0;
	s1 =	simm.s32 $0x0  }
0xba: {  	s0 =	sand.u32 $0x70, s1;
	s2 =	sand.u32 $0x1C00, s1  }
0xbb: {  	s0 =	sor.u32 s0, s2  }
0xbc: {  	s3 =	simm.s32 $0x0;
	s2 =	simm.s32 $0x10;
	[tilespmem:s0+$0x19980] =	vst v0  }
.LBB2_20:
0xbd: {  	p1 =	sne.s32 s2, $0x2F0  }
.Ltmp11:
0xbe: {  	_ = 	snop;
	(pc) =	sbr.rel @p1 .LBB2_20-.Ltmp11, $4  }
0xbf: {  	s3 =	sadd.s32 $0x80, s3  }
0xc0: {  	s4 =	sand.u32 $0x70, s2;
	s5 =	sand.u32 $0x1C00, s3  }
0xc1: {  	s4 =	sor.u32 s4, s5  }
0xc2: {  	s2 =	sadd.s32 $0x10, s2;
	[tilespmem:s4+$0x19980] =	vst v0  }
0xc3: {  	s2 =	simm.s32 $0x10;
	[tilespmem:s0+$0x19A00] =	vst v0  }
.LBB2_22:
0xc4: {  	p1 =	sne.s32 s2, $0x2F0  }
.Ltmp12:
0xc5: {  	_ = 	snop;
	(pc) =	sbr.rel @p1 .LBB2_22-.Ltmp12, $4  }
0xc6: {  	s1 =	sadd.s32 $0x80, s1  }
0xc7: {  	s0 =	sand.u32 $0x70, s2;
	s3 =	sand.u32 $0x1C00, s1  }
0xc8: {  	s0 =	sor.u32 s0, s3  }
0xc9: {  	s2 =	sadd.s32 $0x10, s2;
	[tilespmem:s0+$0x19A00] =	vst v0;
	s0 =	simm.s32 $0x0  }
0xca: {  	s1 =	sand.u32 $0x70, s0;
	s2 =	sand.u32 $0x1C00, s0  }
0xcb: {  	s1 =	sor.u32 s1, s2  }
0xcc: {  	s3 =	simm.s32 $0x0;
	s2 =	simm.s32 $0x10;
	[tilespmem:s1+$0x19A80] =	vst v0  }
.LBB2_24:
0xcd: {  	p1 =	sne.s32 s2, $0x2F0  }
.Ltmp13:
0xce: {  	_ = 	snop;
	(pc) =	sbr.rel @p1 .LBB2_24-.Ltmp13, $4  }
0xcf: {  	s3 =	sadd.s32 $0x80, s3  }
0xd0: {  	s4 =	sand.u32 $0x70, s2;
	s5 =	sand.u32 $0x1C00, s3  }
0xd1: {  	s4 =	sor.u32 s4, s5  }
0xd2: {  	s2 =	sadd.s32 $0x10, s2;
	[tilespmem:s4+$0x19A80] =	vst v0  }
0xd3: {  	s2 =	simm.s32 $0x10;
	[tilespmem:s1+$0x19B00] =	vst v0  }
.LBB2_26:
0xd4: {  	p1 =	sne.s32 s2, $0x2F0  }
.Ltmp14:
0xd5: {  	_ = 	snop;
	(pc) =	sbr.rel @p1 .LBB2_26-.Ltmp14, $4  }
0xd6: {  	s0 =	sadd.s32 $0x80, s0  }
0xd7: {  	s1 =	sand.u32 $0x70, s2;
	s3 =	sand.u32 $0x1C00, s0  }
0xd8: {  	s1 =	sor.u32 s1, s3  }
0xd9: {  	s2 =	sadd.s32 $0x10, s2;
	[tilespmem:s1+$0x19B00] =	vst v0;
	s1 =	simm.s32 $0x0  }
0xda: {  	s0 =	sand.u32 $0x70, s1;
	s2 =	sand.u32 $0x1C00, s1  }
0xdb: {  	s2 =	sor.u32 s0, s2  }
0xdc: {  	s0 =	simm.s32 $0x10;
	[tilespmem:s2+$0x19B80] =	vst v0;
	s2 =	simm.s32 $0x0  }
.LBB2_28:
0xdd: {  	p1 =	sne.s32 s0, $0x2F0  }
.Ltmp15:
0xde: {  	_ = 	snop;
	(pc) =	sbr.rel @p1 .LBB2_28-.Ltmp15, $4  }
0xdf: {  	s2 =	sadd.s32 $0x80, s2  }
0xe0: {  	s3 =	sand.u32 $0x70, s0;
	s4 =	sand.u32 $0x1C00, s2  }
0xe1: {  	s3 =	sor.u32 s3, s4  }
0xe2: {  	s0 =	sadd.s32 $0x10, s0;
	[tilespmem:s3+$0x19B80] =	vst v0  }
0xe3: {  	s0 =	simm.s32 $0x0  }
.LBB2_30:
0xe4: {  	p1 =	sne.s32 s0, $0x2F0  }
.Ltmp16:
0xe5: {  	_ = 	snop;
	(pc) =	sbr.rel @p1 .LBB2_30-.Ltmp16, $4  }
0xe6: {  	_ = 	snop  }
0xe7: {  	s2 =	sand.u32 $0x70, s0;
	s3 =	sand.u32 $0x1C00, s1  }
0xe8: {  	s2 =	sor.u32 s2, s3  }
0xe9: {  	s1 =	sadd.s32 $0x80, s1;
	s0 =	sadd.s32 $0x10, s0;
	[tilespmem:s2+$0x19C00] =	vst v0  }
0xea: {  	s0 =	simm.s32 $0x0  }
0xeb: {  	s1 =	sand.u32 $0x70, s0;
	s2 =	sand.u32 $0x1C00, s0  }
0xec: {  	s2 =	sor.u32 s1, s2  }
0xed: {  	s1 =	simm.s32 $0x10;
	[tilespmem:s2+$0x19C80] =	vst v0  }
.LBB2_32:
0xee: {  	p1 =	sne.s32 s1, $0x2F0  }
.Ltmp17:
0xef: {  	_ = 	snop;
	(pc) =	sbr.rel @p1 .LBB2_32-.Ltmp17, $4  }
0xf0: {  	s0 =	sadd.s32 $0x80, s0  }
0xf1: {  	s2 =	sand.u32 $0x70, s1;
	s3 =	sand.u32 $0x1C00, s0  }
0xf2: {  	s2 =	sor.u32 s2, s3  }
0xf3: {  	s1 =	sadd.s32 $0x10, s1;
	[tilespmem:s2+$0x19C80] =	vst v0  }
0xf4: {  	s0 =	rddreg [dreg:$0x7]  }
0xf5: {  	s26 =	rddreg [dreg:$0x6]  }
0xf6: {  	s29 =	simm.s32 $0x0;
	s30 =	rddreg [dreg:$0xf]  }
0xf7: {  	s1 =	simm.s32 $0x100;
	s28 =	simm.s32 $0xC100;
	s31 =	rddreg [dreg:$0xe]  }
0xf8: {  	[tilespmem:s1], [sflag:$0x1] =	stream.linear.gather [hbm4b:s0+s29], $0xC000, $0x38;
	[tilespmem:$0x1B100] =	vst v63  }
0xf9: {  	p1 =	por $0x1, $0x1;
	s15 =	rddreg [dreg:$0xd];
	s5 =	simm.s32 $0x0  }
0xfa: {  	[tilespmem:s28], [sflag:$0x2] =	stream.linear.gather [hbm4b:s26+s29], $0xC000, $0x38;
	[tilespmem:$0x1B100] =	vst v63  }
.LBB2_34:
.Ltmp18:
0xfb: {  	(pc) =	sbr.rel .LBB2_35-.Ltmp18, $4  }
0xfc: {  	_ =	swait.ge [sflag:s24], $0xC000  }
0xfd: {  	s26 =	sor.u32 s19, s5;
	s0 =	sshll.u32 s5, $0x7;
	s22 =	sadd.s32 s29, s5  }
0xfe: {  	s7 =	simm.s32 $0x0;
	[sflag:s24] =	ssyncset.done $0x0;
	s1 =	rddreg [dreg:$0x11]  }
0xff: {  	s12 =	sor.u32 $0x40, s26;
	[sflag:s24] =	ssyncadd.s32 $0xFFFF4000;
	s2 =	ssub.s32 s1, s0  }
.LBB2_51:
0x100: {  	v13 =	vld [tilespmem:s1+$0x19100];
	_ =	sdelay $0x4  }
0x101: {  	v4 =	vadd.f32 v13, v4;
	_ =	sdelay $0x1  }
0x102: {  	s0 =	sadd.s32 $0x19100, s1;
	[tilespmem:s1+$0x19100] =	vst v4  }
0x103: {  	v4 =	vld [tilespmem:s0+$0x10]  }
0x104: {  	v57 =	vld [tilespmem:s0+$0x20]  }
0x105: {  	v14 =	vld [tilespmem:s0+$0x30]  }
0x106: {  	v18 =	vld [tilespmem:s0+$0x40]  }
0x107: {  	v19 =	vld [tilespmem:s0+$0x50]  }
0x108: {  	v58 =	vld [tilespmem:s0+$0x60];
	v1 =	vadd.f32 v4, v1  }
0x109: {  	v59 =	vld [tilespmem:s0+$0x70];
	v3 =	vadd.f32 v57, v3  }
0x10a: {  	[tilespmem:s0+$0x10] =	vst v1;
	v1 =	vadd.f32 v14, v2  }
0x10b: {  	[tilespmem:s0+$0x20] =	vst v3;
	v2 =	vadd.f32 v18, v5  }
0x10c: {  	[tilespmem:s0+$0x30] =	vst v1;
	v1 =	vadd.f32 v19, v6  }
0x10d: {  	[tilespmem:s0+$0x40] =	vst v2;
	v2 =	vadd.f32 v58, v7  }
0x10e: {  	[tilespmem:s0+$0x50] =	vst v1;
	v1 =	vadd.f32 v59, v8  }
0x10f: {  	[tilespmem:s0+$0x60] =	vst v2  }
0x110: {  	[tilespmem:s0+$0x70] =	vst v1  }
0x111: {  	v1 =	vld [tilespmem:s1+$0x19500];
	_ =	sdelay $0x4  }
0x112: {  	v1 =	vadd.f32 v1, v23;
	_ =	sdelay $0x1  }
0x113: {  	s28 =	sadd.s32 $0x19500, s1;
	[tilespmem:s1+$0x19500] =	vst v1  }
0x114: {  	v1 =	vld [tilespmem:s28+$0x10]  }
0x115: {  	v2 =	vld [tilespmem:s28+$0x20]  }
0x116: {  	v3 =	vld [tilespmem:s28+$0x30]  }
0x117: {  	v60 =	vld [tilespmem:s28+$0x40]  }
0x118: {  	v61 =	vld [tilespmem:s28+$0x50]  }
0x119: {  	v62 =	vld [tilespmem:s28+$0x60];
	v1 =	vadd.f32 v1, v15  }
0x11a: {  	v63 =	vld [tilespmem:s28+$0x70];
	v2 =	vadd.f32 v2, v17  }
0x11b: {  	[tilespmem:s28+$0x10] =	vst v1;
	v1 =	vadd.f32 v3, v16  }
0x11c: {  	[tilespmem:s28+$0x20] =	vst v2;
	v2 =	vadd.f32 v60, v9  }
0x11d: {  	[tilespmem:s28+$0x30] =	vst v1;
	v1 =	vadd.f32 v61, v10  }
0x11e: {  	[tilespmem:s28+$0x40] =	vst v2;
	v2 =	vadd.f32 v62, v11  }
0x11f: {  	[tilespmem:s28+$0x50] =	vst v1;
	v1 =	vadd.f32 v63, v12  }
0x120: {  	[tilespmem:s28+$0x60] =	vst v2  }
0x121: {  	[tilespmem:s28+$0x70] =	vst v1  }
.LBB2_52:
0x122: {  	s7 =	sadd.s32 $0x1, s7  }
0x123: {  	p2 =	sne.s32 s7, $0x10  }
.Ltmp19:
0x124: {  	_ = 	snop;
	(pc) =	sbr.rel @!p2 .LBB2_53-.Ltmp19, $1  }
0x125: {  	_ =	sdelay $0x3  }
.LBB2_35:
0x126: {  	s9 =	sld [smem:s7+$0x1];
	_ =	sdelay $0x1  }
0x127: {  	s1 =	sld [smem:s7+$0x0]  }
0x128: {  	s4 =	smov.u32 s26;
	p2 =	sgt.s32 s9, s26  }
0x129: {  	s0 =	smov.u32 s26;
	s4 =	smov.u32 @p2 s9  }
0x12a: {  	s3 =	smov.u32 s12;
	p2 =	sgt.s32 s1, s26;
	p3 =	slt.s32 s4, s12  }
0x12b: {  	s0 =	smov.u32 @p2 s1;
	s3 =	smov.u32 @p3 s4  }
0x12c: {  	p2 =	sge.u32 s0, s3  }
.Ltmp20:
0x12d: {  	_ = 	snop;
	(pc) =	sbr.rel @p2 .LBB2_52-.Ltmp20, $1  }
0x12e: {  	_ =	sdelay $0x3  }
0x12f: {  	p2 =	slt.s32 s0, s12;
	s1 =	smov.u32 s12  }
0x130: {  	s1 =	smov.u32 @p2 s0  }
0x131: {  	s13 =	ssub.s32 s3, s26;
	s0 =	ssub.s32 s1, s26  }
0x132: {  	s14 =	ssub.s32 s13, s0  }
0x133: {  	s4 =	sshra.s32 s14, $0x1F  }
0x134: {  	s4 =	sshrl.u32 s4, $0x1E  }
0x135: {  	s4 =	sadd.s32 s4, s14  }
0x136: {  	s16 =	sand.u32 $0xFFFFFFFC, s4  }
0x137: {  	p2 =	slt.s32 s16, $0x1  }
.Ltmp21:
0x138: {  	_ = 	snop;
	(pc) =	sbr.rel @p2 .LBB2_37-.Ltmp21, $3  }
0x139: {  	_ =	sdelay $0x1  }
0x13a: {  	s1 =	sshll.u32 s1, $0x7  }
0x13b: {  	s18 =	sadd.s32 s1, s2;
	s8 =	sadd.s32 s0, s16  }
0x13c: {  	s4 =	sshrl.u32 s0, $0x3  }
0x13d: {  	s17 =	sadd.s32 s1, s2;
	s4 =	smul.u32 $0x6000, s4  }
0x13e: {  	s21 =	sadd.s32 $0xFFD00000, s17  }
0x13f: {  	s21 =	sand.u32 $0x380, s21;
	s4 =	sshra.s32 s4, $0x2  }
0x140: {  	s4 =	sor.u32 s21, s4  }
0x141: {  	v1 =	vld [tilespmem:s4+$0x100]  }
0x142: {  	v2 =	vld [tilespmem:s4+$0x110]  }
0x143: {  	v3 =	vld [tilespmem:s4+$0x120]  }
0x144: {  	v4 =	vld [tilespmem:s4+$0x130]  }
0x145: {  	v5 =	vld [tilespmem:s4+$0x140]  }
0x146: {  	v6 =	vld [tilespmem:s4+$0x150]  }
0x147: {  	v7 =	vld [tilespmem:s4+$0x160]  }
0x148: {  	v8 =	vld [tilespmem:s4+$0x170]  }
0x149: {  	v19 =	vld [tilespmem:s4+$0x500]  }
0x14a: {  	v20 =	vld [tilespmem:s4+$0x510]  }
0x14b: {  	s6 =	sadd.s32 $0x3, s0;
	v21 =	vld [tilespmem:s4+$0x520]  }
0x14c: {  	s21 =	sshrl.u32 s6, $0x3;
	v23 =	vld [tilespmem:s4+$0x530]  }
0x14d: {  	v10 =	vld [tilespmem:s4+$0x540];
	s21 =	smul.u32 $0x6000, s21  }
0x14e: {  	s23 =	sadd.s32 $0xFFD00180, s17;
	v12 =	vld [tilespmem:s4+$0x550]  }
0x14f: {  	s23 =	sand.u32 $0x380, s23;
	v11 =	vld [tilespmem:s4+$0x560];
	s21 =	sshra.s32 s21, $0x2  }
0x150: {  	v13 =	vld [tilespmem:s4+$0x570];
	s21 =	sor.u32 s23, s21  }
0x151: {  	v22 =	vld [tilespmem:s21+$0x100]  }
0x152: {  	v24 =	vld [tilespmem:s21+$0x110]  }
0x153: {  	v25 =	vld [tilespmem:s21+$0x120]  }
0x154: {  	v26 =	vld [tilespmem:s21+$0x130]  }
0x155: {  	v27 =	vld [tilespmem:s21+$0x140]  }
0x156: {  	v28 =	vld [tilespmem:s21+$0x150]  }
0x157: {  	v29 =	vld [tilespmem:s21+$0x160]  }
0x158: {  	s10 =	sadd.s32 $0x2, s0;
	v30 =	vld [tilespmem:s21+$0x170]  }
0x159: {  	s4 =	sshrl.u32 s10, $0x3;
	v15 =	vld [tilespmem:s21+$0x500]  }
0x15a: {  	s4 =	smul.u32 $0x6000, s4;
	v16 =	vld [tilespmem:s21+$0x510]  }
0x15b: {  	s11 =	sadd.s32 $0x1, s0;
	s28 =	sadd.s32 $0xFFD00100, s17;
	v17 =	vld [tilespmem:s21+$0x520]  }
0x15c: {  	s6 =	sand.u32 $0x380, s28;
	s23 =	sshrl.u32 s11, $0x3;
	s4 =	sshra.s32 s4, $0x2;
	v18 =	vld [tilespmem:s21+$0x530]  }
0x15d: {  	s11 =	smul.u32 $0x6000, s23;
	v14 =	vld [tilespmem:s21+$0x540];
	s23 =	sor.u32 s6, s4  }
0x15e: {  	v31 =	vld [tilespmem:s23+$0x100]  }
0x15f: {  	v32 =	vld [tilespmem:s23+$0x110]  }
0x160: {  	v37 =	vld [tilespmem:s23+$0x120]  }
0x161: {  	v38 =	vld [tilespmem:s23+$0x130]  }
0x162: {  	s28 =	sadd.s32 $0xFFD00080, s17;
	v39 =	vld [tilespmem:s23+$0x140]  }
0x163: {  	s10 =	sand.u32 $0x380, s28;
	v55 =	vld [tilespmem:s23+$0x150];
	s11 =	sshra.s32 s11, $0x2  }
0x164: {  	v9 =	vimm.f32 $0.0e+00;
	v62 =	vld [tilespmem:s23+$0x520];
	s4 =	sor.u32 s10, s11  }
0x165: {  	v1 =	vadd.f32 v1, v9;
	v33 =	vld [tilespmem:s4+$0x100]  }
0x166: {  	v2 =	vadd.f32 v2, v9;
	v3 =	vadd.f32 v3, v9;
	v34 =	vld [tilespmem:s4+$0x110]  }
0x167: {  	v4 =	vadd.f32 v4, v9;
	v5 =	vadd.f32 v5, v9;
	v36 =	vld [tilespmem:s4+$0x130]  }
0x168: {  	v6 =	vadd.f32 v6, v9;
	v7 =	vadd.f32 v7, v9;
	v35 =	vld [tilespmem:s4+$0x120]  }
0x169: {  	v8 =	vadd.f32 v8, v9;
	v19 =	vadd.f32 v19, v9;
	v56 =	vld [tilespmem:s4+$0x140]  }
0x16a: {  	v20 =	vadd.f32 v20, v9;
	v57 =	vld [tilespmem:s4+$0x150];
	v1 =	vadd.f32 v33, v1  }
0x16b: {  	v21 =	vadd.f32 v21, v9;
	v59 =	vld [tilespmem:s4+$0x170];
	v2 =	vadd.f32 v34, v2  }
0x16c: {  	v60 =	vld [tilespmem:s4+$0x510];
	v4 =	vadd.f32 v36, v4;
	v1 =	vadd.f32 v31, v1  }
0x16d: {  	v23 =	vadd.f32 v23, v9;
	v2 =	vadd.f32 v32, v2;
	v31 =	vld [tilespmem:s4+$0x160]  }
0x16e: {  	v58 =	vadd.f32 v38, v4;
	v4 =	vadd.f32 v22, v1;
	v22 =	vld [tilespmem:s23+$0x160]  }
0x16f: {  	v3 =	vadd.f32 v35, v3;
	v1 =	vadd.f32 v24, v2;
	v24 =	vld [tilespmem:s23+$0x170]  }
0x170: {  	v63 =	vld [tilespmem:s23+$0x530];
	v5 =	vadd.f32 v56, v5;
	v6 =	vadd.f32 v57, v6  }
0x171: {  	v61 =	vld [tilespmem:s4+$0x520];
	v8 =	vadd.f32 v59, v8;
	v3 =	vadd.f32 v37, v3  }
0x172: {  	v20 =	vadd.f32 v60, v20;
	v7 =	vadd.f32 v31, v7;
	v31 =	vld [tilespmem:s4+$0x500]  }
0x173: {  	v6 =	vadd.f32 v55, v6;
	v3 =	vadd.f32 v25, v3;
	v25 =	vld [tilespmem:s23+$0x500]  }
0x174: {  	v7 =	vadd.f32 v22, v7;
	v22 =	vadd.f32 v24, v8;
	v24 =	vld [tilespmem:s4+$0x530]  }
0x175: {  	s28 =	sadd.s32 $0x4, s0;
	v5 =	vadd.f32 v39, v5;
	v2 =	vadd.f32 v26, v58;
	v26 =	vld [tilespmem:s23+$0x510]  }
0x176: {  	p3 =	slt.s32 s28, s8;
	v21 =	vadd.f32 v61, v21;
	v6 =	vadd.f32 v28, v6;
	v28 =	vld [tilespmem:s23+$0x550]  }
.Ltmp22:
0x177: {  	v8 =	vadd.f32 v27, v5;
	v27 =	vld [tilespmem:s23+$0x540];
	v19 =	vadd.f32 v31, v19;
	(pc) =	sbr.rel @!p3 .LBB2_76-.Ltmp22, $4  }
0x178: {  	v7 =	vadd.f32 v29, v7;
	v5 =	vadd.f32 v30, v22;
	v22 =	vld [tilespmem:s21+$0x550]  }
0x179: {  	v29 =	vld [tilespmem:s4+$0x540];
	v31 =	vadd.f32 v24, v23;
	v23 =	vadd.f32 v25, v19  }
0x17a: {  	v30 =	vld [tilespmem:s4+$0x550];
	v24 =	vadd.f32 v26, v20;
	v25 =	vadd.f32 v62, v21;
	v21 =	vimm.f32 $0.0e+00  }
0x17b: {  	v19 =	vimm.f32 $0.0e+00;
	v20 =	vimm.f32 $0.0e+00;
	v26 =	vadd.f32 v63, v31;
	v31 =	vld [tilespmem:s4+$0x560]  }
.LBB2_75:
0x17c: {  	s11 =	sshrl.u32 s28, $0x3;
	v32 =	vld [tilespmem:s4+$0x570];
	v23 =	vadd.f32 v15, v23;
	v24 =	vadd.f32 v16, v24  }
0x17d: {  	s17 =	sadd.s32 $0x200, s17;
	s4 =	smul.u32 $0x6000, s11;
	v15 =	vld [tilespmem:s23+$0x560];
	v25 =	vadd.f32 v17, v25;
	v26 =	vadd.f32 v18, v26  }
0x17e: {  	v9 =	vadd.f32 v10, v9;
	v10 =	vadd.f32 v12, v21;
	s11 =	sadd.s32 $0xFFD00000, s17;
	v12 =	vld [tilespmem:s23+$0x570]  }
0x17f: {  	v11 =	vadd.f32 v11, v19;
	v13 =	vadd.f32 v13, v20;
	s11 =	sand.u32 $0x380, s11;
	s4 =	sshra.s32 s4, $0x2;
	v16 =	vld [tilespmem:s21+$0x560]  }
0x180: {  	v9 =	vadd.f32 v29, v9;
	v10 =	vadd.f32 v30, v10;
	s4 =	sor.u32 s11, s4;
	v17 =	vld [tilespmem:s21+$0x570]  }
0x181: {  	v11 =	vadd.f32 v31, v11;
	v33 =	vld [tilespmem:s4+$0x100];
	v13 =	vadd.f32 v32, v13  }
0x182: {  	v9 =	vadd.f32 v27, v9;
	v10 =	vadd.f32 v28, v10;
	v31 =	vld [tilespmem:s4+$0x110]  }
0x183: {  	v11 =	vadd.f32 v15, v11;
	v32 =	vld [tilespmem:s4+$0x120];
	v12 =	vadd.f32 v12, v13  }
0x184: {  	v9 =	vadd.f32 v14, v9;
	v21 =	vadd.f32 v22, v10;
	v34 =	vld [tilespmem:s4+$0x130]  }
0x185: {  	v19 =	vadd.f32 v16, v11;
	v35 =	vld [tilespmem:s4+$0x140];
	v20 =	vadd.f32 v17, v12  }
0x186: {  	v36 =	vld [tilespmem:s4+$0x150]  }
0x187: {  	v37 =	vld [tilespmem:s4+$0x160]  }
0x188: {  	v38 =	vld [tilespmem:s4+$0x170]  }
0x189: {  	v28 =	vld [tilespmem:s4+$0x500]  }
0x18a: {  	v29 =	vld [tilespmem:s4+$0x510]  }
0x18b: {  	s11 =	sadd.s32 $0x3, s28;
	v27 =	vld [tilespmem:s4+$0x520]  }
0x18c: {  	s11 =	sshrl.u32 s11, $0x3;
	v30 =	vld [tilespmem:s4+$0x530]  }
0x18d: {  	s11 =	smul.u32 $0x6000, s11;
	v10 =	vld [tilespmem:s4+$0x540]  }
0x18e: {  	s21 =	sadd.s32 $0xFFD00180, s17;
	v12 =	vld [tilespmem:s4+$0x550]  }
0x18f: {  	s21 =	sand.u32 $0x380, s21;
	s11 =	sshra.s32 s11, $0x2;
	v11 =	vld [tilespmem:s4+$0x560]  }
0x190: {  	s21 =	sor.u32 s21, s11;
	v13 =	vld [tilespmem:s4+$0x570]  }
0x191: {  	v39 =	vld [tilespmem:s21+$0x100]  }
0x192: {  	v40 =	vld [tilespmem:s21+$0x110]  }
0x193: {  	v41 =	vld [tilespmem:s21+$0x120]  }
0x194: {  	v42 =	vld [tilespmem:s21+$0x130]  }
0x195: {  	v43 =	vld [tilespmem:s21+$0x140]  }
0x196: {  	v44 =	vld [tilespmem:s21+$0x150]  }
0x197: {  	v45 =	vld [tilespmem:s21+$0x160]  }
0x198: {  	v46 =	vld [tilespmem:s21+$0x170]  }
0x199: {  	s4 =	sadd.s32 $0x2, s28;
	v15 =	vld [tilespmem:s21+$0x500]  }
0x19a: {  	s4 =	sshrl.u32 s4, $0x3;
	v16 =	vld [tilespmem:s21+$0x510]  }
0x19b: {  	s11 =	sadd.s32 $0x1, s28;
	s4 =	smul.u32 $0x6000, s4;
	v17 =	vld [tilespmem:s21+$0x520]  }
0x19c: {  	s23 =	sadd.s32 $0xFFD00100, s17;
	s11 =	sshrl.u32 s11, $0x3;
	v18 =	vld [tilespmem:s21+$0x530]  }
0x19d: {  	s23 =	sand.u32 $0x380, s23;
	s11 =	smul.u32 $0x6000, s11;
	s4 =	sshra.s32 s4, $0x2;
	v14 =	vld [tilespmem:s21+$0x540]  }
0x19e: {  	s6 =	sadd.s32 $0xFFD00080, s17;
	s23 =	sor.u32 s23, s4;
	v22 =	vld [tilespmem:s21+$0x550]  }
0x19f: {  	s4 =	sand.u32 $0x380, s6;
	s6 =	sshra.s32 s11, $0x2;
	v47 =	vld [tilespmem:s23+$0x100]  }
0x1a0: {  	s4 =	sor.u32 s4, s6;
	v48 =	vld [tilespmem:s23+$0x110]  }
0x1a1: {  	v49 =	vld [tilespmem:s4+$0x100]  }
0x1a2: {  	v50 =	vld [tilespmem:s4+$0x110]  }
0x1a3: {  	v51 =	vld [tilespmem:s4+$0x120]  }
0x1a4: {  	v52 =	vld [tilespmem:s4+$0x130]  }
0x1a5: {  	v53 =	vld [tilespmem:s23+$0x120]  }
0x1a6: {  	v4 =	vadd.f32 v33, v4;
	v1 =	vadd.f32 v31, v1;
	v31 =	vld [tilespmem:s23+$0x130]  }
0x1a7: {  	v3 =	vadd.f32 v32, v3;
	v2 =	vadd.f32 v34, v2;
	v32 =	vld [tilespmem:s23+$0x140]  }
0x1a8: {  	v4 =	vadd.f32 v49, v4;
	v1 =	vadd.f32 v50, v1;
	v33 =	vld [tilespmem:s23+$0x150]  }
0x1a9: {  	v3 =	vadd.f32 v51, v3;
	v2 =	vadd.f32 v52, v2;
	v34 =	vld [tilespmem:s4+$0x140]  }
0x1aa: {  	v4 =	vadd.f32 v47, v4;
	v1 =	vadd.f32 v48, v1;
	v49 =	vld [tilespmem:s4+$0x150]  }
0x1ab: {  	v3 =	vadd.f32 v53, v3;
	v47 =	vld [tilespmem:s4+$0x160];
	v2 =	vadd.f32 v31, v2  }
0x1ac: {  	v4 =	vadd.f32 v39, v4;
	v1 =	vadd.f32 v40, v1;
	v31 =	vld [tilespmem:s4+$0x170]  }
0x1ad: {  	v3 =	vadd.f32 v41, v3;
	v39 =	vld [tilespmem:s23+$0x160];
	v2 =	vadd.f32 v42, v2  }
0x1ae: {  	v8 =	vadd.f32 v35, v8;
	v6 =	vadd.f32 v36, v6;
	v35 =	vld [tilespmem:s23+$0x170]  }
0x1af: {  	v7 =	vadd.f32 v37, v7;
	v5 =	vadd.f32 v38, v5;
	v36 =	vld [tilespmem:s23+$0x500]  }
0x1b0: {  	v8 =	vadd.f32 v34, v8;
	v6 =	vadd.f32 v49, v6;
	v34 =	vld [tilespmem:s23+$0x510]  }
0x1b1: {  	v7 =	vadd.f32 v47, v7;
	v5 =	vadd.f32 v31, v5;
	v31 =	vld [tilespmem:s4+$0x500]  }
0x1b2: {  	v8 =	vadd.f32 v32, v8;
	v6 =	vadd.f32 v33, v6;
	v37 =	vld [tilespmem:s4+$0x510]  }
0x1b3: {  	v7 =	vadd.f32 v39, v7;
	v32 =	vld [tilespmem:s4+$0x520];
	v5 =	vadd.f32 v35, v5  }
0x1b4: {  	v8 =	vadd.f32 v43, v8;
	v6 =	vadd.f32 v44, v6;
	v33 =	vld [tilespmem:s4+$0x530]  }
0x1b5: {  	s28 =	sadd.s32 $0x4, s28;
	v7 =	vadd.f32 v45, v7;
	v35 =	vld [tilespmem:s23+$0x520];
	v5 =	vadd.f32 v46, v5  }
0x1b6: {  	v23 =	vadd.f32 v28, v23;
	v24 =	vadd.f32 v29, v24;
	p3 =	slt.s32 s28, s8;
	v38 =	vld [tilespmem:s23+$0x530]  }
.Ltmp23:
0x1b7: {  	v25 =	vadd.f32 v27, v25;
	v26 =	vadd.f32 v30, v26;
	v27 =	vld [tilespmem:s23+$0x540];
	(pc) =	sbr.rel @p3 .LBB2_75-.Ltmp23, $4  }
0x1b8: {  	v23 =	vadd.f32 v31, v23;
	v24 =	vadd.f32 v37, v24;
	v28 =	vld [tilespmem:s23+$0x550]  }
0x1b9: {  	v25 =	vadd.f32 v32, v25;
	v26 =	vadd.f32 v33, v26;
	v29 =	vld [tilespmem:s4+$0x540]  }
0x1ba: {  	v23 =	vadd.f32 v36, v23;
	v24 =	vadd.f32 v34, v24;
	v30 =	vld [tilespmem:s4+$0x550]  }
0x1bb: {  	v25 =	vadd.f32 v35, v25;
	v31 =	vld [tilespmem:s4+$0x560];
	v26 =	vadd.f32 v38, v26  }
.LBB2_76:
0x1bc: {  	v32 =	vld [tilespmem:s4+$0x570];
	v23 =	vadd.f32 v15, v23;
	v16 =	vadd.f32 v16, v24  }
0x1bd: {  	v63 =	vld [tilespmem:s23+$0x560];
	v9 =	vadd.f32 v10, v9;
	v10 =	vadd.f32 v12, v21  }
0x1be: {  	v12 =	vld [tilespmem:s23+$0x570];
	v11 =	vadd.f32 v11, v19;
	v13 =	vadd.f32 v13, v20  }
0x1bf: {  	v19 =	vld [tilespmem:s21+$0x570];
	v17 =	vadd.f32 v17, v25;
	v15 =	vadd.f32 v18, v26  }
0x1c0: {  	v18 =	vld [tilespmem:s21+$0x560];
	v9 =	vadd.f32 v29, v9;
	v10 =	vadd.f32 v30, v10  }
.Ltmp24:
0x1c1: {  	v11 =	vadd.f32 v31, v11;
	v13 =	vadd.f32 v32, v13;
	(pc) =	sbr.rel .LBB2_38-.Ltmp24, $4  }
0x1c2: {  	v9 =	vadd.f32 v27, v9;
	v10 =	vadd.f32 v28, v10  }
0x1c3: {  	v11 =	vadd.f32 v63, v11;
	v12 =	vadd.f32 v12, v13  }
0x1c4: {  	v9 =	vadd.f32 v14, v9;
	v10 =	vadd.f32 v22, v10  }
0x1c5: {  	v11 =	vadd.f32 v18, v11;
	v12 =	vadd.f32 v19, v12  }
.LBB2_37:
0x1c6: {  	v4 =	vimm.f32 $0.0e+00  }
0x1c7: {  	v1 =	vimm.f32 $0.0e+00;
	v3 =	vimm.f32 $0.0e+00;
	v2 =	vimm.f32 $0.0e+00  }
0x1c8: {  	v8 =	vimm.f32 $0.0e+00;
	v6 =	vimm.f32 $0.0e+00;
	v7 =	vimm.f32 $0.0e+00  }
0x1c9: {  	v5 =	vimm.f32 $0.0e+00;
	v23 =	vimm.f32 $0.0e+00;
	v16 =	vimm.f32 $0.0e+00  }
0x1ca: {  	v17 =	vimm.f32 $0.0e+00;
	v15 =	vimm.f32 $0.0e+00;
	v9 =	vimm.f32 $0.0e+00  }
0x1cb: {  	v10 =	vimm.f32 $0.0e+00;
	v11 =	vimm.f32 $0.0e+00;
	v12 =	vimm.f32 $0.0e+00  }
.LBB2_38:
0x1cc: {  	p4 =	sge.s32 s8, s13  }
.Ltmp25:
0x1cd: {  	_ = 	snop;
	(pc) =	sbr.rel @p4 .LBB2_41-.Ltmp25, $3  }
0x1ce: {  	_ =	sdelay $0x1  }
0x1cf: {  	s16 =	ssub.s32 s14, s16  }
0x1d0: {  	p3 =	sgt.s32 s9, s15;
	s17 =	sadd.s32 s16, s22  }
0x1d1: {  	s4 =	smov.u32 s15  }
0x1d2: {  	s4 =	smov.u32 @p3 s9  }
0x1d3: {  	s13 =	smov.u32 s31;
	p5 =	slt.s32 s4, s31  }
0x1d4: {  	s28 =	sadd.s32 s3, s20;
	s14 =	sadd.s32 s16, s5;
	s13 =	smov.u32 @p5 s4  }
0x1d5: {  	s14 =	ssub.s32 s28, s14;
	s13 =	sadd.s32 s13, s17  }
0x1d6: {  	s4 =	ssub.s32 s13, s3;
	s13 =	sshll.u32 s14, $0x7;
	s14 =	smov.u32 s8  }
.LBB2_40:
0x1d7: {  	s6 =	sshrl.u32 s14, $0x3  }
0x1d8: {  	s6 =	smul.u32 $0x6000, s6;
	_ =	sdelay $0x1  }
0x1d9: {  	s11 =	sand.u32 $0x380, s13;
	s6 =	sshra.s32 s6, $0x2  }
0x1da: {  	s6 =	sor.u32 s11, s6  }
0x1db: {  	v13 =	vld [tilespmem:s6+$0x100]  }
0x1dc: {  	v14 =	vld [tilespmem:s6+$0x110]  }
0x1dd: {  	v18 =	vld [tilespmem:s6+$0x120]  }
0x1de: {  	v19 =	vld [tilespmem:s6+$0x130]  }
0x1df: {  	v20 =	vld [tilespmem:s6+$0x140]  }
0x1e0: {  	v21 =	vld [tilespmem:s6+$0x150]  }
0x1e1: {  	v22 =	vld [tilespmem:s6+$0x160]  }
0x1e2: {  	v24 =	vld [tilespmem:s6+$0x170]  }
0x1e3: {  	v25 =	vld [tilespmem:s6+$0x500]  }
0x1e4: {  	v26 =	vld [tilespmem:s6+$0x510]  }
0x1e5: {  	v27 =	vld [tilespmem:s6+$0x520]  }
0x1e6: {  	v28 =	vld [tilespmem:s6+$0x530]  }
0x1e7: {  	v29 =	vld [tilespmem:s6+$0x540]  }
0x1e8: {  	v4 =	vadd.f32 v13, v4;
	v1 =	vadd.f32 v14, v1;
	v13 =	vld [tilespmem:s6+$0x550]  }
0x1e9: {  	v3 =	vadd.f32 v18, v3;
	v2 =	vadd.f32 v19, v2;
	v14 =	vld [tilespmem:s6+$0x560]  }
0x1ea: {  	p5 =	sne.s32 s4, $0x1;
	v8 =	vadd.f32 v20, v8;
	v6 =	vadd.f32 v21, v6;
	v18 =	vld [tilespmem:s6+$0x570]  }
.Ltmp26:
0x1eb: {  	v7 =	vadd.f32 v22, v7;
	v5 =	vadd.f32 v24, v5;
	(pc) =	sbr.rel @p5 .LBB2_40-.Ltmp26, $4  }
0x1ec: {  	v23 =	vadd.f32 v25, v23;
	v16 =	vadd.f32 v26, v16  }
0x1ed: {  	v17 =	vadd.f32 v27, v17;
	v15 =	vadd.f32 v28, v15  }
0x1ee: {  	v9 =	vadd.f32 v29, v9;
	v10 =	vadd.f32 v13, v10  }
0x1ef: {  	s14 =	sadd.s32 $0x1, s14;
	s13 =	sadd.s32 $0x80, s13;
	s4 =	sadd.s32 $0xFFFFFFFF, s4;
	v11 =	vadd.f32 v14, v11;
	v12 =	vadd.f32 v18, v12  }
.LBB2_41:
0x1f0: {  	s4 =	sshrl.u32 s7, $0x3  }
0x1f1: {  	s4 =	smul.u32 $0x6000, s4  }
0x1f2: {  	s6 =	sshll.u32 s7, $0x7  }
0x1f3: {  	s13 =	sand.u32 $0x380, s6;
	s14 =	sshra.s32 s4, $0x2  }
0x1f4: {  	s4 =	sor.u32 s13, s14  }
0x1f5: {  	v13 =	vld [tilespmem:s4+$0x18100];
	_ =	sdelay $0x4  }
0x1f6: {  	v4 =	vadd.f32 v13, v4;
	_ =	sdelay $0x1  }
0x1f7: {  	s28 =	sadd.s32 $0x18100, s4;
	[tilespmem:s4+$0x18100] =	vst v4  }
0x1f8: {  	v4 =	vld [tilespmem:s28+$0x10]  }
0x1f9: {  	v55 =	vld [tilespmem:s28+$0x20]  }
0x1fa: {  	v14 =	vld [tilespmem:s28+$0x30]  }
0x1fb: {  	v18 =	vld [tilespmem:s28+$0x40]  }
0x1fc: {  	v19 =	vld [tilespmem:s28+$0x50]  }
0x1fd: {  	v56 =	vld [tilespmem:s28+$0x60];
	v1 =	vadd.f32 v4, v1  }
0x1fe: {  	v57 =	vld [tilespmem:s28+$0x70];
	v3 =	vadd.f32 v55, v3  }
0x1ff: {  	[tilespmem:s28+$0x10] =	vst v1;
	v1 =	vadd.f32 v14, v2;
	v2 =	vld [tilespmem:s28+$0x400]  }
0x200: {  	v58 =	vld [tilespmem:s28+$0x410];
	[tilespmem:s28+$0x20] =	vst v3;
	v3 =	vadd.f32 v18, v8  }
0x201: {  	v59 =	vld [tilespmem:s28+$0x420];
	[tilespmem:s28+$0x30] =	vst v1;
	v1 =	vadd.f32 v19, v6  }
0x202: {  	v60 =	vld [tilespmem:s28+$0x430];
	[tilespmem:s28+$0x40] =	vst v3;
	v3 =	vadd.f32 v56, v7  }
0x203: {  	v61 =	vld [tilespmem:s28+$0x440];
	[tilespmem:s28+$0x50] =	vst v1;
	v1 =	vadd.f32 v57, v5  }
0x204: {  	[tilespmem:s28+$0x60] =	vst v3;
	v3 =	vld [tilespmem:s28+$0x450];
	v2 =	vadd.f32 v2, v23  }
0x205: {  	v62 =	vld [tilespmem:s28+$0x460];
	[tilespmem:s28+$0x70] =	vst v1;
	v1 =	vadd.f32 v58, v16  }
0x206: {  	v63 =	vld [tilespmem:s28+$0x470];
	[tilespmem:s28+$0x400] =	vst v2;
	v2 =	vadd.f32 v59, v17  }
0x207: {  	[tilespmem:s28+$0x410] =	vst v1;
	v1 =	vadd.f32 v60, v15  }
0x208: {  	[tilespmem:s28+$0x420] =	vst v2;
	v2 =	vadd.f32 v61, v9  }
.Ltmp27:
0x209: {  	[tilespmem:s28+$0x430] =	vst v1;
	v1 =	vadd.f32 v3, v10;
	(pc) =	sbr.rel @p2 .LBB2_42-.Ltmp27, $4  }
0x20a: {  	[tilespmem:s28+$0x440] =	vst v2;
	v2 =	vadd.f32 v62, v11  }
0x20b: {  	[tilespmem:s28+$0x450] =	vst v1;
	v1 =	vadd.f32 v63, v12  }
0x20c: {  	[tilespmem:s28+$0x460] =	vst v2  }
0x20d: {  	[tilespmem:s28+$0x470] =	vst v1  }
0x20e: {  	s4 =	sshrl.u32 s0, $0x3  }
0x20f: {  	s1 =	sadd.s32 s1, s2;
	s4 =	smul.u32 $0x6000, s4  }
0x210: {  	s6 =	sadd.s32 $0xFFD00000, s1  }
0x211: {  	s6 =	sand.u32 $0x380, s6;
	s4 =	sshra.s32 s4, $0x2  }
0x212: {  	s4 =	sor.u32 s6, s4  }
0x213: {  	v1 =	vld [tilespmem:s4+$0x900]  }
0x214: {  	v2 =	vld [tilespmem:s4+$0x910]  }
0x215: {  	v3 =	vld [tilespmem:s4+$0x920]  }
0x216: {  	v4 =	vld [tilespmem:s4+$0x930]  }
0x217: {  	v5 =	vld [tilespmem:s4+$0x940]  }
0x218: {  	v6 =	vld [tilespmem:s4+$0x950]  }
0x219: {  	v7 =	vld [tilespmem:s4+$0x960]  }
0x21a: {  	v8 =	vld [tilespmem:s4+$0x970]  }
0x21b: {  	v19 =	vld [tilespmem:s4+$0xD00]  }
0x21c: {  	v20 =	vld [tilespmem:s4+$0xD10]  }
0x21d: {  	s10 =	sadd.s32 $0x3, s0;
	v21 =	vld [tilespmem:s4+$0xD20]  }
0x21e: {  	s6 =	sshrl.u32 s10, $0x3;
	v23 =	vld [tilespmem:s4+$0xD30]  }
0x21f: {  	v10 =	vld [tilespmem:s4+$0xD40];
	s6 =	smul.u32 $0x6000, s6  }
0x220: {  	s11 =	sadd.s32 $0xFFD00180, s1;
	v12 =	vld [tilespmem:s4+$0xD50]  }
0x221: {  	s11 =	sand.u32 $0x380, s11;
	v11 =	vld [tilespmem:s4+$0xD60];
	s6 =	sshra.s32 s6, $0x2  }
0x222: {  	v13 =	vld [tilespmem:s4+$0xD70];
	s21 =	sor.u32 s11, s6  }
0x223: {  	v22 =	vld [tilespmem:s21+$0x900]  }
0x224: {  	v24 =	vld [tilespmem:s21+$0x910]  }
0x225: {  	v25 =	vld [tilespmem:s21+$0x920]  }
0x226: {  	v26 =	vld [tilespmem:s21+$0x930]  }
0x227: {  	v27 =	vld [tilespmem:s21+$0x940]  }
0x228: {  	v28 =	vld [tilespmem:s21+$0x950]  }
0x229: {  	v29 =	vld [tilespmem:s21+$0x960]  }
0x22a: {  	s11 =	sadd.s32 $0x2, s0;
	v30 =	vld [tilespmem:s21+$0x970]  }
0x22b: {  	v15 =	vld [tilespmem:s21+$0xD00];
	s4 =	sshrl.u32 s11, $0x3  }
0x22c: {  	v16 =	vld [tilespmem:s21+$0xD10];
	s4 =	smul.u32 $0x6000, s4  }
0x22d: {  	s10 =	sadd.s32 $0xFFD00100, s1;
	v17 =	vld [tilespmem:s21+$0xD20]  }
0x22e: {  	s23 =	sadd.s32 $0x1, s0;
	v18 =	vld [tilespmem:s21+$0xD30];
	s11 =	sand.u32 $0x380, s10;
	s4 =	sshra.s32 s4, $0x2  }
0x22f: {  	s6 =	sshrl.u32 s23, $0x3;
	v14 =	vld [tilespmem:s21+$0xD40];
	s23 =	sor.u32 s11, s4  }
0x230: {  	v31 =	vld [tilespmem:s23+$0x900]  }
0x231: {  	v32 =	vld [tilespmem:s23+$0x910]  }
0x232: {  	v37 =	vld [tilespmem:s23+$0x920]  }
0x233: {  	s6 =	smul.u32 $0x6000, s6;
	v38 =	vld [tilespmem:s23+$0x930]  }
0x234: {  	s28 =	sadd.s32 $0xFFD00080, s1;
	v39 =	vld [tilespmem:s23+$0x940]  }
0x235: {  	s6 =	sshra.s32 s6, $0x2;
	s11 =	sand.u32 $0x380, s28;
	v55 =	vld [tilespmem:s23+$0x950]  }
0x236: {  	v9 =	vimm.f32 $0.0e+00;
	s4 =	sor.u32 s11, s6;
	v62 =	vld [tilespmem:s23+$0xD20]  }
0x237: {  	v1 =	vadd.f32 v1, v9;
	v33 =	vld [tilespmem:s4+$0x900]  }
0x238: {  	v2 =	vadd.f32 v2, v9;
	v3 =	vadd.f32 v3, v9;
	v34 =	vld [tilespmem:s4+$0x910]  }
0x239: {  	v4 =	vadd.f32 v4, v9;
	v5 =	vadd.f32 v5, v9;
	v36 =	vld [tilespmem:s4+$0x930]  }
0x23a: {  	v6 =	vadd.f32 v6, v9;
	v7 =	vadd.f32 v7, v9;
	v35 =	vld [tilespmem:s4+$0x920]  }
0x23b: {  	v8 =	vadd.f32 v8, v9;
	v19 =	vadd.f32 v19, v9;
	v56 =	vld [tilespmem:s4+$0x940]  }
0x23c: {  	v20 =	vadd.f32 v20, v9;
	v21 =	vadd.f32 v21, v9;
	v57 =	vld [tilespmem:s4+$0x950]  }
0x23d: {  	v59 =	vld [tilespmem:s4+$0x970];
	v1 =	vadd.f32 v33, v1;
	v2 =	vadd.f32 v34, v2  }
0x23e: {  	v23 =	vadd.f32 v23, v9;
	v60 =	vld [tilespmem:s4+$0xD10];
	v4 =	vadd.f32 v36, v4  }
0x23f: {  	v1 =	vadd.f32 v31, v1;
	v2 =	vadd.f32 v32, v2;
	v31 =	vld [tilespmem:s4+$0x960]  }
0x240: {  	v61 =	vld [tilespmem:s4+$0xD20];
	v3 =	vadd.f32 v35, v3;
	v58 =	vadd.f32 v38, v4  }
0x241: {  	v4 =	vadd.f32 v22, v1;
	v1 =	vadd.f32 v24, v2;
	v24 =	vld [tilespmem:s23+$0x970]  }
0x242: {  	v63 =	vld [tilespmem:s23+$0xD30];
	v5 =	vadd.f32 v56, v5;
	v6 =	vadd.f32 v57, v6  }
0x243: {  	v8 =	vadd.f32 v59, v8;
	v3 =	vadd.f32 v37, v3;
	v22 =	vld [tilespmem:s23+$0x960]  }
0x244: {  	v20 =	vadd.f32 v60, v20;
	v7 =	vadd.f32 v31, v7;
	v31 =	vld [tilespmem:s4+$0xD00]  }
0x245: {  	v21 =	vadd.f32 v61, v21;
	v3 =	vadd.f32 v25, v3;
	v25 =	vld [tilespmem:s23+$0xD00]  }
0x246: {  	v5 =	vadd.f32 v39, v5;
	v8 =	vadd.f32 v24, v8;
	v24 =	vld [tilespmem:s4+$0xD30]  }
0x247: {  	s28 =	sadd.s32 $0x4, s0;
	v6 =	vadd.f32 v55, v6;
	v2 =	vadd.f32 v26, v58;
	v26 =	vld [tilespmem:s23+$0xD10]  }
0x248: {  	p5 =	slt.s32 s28, s8;
	v5 =	vadd.f32 v27, v5;
	v27 =	vld [tilespmem:s23+$0xD40];
	v7 =	vadd.f32 v22, v7  }
.Ltmp28:
0x249: {  	v6 =	vadd.f32 v28, v6;
	v28 =	vld [tilespmem:s23+$0xD50];
	v19 =	vadd.f32 v31, v19;
	(pc) =	sbr.rel @!p5 .LBB2_79-.Ltmp28, $4  }
0x24a: {  	v22 =	vld [tilespmem:s21+$0xD50];
	v7 =	vadd.f32 v29, v7;
	v8 =	vadd.f32 v30, v8  }
0x24b: {  	v29 =	vld [tilespmem:s4+$0xD40];
	v31 =	vadd.f32 v24, v23;
	v23 =	vadd.f32 v25, v19  }
0x24c: {  	v30 =	vld [tilespmem:s4+$0xD50];
	v24 =	vadd.f32 v26, v20;
	v25 =	vadd.f32 v62, v21;
	v21 =	vimm.f32 $0.0e+00  }
0x24d: {  	v19 =	vimm.f32 $0.0e+00;
	v20 =	vimm.f32 $0.0e+00;
	v26 =	vadd.f32 v63, v31;
	v31 =	vld [tilespmem:s4+$0xD60]  }
.LBB2_78:
0x24e: {  	s6 =	sshrl.u32 s28, $0x3;
	v32 =	vld [tilespmem:s4+$0xD70];
	v23 =	vadd.f32 v15, v23;
	v24 =	vadd.f32 v16, v24  }
0x24f: {  	s1 =	sadd.s32 $0x200, s1;
	s4 =	smul.u32 $0x6000, s6;
	v15 =	vld [tilespmem:s23+$0xD60];
	v25 =	vadd.f32 v17, v25;
	v26 =	vadd.f32 v18, v26  }
0x250: {  	v9 =	vadd.f32 v10, v9;
	v10 =	vadd.f32 v12, v21;
	s6 =	sadd.s32 $0xFFD00000, s1;
	v12 =	vld [tilespmem:s23+$0xD70]  }
0x251: {  	v11 =	vadd.f32 v11, v19;
	v13 =	vadd.f32 v13, v20;
	s6 =	sand.u32 $0x380, s6;
	s4 =	sshra.s32 s4, $0x2;
	v16 =	vld [tilespmem:s21+$0xD60]  }
0x252: {  	v9 =	vadd.f32 v29, v9;
	v10 =	vadd.f32 v30, v10;
	s4 =	sor.u32 s6, s4;
	v17 =	vld [tilespmem:s21+$0xD70]  }
0x253: {  	v11 =	vadd.f32 v31, v11;
	v33 =	vld [tilespmem:s4+$0x900];
	v13 =	vadd.f32 v32, v13  }
0x254: {  	v9 =	vadd.f32 v27, v9;
	v10 =	vadd.f32 v28, v10;
	v31 =	vld [tilespmem:s4+$0x910]  }
0x255: {  	v11 =	vadd.f32 v15, v11;
	v32 =	vld [tilespmem:s4+$0x920];
	v12 =	vadd.f32 v12, v13  }
0x256: {  	v9 =	vadd.f32 v14, v9;
	v21 =	vadd.f32 v22, v10;
	v34 =	vld [tilespmem:s4+$0x930]  }
0x257: {  	v19 =	vadd.f32 v16, v11;
	v35 =	vld [tilespmem:s4+$0x940];
	v20 =	vadd.f32 v17, v12  }
0x258: {  	v36 =	vld [tilespmem:s4+$0x950]  }
0x259: {  	v37 =	vld [tilespmem:s4+$0x960]  }
0x25a: {  	v38 =	vld [tilespmem:s4+$0x970]  }
0x25b: {  	v28 =	vld [tilespmem:s4+$0xD00]  }
0x25c: {  	v29 =	vld [tilespmem:s4+$0xD10]  }
0x25d: {  	s6 =	sadd.s32 $0x3, s28;
	v27 =	vld [tilespmem:s4+$0xD20]  }
0x25e: {  	s6 =	sshrl.u32 s6, $0x3;
	v30 =	vld [tilespmem:s4+$0xD30]  }
0x25f: {  	s6 =	smul.u32 $0x6000, s6;
	v10 =	vld [tilespmem:s4+$0xD40]  }
0x260: {  	s11 =	sadd.s32 $0xFFD00180, s1;
	v12 =	vld [tilespmem:s4+$0xD50]  }
0x261: {  	s11 =	sand.u32 $0x380, s11;
	s6 =	sshra.s32 s6, $0x2;
	v11 =	vld [tilespmem:s4+$0xD60]  }
0x262: {  	s21 =	sor.u32 s11, s6;
	v13 =	vld [tilespmem:s4+$0xD70]  }
0x263: {  	v39 =	vld [tilespmem:s21+$0x900]  }
0x264: {  	v40 =	vld [tilespmem:s21+$0x910]  }
0x265: {  	v41 =	vld [tilespmem:s21+$0x920]  }
0x266: {  	v42 =	vld [tilespmem:s21+$0x930]  }
0x267: {  	v43 =	vld [tilespmem:s21+$0x940]  }
0x268: {  	v44 =	vld [tilespmem:s21+$0x950]  }
0x269: {  	v45 =	vld [tilespmem:s21+$0x960]  }
0x26a: {  	v46 =	vld [tilespmem:s21+$0x970]  }
0x26b: {  	s4 =	sadd.s32 $0x2, s28;
	v15 =	vld [tilespmem:s21+$0xD00]  }
0x26c: {  	s4 =	sshrl.u32 s4, $0x3;
	v16 =	vld [tilespmem:s21+$0xD10]  }
0x26d: {  	s6 =	sadd.s32 $0x1, s28;
	s4 =	smul.u32 $0x6000, s4;
	v17 =	vld [tilespmem:s21+$0xD20]  }
0x26e: {  	s11 =	sadd.s32 $0xFFD00100, s1;
	s6 =	sshrl.u32 s6, $0x3;
	v18 =	vld [tilespmem:s21+$0xD30]  }
0x26f: {  	s11 =	sand.u32 $0x380, s11;
	s6 =	smul.u32 $0x6000, s6;
	s4 =	sshra.s32 s4, $0x2;
	v14 =	vld [tilespmem:s21+$0xD40]  }
0x270: {  	s10 =	sadd.s32 $0xFFD00080, s1;
	s23 =	sor.u32 s11, s4;
	v22 =	vld [tilespmem:s21+$0xD50]  }
0x271: {  	s6 =	sshra.s32 s6, $0x2;
	s4 =	sand.u32 $0x380, s10;
	v47 =	vld [tilespmem:s23+$0x900]  }
0x272: {  	s4 =	sor.u32 s4, s6;
	v48 =	vld [tilespmem:s23+$0x910]  }
0x273: {  	v49 =	vld [tilespmem:s4+$0x900]  }
0x274: {  	v50 =	vld [tilespmem:s4+$0x910]  }
0x275: {  	v51 =	vld [tilespmem:s4+$0x920]  }
0x276: {  	v52 =	vld [tilespmem:s4+$0x930]  }
0x277: {  	v53 =	vld [tilespmem:s23+$0x920]  }
0x278: {  	v4 =	vadd.f32 v33, v4;
	v1 =	vadd.f32 v31, v1;
	v31 =	vld [tilespmem:s23+$0x930]  }
0x279: {  	v3 =	vadd.f32 v32, v3;
	v2 =	vadd.f32 v34, v2;
	v32 =	vld [tilespmem:s23+$0x940]  }
0x27a: {  	v4 =	vadd.f32 v49, v4;
	v1 =	vadd.f32 v50, v1;
	v33 =	vld [tilespmem:s23+$0x950]  }
0x27b: {  	v3 =	vadd.f32 v51, v3;
	v2 =	vadd.f32 v52, v2;
	v34 =	vld [tilespmem:s4+$0x940]  }
0x27c: {  	v4 =	vadd.f32 v47, v4;
	v1 =	vadd.f32 v48, v1;
	v49 =	vld [tilespmem:s4+$0x950]  }
0x27d: {  	v3 =	vadd.f32 v53, v3;
	v47 =	vld [tilespmem:s4+$0x960];
	v2 =	vadd.f32 v31, v2  }
0x27e: {  	v4 =	vadd.f32 v39, v4;
	v1 =	vadd.f32 v40, v1;
	v31 =	vld [tilespmem:s4+$0x970]  }
0x27f: {  	v3 =	vadd.f32 v41, v3;
	v39 =	vld [tilespmem:s23+$0x960];
	v2 =	vadd.f32 v42, v2  }
0x280: {  	v5 =	vadd.f32 v35, v5;
	v6 =	vadd.f32 v36, v6;
	v35 =	vld [tilespmem:s23+$0x970]  }
0x281: {  	v7 =	vadd.f32 v37, v7;
	v8 =	vadd.f32 v38, v8;
	v36 =	vld [tilespmem:s23+$0xD00]  }
0x282: {  	v5 =	vadd.f32 v34, v5;
	v6 =	vadd.f32 v49, v6;
	v34 =	vld [tilespmem:s23+$0xD10]  }
0x283: {  	v7 =	vadd.f32 v47, v7;
	v8 =	vadd.f32 v31, v8;
	v31 =	vld [tilespmem:s4+$0xD00]  }
0x284: {  	v5 =	vadd.f32 v32, v5;
	v6 =	vadd.f32 v33, v6;
	v37 =	vld [tilespmem:s4+$0xD10]  }
0x285: {  	v7 =	vadd.f32 v39, v7;
	v32 =	vld [tilespmem:s4+$0xD20];
	v8 =	vadd.f32 v35, v8  }
0x286: {  	v5 =	vadd.f32 v43, v5;
	v6 =	vadd.f32 v44, v6;
	v33 =	vld [tilespmem:s4+$0xD30]  }
0x287: {  	s28 =	sadd.s32 $0x4, s28;
	v7 =	vadd.f32 v45, v7;
	v35 =	vld [tilespmem:s23+$0xD20];
	v8 =	vadd.f32 v46, v8  }
0x288: {  	v23 =	vadd.f32 v28, v23;
	v24 =	vadd.f32 v29, v24;
	p5 =	slt.s32 s28, s8;
	v38 =	vld [tilespmem:s23+$0xD30]  }
.Ltmp29:
0x289: {  	v25 =	vadd.f32 v27, v25;
	v26 =	vadd.f32 v30, v26;
	v27 =	vld [tilespmem:s23+$0xD40];
	(pc) =	sbr.rel @p5 .LBB2_78-.Ltmp29, $4  }
0x28a: {  	v23 =	vadd.f32 v31, v23;
	v24 =	vadd.f32 v37, v24;
	v28 =	vld [tilespmem:s23+$0xD50]  }
0x28b: {  	v25 =	vadd.f32 v32, v25;
	v26 =	vadd.f32 v33, v26;
	v29 =	vld [tilespmem:s4+$0xD40]  }
0x28c: {  	v23 =	vadd.f32 v36, v23;
	v24 =	vadd.f32 v34, v24;
	v30 =	vld [tilespmem:s4+$0xD50]  }
0x28d: {  	v25 =	vadd.f32 v35, v25;
	v31 =	vld [tilespmem:s4+$0xD60];
	v26 =	vadd.f32 v38, v26  }
.LBB2_79:
0x28e: {  	v32 =	vld [tilespmem:s4+$0xD70];
	v23 =	vadd.f32 v15, v23;
	v15 =	vadd.f32 v16, v24  }
0x28f: {  	v63 =	vld [tilespmem:s23+$0xD60];
	v9 =	vadd.f32 v10, v9;
	v10 =	vadd.f32 v12, v21  }
0x290: {  	v12 =	vld [tilespmem:s23+$0xD70];
	v11 =	vadd.f32 v11, v19;
	v13 =	vadd.f32 v13, v20  }
0x291: {  	v19 =	vld [tilespmem:s21+$0xD70];
	v17 =	vadd.f32 v17, v25;
	v16 =	vadd.f32 v18, v26  }
0x292: {  	v18 =	vld [tilespmem:s21+$0xD60];
	v9 =	vadd.f32 v29, v9;
	v10 =	vadd.f32 v30, v10  }
.Ltmp30:
0x293: {  	v11 =	vadd.f32 v31, v11;
	v13 =	vadd.f32 v32, v13;
	(pc) =	sbr.rel .LBB2_43-.Ltmp30, $4  }
0x294: {  	v9 =	vadd.f32 v27, v9;
	v10 =	vadd.f32 v28, v10  }
0x295: {  	v11 =	vadd.f32 v63, v11;
	v12 =	vadd.f32 v12, v13  }
0x296: {  	v9 =	vadd.f32 v14, v9;
	v10 =	vadd.f32 v22, v10  }
0x297: {  	v11 =	vadd.f32 v18, v11;
	v12 =	vadd.f32 v19, v12  }
.LBB2_42:
0x298: {  	v4 =	vimm.f32 $0.0e+00  }
0x299: {  	v1 =	vimm.f32 $0.0e+00;
	v3 =	vimm.f32 $0.0e+00;
	v2 =	vimm.f32 $0.0e+00  }
0x29a: {  	v5 =	vimm.f32 $0.0e+00;
	v6 =	vimm.f32 $0.0e+00;
	v7 =	vimm.f32 $0.0e+00  }
0x29b: {  	v8 =	vimm.f32 $0.0e+00;
	v23 =	vimm.f32 $0.0e+00;
	v15 =	vimm.f32 $0.0e+00  }
0x29c: {  	v17 =	vimm.f32 $0.0e+00;
	v16 =	vimm.f32 $0.0e+00;
	v9 =	vimm.f32 $0.0e+00  }
0x29d: {  	v10 =	vimm.f32 $0.0e+00;
	v11 =	vimm.f32 $0.0e+00;
	v12 =	vimm.f32 $0.0e+00  }
.LBB2_43:
.Ltmp31:
0x29e: {  	(pc) =	sbr.rel @p4 .LBB2_46-.Ltmp31, $1  }
0x29f: {  	_ =	sdelay $0x3  }
0x2a0: {  	s1 =	smov.u32 s15  }
0x2a1: {  	s1 =	smov.u32 @p3 s9  }
0x2a2: {  	s4 =	smov.u32 s31;
	p5 =	slt.s32 s1, s31  }
0x2a3: {  	s28 =	sadd.s32 s3, s20;
	s6 =	sadd.s32 s16, s5;
	s4 =	smov.u32 @p5 s1  }
0x2a4: {  	s6 =	ssub.s32 s28, s6;
	s4 =	sadd.s32 s4, s17  }
0x2a5: {  	s21 =	smov.u32 s8;
	s1 =	ssub.s32 s4, s3;
	s4 =	sshll.u32 s6, $0x7  }
.LBB2_45:
0x2a6: {  	s6 =	sshrl.u32 s21, $0x3  }
0x2a7: {  	s6 =	smul.u32 $0x6000, s6;
	_ =	sdelay $0x1  }
0x2a8: {  	s10 =	sand.u32 $0x380, s4;
	s6 =	sshra.s32 s6, $0x2  }
0x2a9: {  	s6 =	sor.u32 s10, s6  }
0x2aa: {  	v13 =	vld [tilespmem:s6+$0x900]  }
0x2ab: {  	v14 =	vld [tilespmem:s6+$0x910]  }
0x2ac: {  	v18 =	vld [tilespmem:s6+$0x920]  }
0x2ad: {  	v19 =	vld [tilespmem:s6+$0x930]  }
0x2ae: {  	v20 =	vld [tilespmem:s6+$0x940]  }
0x2af: {  	v21 =	vld [tilespmem:s6+$0x950]  }
0x2b0: {  	v22 =	vld [tilespmem:s6+$0x960]  }
0x2b1: {  	v24 =	vld [tilespmem:s6+$0x970]  }
0x2b2: {  	v25 =	vld [tilespmem:s6+$0xD00]  }
0x2b3: {  	v26 =	vld [tilespmem:s6+$0xD10]  }
0x2b4: {  	v27 =	vld [tilespmem:s6+$0xD20]  }
0x2b5: {  	v28 =	vld [tilespmem:s6+$0xD30]  }
0x2b6: {  	v29 =	vld [tilespmem:s6+$0xD40]  }
0x2b7: {  	v4 =	vadd.f32 v13, v4;
	v1 =	vadd.f32 v14, v1;
	v13 =	vld [tilespmem:s6+$0xD50]  }
0x2b8: {  	v3 =	vadd.f32 v18, v3;
	v2 =	vadd.f32 v19, v2;
	v14 =	vld [tilespmem:s6+$0xD60]  }
0x2b9: {  	p5 =	sne.s32 s1, $0x1;
	v5 =	vadd.f32 v20, v5;
	v6 =	vadd.f32 v21, v6;
	v18 =	vld [tilespmem:s6+$0xD70]  }
.Ltmp32:
0x2ba: {  	v7 =	vadd.f32 v22, v7;
	v8 =	vadd.f32 v24, v8;
	(pc) =	sbr.rel @p5 .LBB2_45-.Ltmp32, $4  }
0x2bb: {  	v23 =	vadd.f32 v25, v23;
	v15 =	vadd.f32 v26, v15  }
0x2bc: {  	v17 =	vadd.f32 v27, v17;
	v16 =	vadd.f32 v28, v16  }
0x2bd: {  	v9 =	vadd.f32 v29, v9;
	v10 =	vadd.f32 v13, v10  }
0x2be: {  	s21 =	sadd.s32 $0x1, s21;
	s4 =	sadd.s32 $0x80, s4;
	s1 =	sadd.s32 $0xFFFFFFFF, s1;
	v11 =	vadd.f32 v14, v11;
	v12 =	vadd.f32 v18, v12  }
.LBB2_46:
0x2bf: {  	s1 =	sadd.s32 s13, s14  }
0x2c0: {  	v13 =	vld [tilespmem:s1+$0x18900];
	_ =	sdelay $0x4  }
0x2c1: {  	v4 =	vadd.f32 v13, v4;
	_ =	sdelay $0x1  }
0x2c2: {  	s4 =	sadd.s32 $0x18900, s1;
	[tilespmem:s1+$0x18900] =	vst v4  }
0x2c3: {  	v4 =	vld [tilespmem:s4+$0x10]  }
0x2c4: {  	v57 =	vld [tilespmem:s4+$0x20]  }
0x2c5: {  	v14 =	vld [tilespmem:s4+$0x30]  }
0x2c6: {  	v18 =	vld [tilespmem:s4+$0x40]  }
0x2c7: {  	v19 =	vld [tilespmem:s4+$0x50]  }
0x2c8: {  	v58 =	vld [tilespmem:s4+$0x60];
	v1 =	vadd.f32 v4, v1  }
0x2c9: {  	v59 =	vld [tilespmem:s4+$0x70];
	v3 =	vadd.f32 v57, v3  }
0x2ca: {  	[tilespmem:s4+$0x10] =	vst v1;
	v1 =	vadd.f32 v14, v2  }
0x2cb: {  	[tilespmem:s4+$0x20] =	vst v3;
	v2 =	vadd.f32 v18, v5  }
0x2cc: {  	[tilespmem:s4+$0x30] =	vst v1;
	v1 =	vadd.f32 v19, v6  }
0x2cd: {  	[tilespmem:s4+$0x40] =	vst v2;
	v2 =	vadd.f32 v58, v7  }
0x2ce: {  	[tilespmem:s4+$0x50] =	vst v1;
	v1 =	vadd.f32 v59, v8  }
0x2cf: {  	[tilespmem:s4+$0x60] =	vst v2  }
0x2d0: {  	[tilespmem:s4+$0x70] =	vst v1  }
0x2d1: {  	v1 =	vld [tilespmem:s1+$0x18D00];
	_ =	sdelay $0x4  }
0x2d2: {  	v1 =	vadd.f32 v1, v23;
	_ =	sdelay $0x1  }
0x2d3: {  	s28 =	sadd.s32 $0x18D00, s1;
	[tilespmem:s1+$0x18D00] =	vst v1  }
0x2d4: {  	v1 =	vld [tilespmem:s28+$0x10]  }
0x2d5: {  	v2 =	vld [tilespmem:s28+$0x20]  }
0x2d6: {  	v3 =	vld [tilespmem:s28+$0x30]  }
0x2d7: {  	v60 =	vld [tilespmem:s28+$0x40]  }
0x2d8: {  	v61 =	vld [tilespmem:s28+$0x50]  }
0x2d9: {  	v62 =	vld [tilespmem:s28+$0x60];
	v1 =	vadd.f32 v1, v15  }
0x2da: {  	v63 =	vld [tilespmem:s28+$0x70];
	v2 =	vadd.f32 v2, v17  }
0x2db: {  	[tilespmem:s28+$0x10] =	vst v1;
	v1 =	vadd.f32 v3, v16  }
0x2dc: {  	[tilespmem:s28+$0x20] =	vst v2;
	v2 =	vadd.f32 v60, v9  }
.Ltmp33:
0x2dd: {  	[tilespmem:s28+$0x30] =	vst v1;
	v1 =	vadd.f32 v61, v10;
	(pc) =	sbr.rel @p2 .LBB2_47-.Ltmp33, $4  }
0x2de: {  	[tilespmem:s28+$0x40] =	vst v2;
	v2 =	vadd.f32 v62, v11  }
0x2df: {  	[tilespmem:s28+$0x50] =	vst v1;
	v1 =	vadd.f32 v63, v12  }
0x2e0: {  	[tilespmem:s28+$0x60] =	vst v2  }
0x2e1: {  	[tilespmem:s28+$0x70] =	vst v1  }
0x2e2: {  	s4 =	sshrl.u32 s0, $0x3  }
0x2e3: {  	s4 =	smul.u32 $0x6000, s4  }
0x2e4: {  	s6 =	sadd.s32 $0xFFD00000, s18  }
0x2e5: {  	s6 =	sand.u32 $0x380, s6;
	s4 =	sshra.s32 s4, $0x2  }
0x2e6: {  	s4 =	sor.u32 s6, s4  }
0x2e7: {  	v1 =	vld [tilespmem:s4+$0x1100]  }
0x2e8: {  	v2 =	vld [tilespmem:s4+$0x1110]  }
0x2e9: {  	v3 =	vld [tilespmem:s4+$0x1120]  }
0x2ea: {  	v4 =	vld [tilespmem:s4+$0x1130]  }
0x2eb: {  	v5 =	vld [tilespmem:s4+$0x1140]  }
0x2ec: {  	v6 =	vld [tilespmem:s4+$0x1150]  }
0x2ed: {  	v7 =	vld [tilespmem:s4+$0x1160]  }
0x2ee: {  	v8 =	vld [tilespmem:s4+$0x1170]  }
0x2ef: {  	v19 =	vld [tilespmem:s4+$0x1500]  }
0x2f0: {  	v20 =	vld [tilespmem:s4+$0x1510]  }
0x2f1: {  	s13 =	sadd.s32 $0x3, s0;
	v21 =	vld [tilespmem:s4+$0x1520]  }
0x2f2: {  	s6 =	sshrl.u32 s13, $0x3;
	v23 =	vld [tilespmem:s4+$0x1530]  }
0x2f3: {  	v10 =	vld [tilespmem:s4+$0x1540];
	s6 =	smul.u32 $0x6000, s6  }
0x2f4: {  	s10 =	sadd.s32 $0xFFD00180, s18;
	v12 =	vld [tilespmem:s4+$0x1550]  }
0x2f5: {  	s10 =	sand.u32 $0x380, s10;
	v11 =	vld [tilespmem:s4+$0x1560];
	s6 =	sshra.s32 s6, $0x2  }
0x2f6: {  	v13 =	vld [tilespmem:s4+$0x1570];
	s13 =	sor.u32 s10, s6  }
0x2f7: {  	v22 =	vld [tilespmem:s13+$0x1100]  }
0x2f8: {  	v24 =	vld [tilespmem:s13+$0x1110]  }
0x2f9: {  	v25 =	vld [tilespmem:s13+$0x1120]  }
0x2fa: {  	v26 =	vld [tilespmem:s13+$0x1130]  }
0x2fb: {  	v27 =	vld [tilespmem:s13+$0x1140]  }
0x2fc: {  	v28 =	vld [tilespmem:s13+$0x1150]  }
0x2fd: {  	v29 =	vld [tilespmem:s13+$0x1160]  }
0x2fe: {  	s14 =	sadd.s32 $0x2, s0;
	v30 =	vld [tilespmem:s13+$0x1170]  }
0x2ff: {  	s4 =	sshrl.u32 s14, $0x3;
	v15 =	vld [tilespmem:s13+$0x1500]  }
0x300: {  	s4 =	smul.u32 $0x6000, s4;
	v16 =	vld [tilespmem:s13+$0x1510]  }
0x301: {  	s23 =	sadd.s32 $0xFFD00100, s18;
	v17 =	vld [tilespmem:s13+$0x1520]  }
0x302: {  	s10 =	sand.u32 $0x380, s23;
	s4 =	sshra.s32 s4, $0x2;
	v18 =	vld [tilespmem:s13+$0x1530]  }
0x303: {  	v14 =	vld [tilespmem:s13+$0x1540];
	s14 =	sor.u32 s10, s4  }
0x304: {  	v31 =	vld [tilespmem:s14+$0x1100]  }
0x305: {  	s21 =	sadd.s32 $0x1, s0;
	v32 =	vld [tilespmem:s14+$0x1110]  }
0x306: {  	s6 =	sshrl.u32 s21, $0x3;
	v37 =	vld [tilespmem:s14+$0x1120]  }
0x307: {  	s6 =	smul.u32 $0x6000, s6;
	v38 =	vld [tilespmem:s14+$0x1130]  }
0x308: {  	s11 =	sadd.s32 $0xFFD00080, s18;
	v39 =	vld [tilespmem:s14+$0x1140]  }
0x309: {  	s28 =	sand.u32 $0x380, s11;
	v55 =	vld [tilespmem:s14+$0x1150];
	s6 =	sshra.s32 s6, $0x2  }
0x30a: {  	v9 =	vimm.f32 $0.0e+00;
	v62 =	vld [tilespmem:s14+$0x1520];
	s4 =	sor.u32 s28, s6  }
0x30b: {  	v1 =	vadd.f32 v1, v9;
	v33 =	vld [tilespmem:s4+$0x1100]  }
0x30c: {  	v2 =	vadd.f32 v2, v9;
	v3 =	vadd.f32 v3, v9;
	v34 =	vld [tilespmem:s4+$0x1110]  }
0x30d: {  	v4 =	vadd.f32 v4, v9;
	v5 =	vadd.f32 v5, v9;
	v36 =	vld [tilespmem:s4+$0x1130]  }
0x30e: {  	v6 =	vadd.f32 v6, v9;
	v7 =	vadd.f32 v7, v9;
	v35 =	vld [tilespmem:s4+$0x1120]  }
0x30f: {  	v8 =	vadd.f32 v8, v9;
	v19 =	vadd.f32 v19, v9;
	v56 =	vld [tilespmem:s4+$0x1140]  }
0x310: {  	v20 =	vadd.f32 v20, v9;
	v21 =	vadd.f32 v21, v9;
	v57 =	vld [tilespmem:s4+$0x1150]  }
0x311: {  	v59 =	vld [tilespmem:s4+$0x1170];
	v1 =	vadd.f32 v33, v1;
	v2 =	vadd.f32 v34, v2  }
0x312: {  	v23 =	vadd.f32 v23, v9;
	v60 =	vld [tilespmem:s4+$0x1510];
	v4 =	vadd.f32 v36, v4  }
0x313: {  	v1 =	vadd.f32 v31, v1;
	v2 =	vadd.f32 v32, v2;
	v31 =	vld [tilespmem:s4+$0x1160]  }
0x314: {  	v61 =	vld [tilespmem:s4+$0x1520];
	v3 =	vadd.f32 v35, v3;
	v58 =	vadd.f32 v38, v4  }
0x315: {  	v4 =	vadd.f32 v22, v1;
	v1 =	vadd.f32 v24, v2;
	v24 =	vld [tilespmem:s14+$0x1170]  }
0x316: {  	v63 =	vld [tilespmem:s14+$0x1530];
	v5 =	vadd.f32 v56, v5;
	v6 =	vadd.f32 v57, v6  }
0x317: {  	v8 =	vadd.f32 v59, v8;
	v3 =	vadd.f32 v37, v3;
	v22 =	vld [tilespmem:s14+$0x1160]  }
0x318: {  	v20 =	vadd.f32 v60, v20;
	v7 =	vadd.f32 v31, v7;
	v31 =	vld [tilespmem:s4+$0x1500]  }
0x319: {  	v21 =	vadd.f32 v61, v21;
	v3 =	vadd.f32 v25, v3;
	v25 =	vld [tilespmem:s14+$0x1500]  }
0x31a: {  	v5 =	vadd.f32 v39, v5;
	v8 =	vadd.f32 v24, v8;
	v24 =	vld [tilespmem:s4+$0x1530]  }
0x31b: {  	s0 =	sadd.s32 $0x4, s0;
	v6 =	vadd.f32 v55, v6;
	v2 =	vadd.f32 v26, v58;
	v26 =	vld [tilespmem:s14+$0x1510]  }
0x31c: {  	p2 =	slt.s32 s0, s8;
	v5 =	vadd.f32 v27, v5;
	v27 =	vld [tilespmem:s14+$0x1540];
	v7 =	vadd.f32 v22, v7  }
.Ltmp34:
0x31d: {  	v6 =	vadd.f32 v28, v6;
	v28 =	vld [tilespmem:s14+$0x1550];
	v19 =	vadd.f32 v31, v19;
	(pc) =	sbr.rel @!p2 .LBB2_82-.Ltmp34, $4  }
0x31e: {  	v22 =	vld [tilespmem:s13+$0x1550];
	v7 =	vadd.f32 v29, v7;
	v8 =	vadd.f32 v30, v8  }
0x31f: {  	v29 =	vld [tilespmem:s4+$0x1540];
	v31 =	vadd.f32 v24, v23;
	v23 =	vadd.f32 v25, v19  }
0x320: {  	v30 =	vld [tilespmem:s4+$0x1550];
	v24 =	vadd.f32 v26, v20;
	v25 =	vadd.f32 v62, v21;
	v21 =	vimm.f32 $0.0e+00  }
0x321: {  	v19 =	vimm.f32 $0.0e+00;
	v20 =	vimm.f32 $0.0e+00;
	v26 =	vadd.f32 v63, v31;
	v31 =	vld [tilespmem:s4+$0x1560]  }
.LBB2_81:
0x322: {  	s6 =	sshrl.u32 s0, $0x3;
	v32 =	vld [tilespmem:s4+$0x1570];
	v23 =	vadd.f32 v15, v23;
	v24 =	vadd.f32 v16, v24  }
0x323: {  	s18 =	sadd.s32 $0x200, s18;
	s4 =	smul.u32 $0x6000, s6;
	v15 =	vld [tilespmem:s14+$0x1560];
	v25 =	vadd.f32 v17, v25;
	v26 =	vadd.f32 v18, v26  }
0x324: {  	v9 =	vadd.f32 v10, v9;
	v10 =	vadd.f32 v12, v21;
	s6 =	sadd.s32 $0xFFD00000, s18;
	v12 =	vld [tilespmem:s14+$0x1570]  }
0x325: {  	v11 =	vadd.f32 v11, v19;
	v13 =	vadd.f32 v13, v20;
	s6 =	sand.u32 $0x380, s6;
	s4 =	sshra.s32 s4, $0x2;
	v16 =	vld [tilespmem:s13+$0x1560]  }
0x326: {  	v9 =	vadd.f32 v29, v9;
	v10 =	vadd.f32 v30, v10;
	s4 =	sor.u32 s6, s4;
	v17 =	vld [tilespmem:s13+$0x1570]  }
0x327: {  	v11 =	vadd.f32 v31, v11;
	v33 =	vld [tilespmem:s4+$0x1100];
	v13 =	vadd.f32 v32, v13  }
0x328: {  	v9 =	vadd.f32 v27, v9;
	v10 =	vadd.f32 v28, v10;
	v31 =	vld [tilespmem:s4+$0x1110]  }
0x329: {  	v11 =	vadd.f32 v15, v11;
	v32 =	vld [tilespmem:s4+$0x1120];
	v12 =	vadd.f32 v12, v13  }
0x32a: {  	v9 =	vadd.f32 v14, v9;
	v21 =	vadd.f32 v22, v10;
	v34 =	vld [tilespmem:s4+$0x1130]  }
0x32b: {  	v19 =	vadd.f32 v16, v11;
	v35 =	vld [tilespmem:s4+$0x1140];
	v20 =	vadd.f32 v17, v12  }
0x32c: {  	v36 =	vld [tilespmem:s4+$0x1150]  }
0x32d: {  	v37 =	vld [tilespmem:s4+$0x1160]  }
0x32e: {  	v38 =	vld [tilespmem:s4+$0x1170]  }
0x32f: {  	v28 =	vld [tilespmem:s4+$0x1500]  }
0x330: {  	v29 =	vld [tilespmem:s4+$0x1510]  }
0x331: {  	s6 =	sadd.s32 $0x3, s0;
	v27 =	vld [tilespmem:s4+$0x1520]  }
0x332: {  	s6 =	sshrl.u32 s6, $0x3;
	v30 =	vld [tilespmem:s4+$0x1530]  }
0x333: {  	s6 =	smul.u32 $0x6000, s6;
	v10 =	vld [tilespmem:s4+$0x1540]  }
0x334: {  	s10 =	sadd.s32 $0xFFD00180, s18;
	v12 =	vld [tilespmem:s4+$0x1550]  }
0x335: {  	s10 =	sand.u32 $0x380, s10;
	s6 =	sshra.s32 s6, $0x2;
	v11 =	vld [tilespmem:s4+$0x1560]  }
0x336: {  	s13 =	sor.u32 s10, s6;
	v13 =	vld [tilespmem:s4+$0x1570]  }
0x337: {  	v39 =	vld [tilespmem:s13+$0x1100]  }
0x338: {  	v40 =	vld [tilespmem:s13+$0x1110]  }
0x339: {  	v41 =	vld [tilespmem:s13+$0x1120]  }
0x33a: {  	v42 =	vld [tilespmem:s13+$0x1130]  }
0x33b: {  	v43 =	vld [tilespmem:s13+$0x1140]  }
0x33c: {  	v44 =	vld [tilespmem:s13+$0x1150]  }
0x33d: {  	v45 =	vld [tilespmem:s13+$0x1160]  }
0x33e: {  	v46 =	vld [tilespmem:s13+$0x1170]  }
0x33f: {  	s4 =	sadd.s32 $0x2, s0;
	v15 =	vld [tilespmem:s13+$0x1500]  }
0x340: {  	s4 =	sshrl.u32 s4, $0x3;
	v16 =	vld [tilespmem:s13+$0x1510]  }
0x341: {  	s6 =	sadd.s32 $0x1, s0;
	s4 =	smul.u32 $0x6000, s4;
	v17 =	vld [tilespmem:s13+$0x1520]  }
0x342: {  	s10 =	sadd.s32 $0xFFD00100, s18;
	s6 =	sshrl.u32 s6, $0x3;
	v18 =	vld [tilespmem:s13+$0x1530]  }
0x343: {  	s10 =	sand.u32 $0x380, s10;
	s6 =	smul.u32 $0x6000, s6;
	s4 =	sshra.s32 s4, $0x2;
	v14 =	vld [tilespmem:s13+$0x1540]  }
0x344: {  	s11 =	sadd.s32 $0xFFD00080, s18;
	s14 =	sor.u32 s10, s4;
	v22 =	vld [tilespmem:s13+$0x1550]  }
0x345: {  	s6 =	sshra.s32 s6, $0x2;
	s4 =	sand.u32 $0x380, s11;
	v47 =	vld [tilespmem:s14+$0x1100]  }
0x346: {  	s4 =	sor.u32 s4, s6;
	v48 =	vld [tilespmem:s14+$0x1110]  }
0x347: {  	v49 =	vld [tilespmem:s4+$0x1100]  }
0x348: {  	v50 =	vld [tilespmem:s4+$0x1110]  }
0x349: {  	v51 =	vld [tilespmem:s4+$0x1120]  }
0x34a: {  	v52 =	vld [tilespmem:s4+$0x1130]  }
0x34b: {  	v53 =	vld [tilespmem:s14+$0x1120]  }
0x34c: {  	v4 =	vadd.f32 v33, v4;
	v1 =	vadd.f32 v31, v1;
	v31 =	vld [tilespmem:s14+$0x1130]  }
0x34d: {  	v3 =	vadd.f32 v32, v3;
	v2 =	vadd.f32 v34, v2;
	v32 =	vld [tilespmem:s14+$0x1140]  }
0x34e: {  	v4 =	vadd.f32 v49, v4;
	v1 =	vadd.f32 v50, v1;
	v33 =	vld [tilespmem:s14+$0x1150]  }
0x34f: {  	v3 =	vadd.f32 v51, v3;
	v2 =	vadd.f32 v52, v2;
	v34 =	vld [tilespmem:s4+$0x1140]  }
0x350: {  	v4 =	vadd.f32 v47, v4;
	v1 =	vadd.f32 v48, v1;
	v49 =	vld [tilespmem:s4+$0x1150]  }
0x351: {  	v3 =	vadd.f32 v53, v3;
	v47 =	vld [tilespmem:s4+$0x1160];
	v2 =	vadd.f32 v31, v2  }
0x352: {  	v4 =	vadd.f32 v39, v4;
	v1 =	vadd.f32 v40, v1;
	v31 =	vld [tilespmem:s4+$0x1170]  }
0x353: {  	v3 =	vadd.f32 v41, v3;
	v39 =	vld [tilespmem:s14+$0x1160];
	v2 =	vadd.f32 v42, v2  }
0x354: {  	v5 =	vadd.f32 v35, v5;
	v6 =	vadd.f32 v36, v6;
	v35 =	vld [tilespmem:s14+$0x1170]  }
0x355: {  	v7 =	vadd.f32 v37, v7;
	v8 =	vadd.f32 v38, v8;
	v36 =	vld [tilespmem:s14+$0x1500]  }
0x356: {  	v5 =	vadd.f32 v34, v5;
	v6 =	vadd.f32 v49, v6;
	v34 =	vld [tilespmem:s14+$0x1510]  }
0x357: {  	v7 =	vadd.f32 v47, v7;
	v8 =	vadd.f32 v31, v8;
	v31 =	vld [tilespmem:s4+$0x1500]  }
0x358: {  	v5 =	vadd.f32 v32, v5;
	v6 =	vadd.f32 v33, v6;
	v37 =	vld [tilespmem:s4+$0x1510]  }
0x359: {  	v7 =	vadd.f32 v39, v7;
	v32 =	vld [tilespmem:s4+$0x1520];
	v8 =	vadd.f32 v35, v8  }
0x35a: {  	v5 =	vadd.f32 v43, v5;
	v6 =	vadd.f32 v44, v6;
	v33 =	vld [tilespmem:s4+$0x1530]  }
0x35b: {  	s0 =	sadd.s32 $0x4, s0;
	v7 =	vadd.f32 v45, v7;
	v35 =	vld [tilespmem:s14+$0x1520];
	v8 =	vadd.f32 v46, v8  }
0x35c: {  	v23 =	vadd.f32 v28, v23;
	v24 =	vadd.f32 v29, v24;
	p2 =	slt.s32 s0, s8;
	v38 =	vld [tilespmem:s14+$0x1530]  }
.Ltmp35:
0x35d: {  	v25 =	vadd.f32 v27, v25;
	v26 =	vadd.f32 v30, v26;
	v27 =	vld [tilespmem:s14+$0x1540];
	(pc) =	sbr.rel @p2 .LBB2_81-.Ltmp35, $4  }
0x35e: {  	v23 =	vadd.f32 v31, v23;
	v24 =	vadd.f32 v37, v24;
	v28 =	vld [tilespmem:s14+$0x1550]  }
0x35f: {  	v25 =	vadd.f32 v32, v25;
	v26 =	vadd.f32 v33, v26;
	v29 =	vld [tilespmem:s4+$0x1540]  }
0x360: {  	v23 =	vadd.f32 v36, v23;
	v24 =	vadd.f32 v34, v24;
	v30 =	vld [tilespmem:s4+$0x1550]  }
0x361: {  	v25 =	vadd.f32 v35, v25;
	v31 =	vld [tilespmem:s4+$0x1560];
	v26 =	vadd.f32 v38, v26  }
.LBB2_82:
0x362: {  	v32 =	vld [tilespmem:s4+$0x1570];
	v23 =	vadd.f32 v15, v23;
	v15 =	vadd.f32 v16, v24  }
0x363: {  	v63 =	vld [tilespmem:s14+$0x1560];
	v9 =	vadd.f32 v10, v9;
	v10 =	vadd.f32 v12, v21  }
0x364: {  	v12 =	vld [tilespmem:s14+$0x1570];
	v11 =	vadd.f32 v11, v19;
	v13 =	vadd.f32 v13, v20  }
0x365: {  	v19 =	vld [tilespmem:s13+$0x1570];
	v17 =	vadd.f32 v17, v25;
	v16 =	vadd.f32 v18, v26  }
0x366: {  	v18 =	vld [tilespmem:s13+$0x1560];
	v9 =	vadd.f32 v29, v9;
	v10 =	vadd.f32 v30, v10  }
.Ltmp36:
0x367: {  	v11 =	vadd.f32 v31, v11;
	v13 =	vadd.f32 v32, v13;
	(pc) =	sbr.rel .LBB2_48-.Ltmp36, $4  }
0x368: {  	v9 =	vadd.f32 v27, v9;
	v10 =	vadd.f32 v28, v10  }
0x369: {  	v11 =	vadd.f32 v63, v11;
	v12 =	vadd.f32 v12, v13  }
0x36a: {  	v9 =	vadd.f32 v14, v9;
	v10 =	vadd.f32 v22, v10  }
0x36b: {  	v11 =	vadd.f32 v18, v11;
	v12 =	vadd.f32 v19, v12  }
.LBB2_47:
0x36c: {  	v4 =	vimm.f32 $0.0e+00  }
0x36d: {  	v1 =	vimm.f32 $0.0e+00;
	v3 =	vimm.f32 $0.0e+00;
	v2 =	vimm.f32 $0.0e+00  }
0x36e: {  	v5 =	vimm.f32 $0.0e+00;
	v6 =	vimm.f32 $0.0e+00;
	v7 =	vimm.f32 $0.0e+00  }
0x36f: {  	v8 =	vimm.f32 $0.0e+00;
	v23 =	vimm.f32 $0.0e+00;
	v15 =	vimm.f32 $0.0e+00  }
0x370: {  	v17 =	vimm.f32 $0.0e+00;
	v16 =	vimm.f32 $0.0e+00;
	v9 =	vimm.f32 $0.0e+00  }
0x371: {  	v10 =	vimm.f32 $0.0e+00;
	v11 =	vimm.f32 $0.0e+00;
	v12 =	vimm.f32 $0.0e+00  }
.LBB2_48:
.Ltmp37:
0x372: {  	(pc) =	sbr.rel @p4 .LBB2_51-.Ltmp37, $1  }
0x373: {  	_ =	sdelay $0x3  }
0x374: {  	s0 =	smov.u32 s15  }
0x375: {  	s0 =	smov.u32 @p3 s9  }
0x376: {  	s4 =	smov.u32 s31;
	p2 =	slt.s32 s0, s31  }
0x377: {  	s28 =	sadd.s32 s3, s20;
	s6 =	sadd.s32 s16, s5;
	s4 =	smov.u32 @p2 s0  }
0x378: {  	s6 =	ssub.s32 s28, s6;
	s4 =	sadd.s32 s4, s17  }
0x379: {  	s0 =	ssub.s32 s4, s3;
	s3 =	sshll.u32 s6, $0x7  }
.LBB2_50:
0x37a: {  	s4 =	sshrl.u32 s8, $0x3  }
0x37b: {  	s4 =	smul.u32 $0x6000, s4;
	_ =	sdelay $0x1  }
0x37c: {  	s6 =	sand.u32 $0x380, s3;
	s4 =	sshra.s32 s4, $0x2  }
0x37d: {  	s4 =	sor.u32 s6, s4  }
0x37e: {  	v13 =	vld [tilespmem:s4+$0x1100]  }
0x37f: {  	v14 =	vld [tilespmem:s4+$0x1110]  }
0x380: {  	v18 =	vld [tilespmem:s4+$0x1120]  }
0x381: {  	v19 =	vld [tilespmem:s4+$0x1130]  }
0x382: {  	v20 =	vld [tilespmem:s4+$0x1140]  }
0x383: {  	v21 =	vld [tilespmem:s4+$0x1150]  }
0x384: {  	v22 =	vld [tilespmem:s4+$0x1160]  }
0x385: {  	v24 =	vld [tilespmem:s4+$0x1170]  }
0x386: {  	v25 =	vld [tilespmem:s4+$0x1500]  }
0x387: {  	v26 =	vld [tilespmem:s4+$0x1510]  }
0x388: {  	v27 =	vld [tilespmem:s4+$0x1520]  }
0x389: {  	v28 =	vld [tilespmem:s4+$0x1530]  }
0x38a: {  	v29 =	vld [tilespmem:s4+$0x1540]  }
0x38b: {  	v4 =	vadd.f32 v13, v4;
	v1 =	vadd.f32 v14, v1;
	v13 =	vld [tilespmem:s4+$0x1550]  }
0x38c: {  	v3 =	vadd.f32 v18, v3;
	v2 =	vadd.f32 v19, v2;
	v14 =	vld [tilespmem:s4+$0x1560]  }
0x38d: {  	p2 =	sne.s32 s0, $0x1;
	v5 =	vadd.f32 v20, v5;
	v6 =	vadd.f32 v21, v6;
	v18 =	vld [tilespmem:s4+$0x1570]  }
.Ltmp38:
0x38e: {  	v7 =	vadd.f32 v22, v7;
	v8 =	vadd.f32 v24, v8;
	(pc) =	sbr.rel @p2 .LBB2_50-.Ltmp38, $4  }
0x38f: {  	v23 =	vadd.f32 v25, v23;
	v15 =	vadd.f32 v26, v15  }
0x390: {  	v17 =	vadd.f32 v27, v17;
	v16 =	vadd.f32 v28, v16  }
0x391: {  	v9 =	vadd.f32 v29, v9;
	v10 =	vadd.f32 v13, v10  }
0x392: {  	s8 =	sadd.s32 $0x1, s8;
	s3 =	sadd.s32 $0x80, s3;
	s0 =	sadd.s32 $0xFFFFFFFF, s0;
	v11 =	vadd.f32 v14, v11;
	v12 =	vadd.f32 v18, v12  }
.Ltmp39:
0x393: {  	_ = 	snop;
	(pc) =	sbr.rel .LBB2_51-.Ltmp39, $1  }
0x394: {  	_ =	sdelay $0x3  }
.LBB2_53:
0x395: {  	s0 =	simm.s32 @p1 $0x0  }
.Ltmp40:
0x396: {  	s1 =	simm.s32 @p1 $0x100;
	s3 =	rddreg [dreg:$0x8];
	(pc) =	sbr.rel .LBB2_54-.Ltmp40, $4  }
0x397: {  	[tilespmem:s1], [sflag:$0x1] =	stream.linear.gather @p1 [hbm4b:s3+s0], $0xC000, $0x38;
	[tilespmem:$0x1B100] =	vst v63  }
0x398: {  	_ =	swait.ge [sflag:s25], $0xC000  }
0x399: {  	[sflag:s25] =	ssyncset.done $0x0  }
0x39a: {  	s5 =	sadd.s32 $0x80, s26;
	s7 =	simm.s32 $0x0;
	[sflag:s25] =	ssyncadd.s32 $0xFFFF4000  }
.LBB2_70:
0x39b: {  	v13 =	vld [tilespmem:s1+$0x19100];
	_ =	sdelay $0x4  }
0x39c: {  	v4 =	vadd.f32 v13, v4;
	_ =	sdelay $0x1  }
0x39d: {  	s0 =	sadd.s32 $0x19100, s1;
	[tilespmem:s1+$0x19100] =	vst v4  }
0x39e: {  	v4 =	vld [tilespmem:s0+$0x10]  }
0x39f: {  	v57 =	vld [tilespmem:s0+$0x20]  }
0x3a0: {  	v14 =	vld [tilespmem:s0+$0x30]  }
0x3a1: {  	v18 =	vld [tilespmem:s0+$0x40]  }
0x3a2: {  	v19 =	vld [tilespmem:s0+$0x50]  }
0x3a3: {  	v58 =	vld [tilespmem:s0+$0x60];
	v1 =	vadd.f32 v4, v1  }
0x3a4: {  	v59 =	vld [tilespmem:s0+$0x70];
	v3 =	vadd.f32 v57, v3  }
0x3a5: {  	[tilespmem:s0+$0x10] =	vst v1;
	v1 =	vadd.f32 v14, v2  }
0x3a6: {  	[tilespmem:s0+$0x20] =	vst v3;
	v2 =	vadd.f32 v18, v5  }
0x3a7: {  	[tilespmem:s0+$0x30] =	vst v1;
	v1 =	vadd.f32 v19, v6  }
0x3a8: {  	[tilespmem:s0+$0x40] =	vst v2;
	v2 =	vadd.f32 v58, v7  }
0x3a9: {  	[tilespmem:s0+$0x50] =	vst v1;
	v1 =	vadd.f32 v59, v8  }
0x3aa: {  	[tilespmem:s0+$0x60] =	vst v2  }
0x3ab: {  	[tilespmem:s0+$0x70] =	vst v1  }
0x3ac: {  	v1 =	vld [tilespmem:s1+$0x19500];
	_ =	sdelay $0x4  }
0x3ad: {  	v1 =	vadd.f32 v1, v23;
	_ =	sdelay $0x1  }
0x3ae: {  	s28 =	sadd.s32 $0x19500, s1;
	[tilespmem:s1+$0x19500] =	vst v1  }
0x3af: {  	v1 =	vld [tilespmem:s28+$0x10]  }
0x3b0: {  	v2 =	vld [tilespmem:s28+$0x20]  }
0x3b1: {  	v3 =	vld [tilespmem:s28+$0x30]  }
0x3b2: {  	v60 =	vld [tilespmem:s28+$0x40]  }
0x3b3: {  	v61 =	vld [tilespmem:s28+$0x50]  }
0x3b4: {  	v62 =	vld [tilespmem:s28+$0x60];
	v1 =	vadd.f32 v1, v15  }
0x3b5: {  	v63 =	vld [tilespmem:s28+$0x70];
	v2 =	vadd.f32 v2, v17  }
0x3b6: {  	[tilespmem:s28+$0x10] =	vst v1;
	v1 =	vadd.f32 v3, v16  }
0x3b7: {  	[tilespmem:s28+$0x20] =	vst v2;
	v2 =	vadd.f32 v60, v9  }
0x3b8: {  	[tilespmem:s28+$0x30] =	vst v1;
	v1 =	vadd.f32 v61, v10  }
0x3b9: {  	[tilespmem:s28+$0x40] =	vst v2;
	v2 =	vadd.f32 v62, v11  }
0x3ba: {  	[tilespmem:s28+$0x50] =	vst v1;
	v1 =	vadd.f32 v63, v12  }
0x3bb: {  	[tilespmem:s28+$0x60] =	vst v2  }
0x3bc: {  	[tilespmem:s28+$0x70] =	vst v1  }
.LBB2_71:
0x3bd: {  	s7 =	sadd.s32 $0x1, s7  }
0x3be: {  	p2 =	sne.s32 s7, $0x10  }
.Ltmp41:
0x3bf: {  	_ = 	snop;
	(pc) =	sbr.rel @!p2 .LBB2_72-.Ltmp41, $1  }
0x3c0: {  	_ =	sdelay $0x3  }
.LBB2_54:
0x3c1: {  	s3 =	sld [smem:s7+$0x1];
	_ =	sdelay $0x1  }
0x3c2: {  	s1 =	sld [smem:s7+$0x0]  }
0x3c3: {  	s4 =	smov.u32 s12;
	p2 =	sgt.s32 s3, s12  }
0x3c4: {  	s0 =	smov.u32 s12;
	s4 =	smov.u32 @p2 s3  }
0x3c5: {  	s9 =	smov.u32 s5;
	p2 =	sgt.s32 s1, s12;
	p3 =	slt.s32 s4, s5  }
0x3c6: {  	s0 =	smov.u32 @p2 s1;
	s9 =	smov.u32 @p3 s4  }
0x3c7: {  	p2 =	sge.u32 s0, s9  }
.Ltmp42:
0x3c8: {  	_ = 	snop;
	(pc) =	sbr.rel @p2 .LBB2_71-.Ltmp42, $1  }
0x3c9: {  	_ =	sdelay $0x3  }
0x3ca: {  	p2 =	slt.s32 s0, s5;
	s1 =	smov.u32 s5  }
0x3cb: {  	s1 =	smov.u32 @p2 s0  }
0x3cc: {  	s13 =	ssub.s32 s9, s12;
	s0 =	ssub.s32 s1, s12  }
0x3cd: {  	s14 =	ssub.s32 s13, s0  }
0x3ce: {  	s4 =	sshra.s32 s14, $0x1F  }
0x3cf: {  	s4 =	sshrl.u32 s4, $0x1E  }
0x3d0: {  	s4 =	sadd.s32 s4, s14  }
0x3d1: {  	s16 =	sand.u32 $0xFFFFFFFC, s4  }
0x3d2: {  	p2 =	slt.s32 s16, $0x1  }
.Ltmp43:
0x3d3: {  	_ = 	snop;
	(pc) =	sbr.rel @p2 .LBB2_56-.Ltmp43, $3  }
0x3d4: {  	_ =	sdelay $0x1  }
0x3d5: {  	s1 =	sshll.u32 s1, $0x7  }
0x3d6: {  	s18 =	sadd.s32 s1, s2;
	s8 =	sadd.s32 s0, s16  }
0x3d7: {  	s4 =	sshrl.u32 s0, $0x3  }
0x3d8: {  	s17 =	sadd.s32 s1, s2;
	s4 =	smul.u32 $0x6000, s4  }
0x3d9: {  	s6 =	sadd.s32 $0xFFCFE000, s17  }
0x3da: {  	s6 =	sand.u32 $0x380, s6;
	s4 =	sshra.s32 s4, $0x2  }
0x3db: {  	s4 =	sor.u32 s6, s4  }
0x3dc: {  	v1 =	vld [tilespmem:s4+$0xC100]  }
0x3dd: {  	v2 =	vld [tilespmem:s4+$0xC110]  }
0x3de: {  	v3 =	vld [tilespmem:s4+$0xC120]  }
0x3df: {  	v4 =	vld [tilespmem:s4+$0xC130]  }
0x3e0: {  	v5 =	vld [tilespmem:s4+$0xC140]  }
0x3e1: {  	v6 =	vld [tilespmem:s4+$0xC150]  }
0x3e2: {  	v7 =	vld [tilespmem:s4+$0xC160]  }
0x3e3: {  	v8 =	vld [tilespmem:s4+$0xC170]  }
0x3e4: {  	v19 =	vld [tilespmem:s4+$0xC500]  }
0x3e5: {  	v20 =	vld [tilespmem:s4+$0xC510]  }
0x3e6: {  	s10 =	sadd.s32 $0x3, s0;
	v21 =	vld [tilespmem:s4+$0xC520]  }
0x3e7: {  	s6 =	sshrl.u32 s10, $0x3;
	v23 =	vld [tilespmem:s4+$0xC530]  }
0x3e8: {  	v10 =	vld [tilespmem:s4+$0xC540];
	s6 =	smul.u32 $0x6000, s6  }
0x3e9: {  	s10 =	sadd.s32 $0xFFCFE180, s17;
	v12 =	vld [tilespmem:s4+$0xC550]  }
0x3ea: {  	v11 =	vld [tilespmem:s4+$0xC560];
	s10 =	sand.u32 $0x380, s10;
	s6 =	sshra.s32 s6, $0x2  }
0x3eb: {  	v13 =	vld [tilespmem:s4+$0xC570];
	s21 =	sor.u32 s10, s6  }
0x3ec: {  	v22 =	vld [tilespmem:s21+$0xC100]  }
0x3ed: {  	v24 =	vld [tilespmem:s21+$0xC110]  }
0x3ee: {  	v25 =	vld [tilespmem:s21+$0xC120]  }
0x3ef: {  	v26 =	vld [tilespmem:s21+$0xC130]  }
0x3f0: {  	v27 =	vld [tilespmem:s21+$0xC140]  }
0x3f1: {  	v28 =	vld [tilespmem:s21+$0xC150]  }
0x3f2: {  	v29 =	vld [tilespmem:s21+$0xC160]  }
0x3f3: {  	s11 =	sadd.s32 $0x2, s0;
	v30 =	vld [tilespmem:s21+$0xC170]  }
0x3f4: {  	s4 =	sshrl.u32 s11, $0x3;
	v15 =	vld [tilespmem:s21+$0xC500]  }
0x3f5: {  	s4 =	smul.u32 $0x6000, s4;
	v16 =	vld [tilespmem:s21+$0xC510]  }
0x3f6: {  	s26 =	sadd.s32 $0xFFCFE100, s17;
	v17 =	vld [tilespmem:s21+$0xC520]  }
0x3f7: {  	s23 =	sadd.s32 $0x1, s0;
	s10 =	sand.u32 $0x380, s26;
	s4 =	sshra.s32 s4, $0x2;
	v18 =	vld [tilespmem:s21+$0xC530]  }
0x3f8: {  	s6 =	sshrl.u32 s23, $0x3;
	v14 =	vld [tilespmem:s21+$0xC540];
	s23 =	sor.u32 s10, s4  }
0x3f9: {  	v31 =	vld [tilespmem:s23+$0xC100]  }
0x3fa: {  	v32 =	vld [tilespmem:s23+$0xC110]  }
0x3fb: {  	v37 =	vld [tilespmem:s23+$0xC120]  }
0x3fc: {  	s6 =	smul.u32 $0x6000, s6;
	v38 =	vld [tilespmem:s23+$0xC130]  }
0x3fd: {  	s11 =	sadd.s32 $0xFFCFE080, s17;
	v39 =	vld [tilespmem:s23+$0xC140]  }
0x3fe: {  	s28 =	sand.u32 $0x380, s11;
	v55 =	vld [tilespmem:s23+$0xC150];
	s6 =	sshra.s32 s6, $0x2  }
0x3ff: {  	v9 =	vimm.f32 $0.0e+00;
	v62 =	vld [tilespmem:s23+$0xC520];
	s4 =	sor.u32 s28, s6  }
0x400: {  	v1 =	vadd.f32 v1, v9;
	v33 =	vld [tilespmem:s4+$0xC100]  }
0x401: {  	v2 =	vadd.f32 v2, v9;
	v3 =	vadd.f32 v3, v9;
	v34 =	vld [tilespmem:s4+$0xC110]  }
0x402: {  	v4 =	vadd.f32 v4, v9;
	v5 =	vadd.f32 v5, v9;
	v36 =	vld [tilespmem:s4+$0xC130]  }
0x403: {  	v6 =	vadd.f32 v6, v9;
	v7 =	vadd.f32 v7, v9;
	v35 =	vld [tilespmem:s4+$0xC120]  }
0x404: {  	v8 =	vadd.f32 v8, v9;
	v19 =	vadd.f32 v19, v9;
	v56 =	vld [tilespmem:s4+$0xC140]  }
0x405: {  	v20 =	vadd.f32 v20, v9;
	v57 =	vld [tilespmem:s4+$0xC150];
	v1 =	vadd.f32 v33, v1  }
0x406: {  	v21 =	vadd.f32 v21, v9;
	v59 =	vld [tilespmem:s4+$0xC170];
	v2 =	vadd.f32 v34, v2  }
0x407: {  	v60 =	vld [tilespmem:s4+$0xC510];
	v4 =	vadd.f32 v36, v4;
	v1 =	vadd.f32 v31, v1  }
0x408: {  	v23 =	vadd.f32 v23, v9;
	v2 =	vadd.f32 v32, v2;
	v31 =	vld [tilespmem:s4+$0xC160]  }
0x409: {  	v58 =	vadd.f32 v38, v4;
	v4 =	vadd.f32 v22, v1;
	v22 =	vld [tilespmem:s23+$0xC160]  }
0x40a: {  	v3 =	vadd.f32 v35, v3;
	v1 =	vadd.f32 v24, v2;
	v24 =	vld [tilespmem:s23+$0xC170]  }
0x40b: {  	v63 =	vld [tilespmem:s23+$0xC530];
	v5 =	vadd.f32 v56, v5;
	v6 =	vadd.f32 v57, v6  }
0x40c: {  	v61 =	vld [tilespmem:s4+$0xC520];
	v8 =	vadd.f32 v59, v8;
	v3 =	vadd.f32 v37, v3  }
0x40d: {  	v20 =	vadd.f32 v60, v20;
	v7 =	vadd.f32 v31, v7;
	v31 =	vld [tilespmem:s4+$0xC500]  }
0x40e: {  	v6 =	vadd.f32 v55, v6;
	v3 =	vadd.f32 v25, v3;
	v25 =	vld [tilespmem:s23+$0xC500]  }
0x40f: {  	v7 =	vadd.f32 v22, v7;
	v22 =	vadd.f32 v24, v8;
	v24 =	vld [tilespmem:s4+$0xC530]  }
0x410: {  	s26 =	sadd.s32 $0x4, s0;
	v5 =	vadd.f32 v39, v5;
	v2 =	vadd.f32 v26, v58;
	v26 =	vld [tilespmem:s23+$0xC510]  }
0x411: {  	p3 =	slt.s32 s26, s8;
	v21 =	vadd.f32 v61, v21;
	v6 =	vadd.f32 v28, v6;
	v28 =	vld [tilespmem:s23+$0xC550]  }
.Ltmp44:
0x412: {  	v8 =	vadd.f32 v27, v5;
	v27 =	vld [tilespmem:s23+$0xC540];
	v19 =	vadd.f32 v31, v19;
	(pc) =	sbr.rel @!p3 .LBB2_85-.Ltmp44, $4  }
0x413: {  	v7 =	vadd.f32 v29, v7;
	v5 =	vadd.f32 v30, v22;
	v22 =	vld [tilespmem:s21+$0xC550]  }
0x414: {  	v29 =	vld [tilespmem:s4+$0xC540];
	v31 =	vadd.f32 v24, v23;
	v23 =	vadd.f32 v25, v19  }
0x415: {  	v30 =	vld [tilespmem:s4+$0xC550];
	v24 =	vadd.f32 v26, v20;
	v25 =	vadd.f32 v62, v21;
	v21 =	vimm.f32 $0.0e+00  }
0x416: {  	v19 =	vimm.f32 $0.0e+00;
	v20 =	vimm.f32 $0.0e+00;
	v26 =	vadd.f32 v63, v31;
	v31 =	vld [tilespmem:s4+$0xC560]  }
.LBB2_84:
0x417: {  	s6 =	sshrl.u32 s26, $0x3;
	v32 =	vld [tilespmem:s4+$0xC570];
	v23 =	vadd.f32 v15, v23;
	v24 =	vadd.f32 v16, v24  }
0x418: {  	s17 =	sadd.s32 $0x200, s17;
	s4 =	smul.u32 $0x6000, s6;
	v15 =	vld [tilespmem:s23+$0xC560];
	v25 =	vadd.f32 v17, v25;
	v26 =	vadd.f32 v18, v26  }
0x419: {  	v9 =	vadd.f32 v10, v9;
	v10 =	vadd.f32 v12, v21;
	s6 =	sadd.s32 $0xFFCFE000, s17;
	v12 =	vld [tilespmem:s23+$0xC570]  }
0x41a: {  	v11 =	vadd.f32 v11, v19;
	v13 =	vadd.f32 v13, v20;
	s6 =	sand.u32 $0x380, s6;
	s4 =	sshra.s32 s4, $0x2;
	v16 =	vld [tilespmem:s21+$0xC560]  }
0x41b: {  	v9 =	vadd.f32 v29, v9;
	v10 =	vadd.f32 v30, v10;
	s4 =	sor.u32 s6, s4;
	v17 =	vld [tilespmem:s21+$0xC570]  }
0x41c: {  	v11 =	vadd.f32 v31, v11;
	v33 =	vld [tilespmem:s4+$0xC100];
	v13 =	vadd.f32 v32, v13  }
0x41d: {  	v9 =	vadd.f32 v27, v9;
	v10 =	vadd.f32 v28, v10;
	v31 =	vld [tilespmem:s4+$0xC110]  }
0x41e: {  	v11 =	vadd.f32 v15, v11;
	v32 =	vld [tilespmem:s4+$0xC120];
	v12 =	vadd.f32 v12, v13  }
0x41f: {  	v9 =	vadd.f32 v14, v9;
	v21 =	vadd.f32 v22, v10;
	v34 =	vld [tilespmem:s4+$0xC130]  }
0x420: {  	v19 =	vadd.f32 v16, v11;
	v35 =	vld [tilespmem:s4+$0xC140];
	v20 =	vadd.f32 v17, v12  }
0x421: {  	v36 =	vld [tilespmem:s4+$0xC150]  }
0x422: {  	v37 =	vld [tilespmem:s4+$0xC160]  }
0x423: {  	v38 =	vld [tilespmem:s4+$0xC170]  }
0x424: {  	v28 =	vld [tilespmem:s4+$0xC500]  }
0x425: {  	v29 =	vld [tilespmem:s4+$0xC510]  }
0x426: {  	s6 =	sadd.s32 $0x3, s26;
	v27 =	vld [tilespmem:s4+$0xC520]  }
0x427: {  	s6 =	sshrl.u32 s6, $0x3;
	v30 =	vld [tilespmem:s4+$0xC530]  }
0x428: {  	s6 =	smul.u32 $0x6000, s6;
	v10 =	vld [tilespmem:s4+$0xC540]  }
0x429: {  	s10 =	sadd.s32 $0xFFCFE180, s17;
	v12 =	vld [tilespmem:s4+$0xC550]  }
0x42a: {  	s10 =	sand.u32 $0x380, s10;
	s6 =	sshra.s32 s6, $0x2;
	v11 =	vld [tilespmem:s4+$0xC560]  }
0x42b: {  	s21 =	sor.u32 s10, s6;
	v13 =	vld [tilespmem:s4+$0xC570]  }
0x42c: {  	v39 =	vld [tilespmem:s21+$0xC100]  }
0x42d: {  	v40 =	vld [tilespmem:s21+$0xC110]  }
0x42e: {  	v41 =	vld [tilespmem:s21+$0xC120]  }
0x42f: {  	v42 =	vld [tilespmem:s21+$0xC130]  }
0x430: {  	v43 =	vld [tilespmem:s21+$0xC140]  }
0x431: {  	v44 =	vld [tilespmem:s21+$0xC150]  }
0x432: {  	v45 =	vld [tilespmem:s21+$0xC160]  }
0x433: {  	v46 =	vld [tilespmem:s21+$0xC170]  }
0x434: {  	s4 =	sadd.s32 $0x2, s26;
	v15 =	vld [tilespmem:s21+$0xC500]  }
0x435: {  	s4 =	sshrl.u32 s4, $0x3;
	v16 =	vld [tilespmem:s21+$0xC510]  }
0x436: {  	s6 =	sadd.s32 $0x1, s26;
	s4 =	smul.u32 $0x6000, s4;
	v17 =	vld [tilespmem:s21+$0xC520]  }
0x437: {  	s10 =	sadd.s32 $0xFFCFE100, s17;
	s6 =	sshrl.u32 s6, $0x3;
	v18 =	vld [tilespmem:s21+$0xC530]  }
0x438: {  	s10 =	sand.u32 $0x380, s10;
	s6 =	smul.u32 $0x6000, s6;
	s4 =	sshra.s32 s4, $0x2;
	v14 =	vld [tilespmem:s21+$0xC540]  }
0x439: {  	s11 =	sadd.s32 $0xFFCFE080, s17;
	s23 =	sor.u32 s10, s4;
	v22 =	vld [tilespmem:s21+$0xC550]  }
0x43a: {  	s6 =	sshra.s32 s6, $0x2;
	s4 =	sand.u32 $0x380, s11;
	v47 =	vld [tilespmem:s23+$0xC100]  }
0x43b: {  	s4 =	sor.u32 s4, s6;
	v48 =	vld [tilespmem:s23+$0xC110]  }
0x43c: {  	v49 =	vld [tilespmem:s4+$0xC100]  }
0x43d: {  	v50 =	vld [tilespmem:s4+$0xC110]  }
0x43e: {  	v51 =	vld [tilespmem:s4+$0xC120]  }
0x43f: {  	v52 =	vld [tilespmem:s4+$0xC130]  }
0x440: {  	v53 =	vld [tilespmem:s23+$0xC120]  }
0x441: {  	v4 =	vadd.f32 v33, v4;
	v1 =	vadd.f32 v31, v1;
	v31 =	vld [tilespmem:s23+$0xC130]  }
0x442: {  	v3 =	vadd.f32 v32, v3;
	v2 =	vadd.f32 v34, v2;
	v32 =	vld [tilespmem:s23+$0xC140]  }
0x443: {  	v4 =	vadd.f32 v49, v4;
	v1 =	vadd.f32 v50, v1;
	v33 =	vld [tilespmem:s23+$0xC150]  }
0x444: {  	v3 =	vadd.f32 v51, v3;
	v2 =	vadd.f32 v52, v2;
	v34 =	vld [tilespmem:s4+$0xC140]  }
0x445: {  	v4 =	vadd.f32 v47, v4;
	v1 =	vadd.f32 v48, v1;
	v49 =	vld [tilespmem:s4+$0xC150]  }
0x446: {  	v3 =	vadd.f32 v53, v3;
	v47 =	vld [tilespmem:s4+$0xC160];
	v2 =	vadd.f32 v31, v2  }
0x447: {  	v4 =	vadd.f32 v39, v4;
	v1 =	vadd.f32 v40, v1;
	v31 =	vld [tilespmem:s4+$0xC170]  }
0x448: {  	v3 =	vadd.f32 v41, v3;
	v39 =	vld [tilespmem:s23+$0xC160];
	v2 =	vadd.f32 v42, v2  }
0x449: {  	v8 =	vadd.f32 v35, v8;
	v6 =	vadd.f32 v36, v6;
	v35 =	vld [tilespmem:s23+$0xC170]  }
0x44a: {  	v7 =	vadd.f32 v37, v7;
	v5 =	vadd.f32 v38, v5;
	v36 =	vld [tilespmem:s23+$0xC500]  }
0x44b: {  	v8 =	vadd.f32 v34, v8;
	v6 =	vadd.f32 v49, v6;
	v34 =	vld [tilespmem:s23+$0xC510]  }
0x44c: {  	v7 =	vadd.f32 v47, v7;
	v5 =	vadd.f32 v31, v5;
	v31 =	vld [tilespmem:s4+$0xC500]  }
0x44d: {  	v8 =	vadd.f32 v32, v8;
	v6 =	vadd.f32 v33, v6;
	v37 =	vld [tilespmem:s4+$0xC510]  }
0x44e: {  	v7 =	vadd.f32 v39, v7;
	v32 =	vld [tilespmem:s4+$0xC520];
	v5 =	vadd.f32 v35, v5  }
0x44f: {  	v8 =	vadd.f32 v43, v8;
	v6 =	vadd.f32 v44, v6;
	v33 =	vld [tilespmem:s4+$0xC530]  }
0x450: {  	s26 =	sadd.s32 $0x4, s26;
	v7 =	vadd.f32 v45, v7;
	v35 =	vld [tilespmem:s23+$0xC520];
	v5 =	vadd.f32 v46, v5  }
0x451: {  	v23 =	vadd.f32 v28, v23;
	v24 =	vadd.f32 v29, v24;
	p3 =	slt.s32 s26, s8;
	v38 =	vld [tilespmem:s23+$0xC530]  }
.Ltmp45:
0x452: {  	v25 =	vadd.f32 v27, v25;
	v26 =	vadd.f32 v30, v26;
	v27 =	vld [tilespmem:s23+$0xC540];
	(pc) =	sbr.rel @p3 .LBB2_84-.Ltmp45, $4  }
0x453: {  	v23 =	vadd.f32 v31, v23;
	v24 =	vadd.f32 v37, v24;
	v28 =	vld [tilespmem:s23+$0xC550]  }
0x454: {  	v25 =	vadd.f32 v32, v25;
	v26 =	vadd.f32 v33, v26;
	v29 =	vld [tilespmem:s4+$0xC540]  }
0x455: {  	v23 =	vadd.f32 v36, v23;
	v24 =	vadd.f32 v34, v24;
	v30 =	vld [tilespmem:s4+$0xC550]  }
0x456: {  	v25 =	vadd.f32 v35, v25;
	v31 =	vld [tilespmem:s4+$0xC560];
	v26 =	vadd.f32 v38, v26  }
.LBB2_85:
0x457: {  	v32 =	vld [tilespmem:s4+$0xC570];
	v23 =	vadd.f32 v15, v23;
	v16 =	vadd.f32 v16, v24  }
0x458: {  	v63 =	vld [tilespmem:s23+$0xC560];
	v9 =	vadd.f32 v10, v9;
	v10 =	vadd.f32 v12, v21  }
0x459: {  	v12 =	vld [tilespmem:s23+$0xC570];
	v11 =	vadd.f32 v11, v19;
	v13 =	vadd.f32 v13, v20  }
0x45a: {  	v19 =	vld [tilespmem:s21+$0xC570];
	v17 =	vadd.f32 v17, v25;
	v15 =	vadd.f32 v18, v26  }
0x45b: {  	v18 =	vld [tilespmem:s21+$0xC560];
	v9 =	vadd.f32 v29, v9;
	v10 =	vadd.f32 v30, v10  }
.Ltmp46:
0x45c: {  	v11 =	vadd.f32 v31, v11;
	v13 =	vadd.f32 v32, v13;
	(pc) =	sbr.rel .LBB2_57-.Ltmp46, $4  }
0x45d: {  	v9 =	vadd.f32 v27, v9;
	v10 =	vadd.f32 v28, v10  }
0x45e: {  	v11 =	vadd.f32 v63, v11;
	v12 =	vadd.f32 v12, v13  }
0x45f: {  	v9 =	vadd.f32 v14, v9;
	v10 =	vadd.f32 v22, v10  }
0x460: {  	v11 =	vadd.f32 v18, v11;
	v12 =	vadd.f32 v19, v12  }
.LBB2_56:
0x461: {  	v4 =	vimm.f32 $0.0e+00  }
0x462: {  	v1 =	vimm.f32 $0.0e+00;
	v3 =	vimm.f32 $0.0e+00;
	v2 =	vimm.f32 $0.0e+00  }
0x463: {  	v8 =	vimm.f32 $0.0e+00;
	v6 =	vimm.f32 $0.0e+00;
	v7 =	vimm.f32 $0.0e+00  }
0x464: {  	v5 =	vimm.f32 $0.0e+00;
	v23 =	vimm.f32 $0.0e+00;
	v16 =	vimm.f32 $0.0e+00  }
0x465: {  	v17 =	vimm.f32 $0.0e+00;
	v15 =	vimm.f32 $0.0e+00;
	v9 =	vimm.f32 $0.0e+00  }
0x466: {  	v10 =	vimm.f32 $0.0e+00;
	v11 =	vimm.f32 $0.0e+00;
	v12 =	vimm.f32 $0.0e+00  }
.LBB2_57:
0x467: {  	p4 =	sge.s32 s8, s13  }
.Ltmp47:
0x468: {  	_ = 	snop;
	(pc) =	sbr.rel @p4 .LBB2_60-.Ltmp47, $3  }
0x469: {  	_ =	sdelay $0x1  }
0x46a: {  	s4 =	ssub.s32 s14, s16  }
0x46b: {  	p3 =	sgt.s32 s3, s31;
	s16 =	sadd.s32 s4, s22  }
0x46c: {  	s4 =	smov.u32 s31  }
0x46d: {  	s4 =	smov.u32 @p3 s3  }
0x46e: {  	s6 =	smov.u32 s30;
	p5 =	slt.s32 s4, s30  }
0x46f: {  	s6 =	smov.u32 @p5 s4  }
0x470: {  	s4 =	sadd.s32 s6, s16  }
0x471: {  	s13 =	sshll.u32 s8, $0x7;
	s14 =	smov.u32 s8;
	s4 =	ssub.s32 s4, s9  }
.LBB2_59:
0x472: {  	s6 =	sshrl.u32 s14, $0x3  }
0x473: {  	s6 =	smul.u32 $0x6000, s6;
	_ =	sdelay $0x1  }
0x474: {  	s10 =	sand.u32 $0x380, s13;
	s6 =	sshra.s32 s6, $0x2  }
0x475: {  	s6 =	sor.u32 s10, s6  }
0x476: {  	v13 =	vld [tilespmem:s6+$0xC100]  }
0x477: {  	v14 =	vld [tilespmem:s6+$0xC110]  }
0x478: {  	v18 =	vld [tilespmem:s6+$0xC120]  }
0x479: {  	v19 =	vld [tilespmem:s6+$0xC130]  }
0x47a: {  	v20 =	vld [tilespmem:s6+$0xC140]  }
0x47b: {  	v21 =	vld [tilespmem:s6+$0xC150]  }
0x47c: {  	v22 =	vld [tilespmem:s6+$0xC160]  }
0x47d: {  	v24 =	vld [tilespmem:s6+$0xC170]  }
0x47e: {  	v25 =	vld [tilespmem:s6+$0xC500]  }
0x47f: {  	v26 =	vld [tilespmem:s6+$0xC510]  }
0x480: {  	v27 =	vld [tilespmem:s6+$0xC520]  }
0x481: {  	v28 =	vld [tilespmem:s6+$0xC530]  }
0x482: {  	v29 =	vld [tilespmem:s6+$0xC540]  }
0x483: {  	v4 =	vadd.f32 v13, v4;
	v1 =	vadd.f32 v14, v1;
	v13 =	vld [tilespmem:s6+$0xC550]  }
0x484: {  	v3 =	vadd.f32 v18, v3;
	v2 =	vadd.f32 v19, v2;
	v14 =	vld [tilespmem:s6+$0xC560]  }
0x485: {  	p5 =	sne.s32 s4, $0x1;
	v8 =	vadd.f32 v20, v8;
	v6 =	vadd.f32 v21, v6;
	v18 =	vld [tilespmem:s6+$0xC570]  }
.Ltmp48:
0x486: {  	v7 =	vadd.f32 v22, v7;
	v5 =	vadd.f32 v24, v5;
	(pc) =	sbr.rel @p5 .LBB2_59-.Ltmp48, $4  }
0x487: {  	v23 =	vadd.f32 v25, v23;
	v16 =	vadd.f32 v26, v16  }
0x488: {  	v17 =	vadd.f32 v27, v17;
	v15 =	vadd.f32 v28, v15  }
0x489: {  	v9 =	vadd.f32 v29, v9;
	v10 =	vadd.f32 v13, v10  }
0x48a: {  	s14 =	sadd.s32 $0x1, s14;
	s13 =	sadd.s32 $0x80, s13;
	s4 =	sadd.s32 $0xFFFFFFFF, s4;
	v11 =	vadd.f32 v14, v11;
	v12 =	vadd.f32 v18, v12  }
.LBB2_60:
0x48b: {  	s4 =	sshrl.u32 s7, $0x3  }
0x48c: {  	s4 =	smul.u32 $0x6000, s4  }
0x48d: {  	s6 =	sshll.u32 s7, $0x7  }
0x48e: {  	s13 =	sand.u32 $0x380, s6;
	s14 =	sshra.s32 s4, $0x2  }
0x48f: {  	s4 =	sor.u32 s13, s14  }
0x490: {  	v13 =	vld [tilespmem:s4+$0x18100];
	_ =	sdelay $0x4  }
0x491: {  	v4 =	vadd.f32 v13, v4;
	_ =	sdelay $0x1  }
0x492: {  	s28 =	sadd.s32 $0x18100, s4;
	[tilespmem:s4+$0x18100] =	vst v4  }
0x493: {  	v4 =	vld [tilespmem:s28+$0x10]  }
0x494: {  	v55 =	vld [tilespmem:s28+$0x20]  }
0x495: {  	v14 =	vld [tilespmem:s28+$0x30]  }
0x496: {  	v18 =	vld [tilespmem:s28+$0x40]  }
0x497: {  	v19 =	vld [tilespmem:s28+$0x50]  }
0x498: {  	v56 =	vld [tilespmem:s28+$0x60];
	v1 =	vadd.f32 v4, v1  }
0x499: {  	v57 =	vld [tilespmem:s28+$0x70];
	v3 =	vadd.f32 v55, v3  }
0x49a: {  	[tilespmem:s28+$0x10] =	vst v1;
	v1 =	vadd.f32 v14, v2;
	v2 =	vld [tilespmem:s28+$0x400]  }
0x49b: {  	v58 =	vld [tilespmem:s28+$0x410];
	[tilespmem:s28+$0x20] =	vst v3;
	v3 =	vadd.f32 v18, v8  }
0x49c: {  	v59 =	vld [tilespmem:s28+$0x420];
	[tilespmem:s28+$0x30] =	vst v1;
	v1 =	vadd.f32 v19, v6  }
0x49d: {  	v60 =	vld [tilespmem:s28+$0x430];
	[tilespmem:s28+$0x40] =	vst v3;
	v3 =	vadd.f32 v56, v7  }
0x49e: {  	v61 =	vld [tilespmem:s28+$0x440];
	[tilespmem:s28+$0x50] =	vst v1;
	v1 =	vadd.f32 v57, v5  }
0x49f: {  	[tilespmem:s28+$0x60] =	vst v3;
	v3 =	vld [tilespmem:s28+$0x450];
	v2 =	vadd.f32 v2, v23  }
0x4a0: {  	v62 =	vld [tilespmem:s28+$0x460];
	[tilespmem:s28+$0x70] =	vst v1;
	v1 =	vadd.f32 v58, v16  }
0x4a1: {  	v63 =	vld [tilespmem:s28+$0x470];
	[tilespmem:s28+$0x400] =	vst v2;
	v2 =	vadd.f32 v59, v17  }
0x4a2: {  	[tilespmem:s28+$0x410] =	vst v1;
	v1 =	vadd.f32 v60, v15  }
0x4a3: {  	[tilespmem:s28+$0x420] =	vst v2;
	v2 =	vadd.f32 v61, v9  }
.Ltmp49:
0x4a4: {  	[tilespmem:s28+$0x430] =	vst v1;
	v1 =	vadd.f32 v3, v10;
	(pc) =	sbr.rel @p2 .LBB2_61-.Ltmp49, $4  }
0x4a5: {  	[tilespmem:s28+$0x440] =	vst v2;
	v2 =	vadd.f32 v62, v11  }
0x4a6: {  	[tilespmem:s28+$0x450] =	vst v1;
	v1 =	vadd.f32 v63, v12  }
0x4a7: {  	[tilespmem:s28+$0x460] =	vst v2  }
0x4a8: {  	[tilespmem:s28+$0x470] =	vst v1  }
0x4a9: {  	s4 =	sshrl.u32 s0, $0x3  }
0x4aa: {  	s1 =	sadd.s32 s1, s2;
	s4 =	smul.u32 $0x6000, s4  }
0x4ab: {  	s6 =	sadd.s32 $0xFFCFE000, s1  }
0x4ac: {  	s6 =	sand.u32 $0x380, s6;
	s4 =	sshra.s32 s4, $0x2  }
0x4ad: {  	s4 =	sor.u32 s6, s4  }
0x4ae: {  	v1 =	vld [tilespmem:s4+$0xC900]  }
0x4af: {  	v2 =	vld [tilespmem:s4+$0xC910]  }
0x4b0: {  	v3 =	vld [tilespmem:s4+$0xC920]  }
0x4b1: {  	v4 =	vld [tilespmem:s4+$0xC930]  }
0x4b2: {  	v5 =	vld [tilespmem:s4+$0xC940]  }
0x4b3: {  	v6 =	vld [tilespmem:s4+$0xC950]  }
0x4b4: {  	v7 =	vld [tilespmem:s4+$0xC960]  }
0x4b5: {  	v8 =	vld [tilespmem:s4+$0xC970]  }
0x4b6: {  	v19 =	vld [tilespmem:s4+$0xCD00]  }
0x4b7: {  	v20 =	vld [tilespmem:s4+$0xCD10]  }
0x4b8: {  	s17 =	sadd.s32 $0x3, s0;
	v21 =	vld [tilespmem:s4+$0xCD20]  }
0x4b9: {  	s6 =	sshrl.u32 s17, $0x3;
	v23 =	vld [tilespmem:s4+$0xCD30]  }
0x4ba: {  	v10 =	vld [tilespmem:s4+$0xCD40];
	s6 =	smul.u32 $0x6000, s6  }
0x4bb: {  	s10 =	sadd.s32 $0xFFCFE180, s1;
	v12 =	vld [tilespmem:s4+$0xCD50]  }
0x4bc: {  	s10 =	sand.u32 $0x380, s10;
	v11 =	vld [tilespmem:s4+$0xCD60];
	s6 =	sshra.s32 s6, $0x2  }
0x4bd: {  	v13 =	vld [tilespmem:s4+$0xCD70];
	s17 =	sor.u32 s10, s6  }
0x4be: {  	v22 =	vld [tilespmem:s17+$0xC900]  }
0x4bf: {  	v24 =	vld [tilespmem:s17+$0xC910]  }
0x4c0: {  	v25 =	vld [tilespmem:s17+$0xC920]  }
0x4c1: {  	v26 =	vld [tilespmem:s17+$0xC930]  }
0x4c2: {  	v27 =	vld [tilespmem:s17+$0xC940]  }
0x4c3: {  	v28 =	vld [tilespmem:s17+$0xC950]  }
0x4c4: {  	v29 =	vld [tilespmem:s17+$0xC960]  }
0x4c5: {  	s21 =	sadd.s32 $0x2, s0;
	v30 =	vld [tilespmem:s17+$0xC970]  }
0x4c6: {  	s4 =	sshrl.u32 s21, $0x3;
	v15 =	vld [tilespmem:s17+$0xCD00]  }
0x4c7: {  	s4 =	smul.u32 $0x6000, s4;
	v16 =	vld [tilespmem:s17+$0xCD10]  }
0x4c8: {  	s26 =	sadd.s32 $0xFFCFE100, s1;
	v17 =	vld [tilespmem:s17+$0xCD20]  }
0x4c9: {  	s23 =	sadd.s32 $0x1, s0;
	s10 =	sand.u32 $0x380, s26;
	s4 =	sshra.s32 s4, $0x2;
	v18 =	vld [tilespmem:s17+$0xCD30]  }
0x4ca: {  	s6 =	sshrl.u32 s23, $0x3;
	v14 =	vld [tilespmem:s17+$0xCD40];
	s23 =	sor.u32 s10, s4  }
0x4cb: {  	v31 =	vld [tilespmem:s23+$0xC900]  }
0x4cc: {  	v32 =	vld [tilespmem:s23+$0xC910]  }
0x4cd: {  	v37 =	vld [tilespmem:s23+$0xC920]  }
0x4ce: {  	s6 =	smul.u32 $0x6000, s6;
	v38 =	vld [tilespmem:s23+$0xC930]  }
0x4cf: {  	s11 =	sadd.s32 $0xFFCFE080, s1;
	v39 =	vld [tilespmem:s23+$0xC940]  }
0x4d0: {  	s28 =	sand.u32 $0x380, s11;
	v55 =	vld [tilespmem:s23+$0xC950];
	s6 =	sshra.s32 s6, $0x2  }
0x4d1: {  	v9 =	vimm.f32 $0.0e+00;
	v62 =	vld [tilespmem:s23+$0xCD20];
	s4 =	sor.u32 s28, s6  }
0x4d2: {  	v1 =	vadd.f32 v1, v9;
	v33 =	vld [tilespmem:s4+$0xC900]  }
0x4d3: {  	v2 =	vadd.f32 v2, v9;
	v3 =	vadd.f32 v3, v9;
	v34 =	vld [tilespmem:s4+$0xC910]  }
0x4d4: {  	v4 =	vadd.f32 v4, v9;
	v5 =	vadd.f32 v5, v9;
	v36 =	vld [tilespmem:s4+$0xC930]  }
0x4d5: {  	v6 =	vadd.f32 v6, v9;
	v7 =	vadd.f32 v7, v9;
	v35 =	vld [tilespmem:s4+$0xC920]  }
0x4d6: {  	v8 =	vadd.f32 v8, v9;
	v19 =	vadd.f32 v19, v9;
	v56 =	vld [tilespmem:s4+$0xC940]  }
0x4d7: {  	v20 =	vadd.f32 v20, v9;
	v21 =	vadd.f32 v21, v9;
	v57 =	vld [tilespmem:s4+$0xC950]  }
0x4d8: {  	v59 =	vld [tilespmem:s4+$0xC970];
	v1 =	vadd.f32 v33, v1;
	v2 =	vadd.f32 v34, v2  }
0x4d9: {  	v23 =	vadd.f32 v23, v9;
	v60 =	vld [tilespmem:s4+$0xCD10];
	v4 =	vadd.f32 v36, v4  }
0x4da: {  	v1 =	vadd.f32 v31, v1;
	v2 =	vadd.f32 v32, v2;
	v31 =	vld [tilespmem:s4+$0xC960]  }
0x4db: {  	v61 =	vld [tilespmem:s4+$0xCD20];
	v3 =	vadd.f32 v35, v3;
	v58 =	vadd.f32 v38, v4  }
0x4dc: {  	v4 =	vadd.f32 v22, v1;
	v1 =	vadd.f32 v24, v2;
	v24 =	vld [tilespmem:s23+$0xC970]  }
0x4dd: {  	v63 =	vld [tilespmem:s23+$0xCD30];
	v5 =	vadd.f32 v56, v5;
	v6 =	vadd.f32 v57, v6  }
0x4de: {  	v8 =	vadd.f32 v59, v8;
	v3 =	vadd.f32 v37, v3;
	v22 =	vld [tilespmem:s23+$0xC960]  }
0x4df: {  	v20 =	vadd.f32 v60, v20;
	v7 =	vadd.f32 v31, v7;
	v31 =	vld [tilespmem:s4+$0xCD00]  }
0x4e0: {  	v21 =	vadd.f32 v61, v21;
	v3 =	vadd.f32 v25, v3;
	v25 =	vld [tilespmem:s23+$0xCD00]  }
0x4e1: {  	v5 =	vadd.f32 v39, v5;
	v8 =	vadd.f32 v24, v8;
	v24 =	vld [tilespmem:s4+$0xCD30]  }
0x4e2: {  	s21 =	sadd.s32 $0x4, s0;
	v6 =	vadd.f32 v55, v6;
	v2 =	vadd.f32 v26, v58;
	v26 =	vld [tilespmem:s23+$0xCD10]  }
0x4e3: {  	p5 =	slt.s32 s21, s8;
	v5 =	vadd.f32 v27, v5;
	v27 =	vld [tilespmem:s23+$0xCD40];
	v7 =	vadd.f32 v22, v7  }
.Ltmp50:
0x4e4: {  	v6 =	vadd.f32 v28, v6;
	v28 =	vld [tilespmem:s23+$0xCD50];
	v19 =	vadd.f32 v31, v19;
	(pc) =	sbr.rel @!p5 .LBB2_88-.Ltmp50, $4  }
0x4e5: {  	v22 =	vld [tilespmem:s17+$0xCD50];
	v7 =	vadd.f32 v29, v7;
	v8 =	vadd.f32 v30, v8  }
0x4e6: {  	v29 =	vld [tilespmem:s4+$0xCD40];
	v31 =	vadd.f32 v24, v23;
	v23 =	vadd.f32 v25, v19  }
0x4e7: {  	v30 =	vld [tilespmem:s4+$0xCD50];
	v24 =	vadd.f32 v26, v20;
	v25 =	vadd.f32 v62, v21;
	v21 =	vimm.f32 $0.0e+00  }
0x4e8: {  	v19 =	vimm.f32 $0.0e+00;
	v20 =	vimm.f32 $0.0e+00;
	v26 =	vadd.f32 v63, v31;
	v31 =	vld [tilespmem:s4+$0xCD60]  }
.LBB2_87:
0x4e9: {  	s6 =	sshrl.u32 s21, $0x3;
	v32 =	vld [tilespmem:s4+$0xCD70];
	v23 =	vadd.f32 v15, v23;
	v24 =	vadd.f32 v16, v24  }
0x4ea: {  	s1 =	sadd.s32 $0x200, s1;
	s4 =	smul.u32 $0x6000, s6;
	v15 =	vld [tilespmem:s23+$0xCD60];
	v25 =	vadd.f32 v17, v25;
	v26 =	vadd.f32 v18, v26  }
0x4eb: {  	v9 =	vadd.f32 v10, v9;
	v10 =	vadd.f32 v12, v21;
	s6 =	sadd.s32 $0xFFCFE000, s1;
	v12 =	vld [tilespmem:s23+$0xCD70]  }
0x4ec: {  	v11 =	vadd.f32 v11, v19;
	v13 =	vadd.f32 v13, v20;
	s6 =	sand.u32 $0x380, s6;
	s4 =	sshra.s32 s4, $0x2;
	v16 =	vld [tilespmem:s17+$0xCD60]  }
0x4ed: {  	v9 =	vadd.f32 v29, v9;
	v10 =	vadd.f32 v30, v10;
	s4 =	sor.u32 s6, s4;
	v17 =	vld [tilespmem:s17+$0xCD70]  }
0x4ee: {  	v11 =	vadd.f32 v31, v11;
	v33 =	vld [tilespmem:s4+$0xC900];
	v13 =	vadd.f32 v32, v13  }
0x4ef: {  	v9 =	vadd.f32 v27, v9;
	v10 =	vadd.f32 v28, v10;
	v31 =	vld [tilespmem:s4+$0xC910]  }
0x4f0: {  	v11 =	vadd.f32 v15, v11;
	v32 =	vld [tilespmem:s4+$0xC920];
	v12 =	vadd.f32 v12, v13  }
0x4f1: {  	v9 =	vadd.f32 v14, v9;
	v21 =	vadd.f32 v22, v10;
	v34 =	vld [tilespmem:s4+$0xC930]  }
0x4f2: {  	v19 =	vadd.f32 v16, v11;
	v35 =	vld [tilespmem:s4+$0xC940];
	v20 =	vadd.f32 v17, v12  }
0x4f3: {  	v36 =	vld [tilespmem:s4+$0xC950]  }
0x4f4: {  	v37 =	vld [tilespmem:s4+$0xC960]  }
0x4f5: {  	v38 =	vld [tilespmem:s4+$0xC970]  }
0x4f6: {  	v28 =	vld [tilespmem:s4+$0xCD00]  }
0x4f7: {  	v29 =	vld [tilespmem:s4+$0xCD10]  }
0x4f8: {  	s6 =	sadd.s32 $0x3, s21;
	v27 =	vld [tilespmem:s4+$0xCD20]  }
0x4f9: {  	s6 =	sshrl.u32 s6, $0x3;
	v30 =	vld [tilespmem:s4+$0xCD30]  }
0x4fa: {  	s6 =	smul.u32 $0x6000, s6;
	v10 =	vld [tilespmem:s4+$0xCD40]  }
0x4fb: {  	s10 =	sadd.s32 $0xFFCFE180, s1;
	v12 =	vld [tilespmem:s4+$0xCD50]  }
0x4fc: {  	s10 =	sand.u32 $0x380, s10;
	s6 =	sshra.s32 s6, $0x2;
	v11 =	vld [tilespmem:s4+$0xCD60]  }
0x4fd: {  	s17 =	sor.u32 s10, s6;
	v13 =	vld [tilespmem:s4+$0xCD70]  }
0x4fe: {  	v39 =	vld [tilespmem:s17+$0xC900]  }
0x4ff: {  	v40 =	vld [tilespmem:s17+$0xC910]  }
0x500: {  	v41 =	vld [tilespmem:s17+$0xC920]  }
0x501: {  	v42 =	vld [tilespmem:s17+$0xC930]  }
0x502: {  	v43 =	vld [tilespmem:s17+$0xC940]  }
0x503: {  	v44 =	vld [tilespmem:s17+$0xC950]  }
0x504: {  	v45 =	vld [tilespmem:s17+$0xC960]  }
0x505: {  	v46 =	vld [tilespmem:s17+$0xC970]  }
0x506: {  	s4 =	sadd.s32 $0x2, s21;
	v15 =	vld [tilespmem:s17+$0xCD00]  }
0x507: {  	s4 =	sshrl.u32 s4, $0x3;
	v16 =	vld [tilespmem:s17+$0xCD10]  }
0x508: {  	s6 =	sadd.s32 $0x1, s21;
	s4 =	smul.u32 $0x6000, s4;
	v17 =	vld [tilespmem:s17+$0xCD20]  }
0x509: {  	s10 =	sadd.s32 $0xFFCFE100, s1;
	s6 =	sshrl.u32 s6, $0x3;
	v18 =	vld [tilespmem:s17+$0xCD30]  }
0x50a: {  	s10 =	sand.u32 $0x380, s10;
	s6 =	smul.u32 $0x6000, s6;
	s4 =	sshra.s32 s4, $0x2;
	v14 =	vld [tilespmem:s17+$0xCD40]  }
0x50b: {  	s11 =	sadd.s32 $0xFFCFE080, s1;
	s23 =	sor.u32 s10, s4;
	v22 =	vld [tilespmem:s17+$0xCD50]  }
0x50c: {  	s6 =	sshra.s32 s6, $0x2;
	s4 =	sand.u32 $0x380, s11;
	v47 =	vld [tilespmem:s23+$0xC900]  }
0x50d: {  	s4 =	sor.u32 s4, s6;
	v48 =	vld [tilespmem:s23+$0xC910]  }
0x50e: {  	v49 =	vld [tilespmem:s4+$0xC900]  }
0x50f: {  	v50 =	vld [tilespmem:s4+$0xC910]  }
0x510: {  	v51 =	vld [tilespmem:s4+$0xC920]  }
0x511: {  	v52 =	vld [tilespmem:s4+$0xC930]  }
0x512: {  	v53 =	vld [tilespmem:s23+$0xC920]  }
0x513: {  	v4 =	vadd.f32 v33, v4;
	v1 =	vadd.f32 v31, v1;
	v31 =	vld [tilespmem:s23+$0xC930]  }
0x514: {  	v3 =	vadd.f32 v32, v3;
	v2 =	vadd.f32 v34, v2;
	v32 =	vld [tilespmem:s23+$0xC940]  }
0x515: {  	v4 =	vadd.f32 v49, v4;
	v1 =	vadd.f32 v50, v1;
	v33 =	vld [tilespmem:s23+$0xC950]  }
0x516: {  	v3 =	vadd.f32 v51, v3;
	v2 =	vadd.f32 v52, v2;
	v34 =	vld [tilespmem:s4+$0xC940]  }
0x517: {  	v4 =	vadd.f32 v47, v4;
	v1 =	vadd.f32 v48, v1;
	v49 =	vld [tilespmem:s4+$0xC950]  }
0x518: {  	v3 =	vadd.f32 v53, v3;
	v47 =	vld [tilespmem:s4+$0xC960];
	v2 =	vadd.f32 v31, v2  }
0x519: {  	v4 =	vadd.f32 v39, v4;
	v1 =	vadd.f32 v40, v1;
	v31 =	vld [tilespmem:s4+$0xC970]  }
0x51a: {  	v3 =	vadd.f32 v41, v3;
	v39 =	vld [tilespmem:s23+$0xC960];
	v2 =	vadd.f32 v42, v2  }
0x51b: {  	v5 =	vadd.f32 v35, v5;
	v6 =	vadd.f32 v36, v6;
	v35 =	vld [tilespmem:s23+$0xC970]  }
0x51c: {  	v7 =	vadd.f32 v37, v7;
	v8 =	vadd.f32 v38, v8;
	v36 =	vld [tilespmem:s23+$0xCD00]  }
0x51d: {  	v5 =	vadd.f32 v34, v5;
	v6 =	vadd.f32 v49, v6;
	v34 =	vld [tilespmem:s23+$0xCD10]  }
0x51e: {  	v7 =	vadd.f32 v47, v7;
	v8 =	vadd.f32 v31, v8;
	v31 =	vld [tilespmem:s4+$0xCD00]  }
0x51f: {  	v5 =	vadd.f32 v32, v5;
	v6 =	vadd.f32 v33, v6;
	v37 =	vld [tilespmem:s4+$0xCD10]  }
0x520: {  	v7 =	vadd.f32 v39, v7;
	v32 =	vld [tilespmem:s4+$0xCD20];
	v8 =	vadd.f32 v35, v8  }
0x521: {  	v5 =	vadd.f32 v43, v5;
	v6 =	vadd.f32 v44, v6;
	v33 =	vld [tilespmem:s4+$0xCD30]  }
0x522: {  	s21 =	sadd.s32 $0x4, s21;
	v7 =	vadd.f32 v45, v7;
	v35 =	vld [tilespmem:s23+$0xCD20];
	v8 =	vadd.f32 v46, v8  }
0x523: {  	v23 =	vadd.f32 v28, v23;
	v24 =	vadd.f32 v29, v24;
	p5 =	slt.s32 s21, s8;
	v38 =	vld [tilespmem:s23+$0xCD30]  }
.Ltmp51:
0x524: {  	v25 =	vadd.f32 v27, v25;
	v26 =	vadd.f32 v30, v26;
	v27 =	vld [tilespmem:s23+$0xCD40];
	(pc) =	sbr.rel @p5 .LBB2_87-.Ltmp51, $4  }
0x525: {  	v23 =	vadd.f32 v31, v23;
	v24 =	vadd.f32 v37, v24;
	v28 =	vld [tilespmem:s23+$0xCD50]  }
0x526: {  	v25 =	vadd.f32 v32, v25;
	v26 =	vadd.f32 v33, v26;
	v29 =	vld [tilespmem:s4+$0xCD40]  }
0x527: {  	v23 =	vadd.f32 v36, v23;
	v24 =	vadd.f32 v34, v24;
	v30 =	vld [tilespmem:s4+$0xCD50]  }
0x528: {  	v25 =	vadd.f32 v35, v25;
	v31 =	vld [tilespmem:s4+$0xCD60];
	v26 =	vadd.f32 v38, v26  }
.LBB2_88:
0x529: {  	v32 =	vld [tilespmem:s4+$0xCD70];
	v23 =	vadd.f32 v15, v23;
	v15 =	vadd.f32 v16, v24  }
0x52a: {  	v63 =	vld [tilespmem:s23+$0xCD60];
	v9 =	vadd.f32 v10, v9;
	v10 =	vadd.f32 v12, v21  }
0x52b: {  	v12 =	vld [tilespmem:s23+$0xCD70];
	v11 =	vadd.f32 v11, v19;
	v13 =	vadd.f32 v13, v20  }
0x52c: {  	v19 =	vld [tilespmem:s17+$0xCD70];
	v17 =	vadd.f32 v17, v25;
	v16 =	vadd.f32 v18, v26  }
0x52d: {  	v18 =	vld [tilespmem:s17+$0xCD60];
	v9 =	vadd.f32 v29, v9;
	v10 =	vadd.f32 v30, v10  }
.Ltmp52:
0x52e: {  	v11 =	vadd.f32 v31, v11;
	v13 =	vadd.f32 v32, v13;
	(pc) =	sbr.rel .LBB2_62-.Ltmp52, $4  }
0x52f: {  	v9 =	vadd.f32 v27, v9;
	v10 =	vadd.f32 v28, v10  }
0x530: {  	v11 =	vadd.f32 v63, v11;
	v12 =	vadd.f32 v12, v13  }
0x531: {  	v9 =	vadd.f32 v14, v9;
	v10 =	vadd.f32 v22, v10  }
0x532: {  	v11 =	vadd.f32 v18, v11;
	v12 =	vadd.f32 v19, v12  }
.LBB2_61:
0x533: {  	v4 =	vimm.f32 $0.0e+00  }
0x534: {  	v1 =	vimm.f32 $0.0e+00;
	v3 =	vimm.f32 $0.0e+00;
	v2 =	vimm.f32 $0.0e+00  }
0x535: {  	v5 =	vimm.f32 $0.0e+00;
	v6 =	vimm.f32 $0.0e+00;
	v7 =	vimm.f32 $0.0e+00  }
0x536: {  	v8 =	vimm.f32 $0.0e+00;
	v23 =	vimm.f32 $0.0e+00;
	v15 =	vimm.f32 $0.0e+00  }
0x537: {  	v17 =	vimm.f32 $0.0e+00;
	v16 =	vimm.f32 $0.0e+00;
	v9 =	vimm.f32 $0.0e+00  }
0x538: {  	v10 =	vimm.f32 $0.0e+00;
	v11 =	vimm.f32 $0.0e+00;
	v12 =	vimm.f32 $0.0e+00  }
.LBB2_62:
.Ltmp53:
0x539: {  	(pc) =	sbr.rel @p4 .LBB2_65-.Ltmp53, $1  }
0x53a: {  	_ =	sdelay $0x3  }
0x53b: {  	s1 =	smov.u32 s31  }
0x53c: {  	s1 =	smov.u32 @p3 s3  }
0x53d: {  	s4 =	smov.u32 s30;
	p5 =	slt.s32 s1, s30  }
0x53e: {  	s4 =	smov.u32 @p5 s1  }
0x53f: {  	s1 =	sadd.s32 s4, s16  }
0x540: {  	s17 =	smov.u32 s8;
	s4 =	sshll.u32 s8, $0x7;
	s1 =	ssub.s32 s1, s9  }
.LBB2_64:
0x541: {  	s6 =	sshrl.u32 s17, $0x3  }
0x542: {  	s6 =	smul.u32 $0x6000, s6;
	_ =	sdelay $0x1  }
0x543: {  	s10 =	sand.u32 $0x380, s4;
	s6 =	sshra.s32 s6, $0x2  }
0x544: {  	s6 =	sor.u32 s10, s6  }
0x545: {  	v13 =	vld [tilespmem:s6+$0xC900]  }
0x546: {  	v14 =	vld [tilespmem:s6+$0xC910]  }
0x547: {  	v18 =	vld [tilespmem:s6+$0xC920]  }
0x548: {  	v19 =	vld [tilespmem:s6+$0xC930]  }
0x549: {  	v20 =	vld [tilespmem:s6+$0xC940]  }
0x54a: {  	v21 =	vld [tilespmem:s6+$0xC950]  }
0x54b: {  	v22 =	vld [tilespmem:s6+$0xC960]  }
0x54c: {  	v24 =	vld [tilespmem:s6+$0xC970]  }
0x54d: {  	v25 =	vld [tilespmem:s6+$0xCD00]  }
0x54e: {  	v26 =	vld [tilespmem:s6+$0xCD10]  }
0x54f: {  	v27 =	vld [tilespmem:s6+$0xCD20]  }
0x550: {  	v28 =	vld [tilespmem:s6+$0xCD30]  }
0x551: {  	v29 =	vld [tilespmem:s6+$0xCD40]  }
0x552: {  	v4 =	vadd.f32 v13, v4;
	v1 =	vadd.f32 v14, v1;
	v13 =	vld [tilespmem:s6+$0xCD50]  }
0x553: {  	v3 =	vadd.f32 v18, v3;
	v2 =	vadd.f32 v19, v2;
	v14 =	vld [tilespmem:s6+$0xCD60]  }
0x554: {  	p5 =	sne.s32 s1, $0x1;
	v5 =	vadd.f32 v20, v5;
	v6 =	vadd.f32 v21, v6;
	v18 =	vld [tilespmem:s6+$0xCD70]  }
.Ltmp54:
0x555: {  	v7 =	vadd.f32 v22, v7;
	v8 =	vadd.f32 v24, v8;
	(pc) =	sbr.rel @p5 .LBB2_64-.Ltmp54, $4  }
0x556: {  	v23 =	vadd.f32 v25, v23;
	v15 =	vadd.f32 v26, v15  }
0x557: {  	v17 =	vadd.f32 v27, v17;
	v16 =	vadd.f32 v28, v16  }
0x558: {  	v9 =	vadd.f32 v29, v9;
	v10 =	vadd.f32 v13, v10  }
0x559: {  	s17 =	sadd.s32 $0x1, s17;
	s4 =	sadd.s32 $0x80, s4;
	s1 =	sadd.s32 $0xFFFFFFFF, s1;
	v11 =	vadd.f32 v14, v11;
	v12 =	vadd.f32 v18, v12  }
.LBB2_65:
0x55a: {  	s1 =	sadd.s32 s13, s14  }
0x55b: {  	v13 =	vld [tilespmem:s1+$0x18900];
	_ =	sdelay $0x4  }
0x55c: {  	v4 =	vadd.f32 v13, v4;
	_ =	sdelay $0x1  }
0x55d: {  	s4 =	sadd.s32 $0x18900, s1;
	[tilespmem:s1+$0x18900] =	vst v4  }
0x55e: {  	v4 =	vld [tilespmem:s4+$0x10]  }
0x55f: {  	v57 =	vld [tilespmem:s4+$0x20]  }
0x560: {  	v14 =	vld [tilespmem:s4+$0x30]  }
0x561: {  	v18 =	vld [tilespmem:s4+$0x40]  }
0x562: {  	v19 =	vld [tilespmem:s4+$0x50]  }
0x563: {  	v58 =	vld [tilespmem:s4+$0x60];
	v1 =	vadd.f32 v4, v1  }
0x564: {  	v59 =	vld [tilespmem:s4+$0x70];
	v3 =	vadd.f32 v57, v3  }
0x565: {  	[tilespmem:s4+$0x10] =	vst v1;
	v1 =	vadd.f32 v14, v2  }
0x566: {  	[tilespmem:s4+$0x20] =	vst v3;
	v2 =	vadd.f32 v18, v5  }
0x567: {  	[tilespmem:s4+$0x30] =	vst v1;
	v1 =	vadd.f32 v19, v6  }
0x568: {  	[tilespmem:s4+$0x40] =	vst v2;
	v2 =	vadd.f32 v58, v7  }
0x569: {  	[tilespmem:s4+$0x50] =	vst v1;
	v1 =	vadd.f32 v59, v8  }
0x56a: {  	[tilespmem:s4+$0x60] =	vst v2  }
0x56b: {  	[tilespmem:s4+$0x70] =	vst v1  }
0x56c: {  	v1 =	vld [tilespmem:s1+$0x18D00];
	_ =	sdelay $0x4  }
0x56d: {  	v1 =	vadd.f32 v1, v23;
	_ =	sdelay $0x1  }
0x56e: {  	s28 =	sadd.s32 $0x18D00, s1;
	[tilespmem:s1+$0x18D00] =	vst v1  }
0x56f: {  	v1 =	vld [tilespmem:s28+$0x10]  }
0x570: {  	v2 =	vld [tilespmem:s28+$0x20]  }
0x571: {  	v3 =	vld [tilespmem:s28+$0x30]  }
0x572: {  	v60 =	vld [tilespmem:s28+$0x40]  }
0x573: {  	v61 =	vld [tilespmem:s28+$0x50]  }
0x574: {  	v62 =	vld [tilespmem:s28+$0x60];
	v1 =	vadd.f32 v1, v15  }
0x575: {  	v63 =	vld [tilespmem:s28+$0x70];
	v2 =	vadd.f32 v2, v17  }
0x576: {  	[tilespmem:s28+$0x10] =	vst v1;
	v1 =	vadd.f32 v3, v16  }
0x577: {  	[tilespmem:s28+$0x20] =	vst v2;
	v2 =	vadd.f32 v60, v9  }
.Ltmp55:
0x578: {  	[tilespmem:s28+$0x30] =	vst v1;
	v1 =	vadd.f32 v61, v10;
	(pc) =	sbr.rel @p2 .LBB2_66-.Ltmp55, $4  }
0x579: {  	[tilespmem:s28+$0x40] =	vst v2;
	v2 =	vadd.f32 v62, v11  }
0x57a: {  	[tilespmem:s28+$0x50] =	vst v1;
	v1 =	vadd.f32 v63, v12  }
0x57b: {  	[tilespmem:s28+$0x60] =	vst v2  }
0x57c: {  	[tilespmem:s28+$0x70] =	vst v1  }
0x57d: {  	s4 =	sshrl.u32 s0, $0x3  }
0x57e: {  	s4 =	smul.u32 $0x6000, s4  }
0x57f: {  	s6 =	sadd.s32 $0xFFCFE000, s18  }
0x580: {  	s6 =	sand.u32 $0x380, s6;
	s4 =	sshra.s32 s4, $0x2  }
0x581: {  	s4 =	sor.u32 s6, s4  }
0x582: {  	v1 =	vld [tilespmem:s4+$0xD100]  }
0x583: {  	v2 =	vld [tilespmem:s4+$0xD110]  }
0x584: {  	v3 =	vld [tilespmem:s4+$0xD120]  }
0x585: {  	v4 =	vld [tilespmem:s4+$0xD130]  }
0x586: {  	v5 =	vld [tilespmem:s4+$0xD140]  }
0x587: {  	v6 =	vld [tilespmem:s4+$0xD150]  }
0x588: {  	v7 =	vld [tilespmem:s4+$0xD160]  }
0x589: {  	v8 =	vld [tilespmem:s4+$0xD170]  }
0x58a: {  	v19 =	vld [tilespmem:s4+$0xD500]  }
0x58b: {  	v20 =	vld [tilespmem:s4+$0xD510]  }
0x58c: {  	s17 =	sadd.s32 $0x3, s0;
	v21 =	vld [tilespmem:s4+$0xD520]  }
0x58d: {  	s6 =	sshrl.u32 s17, $0x3;
	v23 =	vld [tilespmem:s4+$0xD530]  }
0x58e: {  	v10 =	vld [tilespmem:s4+$0xD540];
	s6 =	smul.u32 $0x6000, s6  }
0x58f: {  	s10 =	sadd.s32 $0xFFCFE180, s18;
	v12 =	vld [tilespmem:s4+$0xD550]  }
0x590: {  	s10 =	sand.u32 $0x380, s10;
	v11 =	vld [tilespmem:s4+$0xD560];
	s6 =	sshra.s32 s6, $0x2  }
0x591: {  	v13 =	vld [tilespmem:s4+$0xD570];
	s13 =	sor.u32 s10, s6  }
0x592: {  	v22 =	vld [tilespmem:s13+$0xD100]  }
0x593: {  	v24 =	vld [tilespmem:s13+$0xD110]  }
0x594: {  	v25 =	vld [tilespmem:s13+$0xD120]  }
0x595: {  	v26 =	vld [tilespmem:s13+$0xD130]  }
0x596: {  	v27 =	vld [tilespmem:s13+$0xD140]  }
0x597: {  	v28 =	vld [tilespmem:s13+$0xD150]  }
0x598: {  	v29 =	vld [tilespmem:s13+$0xD160]  }
0x599: {  	s21 =	sadd.s32 $0x2, s0;
	v30 =	vld [tilespmem:s13+$0xD170]  }
0x59a: {  	s4 =	sshrl.u32 s21, $0x3;
	v15 =	vld [tilespmem:s13+$0xD500]  }
0x59b: {  	s4 =	smul.u32 $0x6000, s4;
	v16 =	vld [tilespmem:s13+$0xD510]  }
0x59c: {  	s26 =	sadd.s32 $0xFFCFE100, s18;
	v17 =	vld [tilespmem:s13+$0xD520]  }
0x59d: {  	s10 =	sand.u32 $0x380, s26;
	s4 =	sshra.s32 s4, $0x2;
	v18 =	vld [tilespmem:s13+$0xD530]  }
0x59e: {  	v14 =	vld [tilespmem:s13+$0xD540];
	s14 =	sor.u32 s10, s4  }
0x59f: {  	v31 =	vld [tilespmem:s14+$0xD100]  }
0x5a0: {  	s23 =	sadd.s32 $0x1, s0;
	v32 =	vld [tilespmem:s14+$0xD110]  }
0x5a1: {  	s6 =	sshrl.u32 s23, $0x3;
	v37 =	vld [tilespmem:s14+$0xD120]  }
0x5a2: {  	s6 =	smul.u32 $0x6000, s6;
	v38 =	vld [tilespmem:s14+$0xD130]  }
0x5a3: {  	s11 =	sadd.s32 $0xFFCFE080, s18;
	v39 =	vld [tilespmem:s14+$0xD140]  }
0x5a4: {  	s28 =	sand.u32 $0x380, s11;
	v55 =	vld [tilespmem:s14+$0xD150];
	s6 =	sshra.s32 s6, $0x2  }
0x5a5: {  	v9 =	vimm.f32 $0.0e+00;
	v62 =	vld [tilespmem:s14+$0xD520];
	s4 =	sor.u32 s28, s6  }
0x5a6: {  	v1 =	vadd.f32 v1, v9;
	v33 =	vld [tilespmem:s4+$0xD100]  }
0x5a7: {  	v2 =	vadd.f32 v2, v9;
	v3 =	vadd.f32 v3, v9;
	v34 =	vld [tilespmem:s4+$0xD110]  }
0x5a8: {  	v4 =	vadd.f32 v4, v9;
	v5 =	vadd.f32 v5, v9;
	v36 =	vld [tilespmem:s4+$0xD130]  }
0x5a9: {  	v6 =	vadd.f32 v6, v9;
	v7 =	vadd.f32 v7, v9;
	v35 =	vld [tilespmem:s4+$0xD120]  }
0x5aa: {  	v8 =	vadd.f32 v8, v9;
	v19 =	vadd.f32 v19, v9;
	v56 =	vld [tilespmem:s4+$0xD140]  }
0x5ab: {  	v20 =	vadd.f32 v20, v9;
	v21 =	vadd.f32 v21, v9;
	v57 =	vld [tilespmem:s4+$0xD150]  }
0x5ac: {  	v59 =	vld [tilespmem:s4+$0xD170];
	v1 =	vadd.f32 v33, v1;
	v2 =	vadd.f32 v34, v2  }
0x5ad: {  	v23 =	vadd.f32 v23, v9;
	v60 =	vld [tilespmem:s4+$0xD510];
	v4 =	vadd.f32 v36, v4  }
0x5ae: {  	v1 =	vadd.f32 v31, v1;
	v2 =	vadd.f32 v32, v2;
	v31 =	vld [tilespmem:s4+$0xD160]  }
0x5af: {  	v61 =	vld [tilespmem:s4+$0xD520];
	v3 =	vadd.f32 v35, v3;
	v58 =	vadd.f32 v38, v4  }
0x5b0: {  	v4 =	vadd.f32 v22, v1;
	v1 =	vadd.f32 v24, v2;
	v24 =	vld [tilespmem:s14+$0xD170]  }
0x5b1: {  	v63 =	vld [tilespmem:s14+$0xD530];
	v5 =	vadd.f32 v56, v5;
	v6 =	vadd.f32 v57, v6  }
0x5b2: {  	v8 =	vadd.f32 v59, v8;
	v3 =	vadd.f32 v37, v3;
	v22 =	vld [tilespmem:s14+$0xD160]  }
0x5b3: {  	v20 =	vadd.f32 v60, v20;
	v7 =	vadd.f32 v31, v7;
	v31 =	vld [tilespmem:s4+$0xD500]  }
0x5b4: {  	v21 =	vadd.f32 v61, v21;
	v3 =	vadd.f32 v25, v3;
	v25 =	vld [tilespmem:s14+$0xD500]  }
0x5b5: {  	v5 =	vadd.f32 v39, v5;
	v8 =	vadd.f32 v24, v8;
	v24 =	vld [tilespmem:s4+$0xD530]  }
0x5b6: {  	s0 =	sadd.s32 $0x4, s0;
	v6 =	vadd.f32 v55, v6;
	v2 =	vadd.f32 v26, v58;
	v26 =	vld [tilespmem:s14+$0xD510]  }
0x5b7: {  	p2 =	slt.s32 s0, s8;
	v5 =	vadd.f32 v27, v5;
	v27 =	vld [tilespmem:s14+$0xD540];
	v7 =	vadd.f32 v22, v7  }
.Ltmp56:
0x5b8: {  	v6 =	vadd.f32 v28, v6;
	v28 =	vld [tilespmem:s14+$0xD550];
	v19 =	vadd.f32 v31, v19;
	(pc) =	sbr.rel @!p2 .LBB2_91-.Ltmp56, $4  }
0x5b9: {  	v22 =	vld [tilespmem:s13+$0xD550];
	v7 =	vadd.f32 v29, v7;
	v8 =	vadd.f32 v30, v8  }
0x5ba: {  	v29 =	vld [tilespmem:s4+$0xD540];
	v31 =	vadd.f32 v24, v23;
	v23 =	vadd.f32 v25, v19  }
0x5bb: {  	v30 =	vld [tilespmem:s4+$0xD550];
	v24 =	vadd.f32 v26, v20;
	v25 =	vadd.f32 v62, v21;
	v21 =	vimm.f32 $0.0e+00  }
0x5bc: {  	v19 =	vimm.f32 $0.0e+00;
	v20 =	vimm.f32 $0.0e+00;
	v26 =	vadd.f32 v63, v31;
	v31 =	vld [tilespmem:s4+$0xD560]  }
.LBB2_90:
0x5bd: {  	s6 =	sshrl.u32 s0, $0x3;
	v32 =	vld [tilespmem:s4+$0xD570];
	v23 =	vadd.f32 v15, v23;
	v24 =	vadd.f32 v16, v24  }
0x5be: {  	s18 =	sadd.s32 $0x200, s18;
	s4 =	smul.u32 $0x6000, s6;
	v15 =	vld [tilespmem:s14+$0xD560];
	v25 =	vadd.f32 v17, v25;
	v26 =	vadd.f32 v18, v26  }
0x5bf: {  	v9 =	vadd.f32 v10, v9;
	v10 =	vadd.f32 v12, v21;
	s6 =	sadd.s32 $0xFFCFE000, s18;
	v12 =	vld [tilespmem:s14+$0xD570]  }
0x5c0: {  	v11 =	vadd.f32 v11, v19;
	v13 =	vadd.f32 v13, v20;
	s6 =	sand.u32 $0x380, s6;
	s4 =	sshra.s32 s4, $0x2;
	v16 =	vld [tilespmem:s13+$0xD560]  }
0x5c1: {  	v9 =	vadd.f32 v29, v9;
	v10 =	vadd.f32 v30, v10;
	s4 =	sor.u32 s6, s4;
	v17 =	vld [tilespmem:s13+$0xD570]  }
0x5c2: {  	v11 =	vadd.f32 v31, v11;
	v33 =	vld [tilespmem:s4+$0xD100];
	v13 =	vadd.f32 v32, v13  }
0x5c3: {  	v9 =	vadd.f32 v27, v9;
	v10 =	vadd.f32 v28, v10;
	v31 =	vld [tilespmem:s4+$0xD110]  }
0x5c4: {  	v11 =	vadd.f32 v15, v11;
	v32 =	vld [tilespmem:s4+$0xD120];
	v12 =	vadd.f32 v12, v13  }
0x5c5: {  	v9 =	vadd.f32 v14, v9;
	v21 =	vadd.f32 v22, v10;
	v34 =	vld [tilespmem:s4+$0xD130]  }
0x5c6: {  	v19 =	vadd.f32 v16, v11;
	v35 =	vld [tilespmem:s4+$0xD140];
	v20 =	vadd.f32 v17, v12  }
0x5c7: {  	v36 =	vld [tilespmem:s4+$0xD150]  }
0x5c8: {  	v37 =	vld [tilespmem:s4+$0xD160]  }
0x5c9: {  	v38 =	vld [tilespmem:s4+$0xD170]  }
0x5ca: {  	v28 =	vld [tilespmem:s4+$0xD500]  }
0x5cb: {  	v29 =	vld [tilespmem:s4+$0xD510]  }
0x5cc: {  	s6 =	sadd.s32 $0x3, s0;
	v27 =	vld [tilespmem:s4+$0xD520]  }
0x5cd: {  	s6 =	sshrl.u32 s6, $0x3;
	v30 =	vld [tilespmem:s4+$0xD530]  }
0x5ce: {  	s6 =	smul.u32 $0x6000, s6;
	v10 =	vld [tilespmem:s4+$0xD540]  }
0x5cf: {  	s10 =	sadd.s32 $0xFFCFE180, s18;
	v12 =	vld [tilespmem:s4+$0xD550]  }
0x5d0: {  	s10 =	sand.u32 $0x380, s10;
	s6 =	sshra.s32 s6, $0x2;
	v11 =	vld [tilespmem:s4+$0xD560]  }
0x5d1: {  	s13 =	sor.u32 s10, s6;
	v13 =	vld [tilespmem:s4+$0xD570]  }
0x5d2: {  	v39 =	vld [tilespmem:s13+$0xD100]  }
0x5d3: {  	v40 =	vld [tilespmem:s13+$0xD110]  }
0x5d4: {  	v41 =	vld [tilespmem:s13+$0xD120]  }
0x5d5: {  	v42 =	vld [tilespmem:s13+$0xD130]  }
0x5d6: {  	v43 =	vld [tilespmem:s13+$0xD140]  }
0x5d7: {  	v44 =	vld [tilespmem:s13+$0xD150]  }
0x5d8: {  	v45 =	vld [tilespmem:s13+$0xD160]  }
0x5d9: {  	v46 =	vld [tilespmem:s13+$0xD170]  }
0x5da: {  	s4 =	sadd.s32 $0x2, s0;
	v15 =	vld [tilespmem:s13+$0xD500]  }
0x5db: {  	s4 =	sshrl.u32 s4, $0x3;
	v16 =	vld [tilespmem:s13+$0xD510]  }
0x5dc: {  	s6 =	sadd.s32 $0x1, s0;
	s4 =	smul.u32 $0x6000, s4;
	v17 =	vld [tilespmem:s13+$0xD520]  }
0x5dd: {  	s10 =	sadd.s32 $0xFFCFE100, s18;
	s6 =	sshrl.u32 s6, $0x3;
	v18 =	vld [tilespmem:s13+$0xD530]  }
0x5de: {  	s10 =	sand.u32 $0x380, s10;
	s6 =	smul.u32 $0x6000, s6;
	s4 =	sshra.s32 s4, $0x2;
	v14 =	vld [tilespmem:s13+$0xD540]  }
0x5df: {  	s11 =	sadd.s32 $0xFFCFE080, s18;
	s14 =	sor.u32 s10, s4;
	v22 =	vld [tilespmem:s13+$0xD550]  }
0x5e0: {  	s6 =	sshra.s32 s6, $0x2;
	s4 =	sand.u32 $0x380, s11;
	v47 =	vld [tilespmem:s14+$0xD100]  }
0x5e1: {  	s4 =	sor.u32 s4, s6;
	v48 =	vld [tilespmem:s14+$0xD110]  }
0x5e2: {  	v49 =	vld [tilespmem:s4+$0xD100]  }
0x5e3: {  	v50 =	vld [tilespmem:s4+$0xD110]  }
0x5e4: {  	v51 =	vld [tilespmem:s4+$0xD120]  }
0x5e5: {  	v52 =	vld [tilespmem:s4+$0xD130]  }
0x5e6: {  	v53 =	vld [tilespmem:s14+$0xD120]  }
0x5e7: {  	v4 =	vadd.f32 v33, v4;
	v1 =	vadd.f32 v31, v1;
	v31 =	vld [tilespmem:s14+$0xD130]  }
0x5e8: {  	v3 =	vadd.f32 v32, v3;
	v2 =	vadd.f32 v34, v2;
	v32 =	vld [tilespmem:s14+$0xD140]  }
0x5e9: {  	v4 =	vadd.f32 v49, v4;
	v1 =	vadd.f32 v50, v1;
	v33 =	vld [tilespmem:s14+$0xD150]  }
0x5ea: {  	v3 =	vadd.f32 v51, v3;
	v2 =	vadd.f32 v52, v2;
	v34 =	vld [tilespmem:s4+$0xD140]  }
0x5eb: {  	v4 =	vadd.f32 v47, v4;
	v1 =	vadd.f32 v48, v1;
	v49 =	vld [tilespmem:s4+$0xD150]  }
0x5ec: {  	v3 =	vadd.f32 v53, v3;
	v47 =	vld [tilespmem:s4+$0xD160];
	v2 =	vadd.f32 v31, v2  }
0x5ed: {  	v4 =	vadd.f32 v39, v4;
	v1 =	vadd.f32 v40, v1;
	v31 =	vld [tilespmem:s4+$0xD170]  }
0x5ee: {  	v3 =	vadd.f32 v41, v3;
	v39 =	vld [tilespmem:s14+$0xD160];
	v2 =	vadd.f32 v42, v2  }
0x5ef: {  	v5 =	vadd.f32 v35, v5;
	v6 =	vadd.f32 v36, v6;
	v35 =	vld [tilespmem:s14+$0xD170]  }
0x5f0: {  	v7 =	vadd.f32 v37, v7;
	v8 =	vadd.f32 v38, v8;
	v36 =	vld [tilespmem:s14+$0xD500]  }
0x5f1: {  	v5 =	vadd.f32 v34, v5;
	v6 =	vadd.f32 v49, v6;
	v34 =	vld [tilespmem:s14+$0xD510]  }
0x5f2: {  	v7 =	vadd.f32 v47, v7;
	v8 =	vadd.f32 v31, v8;
	v31 =	vld [tilespmem:s4+$0xD500]  }
0x5f3: {  	v5 =	vadd.f32 v32, v5;
	v6 =	vadd.f32 v33, v6;
	v37 =	vld [tilespmem:s4+$0xD510]  }
0x5f4: {  	v7 =	vadd.f32 v39, v7;
	v32 =	vld [tilespmem:s4+$0xD520];
	v8 =	vadd.f32 v35, v8  }
0x5f5: {  	v5 =	vadd.f32 v43, v5;
	v6 =	vadd.f32 v44, v6;
	v33 =	vld [tilespmem:s4+$0xD530]  }
0x5f6: {  	s0 =	sadd.s32 $0x4, s0;
	v7 =	vadd.f32 v45, v7;
	v35 =	vld [tilespmem:s14+$0xD520];
	v8 =	vadd.f32 v46, v8  }
0x5f7: {  	v23 =	vadd.f32 v28, v23;
	v24 =	vadd.f32 v29, v24;
	p2 =	slt.s32 s0, s8;
	v38 =	vld [tilespmem:s14+$0xD530]  }
.Ltmp57:
0x5f8: {  	v25 =	vadd.f32 v27, v25;
	v26 =	vadd.f32 v30, v26;
	v27 =	vld [tilespmem:s14+$0xD540];
	(pc) =	sbr.rel @p2 .LBB2_90-.Ltmp57, $4  }
0x5f9: {  	v23 =	vadd.f32 v31, v23;
	v24 =	vadd.f32 v37, v24;
	v28 =	vld [tilespmem:s14+$0xD550]  }
0x5fa: {  	v25 =	vadd.f32 v32, v25;
	v26 =	vadd.f32 v33, v26;
	v29 =	vld [tilespmem:s4+$0xD540]  }
0x5fb: {  	v23 =	vadd.f32 v36, v23;
	v24 =	vadd.f32 v34, v24;
	v30 =	vld [tilespmem:s4+$0xD550]  }
0x5fc: {  	v25 =	vadd.f32 v35, v25;
	v31 =	vld [tilespmem:s4+$0xD560];
	v26 =	vadd.f32 v38, v26  }
.LBB2_91:
0x5fd: {  	v32 =	vld [tilespmem:s4+$0xD570];
	v23 =	vadd.f32 v15, v23;
	v15 =	vadd.f32 v16, v24  }
0x5fe: {  	v63 =	vld [tilespmem:s14+$0xD560];
	v9 =	vadd.f32 v10, v9;
	v10 =	vadd.f32 v12, v21  }
0x5ff: {  	v12 =	vld [tilespmem:s14+$0xD570];
	v11 =	vadd.f32 v11, v19;
	v13 =	vadd.f32 v13, v20  }
0x600: {  	v19 =	vld [tilespmem:s13+$0xD570];
	v17 =	vadd.f32 v17, v25;
	v16 =	vadd.f32 v18, v26  }
0x601: {  	v18 =	vld [tilespmem:s13+$0xD560];
	v9 =	vadd.f32 v29, v9;
	v10 =	vadd.f32 v30, v10  }
.Ltmp58:
0x602: {  	v11 =	vadd.f32 v31, v11;
	v13 =	vadd.f32 v32, v13;
	(pc) =	sbr.rel .LBB2_67-.Ltmp58, $4  }
0x603: {  	v9 =	vadd.f32 v27, v9;
	v10 =	vadd.f32 v28, v10  }
0x604: {  	v11 =	vadd.f32 v63, v11;
	v12 =	vadd.f32 v12, v13  }
0x605: {  	v9 =	vadd.f32 v14, v9;
	v10 =	vadd.f32 v22, v10  }
0x606: {  	v11 =	vadd.f32 v18, v11;
	v12 =	vadd.f32 v19, v12  }
.LBB2_66:
0x607: {  	v4 =	vimm.f32 $0.0e+00  }
0x608: {  	v1 =	vimm.f32 $0.0e+00;
	v3 =	vimm.f32 $0.0e+00;
	v2 =	vimm.f32 $0.0e+00  }
0x609: {  	v5 =	vimm.f32 $0.0e+00;
	v6 =	vimm.f32 $0.0e+00;
	v7 =	vimm.f32 $0.0e+00  }
0x60a: {  	v8 =	vimm.f32 $0.0e+00;
	v23 =	vimm.f32 $0.0e+00;
	v15 =	vimm.f32 $0.0e+00  }
0x60b: {  	v17 =	vimm.f32 $0.0e+00;
	v16 =	vimm.f32 $0.0e+00;
	v9 =	vimm.f32 $0.0e+00  }
0x60c: {  	v10 =	vimm.f32 $0.0e+00;
	v11 =	vimm.f32 $0.0e+00;
	v12 =	vimm.f32 $0.0e+00  }
.LBB2_67:
.Ltmp59:
0x60d: {  	(pc) =	sbr.rel @p4 .LBB2_70-.Ltmp59, $1  }
0x60e: {  	_ =	sdelay $0x3  }
0x60f: {  	s0 =	smov.u32 s31  }
0x610: {  	s0 =	smov.u32 @p3 s3  }
0x611: {  	s3 =	smov.u32 s30;
	p2 =	slt.s32 s0, s30  }
0x612: {  	s3 =	smov.u32 @p2 s0  }
0x613: {  	s0 =	sadd.s32 s3, s16  }
0x614: {  	s3 =	sshll.u32 s8, $0x7;
	s0 =	ssub.s32 s0, s9  }
.LBB2_69:
0x615: {  	s4 =	sshrl.u32 s8, $0x3  }
0x616: {  	s4 =	smul.u32 $0x6000, s4;
	_ =	sdelay $0x1  }
0x617: {  	s6 =	sand.u32 $0x380, s3;
	s4 =	sshra.s32 s4, $0x2  }
0x618: {  	s4 =	sor.u32 s6, s4  }
0x619: {  	v13 =	vld [tilespmem:s4+$0xD100]  }
0x61a: {  	v14 =	vld [tilespmem:s4+$0xD110]  }
0x61b: {  	v18 =	vld [tilespmem:s4+$0xD120]  }
0x61c: {  	v19 =	vld [tilespmem:s4+$0xD130]  }
0x61d: {  	v20 =	vld [tilespmem:s4+$0xD140]  }
0x61e: {  	v21 =	vld [tilespmem:s4+$0xD150]  }
0x61f: {  	v22 =	vld [tilespmem:s4+$0xD160]  }
0x620: {  	v24 =	vld [tilespmem:s4+$0xD170]  }
0x621: {  	v25 =	vld [tilespmem:s4+$0xD500]  }
0x622: {  	v26 =	vld [tilespmem:s4+$0xD510]  }
0x623: {  	v27 =	vld [tilespmem:s4+$0xD520]  }
0x624: {  	v28 =	vld [tilespmem:s4+$0xD530]  }
0x625: {  	v29 =	vld [tilespmem:s4+$0xD540]  }
0x626: {  	v4 =	vadd.f32 v13, v4;
	v1 =	vadd.f32 v14, v1;
	v13 =	vld [tilespmem:s4+$0xD550]  }
0x627: {  	v3 =	vadd.f32 v18, v3;
	v2 =	vadd.f32 v19, v2;
	v14 =	vld [tilespmem:s4+$0xD560]  }
0x628: {  	p2 =	sne.s32 s0, $0x1;
	v5 =	vadd.f32 v20, v5;
	v6 =	vadd.f32 v21, v6;
	v18 =	vld [tilespmem:s4+$0xD570]  }
.Ltmp60:
0x629: {  	v7 =	vadd.f32 v22, v7;
	v8 =	vadd.f32 v24, v8;
	(pc) =	sbr.rel @p2 .LBB2_69-.Ltmp60, $4  }
0x62a: {  	v23 =	vadd.f32 v25, v23;
	v15 =	vadd.f32 v26, v15  }
0x62b: {  	v17 =	vadd.f32 v27, v17;
	v16 =	vadd.f32 v28, v16  }
0x62c: {  	v9 =	vadd.f32 v29, v9;
	v10 =	vadd.f32 v13, v10  }
0x62d: {  	s8 =	sadd.s32 $0x1, s8;
	s3 =	sadd.s32 $0x80, s3;
	s0 =	sadd.s32 $0xFFFFFFFF, s0;
	v11 =	vadd.f32 v14, v11;
	v12 =	vadd.f32 v18, v12  }
.Ltmp61:
0x62e: {  	_ = 	snop;
	(pc) =	sbr.rel .LBB2_70-.Ltmp61, $1  }
0x62f: {  	_ =	sdelay $0x3  }
.LBB2_72:
.Ltmp62:
0x630: {  	(pc) =	sbr.rel @!p1 .LBB2_92-.Ltmp62, $1  }
0x631: {  	_ =	sdelay $0x3  }
.Ltmp63:
0x632: {  	(pc) =	sbr.rel .LBB2_34-.Ltmp63, $4  }
0x633: {  	s0 =	simm.s32 $0x0;
	s1 =	rddreg [dreg:$0x9];
	s2 =	simm.s32 $0xC100  }
0x634: {  	s15 =	sadd.s32 $0x80, s15;
	s31 =	sadd.s32 $0x80, s31;
	s30 =	sadd.s32 $0x80, s30  }
0x635: {  	s29 =	sadd.s32 $0xFFFFFF80, s29;
	s5 =	simm.s32 $0x80;
	p1 =	por $0x0, $0x0  }
0x636: {  	[tilespmem:s2], [sflag:$0x2] =	stream.linear.gather [hbm4b:s1+s0], $0xC000, $0x38;
	[tilespmem:$0x1B100] =	vst v63  }
.LBB2_93:
0x637: {  	_ =	sfence.sel $0x180000  }
0x638: {  	[bflag:$0x0] =	sbarrier.arrive $0xFFFF  }
0x639: {  	_ =	strace $0x90000047  }
0x63a: {  	s0 =	stileid.u32;
	[bflag:$0x2] =	sbarrier.arrive $0xFFFF  }
0x63b: {  	p0 =	sne.s32 s0, $0x0;
	s0 =	rddreg [dreg:$0x3]  }
0x63c: {  	s0 =	sadd.s32 @!p0 $0x100000, s0  }
0x63d: {  	[sflag:s0] =	ssyncadd.tile.s32 @!p0 $0x1;
	_ =	shalt  }
.Lfunc_end2:
_tile_overlayer_lowered:
.L_overlay_start_2:
0x63e: {  	(tag) =	ssettag $0x2  }
0x63f: {  	s0 =	rddreg [dreg:$0x0];
	s2 =	stileid.u32  }
0x640: {  	s1 =	rddreg [dreg:$0x1];
	p0 =	sne.s32 s2, $0x0  }
0x641: {  	s3 =	rddreg [dreg:$0x2];
	[bflag:$0x3] =	sbarrier.arrive $0xFFFF;
	s2 =	simm.s32 @!p0 $0x1C04  }
0x642: {  	[timem:s3], [sflag:s2] =	dma.local @!p0 [hbm:s0], s1  }
0x643: {  	s0 =	simm.s32 @!p0 $0x4  }
0x644: {  	_ =	swait.ge @!p0 [sflag:s0], s1  }
0x645: {  	s1 =	ssub.s32 @!p0 $0x0, s1;
	[sflag:s0] =	ssyncset.done @!p0 $0x0  }
0x646: {  	[sflag:s0] =	ssyncadd.s32 @!p0 s1  }
0x647: {  	[bflag:$0x3] =	sbarrier.arrive $0xFFFF  }
0x648: {  	_ =	shalt  }

</sc_bundles>
